<compile_context>
chip_gen: v7x
topology: tpu7x:2x2x1
jax: 0.10.2.dev20260603
libtpu: 0.0.44.dev20260713+nightly
codegen_flags: <defaults>
</compile_context>

<pallas_src>
import functools

import jax
import jax.numpy as jnp
from jax import lax
from jax.experimental import pallas as pl
from jax.experimental.pallas import tpu as pltpu
from jax.experimental.pallas import tpu_sc as plsc

VOCAB = 1000
BATCH = 4096
HIST = 20
NC, NS = 2, 16
NW = NC * NS
BW = BATCH // NW
VC = 200
VCHUNKS = VOCAB // VC
NCHUNK = HIST * VCHUNKS
NBUF = 5

_mesh = plsc.VectorSubcoreMesh(core_axis_name="c", subcore_axis_name="s")


@functools.partial(
    pl.kernel,
    mesh=_mesh,
    out_type=jax.ShapeDtypeStruct((HIST, VOCAB, BATCH), jnp.float32),
    scratch_types=[
        pltpu.VMEM((HIST, BW), jnp.int32),
        [pltpu.VMEM((VC, BW), jnp.float32)] * NBUF,
        [pltpu.SemaphoreType.DMA] * NBUF,
        pltpu.SemaphoreType.DMA,
    ],
    compiler_params=pltpu.CompilerParams(needs_layout_passes=False),
)
def _onehot_sc(arrt_hbm, out_hbm, tcol, bufs, sems, insem):
    wid = lax.axis_index("s") * NC + lax.axis_index("c")
    b0 = wid * BW

    in_copy = pltpu.make_async_copy(
        arrt_hbm.at[:, pl.ds(b0, BW)], tcol, insem
    )
    in_copy.start()

    zeros16 = jnp.zeros((16,), jnp.float32)
    iota16 = lax.iota(jnp.int32, 16)
    ones16 = jnp.ones((16,), jnp.float32)

    def _zfill(buf):
        def body(r, carry):
            for c in range(BW // 16):
                buf[r, pl.ds(c * 16, 16)] = zeros16
            return carry
        lax.fori_loop(0, VC, body, 0)

    def _scatter(buf, g, val):
        t = g // VCHUNKS
        v0 = (g % VCHUNKS) * VC
        for i in range(BW // 16):
            cols = tcol[t, pl.ds(i * 16, 16)]
            m = (cols >= v0) & (cols < v0 + VC)
            vloc = jnp.where(m, cols - v0, 0)
            plsc.store_scatter(buf, [vloc, iota16 + i * 16], val, mask=m)

    def _start_out(b, g):
        t = g // VCHUNKS
        v0 = (g % VCHUNKS) * VC
        pltpu.make_async_copy(
            bufs[b], out_hbm.at[t, pl.ds(v0, VC), pl.ds(b0, BW)], sems[b]
        ).start()

    def _wait_out(b):
        pltpu.make_async_copy(
            bufs[b], out_hbm.at[0, pl.ds(0, VC), pl.ds(0, BW)], sems[b]
        ).wait()

    _zfill(bufs[0])
    in_copy.wait()
    _scatter(bufs[0], 0, ones16)
    _start_out(0, 0)
    for b in range(1, NBUF):
        _zfill(bufs[b])
        _scatter(bufs[b], b, ones16)
        _start_out(b, b)

    def _chunk_body(k, carry):
        g0 = NBUF + k * NBUF
        for b in range(NBUF):
            g = g0 + b
            _wait_out(b)
            _scatter(bufs[b], g - NBUF, zeros16)
            _scatter(bufs[b], g, ones16)
            _start_out(b, g)
        return carry

    lax.fori_loop(0, (NCHUNK - NBUF) // NBUF, _chunk_body, 0)

    for b in range(NBUF):
        _wait_out(b)


def kernel(arr, mask):
    del mask
    arrt = jnp.transpose(arr.astype(jnp.int32), (1, 0))
    out3 = _onehot_sc(arrt)
    return jnp.transpose(out3, (2, 0, 1))

# --- scband reference (transcript-rebuilt; emitter-appended) ---
"""Pipeline reference for scband-one-hot-encoder-16569983828505 (READ-ONLY COPY).

The authoritative reference and input builder live on the scoring server;
editing this copy changes nothing except your own understanding.
"""

import jax, jax.numpy as jnp
import numpy as np

VOCAB_SIZE = 1000
BATCH = 4096
HIST = 20

def setup_inputs(seed: int = 0) -> dict:
    key = jax.random.key(seed)
    k1, k2 = jax.random.split(key)
    arr = jax.random.randint(k1, (BATCH, HIST), 0, VOCAB_SIZE, dtype=jnp.int64 if jax.config.jax_enable_x64 else jnp.int32)
    mask = jnp.ones((BATCH, HIST), dtype=jnp.float32)
    return {"arr": arr, "mask": mask}

def reference(arr, mask):
    # shp = arr.size() + (vocab_size,)
    shp = arr.shape + (VOCAB_SIZE,)
    one_hot_arr = jnp.zeros(shp, dtype=jnp.float32)
    # torch scatter_(-1, arr.unsqueeze(-1), 1) -> overwrite 1 at last-dim index arr
    b_idx = jnp.arange(arr.shape[0])[:, None]
    t_idx = jnp.arange(arr.shape[1])[None, :]
    one_hot_arr = one_hot_arr.at[b_idx, t_idx, arr].set(1.0)
    return one_hot_arr

if __name__ == "__main__":
    import jax
    _d = setup_inputs()
    print(jax.jit(kernel)(*tuple(_d.values())))

</pallas_src>

<mosaic_0001>
#map = affine_map<(d0, d1) -> (0, 0)>
#map1 = affine_map<(d0, d1) -> (0, 0, 0)>
module attributes {stable_mosaic.version = 14 : i64} {
  func.func @_onehot_sc(%arg0: i32, %arg1: i32, %arg2: memref<20x4096xi32, #tpu.memory_space<hbm>>, %arg3: memref<20x1000x4096xf32, #tpu.memory_space<hbm>>, %arg4: memref<20x128xi32, #tpu.memory_space<vmem>>, %arg5: memref<200x128xf32, #tpu.memory_space<vmem>>, %arg6: memref<200x128xf32, #tpu.memory_space<vmem>>, %arg7: memref<200x128xf32, #tpu.memory_space<vmem>>, %arg8: memref<200x128xf32, #tpu.memory_space<vmem>>, %arg9: memref<200x128xf32, #tpu.memory_space<vmem>>, %arg10: memref<!tpu.dma_semaphore, #tpu.memory_space<semaphore_mem>>, %arg11: memref<!tpu.dma_semaphore, #tpu.memory_space<semaphore_mem>>, %arg12: memref<!tpu.dma_semaphore, #tpu.memory_space<semaphore_mem>>, %arg13: memref<!tpu.dma_semaphore, #tpu.memory_space<semaphore_mem>>, %arg14: memref<!tpu.dma_semaphore, #tpu.memory_space<semaphore_mem>>, %arg15: memref<!tpu.dma_semaphore, #tpu.memory_space<semaphore_mem>>) attributes {dimension_semantics = [#tpu.dimension_semantics<core_parallel>, #tpu.dimension_semantics<subcore_parallel>], iteration_bounds = array<i64: 2, 16>, scalar_prefetch = 0 : i64, scratch_operands = 12 : i64, tpu.core_type = #tpu.core_type<sc_vector_subcore>, window_params = [{transform_indices = #map}, {transform_indices = #map1}]} {
    %mul3A = arith.constant 2 : i32
    %mul3A_0 = arith.muli %arg1, %mul3A : i32
    %add3A = arith.addi %mul3A_0, %arg0 : i32
    %mul3A_1 = arith.constant 128 : i32
    %mul3A_2 = arith.muli %add3A, %mul3A_1 : i32
    %dma_start3A = arith.constant 0 : i32
    %dma_start3A_3 = tpu.memref_slice %arg2[%dma_start3A, %mul3A_2] : memref<20x4096xi32, #tpu.memory_space<hbm>> -> memref<20x128xi32, #tpu.memory_space<hbm>>
    %dma_start3A_4 = arith.constant 0 : i32
    %dma_start3A_5 = tpu.memref_slice %arg2[%dma_start3A_4, %mul3A_2] : memref<20x4096xi32, #tpu.memory_space<hbm>> -> memref<20x128xi32, #tpu.memory_space<hbm>>
    tpu.enqueue_dma source(%dma_start3A_5 : memref<20x128xi32, #tpu.memory_space<hbm>>) target(%arg4 : memref<20x128xi32, #tpu.memory_space<vmem>>) target_semaphore(%arg15 : memref<!tpu.dma_semaphore, #tpu.memory_space<semaphore_mem>>)
    %broadcast_in_dim3A = arith.constant 0.000000e+00 : f32
    %broadcast_in_dim3A_6 = vector.broadcast %broadcast_in_dim3A : f32 to vector<16xf32>
    %iota3A = tpu.iota {dimensions = array<i32: 0>} : vector<16xi32>
    %broadcast_in_dim3A_7 = arith.constant 1.000000e+00 : f32
    %broadcast_in_dim3A_8 = vector.broadcast %broadcast_in_dim3A_7 : f32 to vector<16xf32>
    %scan3A = arith.constant 0 : i32
    %scan3A_9 = arith.constant 0 : i32
    %scan3A_10 = arith.constant 200 : i32
    %scan3A_11 = arith.addi %scan3A_9, %scan3A_10 : i32
    %scan3A_12 = arith.constant 1 : i32
    scf.for %scan3A_920 = %scan3A_9 to %scan3A_11 step %scan3A_12  : i32 {
      %swap3A = arith.index_cast %scan3A_920 : i32 to index
      %swap3A_921 = arith.constant 0 : index
      %swap3A_922 = tpu.vector_load %arg5[%swap3A, %swap3A_921] {strides = array<i32>} : memref<200x128xf32, #tpu.memory_space<vmem>>, vector<16xf32>,
      tpu.vector_store %arg5[%swap3A, %swap3A_921], %broadcast_in_dim3A_6 {strides = array<i32>} : memref<200x128xf32, #tpu.memory_space<vmem>>, vector<16xf32>,
      %swap3A_923 = arith.index_cast %scan3A_920 : i32 to index
      %swap3A_924 = arith.constant 16 : index
      %swap3A_925 = tpu.vector_load %arg5[%swap3A_923, %swap3A_924] {strides = array<i32>} : memref<200x128xf32, #tpu.memory_space<vmem>>, vector<16xf32>,
      tpu.vector_store %arg5[%swap3A_923, %swap3A_924], %broadcast_in_dim3A_6 {strides = array<i32>} : memref<200x128xf32, #tpu.memory_space<vmem>>, vector<16xf32>,
      %swap3A_926 = arith.index_cast %scan3A_920 : i32 to index
      %swap3A_927 = arith.constant 32 : index
      %swap3A_928 = tpu.vector_load %arg5[%swap3A_926, %swap3A_927] {strides = array<i32>} : memref<200x128xf32, #tpu.memory_space<vmem>>, vector<16xf32>,
      tpu.vector_store %arg5[%swap3A_926, %swap3A_927], %broadcast_in_dim3A_6 {strides = array<i32>} : memref<200x128xf32, #tpu.memory_space<vmem>>, vector<16xf32>,
      %swap3A_929 = arith.index_cast %scan3A_920 : i32 to index
      %swap3A_930 = arith.constant 48 : index
      %swap3A_931 = tpu.vector_load %arg5[%swap3A_929, %swap3A_930] {strides = array<i32>} : memref<200x128xf32, #tpu.memory_space<vmem>>, vector<16xf32>,
      tpu.vector_store %arg5[%swap3A_929, %swap3A_930], %broadcast_in_dim3A_6 {strides = array<i32>} : memref<200x128xf32, #tpu.memory_space<vmem>>, vector<16xf32>,
      %swap3A_932 = arith.index_cast %scan3A_920 : i32 to index
      %swap3A_933 = arith.constant 64 : index
      %swap3A_934 = tpu.vector_load %arg5[%swap3A_932, %swap3A_933] {strides = array<i32>} : memref<200x128xf32, #tpu.memory_space<vmem>>, vector<16xf32>,
      tpu.vector_store %arg5[%swap3A_932, %swap3A_933], %broadcast_in_dim3A_6 {strides = array<i32>} : memref<200x128xf32, #tpu.memory_space<vmem>>, vector<16xf32>,
      %swap3A_935 = arith.index_cast %scan3A_920 : i32 to index
      %swap3A_936 = arith.constant 80 : index
      %swap3A_937 = tpu.vector_load %arg5[%swap3A_935, %swap3A_936] {strides = array<i32>} : memref<200x128xf32, #tpu.memory_space<vmem>>, vector<16xf32>,
      tpu.vector_store %arg5[%swap3A_935, %swap3A_936], %broadcast_in_dim3A_6 {strides = array<i32>} : memref<200x128xf32, #tpu.memory_space<vmem>>, vector<16xf32>,
      %swap3A_938 = arith.index_cast %scan3A_920 : i32 to index
      %swap3A_939 = arith.constant 96 : index
      %swap3A_940 = tpu.vector_load %arg5[%swap3A_938, %swap3A_939] {strides = array<i32>} : memref<200x128xf32, #tpu.memory_space<vmem>>, vector<16xf32>,
      tpu.vector_store %arg5[%swap3A_938, %swap3A_939], %broadcast_in_dim3A_6 {strides = array<i32>} : memref<200x128xf32, #tpu.memory_space<vmem>>, vector<16xf32>,
      %swap3A_941 = arith.index_cast %scan3A_920 : i32 to index
      %swap3A_942 = arith.constant 112 : index
      %swap3A_943 = tpu.vector_load %arg5[%swap3A_941, %swap3A_942] {strides = array<i32>} : memref<200x128xf32, #tpu.memory_space<vmem>>, vector<16xf32>,
      tpu.vector_store %arg5[%swap3A_941, %swap3A_942], %broadcast_in_dim3A_6 {strides = array<i32>} : memref<200x128xf32, #tpu.memory_space<vmem>>, vector<16xf32>,
    }
    %scan3A_13 = arith.constant 200 : i32
    %dma_wait3A = arith.constant 0 : i32
    %dma_wait3A_14 = tpu.memref_slice %arg2[%dma_wait3A, %mul3A_2] : memref<20x4096xi32, #tpu.memory_space<hbm>> -> memref<20x128xi32, #tpu.memory_space<hbm>>
    %dma_wait3A_15 = arith.constant 0 : i32
    %dma_wait3A_16 = tpu.memref_slice %arg2[%dma_wait3A_15, %mul3A_2] : memref<20x4096xi32, #tpu.memory_space<hbm>> -> memref<20x128xi32, #tpu.memory_space<hbm>>
    tpu.wait_dma2 semaphore(%arg15 : memref<!tpu.dma_semaphore, #tpu.memory_space<semaphore_mem>>) src(%dma_wait3A_16 : memref<20x128xi32, #tpu.memory_space<hbm>>) dst(%arg4 : memref<20x128xi32, #tpu.memory_space<vmem>>)
    %get3A = arith.constant 0 : i32
    %get3A_17 = arith.index_cast %get3A : i32 to index
    %get3A_18 = arith.constant 0 : index
    %get3A_19 = tpu.vector_load %arg4[%get3A_17, %get3A_18] {strides = array<i32>} : memref<20x128xi32, #tpu.memory_space<vmem>>, vector<16xi32>,
    %ge3A = arith.constant 0 : i32
    %ge3A_20 = vector.broadcast %ge3A : i32 to vector<16xi32>
    %ge3A_21 = arith.cmpi sge, %get3A_19, %ge3A_20 : vector<16xi32>
    %lt3A = arith.constant 200 : i32
    %lt3A_22 = vector.broadcast %lt3A : i32 to vector<16xi32>
    %lt3A_23 = arith.cmpi slt, %get3A_19, %lt3A_22 : vector<16xi32>
    %and3A = arith.andi %ge3A_21, %lt3A_23 : vector<16xi1>
    %sub3A = arith.constant 0 : i32
    %sub3A_24 = vector.broadcast %sub3A : i32 to vector<16xi32>
    %sub3A_25 = arith.subi %get3A_19, %sub3A_24 : vector<16xi32>
    %jit3A = arith.constant 0 : i32
    %broadcast_in_dim3A_26 = vector.broadcast %jit3A : i32 to vector<16xi32>
    %select_n3A = arith.select %and3A, %sub3A_25, %broadcast_in_dim3A_26 : vector<16xi1>, vector<16xi32>
    %add3A_27 = arith.constant 0 : i32
    %add3A_28 = vector.broadcast %add3A_27 : i32 to vector<16xi32>
    %add3A_29 = arith.addi %iota3A, %add3A_28 : vector<16xi32>
    tpu.vector_store_idx %arg5[%select_n3A, %add3A_29], %broadcast_in_dim3A_8 masked %and3A : memref<200x128xf32, #tpu.memory_space<vmem>>[vector<16xi32>, vector<16xi32>], vector<16xf32>, vector<16xi1>
    %get3A_30 = arith.constant 0 : i32
    %get3A_31 = arith.index_cast %get3A_30 : i32 to index
    %get3A_32 = arith.constant 16 : index
    %get3A_33 = tpu.vector_load %arg4[%get3A_31, %get3A_32] {strides = array<i32>} : memref<20x128xi32, #tpu.memory_space<vmem>>, vector<16xi32>,
    %ge3A_34 = arith.constant 0 : i32
    %ge3A_35 = vector.broadcast %ge3A_34 : i32 to vector<16xi32>
    %ge3A_36 = arith.cmpi sge, %get3A_33, %ge3A_35 : vector<16xi32>
    %lt3A_37 = arith.constant 200 : i32
    %lt3A_38 = vector.broadcast %lt3A_37 : i32 to vector<16xi32>
    %lt3A_39 = arith.cmpi slt, %get3A_33, %lt3A_38 : vector<16xi32>
    %and3A_40 = arith.andi %ge3A_36, %lt3A_39 : vector<16xi1>
    %sub3A_41 = arith.constant 0 : i32
    %sub3A_42 = vector.broadcast %sub3A_41 : i32 to vector<16xi32>
    %sub3A_43 = arith.subi %get3A_33, %sub3A_42 : vector<16xi32>
    %jit3A_44 = arith.constant 0 : i32
    %broadcast_in_dim3A_45 = vector.broadcast %jit3A_44 : i32 to vector<16xi32>
    %select_n3A_46 = arith.select %and3A_40, %sub3A_43, %broadcast_in_dim3A_45 : vector<16xi1>, vector<16xi32>
    %add3A_47 = arith.constant 16 : i32
    %add3A_48 = vector.broadcast %add3A_47 : i32 to vector<16xi32>
    %add3A_49 = arith.addi %iota3A, %add3A_48 : vector<16xi32>
    tpu.vector_store_idx %arg5[%select_n3A_46, %add3A_49], %broadcast_in_dim3A_8 masked %and3A_40 : memref<200x128xf32, #tpu.memory_space<vmem>>[vector<16xi32>, vector<16xi32>], vector<16xf32>, vector<16xi1>
    %get3A_50 = arith.constant 0 : i32
    %get3A_51 = arith.index_cast %get3A_50 : i32 to index
    %get3A_52 = arith.constant 32 : index
    %get3A_53 = tpu.vector_load %arg4[%get3A_51, %get3A_52] {strides = array<i32>} : memref<20x128xi32, #tpu.memory_space<vmem>>, vector<16xi32>,
    %ge3A_54 = arith.constant 0 : i32
    %ge3A_55 = vector.broadcast %ge3A_54 : i32 to vector<16xi32>
    %ge3A_56 = arith.cmpi sge, %get3A_53, %ge3A_55 : vector<16xi32>
    %lt3A_57 = arith.constant 200 : i32
    %lt3A_58 = vector.broadcast %lt3A_57 : i32 to vector<16xi32>
    %lt3A_59 = arith.cmpi slt, %get3A_53, %lt3A_58 : vector<16xi32>
    %and3A_60 = arith.andi %ge3A_56, %lt3A_59 : vector<16xi1>
    %sub3A_61 = arith.constant 0 : i32
    %sub3A_62 = vector.broadcast %sub3A_61 : i32 to vector<16xi32>
    %sub3A_63 = arith.subi %get3A_53, %sub3A_62 : vector<16xi32>
    %jit3A_64 = arith.constant 0 : i32
    %broadcast_in_dim3A_65 = vector.broadcast %jit3A_64 : i32 to vector<16xi32>
    %select_n3A_66 = arith.select %and3A_60, %sub3A_63, %broadcast_in_dim3A_65 : vector<16xi1>, vector<16xi32>
    %add3A_67 = arith.constant 32 : i32
    %add3A_68 = vector.broadcast %add3A_67 : i32 to vector<16xi32>
    %add3A_69 = arith.addi %iota3A, %add3A_68 : vector<16xi32>
    tpu.vector_store_idx %arg5[%select_n3A_66, %add3A_69], %broadcast_in_dim3A_8 masked %and3A_60 : memref<200x128xf32, #tpu.memory_space<vmem>>[vector<16xi32>, vector<16xi32>], vector<16xf32>, vector<16xi1>
    %get3A_70 = arith.constant 0 : i32
    %get3A_71 = arith.index_cast %get3A_70 : i32 to index
    %get3A_72 = arith.constant 48 : index
    %get3A_73 = tpu.vector_load %arg4[%get3A_71, %get3A_72] {strides = array<i32>} : memref<20x128xi32, #tpu.memory_space<vmem>>, vector<16xi32>,
    %ge3A_74 = arith.constant 0 : i32
    %ge3A_75 = vector.broadcast %ge3A_74 : i32 to vector<16xi32>
    %ge3A_76 = arith.cmpi sge, %get3A_73, %ge3A_75 : vector<16xi32>
    %lt3A_77 = arith.constant 200 : i32
    %lt3A_78 = vector.broadcast %lt3A_77 : i32 to vector<16xi32>
    %lt3A_79 = arith.cmpi slt, %get3A_73, %lt3A_78 : vector<16xi32>
    %and3A_80 = arith.andi %ge3A_76, %lt3A_79 : vector<16xi1>
    %sub3A_81 = arith.constant 0 : i32
    %sub3A_82 = vector.broadcast %sub3A_81 : i32 to vector<16xi32>
    %sub3A_83 = arith.subi %get3A_73, %sub3A_82 : vector<16xi32>
    %jit3A_84 = arith.constant 0 : i32
    %broadcast_in_dim3A_85 = vector.broadcast %jit3A_84 : i32 to vector<16xi32>
    %select_n3A_86 = arith.select %and3A_80, %sub3A_83, %broadcast_in_dim3A_85 : vector<16xi1>, vector<16xi32>
    %add3A_87 = arith.constant 48 : i32
    %add3A_88 = vector.broadcast %add3A_87 : i32 to vector<16xi32>
    %add3A_89 = arith.addi %iota3A, %add3A_88 : vector<16xi32>
    tpu.vector_store_idx %arg5[%select_n3A_86, %add3A_89], %broadcast_in_dim3A_8 masked %and3A_80 : memref<200x128xf32, #tpu.memory_space<vmem>>[vector<16xi32>, vector<16xi32>], vector<16xf32>, vector<16xi1>
    %get3A_90 = arith.constant 0 : i32
    %get3A_91 = arith.index_cast %get3A_90 : i32 to index
    %get3A_92 = arith.constant 64 : index
    %get3A_93 = tpu.vector_load %arg4[%get3A_91, %get3A_92] {strides = array<i32>} : memref<20x128xi32, #tpu.memory_space<vmem>>, vector<16xi32>,
    %ge3A_94 = arith.constant 0 : i32
    %ge3A_95 = vector.broadcast %ge3A_94 : i32 to vector<16xi32>
    %ge3A_96 = arith.cmpi sge, %get3A_93, %ge3A_95 : vector<16xi32>
    %lt3A_97 = arith.constant 200 : i32
    %lt3A_98 = vector.broadcast %lt3A_97 : i32 to vector<16xi32>
    %lt3A_99 = arith.cmpi slt, %get3A_93, %lt3A_98 : vector<16xi32>
    %and3A_100 = arith.andi %ge3A_96, %lt3A_99 : vector<16xi1>
    %sub3A_101 = arith.constant 0 : i32
    %sub3A_102 = vector.broadcast %sub3A_101 : i32 to vector<16xi32>
    %sub3A_103 = arith.subi %get3A_93, %sub3A_102 : vector<16xi32>
    %jit3A_104 = arith.constant 0 : i32
    %broadcast_in_dim3A_105 = vector.broadcast %jit3A_104 : i32 to vector<16xi32>
    %select_n3A_106 = arith.select %and3A_100, %sub3A_103, %broadcast_in_dim3A_105 : vector<16xi1>, vector<16xi32>
    %add3A_107 = arith.constant 64 : i32
    %add3A_108 = vector.broadcast %add3A_107 : i32 to vector<16xi32>
    %add3A_109 = arith.addi %iota3A, %add3A_108 : vector<16xi32>
    tpu.vector_store_idx %arg5[%select_n3A_106, %add3A_109], %broadcast_in_dim3A_8 masked %and3A_100 : memref<200x128xf32, #tpu.memory_space<vmem>>[vector<16xi32>, vector<16xi32>], vector<16xf32>, vector<16xi1>
    %get3A_110 = arith.constant 0 : i32
    %get3A_111 = arith.index_cast %get3A_110 : i32 to index
    %get3A_112 = arith.constant 80 : index
    %get3A_113 = tpu.vector_load %arg4[%get3A_111, %get3A_112] {strides = array<i32>} : memref<20x128xi32, #tpu.memory_space<vmem>>, vector<16xi32>,
    %ge3A_114 = arith.constant 0 : i32
    %ge3A_115 = vector.broadcast %ge3A_114 : i32 to vector<16xi32>
    %ge3A_116 = arith.cmpi sge, %get3A_113, %ge3A_115 : vector<16xi32>
    %lt3A_117 = arith.constant 200 : i32
    %lt3A_118 = vector.broadcast %lt3A_117 : i32 to vector<16xi32>
    %lt3A_119 = arith.cmpi slt, %get3A_113, %lt3A_118 : vector<16xi32>
    %and3A_120 = arith.andi %ge3A_116, %lt3A_119 : vector<16xi1>
    %sub3A_121 = arith.constant 0 : i32
    %sub3A_122 = vector.broadcast %sub3A_121 : i32 to vector<16xi32>
    %sub3A_123 = arith.subi %get3A_113, %sub3A_122 : vector<16xi32>
    %jit3A_124 = arith.constant 0 : i32
    %broadcast_in_dim3A_125 = vector.broadcast %jit3A_124 : i32 to vector<16xi32>
    %select_n3A_126 = arith.select %and3A_120, %sub3A_123, %broadcast_in_dim3A_125 : vector<16xi1>, vector<16xi32>
    %add3A_127 = arith.constant 80 : i32
    %add3A_128 = vector.broadcast %add3A_127 : i32 to vector<16xi32>
    %add3A_129 = arith.addi %iota3A, %add3A_128 : vector<16xi32>
    tpu.vector_store_idx %arg5[%select_n3A_126, %add3A_129], %broadcast_in_dim3A_8 masked %and3A_120 : memref<200x128xf32, #tpu.memory_space<vmem>>[vector<16xi32>, vector<16xi32>], vector<16xf32>, vector<16xi1>
    %get3A_130 = arith.constant 0 : i32
    %get3A_131 = arith.index_cast %get3A_130 : i32 to index
    %get3A_132 = arith.constant 96 : index
    %get3A_133 = tpu.vector_load %arg4[%get3A_131, %get3A_132] {strides = array<i32>} : memref<20x128xi32, #tpu.memory_space<vmem>>, vector<16xi32>,
    %ge3A_134 = arith.constant 0 : i32
    %ge3A_135 = vector.broadcast %ge3A_134 : i32 to vector<16xi32>
    %ge3A_136 = arith.cmpi sge, %get3A_133, %ge3A_135 : vector<16xi32>
    %lt3A_137 = arith.constant 200 : i32
    %lt3A_138 = vector.broadcast %lt3A_137 : i32 to vector<16xi32>
    %lt3A_139 = arith.cmpi slt, %get3A_133, %lt3A_138 : vector<16xi32>
    %and3A_140 = arith.andi %ge3A_136, %lt3A_139 : vector<16xi1>
    %sub3A_141 = arith.constant 0 : i32
    %sub3A_142 = vector.broadcast %sub3A_141 : i32 to vector<16xi32>
    %sub3A_143 = arith.subi %get3A_133, %sub3A_142 : vector<16xi32>
    %jit3A_144 = arith.constant 0 : i32
    %broadcast_in_dim3A_145 = vector.broadcast %jit3A_144 : i32 to vector<16xi32>
    %select_n3A_146 = arith.select %and3A_140, %sub3A_143, %broadcast_in_dim3A_145 : vector<16xi1>, vector<16xi32>
    %add3A_147 = arith.constant 96 : i32
    %add3A_148 = vector.broadcast %add3A_147 : i32 to vector<16xi32>
    %add3A_149 = arith.addi %iota3A, %add3A_148 : vector<16xi32>
    tpu.vector_store_idx %arg5[%select_n3A_146, %add3A_149], %broadcast_in_dim3A_8 masked %and3A_140 : memref<200x128xf32, #tpu.memory_space<vmem>>[vector<16xi32>, vector<16xi32>], vector<16xf32>, vector<16xi1>
    %get3A_150 = arith.constant 0 : i32
    %get3A_151 = arith.index_cast %get3A_150 : i32 to index
    %get3A_152 = arith.constant 112 : index
    %get3A_153 = tpu.vector_load %arg4[%get3A_151, %get3A_152] {strides = array<i32>} : memref<20x128xi32, #tpu.memory_space<vmem>>, vector<16xi32>,
    %ge3A_154 = arith.constant 0 : i32
    %ge3A_155 = vector.broadcast %ge3A_154 : i32 to vector<16xi32>
    %ge3A_156 = arith.cmpi sge, %get3A_153, %ge3A_155 : vector<16xi32>
    %lt3A_157 = arith.constant 200 : i32
    %lt3A_158 = vector.broadcast %lt3A_157 : i32 to vector<16xi32>
    %lt3A_159 = arith.cmpi slt, %get3A_153, %lt3A_158 : vector<16xi32>
    %and3A_160 = arith.andi %ge3A_156, %lt3A_159 : vector<16xi1>
    %sub3A_161 = arith.constant 0 : i32
    %sub3A_162 = vector.broadcast %sub3A_161 : i32 to vector<16xi32>
    %sub3A_163 = arith.subi %get3A_153, %sub3A_162 : vector<16xi32>
    %jit3A_164 = arith.constant 0 : i32
    %broadcast_in_dim3A_165 = vector.broadcast %jit3A_164 : i32 to vector<16xi32>
    %select_n3A_166 = arith.select %and3A_160, %sub3A_163, %broadcast_in_dim3A_165 : vector<16xi1>, vector<16xi32>
    %add3A_167 = arith.constant 112 : i32
    %add3A_168 = vector.broadcast %add3A_167 : i32 to vector<16xi32>
    %add3A_169 = arith.addi %iota3A, %add3A_168 : vector<16xi32>
    tpu.vector_store_idx %arg5[%select_n3A_166, %add3A_169], %broadcast_in_dim3A_8 masked %and3A_160 : memref<200x128xf32, #tpu.memory_space<vmem>>[vector<16xi32>, vector<16xi32>], vector<16xf32>, vector<16xi1>
    %dma_start3A_170 = arith.constant 0 : i32
    %dma_start3A_171 = arith.constant 0 : i32
    %dma_start3A_172 = tpu.memref_slice %arg3[%dma_start3A_170, %dma_start3A_171, %mul3A_2] : memref<20x1000x4096xf32, #tpu.memory_space<hbm>> -> memref<1x200x128xf32, #tpu.memory_space<hbm>>
    %dma_start3A_173 = tpu.memref_squeeze %dma_start3A_172 : memref<1x200x128xf32, #tpu.memory_space<hbm>> -> memref<200x128xf32, #tpu.memory_space<hbm>>
    %dma_start3A_174 = arith.constant 0 : i32
    %dma_start3A_175 = tpu.memref_slice %arg3[%dma_start3A_170, %dma_start3A_174, %mul3A_2] : memref<20x1000x4096xf32, #tpu.memory_space<hbm>> -> memref<1x200x128xf32, #tpu.memory_space<hbm>>
    %dma_start3A_176 = tpu.memref_squeeze %dma_start3A_175 : memref<1x200x128xf32, #tpu.memory_space<hbm>> -> memref<200x128xf32, #tpu.memory_space<hbm>>
    tpu.enqueue_dma source(%arg5 : memref<200x128xf32, #tpu.memory_space<vmem>>) target(%dma_start3A_176 : memref<200x128xf32, #tpu.memory_space<hbm>>) target_semaphore(%arg10 : memref<!tpu.dma_semaphore, #tpu.memory_space<semaphore_mem>>)
    %scan3A_177 = arith.constant 0 : i32
    %scan3A_178 = arith.constant 0 : i32
    %scan3A_179 = arith.constant 200 : i32
    %scan3A_180 = arith.addi %scan3A_178, %scan3A_179 : i32
    %scan3A_181 = arith.constant 1 : i32
    scf.for %scan3A_920 = %scan3A_178 to %scan3A_180 step %scan3A_181  : i32 {
      %swap3A = arith.index_cast %scan3A_920 : i32 to index
      %swap3A_921 = arith.constant 0 : index
      %swap3A_922 = tpu.vector_load %arg6[%swap3A, %swap3A_921] {strides = array<i32>} : memref<200x128xf32, #tpu.memory_space<vmem>>, vector<16xf32>,
      tpu.vector_store %arg6[%swap3A, %swap3A_921], %broadcast_in_dim3A_6 {strides = array<i32>} : memref<200x128xf32, #tpu.memory_space<vmem>>, vector<16xf32>,
      %swap3A_923 = arith.index_cast %scan3A_920 : i32 to index
      %swap3A_924 = arith.constant 16 : index
      %swap3A_925 = tpu.vector_load %arg6[%swap3A_923, %swap3A_924] {strides = array<i32>} : memref<200x128xf32, #tpu.memory_space<vmem>>, vector<16xf32>,
      tpu.vector_store %arg6[%swap3A_923, %swap3A_924], %broadcast_in_dim3A_6 {strides = array<i32>} : memref<200x128xf32, #tpu.memory_space<vmem>>, vector<16xf32>,
      %swap3A_926 = arith.index_cast %scan3A_920 : i32 to index
      %swap3A_927 = arith.constant 32 : index
      %swap3A_928 = tpu.vector_load %arg6[%swap3A_926, %swap3A_927] {strides = array<i32>} : memref<200x128xf32, #tpu.memory_space<vmem>>, vector<16xf32>,
      tpu.vector_store %arg6[%swap3A_926, %swap3A_927], %broadcast_in_dim3A_6 {strides = array<i32>} : memref<200x128xf32, #tpu.memory_space<vmem>>, vector<16xf32>,
      %swap3A_929 = arith.index_cast %scan3A_920 : i32 to index
      %swap3A_930 = arith.constant 48 : index
      %swap3A_931 = tpu.vector_load %arg6[%swap3A_929, %swap3A_930] {strides = array<i32>} : memref<200x128xf32, #tpu.memory_space<vmem>>, vector<16xf32>,
      tpu.vector_store %arg6[%swap3A_929, %swap3A_930], %broadcast_in_dim3A_6 {strides = array<i32>} : memref<200x128xf32, #tpu.memory_space<vmem>>, vector<16xf32>,
      %swap3A_932 = arith.index_cast %scan3A_920 : i32 to index
      %swap3A_933 = arith.constant 64 : index
      %swap3A_934 = tpu.vector_load %arg6[%swap3A_932, %swap3A_933] {strides = array<i32>} : memref<200x128xf32, #tpu.memory_space<vmem>>, vector<16xf32>,
      tpu.vector_store %arg6[%swap3A_932, %swap3A_933], %broadcast_in_dim3A_6 {strides = array<i32>} : memref<200x128xf32, #tpu.memory_space<vmem>>, vector<16xf32>,
      %swap3A_935 = arith.index_cast %scan3A_920 : i32 to index
      %swap3A_936 = arith.constant 80 : index
      %swap3A_937 = tpu.vector_load %arg6[%swap3A_935, %swap3A_936] {strides = array<i32>} : memref<200x128xf32, #tpu.memory_space<vmem>>, vector<16xf32>,
      tpu.vector_store %arg6[%swap3A_935, %swap3A_936], %broadcast_in_dim3A_6 {strides = array<i32>} : memref<200x128xf32, #tpu.memory_space<vmem>>, vector<16xf32>,
      %swap3A_938 = arith.index_cast %scan3A_920 : i32 to index
      %swap3A_939 = arith.constant 96 : index
      %swap3A_940 = tpu.vector_load %arg6[%swap3A_938, %swap3A_939] {strides = array<i32>} : memref<200x128xf32, #tpu.memory_space<vmem>>, vector<16xf32>,
      tpu.vector_store %arg6[%swap3A_938, %swap3A_939], %broadcast_in_dim3A_6 {strides = array<i32>} : memref<200x128xf32, #tpu.memory_space<vmem>>, vector<16xf32>,
      %swap3A_941 = arith.index_cast %scan3A_920 : i32 to index
      %swap3A_942 = arith.constant 112 : index
      %swap3A_943 = tpu.vector_load %arg6[%swap3A_941, %swap3A_942] {strides = array<i32>} : memref<200x128xf32, #tpu.memory_space<vmem>>, vector<16xf32>,
      tpu.vector_store %arg6[%swap3A_941, %swap3A_942], %broadcast_in_dim3A_6 {strides = array<i32>} : memref<200x128xf32, #tpu.memory_space<vmem>>, vector<16xf32>,
    }
    %scan3A_182 = arith.constant 200 : i32
    %get3A_183 = arith.constant 0 : i32
    %get3A_184 = arith.index_cast %get3A_183 : i32 to index
    %get3A_185 = arith.constant 0 : index
    %get3A_186 = tpu.vector_load %arg4[%get3A_184, %get3A_185] {strides = array<i32>} : memref<20x128xi32, #tpu.memory_space<vmem>>, vector<16xi32>,
    %ge3A_187 = arith.constant 200 : i32
    %ge3A_188 = vector.broadcast %ge3A_187 : i32 to vector<16xi32>
    %ge3A_189 = arith.cmpi sge, %get3A_186, %ge3A_188 : vector<16xi32>
    %lt3A_190 = arith.constant 400 : i32
    %lt3A_191 = vector.broadcast %lt3A_190 : i32 to vector<16xi32>
    %lt3A_192 = arith.cmpi slt, %get3A_186, %lt3A_191 : vector<16xi32>
    %and3A_193 = arith.andi %ge3A_189, %lt3A_192 : vector<16xi1>
    %sub3A_194 = arith.constant 200 : i32
    %sub3A_195 = vector.broadcast %sub3A_194 : i32 to vector<16xi32>
    %sub3A_196 = arith.subi %get3A_186, %sub3A_195 : vector<16xi32>
    %jit3A_197 = arith.constant 0 : i32
    %broadcast_in_dim3A_198 = vector.broadcast %jit3A_197 : i32 to vector<16xi32>
    %select_n3A_199 = arith.select %and3A_193, %sub3A_196, %broadcast_in_dim3A_198 : vector<16xi1>, vector<16xi32>
    %add3A_200 = arith.constant 0 : i32
    %add3A_201 = vector.broadcast %add3A_200 : i32 to vector<16xi32>
    %add3A_202 = arith.addi %iota3A, %add3A_201 : vector<16xi32>
    tpu.vector_store_idx %arg6[%select_n3A_199, %add3A_202], %broadcast_in_dim3A_8 masked %and3A_193 : memref<200x128xf32, #tpu.memory_space<vmem>>[vector<16xi32>, vector<16xi32>], vector<16xf32>, vector<16xi1>
    %get3A_203 = arith.constant 0 : i32
    %get3A_204 = arith.index_cast %get3A_203 : i32 to index
    %get3A_205 = arith.constant 16 : index
    %get3A_206 = tpu.vector_load %arg4[%get3A_204, %get3A_205] {strides = array<i32>} : memref<20x128xi32, #tpu.memory_space<vmem>>, vector<16xi32>,
    %ge3A_207 = arith.constant 200 : i32
    %ge3A_208 = vector.broadcast %ge3A_207 : i32 to vector<16xi32>
    %ge3A_209 = arith.cmpi sge, %get3A_206, %ge3A_208 : vector<16xi32>
    %lt3A_210 = arith.constant 400 : i32
    %lt3A_211 = vector.broadcast %lt3A_210 : i32 to vector<16xi32>
    %lt3A_212 = arith.cmpi slt, %get3A_206, %lt3A_211 : vector<16xi32>
    %and3A_213 = arith.andi %ge3A_209, %lt3A_212 : vector<16xi1>
    %sub3A_214 = arith.constant 200 : i32
    %sub3A_215 = vector.broadcast %sub3A_214 : i32 to vector<16xi32>
    %sub3A_216 = arith.subi %get3A_206, %sub3A_215 : vector<16xi32>
    %jit3A_217 = arith.constant 0 : i32
    %broadcast_in_dim3A_218 = vector.broadcast %jit3A_217 : i32 to vector<16xi32>
    %select_n3A_219 = arith.select %and3A_213, %sub3A_216, %broadcast_in_dim3A_218 : vector<16xi1>, vector<16xi32>
    %add3A_220 = arith.constant 16 : i32
    %add3A_221 = vector.broadcast %add3A_220 : i32 to vector<16xi32>
    %add3A_222 = arith.addi %iota3A, %add3A_221 : vector<16xi32>
    tpu.vector_store_idx %arg6[%select_n3A_219, %add3A_222], %broadcast_in_dim3A_8 masked %and3A_213 : memref<200x128xf32, #tpu.memory_space<vmem>>[vector<16xi32>, vector<16xi32>], vector<16xf32>, vector<16xi1>
    %get3A_223 = arith.constant 0 : i32
    %get3A_224 = arith.index_cast %get3A_223 : i32 to index
    %get3A_225 = arith.constant 32 : index
    %get3A_226 = tpu.vector_load %arg4[%get3A_224, %get3A_225] {strides = array<i32>} : memref<20x128xi32, #tpu.memory_space<vmem>>, vector<16xi32>,
    %ge3A_227 = arith.constant 200 : i32
    %ge3A_228 = vector.broadcast %ge3A_227 : i32 to vector<16xi32>
    %ge3A_229 = arith.cmpi sge, %get3A_226, %ge3A_228 : vector<16xi32>
    %lt3A_230 = arith.constant 400 : i32
    %lt3A_231 = vector.broadcast %lt3A_230 : i32 to vector<16xi32>
    %lt3A_232 = arith.cmpi slt, %get3A_226, %lt3A_231 : vector<16xi32>
    %and3A_233 = arith.andi %ge3A_229, %lt3A_232 : vector<16xi1>
    %sub3A_234 = arith.constant 200 : i32
    %sub3A_235 = vector.broadcast %sub3A_234 : i32 to vector<16xi32>
    %sub3A_236 = arith.subi %get3A_226, %sub3A_235 : vector<16xi32>
    %jit3A_237 = arith.constant 0 : i32
    %broadcast_in_dim3A_238 = vector.broadcast %jit3A_237 : i32 to vector<16xi32>
    %select_n3A_239 = arith.select %and3A_233, %sub3A_236, %broadcast_in_dim3A_238 : vector<16xi1>, vector<16xi32>
    %add3A_240 = arith.constant 32 : i32
    %add3A_241 = vector.broadcast %add3A_240 : i32 to vector<16xi32>
    %add3A_242 = arith.addi %iota3A, %add3A_241 : vector<16xi32>
    tpu.vector_store_idx %arg6[%select_n3A_239, %add3A_242], %broadcast_in_dim3A_8 masked %and3A_233 : memref<200x128xf32, #tpu.memory_space<vmem>>[vector<16xi32>, vector<16xi32>], vector<16xf32>, vector<16xi1>
    %get3A_243 = arith.constant 0 : i32
    %get3A_244 = arith.index_cast %get3A_243 : i32 to index
    %get3A_245 = arith.constant 48 : index
    %get3A_246 = tpu.vector_load %arg4[%get3A_244, %get3A_245] {strides = array<i32>} : memref<20x128xi32, #tpu.memory_space<vmem>>, vector<16xi32>,
    %ge3A_247 = arith.constant 200 : i32
    %ge3A_248 = vector.broadcast %ge3A_247 : i32 to vector<16xi32>
    %ge3A_249 = arith.cmpi sge, %get3A_246, %ge3A_248 : vector<16xi32>
    %lt3A_250 = arith.constant 400 : i32
    %lt3A_251 = vector.broadcast %lt3A_250 : i32 to vector<16xi32>
    %lt3A_252 = arith.cmpi slt, %get3A_246, %lt3A_251 : vector<16xi32>
    %and3A_253 = arith.andi %ge3A_249, %lt3A_252 : vector<16xi1>
    %sub3A_254 = arith.constant 200 : i32
    %sub3A_255 = vector.broadcast %sub3A_254 : i32 to vector<16xi32>
    %sub3A_256 = arith.subi %get3A_246, %sub3A_255 : vector<16xi32>
    %jit3A_257 = arith.constant 0 : i32
    %broadcast_in_dim3A_258 = vector.broadcast %jit3A_257 : i32 to vector<16xi32>
    %select_n3A_259 = arith.select %and3A_253, %sub3A_256, %broadcast_in_dim3A_258 : vector<16xi1>, vector<16xi32>
    %add3A_260 = arith.constant 48 : i32
    %add3A_261 = vector.broadcast %add3A_260 : i32 to vector<16xi32>
    %add3A_262 = arith.addi %iota3A, %add3A_261 : vector<16xi32>
    tpu.vector_store_idx %arg6[%select_n3A_259, %add3A_262], %broadcast_in_dim3A_8 masked %and3A_253 : memref<200x128xf32, #tpu.memory_space<vmem>>[vector<16xi32>, vector<16xi32>], vector<16xf32>, vector<16xi1>
    %get3A_263 = arith.constant 0 : i32
    %get3A_264 = arith.index_cast %get3A_263 : i32 to index
    %get3A_265 = arith.constant 64 : index
    %get3A_266 = tpu.vector_load %arg4[%get3A_264, %get3A_265] {strides = array<i32>} : memref<20x128xi32, #tpu.memory_space<vmem>>, vector<16xi32>,
    %ge3A_267 = arith.constant 200 : i32
    %ge3A_268 = vector.broadcast %ge3A_267 : i32 to vector<16xi32>
    %ge3A_269 = arith.cmpi sge, %get3A_266, %ge3A_268 : vector<16xi32>
    %lt3A_270 = arith.constant 400 : i32
    %lt3A_271 = vector.broadcast %lt3A_270 : i32 to vector<16xi32>
    %lt3A_272 = arith.cmpi slt, %get3A_266, %lt3A_271 : vector<16xi32>
    %and3A_273 = arith.andi %ge3A_269, %lt3A_272 : vector<16xi1>
    %sub3A_274 = arith.constant 200 : i32
    %sub3A_275 = vector.broadcast %sub3A_274 : i32 to vector<16xi32>
    %sub3A_276 = arith.subi %get3A_266, %sub3A_275 : vector<16xi32>
    %jit3A_277 = arith.constant 0 : i32
    %broadcast_in_dim3A_278 = vector.broadcast %jit3A_277 : i32 to vector<16xi32>
    %select_n3A_279 = arith.select %and3A_273, %sub3A_276, %broadcast_in_dim3A_278 : vector<16xi1>, vector<16xi32>
    %add3A_280 = arith.constant 64 : i32
    %add3A_281 = vector.broadcast %add3A_280 : i32 to vector<16xi32>
    %add3A_282 = arith.addi %iota3A, %add3A_281 : vector<16xi32>
    tpu.vector_store_idx %arg6[%select_n3A_279, %add3A_282], %broadcast_in_dim3A_8 masked %and3A_273 : memref<200x128xf32, #tpu.memory_space<vmem>>[vector<16xi32>, vector<16xi32>], vector<16xf32>, vector<16xi1>
    %get3A_283 = arith.constant 0 : i32
    %get3A_284 = arith.index_cast %get3A_283 : i32 to index
    %get3A_285 = arith.constant 80 : index
    %get3A_286 = tpu.vector_load %arg4[%get3A_284, %get3A_285] {strides = array<i32>} : memref<20x128xi32, #tpu.memory_space<vmem>>, vector<16xi32>,
    %ge3A_287 = arith.constant 200 : i32
    %ge3A_288 = vector.broadcast %ge3A_287 : i32 to vector<16xi32>
    %ge3A_289 = arith.cmpi sge, %get3A_286, %ge3A_288 : vector<16xi32>
    %lt3A_290 = arith.constant 400 : i32
    %lt3A_291 = vector.broadcast %lt3A_290 : i32 to vector<16xi32>
    %lt3A_292 = arith.cmpi slt, %get3A_286, %lt3A_291 : vector<16xi32>
    %and3A_293 = arith.andi %ge3A_289, %lt3A_292 : vector<16xi1>
    %sub3A_294 = arith.constant 200 : i32
    %sub3A_295 = vector.broadcast %sub3A_294 : i32 to vector<16xi32>
    %sub3A_296 = arith.subi %get3A_286, %sub3A_295 : vector<16xi32>
    %jit3A_297 = arith.constant 0 : i32
    %broadcast_in_dim3A_298 = vector.broadcast %jit3A_297 : i32 to vector<16xi32>
    %select_n3A_299 = arith.select %and3A_293, %sub3A_296, %broadcast_in_dim3A_298 : vector<16xi1>, vector<16xi32>
    %add3A_300 = arith.constant 80 : i32
    %add3A_301 = vector.broadcast %add3A_300 : i32 to vector<16xi32>
    %add3A_302 = arith.addi %iota3A, %add3A_301 : vector<16xi32>
    tpu.vector_store_idx %arg6[%select_n3A_299, %add3A_302], %broadcast_in_dim3A_8 masked %and3A_293 : memref<200x128xf32, #tpu.memory_space<vmem>>[vector<16xi32>, vector<16xi32>], vector<16xf32>, vector<16xi1>
    %get3A_303 = arith.constant 0 : i32
    %get3A_304 = arith.index_cast %get3A_303 : i32 to index
    %get3A_305 = arith.constant 96 : index
    %get3A_306 = tpu.vector_load %arg4[%get3A_304, %get3A_305] {strides = array<i32>} : memref<20x128xi32, #tpu.memory_space<vmem>>, vector<16xi32>,
    %ge3A_307 = arith.constant 200 : i32
    %ge3A_308 = vector.broadcast %ge3A_307 : i32 to vector<16xi32>
    %ge3A_309 = arith.cmpi sge, %get3A_306, %ge3A_308 : vector<16xi32>
    %lt3A_310 = arith.constant 400 : i32
    %lt3A_311 = vector.broadcast %lt3A_310 : i32 to vector<16xi32>
    %lt3A_312 = arith.cmpi slt, %get3A_306, %lt3A_311 : vector<16xi32>
    %and3A_313 = arith.andi %ge3A_309, %lt3A_312 : vector<16xi1>
    %sub3A_314 = arith.constant 200 : i32
    %sub3A_315 = vector.broadcast %sub3A_314 : i32 to vector<16xi32>
    %sub3A_316 = arith.subi %get3A_306, %sub3A_315 : vector<16xi32>
    %jit3A_317 = arith.constant 0 : i32
    %broadcast_in_dim3A_318 = vector.broadcast %jit3A_317 : i32 to vector<16xi32>
    %select_n3A_319 = arith.select %and3A_313, %sub3A_316, %broadcast_in_dim3A_318 : vector<16xi1>, vector<16xi32>
    %add3A_320 = arith.constant 96 : i32
    %add3A_321 = vector.broadcast %add3A_320 : i32 to vector<16xi32>
    %add3A_322 = arith.addi %iota3A, %add3A_321 : vector<16xi32>
    tpu.vector_store_idx %arg6[%select_n3A_319, %add3A_322], %broadcast_in_dim3A_8 masked %and3A_313 : memref<200x128xf32, #tpu.memory_space<vmem>>[vector<16xi32>, vector<16xi32>], vector<16xf32>, vector<16xi1>
    %get3A_323 = arith.constant 0 : i32
    %get3A_324 = arith.index_cast %get3A_323 : i32 to index
    %get3A_325 = arith.constant 112 : index
    %get3A_326 = tpu.vector_load %arg4[%get3A_324, %get3A_325] {strides = array<i32>} : memref<20x128xi32, #tpu.memory_space<vmem>>, vector<16xi32>,
    %ge3A_327 = arith.constant 200 : i32
    %ge3A_328 = vector.broadcast %ge3A_327 : i32 to vector<16xi32>
    %ge3A_329 = arith.cmpi sge, %get3A_326, %ge3A_328 : vector<16xi32>
    %lt3A_330 = arith.constant 400 : i32
    %lt3A_331 = vector.broadcast %lt3A_330 : i32 to vector<16xi32>
    %lt3A_332 = arith.cmpi slt, %get3A_326, %lt3A_331 : vector<16xi32>
    %and3A_333 = arith.andi %ge3A_329, %lt3A_332 : vector<16xi1>
    %sub3A_334 = arith.constant 200 : i32
    %sub3A_335 = vector.broadcast %sub3A_334 : i32 to vector<16xi32>
    %sub3A_336 = arith.subi %get3A_326, %sub3A_335 : vector<16xi32>
    %jit3A_337 = arith.constant 0 : i32
    %broadcast_in_dim3A_338 = vector.broadcast %jit3A_337 : i32 to vector<16xi32>
    %select_n3A_339 = arith.select %and3A_333, %sub3A_336, %broadcast_in_dim3A_338 : vector<16xi1>, vector<16xi32>
    %add3A_340 = arith.constant 112 : i32
    %add3A_341 = vector.broadcast %add3A_340 : i32 to vector<16xi32>
    %add3A_342 = arith.addi %iota3A, %add3A_341 : vector<16xi32>
    tpu.vector_store_idx %arg6[%select_n3A_339, %add3A_342], %broadcast_in_dim3A_8 masked %and3A_333 : memref<200x128xf32, #tpu.memory_space<vmem>>[vector<16xi32>, vector<16xi32>], vector<16xf32>, vector<16xi1>
    %dma_start3A_343 = arith.constant 0 : i32
    %dma_start3A_344 = arith.constant 200 : i32
    %dma_start3A_345 = tpu.memref_slice %arg3[%dma_start3A_343, %dma_start3A_344, %mul3A_2] : memref<20x1000x4096xf32, #tpu.memory_space<hbm>> -> memref<1x200x128xf32, #tpu.memory_space<hbm>>
    %dma_start3A_346 = tpu.memref_squeeze %dma_start3A_345 : memref<1x200x128xf32, #tpu.memory_space<hbm>> -> memref<200x128xf32, #tpu.memory_space<hbm>>
    %dma_start3A_347 = arith.constant 200 : i32
    %dma_start3A_348 = tpu.memref_slice %arg3[%dma_start3A_343, %dma_start3A_347, %mul3A_2] : memref<20x1000x4096xf32, #tpu.memory_space<hbm>> -> memref<1x200x128xf32, #tpu.memory_space<hbm>>
    %dma_start3A_349 = tpu.memref_squeeze %dma_start3A_348 : memref<1x200x128xf32, #tpu.memory_space<hbm>> -> memref<200x128xf32, #tpu.memory_space<hbm>>
    tpu.enqueue_dma source(%arg6 : memref<200x128xf32, #tpu.memory_space<vmem>>) target(%dma_start3A_349 : memref<200x128xf32, #tpu.memory_space<hbm>>) target_semaphore(%arg11 : memref<!tpu.dma_semaphore, #tpu.memory_space<semaphore_mem>>)
    %scan3A_350 = arith.constant 0 : i32
    %scan3A_351 = arith.constant 0 : i32
    %scan3A_352 = arith.constant 200 : i32
    %scan3A_353 = arith.addi %scan3A_351, %scan3A_352 : i32
    %scan3A_354 = arith.constant 1 : i32
    scf.for %scan3A_920 = %scan3A_351 to %scan3A_353 step %scan3A_354  : i32 {
      %swap3A = arith.index_cast %scan3A_920 : i32 to index
      %swap3A_921 = arith.constant 0 : index
      %swap3A_922 = tpu.vector_load %arg7[%swap3A, %swap3A_921] {strides = array<i32>} : memref<200x128xf32, #tpu.memory_space<vmem>>, vector<16xf32>,
      tpu.vector_store %arg7[%swap3A, %swap3A_921], %broadcast_in_dim3A_6 {strides = array<i32>} : memref<200x128xf32, #tpu.memory_space<vmem>>, vector<16xf32>,
      %swap3A_923 = arith.index_cast %scan3A_920 : i32 to index
      %swap3A_924 = arith.constant 16 : index
      %swap3A_925 = tpu.vector_load %arg7[%swap3A_923, %swap3A_924] {strides = array<i32>} : memref<200x128xf32, #tpu.memory_space<vmem>>, vector<16xf32>,
      tpu.vector_store %arg7[%swap3A_923, %swap3A_924], %broadcast_in_dim3A_6 {strides = array<i32>} : memref<200x128xf32, #tpu.memory_space<vmem>>, vector<16xf32>,
      %swap3A_926 = arith.index_cast %scan3A_920 : i32 to index
      %swap3A_927 = arith.constant 32 : index
      %swap3A_928 = tpu.vector_load %arg7[%swap3A_926, %swap3A_927] {strides = array<i32>} : memref<200x128xf32, #tpu.memory_space<vmem>>, vector<16xf32>,
      tpu.vector_store %arg7[%swap3A_926, %swap3A_927], %broadcast_in_dim3A_6 {strides = array<i32>} : memref<200x128xf32, #tpu.memory_space<vmem>>, vector<16xf32>,
      %swap3A_929 = arith.index_cast %scan3A_920 : i32 to index
      %swap3A_930 = arith.constant 48 : index
      %swap3A_931 = tpu.vector_load %arg7[%swap3A_929, %swap3A_930] {strides = array<i32>} : memref<200x128xf32, #tpu.memory_space<vmem>>, vector<16xf32>,
      tpu.vector_store %arg7[%swap3A_929, %swap3A_930], %broadcast_in_dim3A_6 {strides = array<i32>} : memref<200x128xf32, #tpu.memory_space<vmem>>, vector<16xf32>,
      %swap3A_932 = arith.index_cast %scan3A_920 : i32 to index
      %swap3A_933 = arith.constant 64 : index
      %swap3A_934 = tpu.vector_load %arg7[%swap3A_932, %swap3A_933] {strides = array<i32>} : memref<200x128xf32, #tpu.memory_space<vmem>>, vector<16xf32>,
      tpu.vector_store %arg7[%swap3A_932, %swap3A_933], %broadcast_in_dim3A_6 {strides = array<i32>} : memref<200x128xf32, #tpu.memory_space<vmem>>, vector<16xf32>,
      %swap3A_935 = arith.index_cast %scan3A_920 : i32 to index
      %swap3A_936 = arith.constant 80 : index
      %swap3A_937 = tpu.vector_load %arg7[%swap3A_935, %swap3A_936] {strides = array<i32>} : memref<200x128xf32, #tpu.memory_space<vmem>>, vector<16xf32>,
      tpu.vector_store %arg7[%swap3A_935, %swap3A_936], %broadcast_in_dim3A_6 {strides = array<i32>} : memref<200x128xf32, #tpu.memory_space<vmem>>, vector<16xf32>,
      %swap3A_938 = arith.index_cast %scan3A_920 : i32 to index
      %swap3A_939 = arith.constant 96 : index
      %swap3A_940 = tpu.vector_load %arg7[%swap3A_938, %swap3A_939] {strides = array<i32>} : memref<200x128xf32, #tpu.memory_space<vmem>>, vector<16xf32>,
      tpu.vector_store %arg7[%swap3A_938, %swap3A_939], %broadcast_in_dim3A_6 {strides = array<i32>} : memref<200x128xf32, #tpu.memory_space<vmem>>, vector<16xf32>,
      %swap3A_941 = arith.index_cast %scan3A_920 : i32 to index
      %swap3A_942 = arith.constant 112 : index
      %swap3A_943 = tpu.vector_load %arg7[%swap3A_941, %swap3A_942] {strides = array<i32>} : memref<200x128xf32, #tpu.memory_space<vmem>>, vector<16xf32>,
      tpu.vector_store %arg7[%swap3A_941, %swap3A_942], %broadcast_in_dim3A_6 {strides = array<i32>} : memref<200x128xf32, #tpu.memory_space<vmem>>, vector<16xf32>,
    }
    %scan3A_355 = arith.constant 200 : i32
    %get3A_356 = arith.constant 0 : i32
    %get3A_357 = arith.index_cast %get3A_356 : i32 to index
    %get3A_358 = arith.constant 0 : index
    %get3A_359 = tpu.vector_load %arg4[%get3A_357, %get3A_358] {strides = array<i32>} : memref<20x128xi32, #tpu.memory_space<vmem>>, vector<16xi32>,
    %ge3A_360 = arith.constant 400 : i32
    %ge3A_361 = vector.broadcast %ge3A_360 : i32 to vector<16xi32>
    %ge3A_362 = arith.cmpi sge, %get3A_359, %ge3A_361 : vector<16xi32>
    %lt3A_363 = arith.constant 600 : i32
    %lt3A_364 = vector.broadcast %lt3A_363 : i32 to vector<16xi32>
    %lt3A_365 = arith.cmpi slt, %get3A_359, %lt3A_364 : vector<16xi32>
    %and3A_366 = arith.andi %ge3A_362, %lt3A_365 : vector<16xi1>
    %sub3A_367 = arith.constant 400 : i32
    %sub3A_368 = vector.broadcast %sub3A_367 : i32 to vector<16xi32>
    %sub3A_369 = arith.subi %get3A_359, %sub3A_368 : vector<16xi32>
    %jit3A_370 = arith.constant 0 : i32
    %broadcast_in_dim3A_371 = vector.broadcast %jit3A_370 : i32 to vector<16xi32>
    %select_n3A_372 = arith.select %and3A_366, %sub3A_369, %broadcast_in_dim3A_371 : vector<16xi1>, vector<16xi32>
    %add3A_373 = arith.constant 0 : i32
    %add3A_374 = vector.broadcast %add3A_373 : i32 to vector<16xi32>
    %add3A_375 = arith.addi %iota3A, %add3A_374 : vector<16xi32>
    tpu.vector_store_idx %arg7[%select_n3A_372, %add3A_375], %broadcast_in_dim3A_8 masked %and3A_366 : memref<200x128xf32, #tpu.memory_space<vmem>>[vector<16xi32>, vector<16xi32>], vector<16xf32>, vector<16xi1>
    %get3A_376 = arith.constant 0 : i32
    %get3A_377 = arith.index_cast %get3A_376 : i32 to index
    %get3A_378 = arith.constant 16 : index
    %get3A_379 = tpu.vector_load %arg4[%get3A_377, %get3A_378] {strides = array<i32>} : memref<20x128xi32, #tpu.memory_space<vmem>>, vector<16xi32>,
    %ge3A_380 = arith.constant 400 : i32
    %ge3A_381 = vector.broadcast %ge3A_380 : i32 to vector<16xi32>
    %ge3A_382 = arith.cmpi sge, %get3A_379, %ge3A_381 : vector<16xi32>
    %lt3A_383 = arith.constant 600 : i32
    %lt3A_384 = vector.broadcast %lt3A_383 : i32 to vector<16xi32>
    %lt3A_385 = arith.cmpi slt, %get3A_379, %lt3A_384 : vector<16xi32>
    %and3A_386 = arith.andi %ge3A_382, %lt3A_385 : vector<16xi1>
    %sub3A_387 = arith.constant 400 : i32
    %sub3A_388 = vector.broadcast %sub3A_387 : i32 to vector<16xi32>
    %sub3A_389 = arith.subi %get3A_379, %sub3A_388 : vector<16xi32>
    %jit3A_390 = arith.constant 0 : i32
    %broadcast_in_dim3A_391 = vector.broadcast %jit3A_390 : i32 to vector<16xi32>
    %select_n3A_392 = arith.select %and3A_386, %sub3A_389, %broadcast_in_dim3A_391 : vector<16xi1>, vector<16xi32>
    %add3A_393 = arith.constant 16 : i32
    %add3A_394 = vector.broadcast %add3A_393 : i32 to vector<16xi32>
    %add3A_395 = arith.addi %iota3A, %add3A_394 : vector<16xi32>
    tpu.vector_store_idx %arg7[%select_n3A_392, %add3A_395], %broadcast_in_dim3A_8 masked %and3A_386 : memref<200x128xf32, #tpu.memory_space<vmem>>[vector<16xi32>, vector<16xi32>], vector<16xf32>, vector<16xi1>
    %get3A_396 = arith.constant 0 : i32
    %get3A_397 = arith.index_cast %get3A_396 : i32 to index
    %get3A_398 = arith.constant 32 : index
    %get3A_399 = tpu.vector_load %arg4[%get3A_397, %get3A_398] {strides = array<i32>} : memref<20x128xi32, #tpu.memory_space<vmem>>, vector<16xi32>,
    %ge3A_400 = arith.constant 400 : i32
    %ge3A_401 = vector.broadcast %ge3A_400 : i32 to vector<16xi32>
    %ge3A_402 = arith.cmpi sge, %get3A_399, %ge3A_401 : vector<16xi32>
    %lt3A_403 = arith.constant 600 : i32
    %lt3A_404 = vector.broadcast %lt3A_403 : i32 to vector<16xi32>
    %lt3A_405 = arith.cmpi slt, %get3A_399, %lt3A_404 : vector<16xi32>
    %and3A_406 = arith.andi %ge3A_402, %lt3A_405 : vector<16xi1>
    %sub3A_407 = arith.constant 400 : i32
    %sub3A_408 = vector.broadcast %sub3A_407 : i32 to vector<16xi32>
    %sub3A_409 = arith.subi %get3A_399, %sub3A_408 : vector<16xi32>
    %jit3A_410 = arith.constant 0 : i32
    %broadcast_in_dim3A_411 = vector.broadcast %jit3A_410 : i32 to vector<16xi32>
    %select_n3A_412 = arith.select %and3A_406, %sub3A_409, %broadcast_in_dim3A_411 : vector<16xi1>, vector<16xi32>
    %add3A_413 = arith.constant 32 : i32
    %add3A_414 = vector.broadcast %add3A_413 : i32 to vector<16xi32>
    %add3A_415 = arith.addi %iota3A, %add3A_414 : vector<16xi32>
    tpu.vector_store_idx %arg7[%select_n3A_412, %add3A_415], %broadcast_in_dim3A_8 masked %and3A_406 : memref<200x128xf32, #tpu.memory_space<vmem>>[vector<16xi32>, vector<16xi32>], vector<16xf32>, vector<16xi1>
    %get3A_416 = arith.constant 0 : i32
    %get3A_417 = arith.index_cast %get3A_416 : i32 to index
    %get3A_418 = arith.constant 48 : index
    %get3A_419 = tpu.vector_load %arg4[%get3A_417, %get3A_418] {strides = array<i32>} : memref<20x128xi32, #tpu.memory_space<vmem>>, vector<16xi32>,
    %ge3A_420 = arith.constant 400 : i32
    %ge3A_421 = vector.broadcast %ge3A_420 : i32 to vector<16xi32>
    %ge3A_422 = arith.cmpi sge, %get3A_419, %ge3A_421 : vector<16xi32>
    %lt3A_423 = arith.constant 600 : i32
    %lt3A_424 = vector.broadcast %lt3A_423 : i32 to vector<16xi32>
    %lt3A_425 = arith.cmpi slt, %get3A_419, %lt3A_424 : vector<16xi32>
    %and3A_426 = arith.andi %ge3A_422, %lt3A_425 : vector<16xi1>
    %sub3A_427 = arith.constant 400 : i32
    %sub3A_428 = vector.broadcast %sub3A_427 : i32 to vector<16xi32>
    %sub3A_429 = arith.subi %get3A_419, %sub3A_428 : vector<16xi32>
    %jit3A_430 = arith.constant 0 : i32
    %broadcast_in_dim3A_431 = vector.broadcast %jit3A_430 : i32 to vector<16xi32>
    %select_n3A_432 = arith.select %and3A_426, %sub3A_429, %broadcast_in_dim3A_431 : vector<16xi1>, vector<16xi32>
    %add3A_433 = arith.constant 48 : i32
    %add3A_434 = vector.broadcast %add3A_433 : i32 to vector<16xi32>
    %add3A_435 = arith.addi %iota3A, %add3A_434 : vector<16xi32>
    tpu.vector_store_idx %arg7[%select_n3A_432, %add3A_435], %broadcast_in_dim3A_8 masked %and3A_426 : memref<200x128xf32, #tpu.memory_space<vmem>>[vector<16xi32>, vector<16xi32>], vector<16xf32>, vector<16xi1>
    %get3A_436 = arith.constant 0 : i32
    %get3A_437 = arith.index_cast %get3A_436 : i32 to index
    %get3A_438 = arith.constant 64 : index
    %get3A_439 = tpu.vector_load %arg4[%get3A_437, %get3A_438] {strides = array<i32>} : memref<20x128xi32, #tpu.memory_space<vmem>>, vector<16xi32>,
    %ge3A_440 = arith.constant 400 : i32
    %ge3A_441 = vector.broadcast %ge3A_440 : i32 to vector<16xi32>
    %ge3A_442 = arith.cmpi sge, %get3A_439, %ge3A_441 : vector<16xi32>
    %lt3A_443 = arith.constant 600 : i32
    %lt3A_444 = vector.broadcast %lt3A_443 : i32 to vector<16xi32>
    %lt3A_445 = arith.cmpi slt, %get3A_439, %lt3A_444 : vector<16xi32>
    %and3A_446 = arith.andi %ge3A_442, %lt3A_445 : vector<16xi1>
    %sub3A_447 = arith.constant 400 : i32
    %sub3A_448 = vector.broadcast %sub3A_447 : i32 to vector<16xi32>
    %sub3A_449 = arith.subi %get3A_439, %sub3A_448 : vector<16xi32>
    %jit3A_450 = arith.constant 0 : i32
    %broadcast_in_dim3A_451 = vector.broadcast %jit3A_450 : i32 to vector<16xi32>
    %select_n3A_452 = arith.select %and3A_446, %sub3A_449, %broadcast_in_dim3A_451 : vector<16xi1>, vector<16xi32>
    %add3A_453 = arith.constant 64 : i32
    %add3A_454 = vector.broadcast %add3A_453 : i32 to vector<16xi32>
    %add3A_455 = arith.addi %iota3A, %add3A_454 : vector<16xi32>
    tpu.vector_store_idx %arg7[%select_n3A_452, %add3A_455], %broadcast_in_dim3A_8 masked %and3A_446 : memref<200x128xf32, #tpu.memory_space<vmem>>[vector<16xi32>, vector<16xi32>], vector<16xf32>, vector<16xi1>
    %get3A_456 = arith.constant 0 : i32
    %get3A_457 = arith.index_cast %get3A_456 : i32 to index
    %get3A_458 = arith.constant 80 : index
    %get3A_459 = tpu.vector_load %arg4[%get3A_457, %get3A_458] {strides = array<i32>} : memref<20x128xi32, #tpu.memory_space<vmem>>, vector<16xi32>,
    %ge3A_460 = arith.constant 400 : i32
    %ge3A_461 = vector.broadcast %ge3A_460 : i32 to vector<16xi32>
    %ge3A_462 = arith.cmpi sge, %get3A_459, %ge3A_461 : vector<16xi32>
    %lt3A_463 = arith.constant 600 : i32
    %lt3A_464 = vector.broadcast %lt3A_463 : i32 to vector<16xi32>
    %lt3A_465 = arith.cmpi slt, %get3A_459, %lt3A_464 : vector<16xi32>
    %and3A_466 = arith.andi %ge3A_462, %lt3A_465 : vector<16xi1>
    %sub3A_467 = arith.constant 400 : i32
    %sub3A_468 = vector.broadcast %sub3A_467 : i32 to vector<16xi32>
    %sub3A_469 = arith.subi %get3A_459, %sub3A_468 : vector<16xi32>
    %jit3A_470 = arith.constant 0 : i32
    %broadcast_in_dim3A_471 = vector.broadcast %jit3A_470 : i32 to vector<16xi32>
    %select_n3A_472 = arith.select %and3A_466, %sub3A_469, %broadcast_in_dim3A_471 : vector<16xi1>, vector<16xi32>
    %add3A_473 = arith.constant 80 : i32
    %add3A_474 = vector.broadcast %add3A_473 : i32 to vector<16xi32>
    %add3A_475 = arith.addi %iota3A, %add3A_474 : vector<16xi32>
    tpu.vector_store_idx %arg7[%select_n3A_472, %add3A_475], %broadcast_in_dim3A_8 masked %and3A_466 : memref<200x128xf32, #tpu.memory_space<vmem>>[vector<16xi32>, vector<16xi32>], vector<16xf32>, vector<16xi1>
    %get3A_476 = arith.constant 0 : i32
    %get3A_477 = arith.index_cast %get3A_476 : i32 to index
    %get3A_478 = arith.constant 96 : index
    %get3A_479 = tpu.vector_load %arg4[%get3A_477, %get3A_478] {strides = array<i32>} : memref<20x128xi32, #tpu.memory_space<vmem>>, vector<16xi32>,
    %ge3A_480 = arith.constant 400 : i32
    %ge3A_481 = vector.broadcast %ge3A_480 : i32 to vector<16xi32>
    %ge3A_482 = arith.cmpi sge, %get3A_479, %ge3A_481 : vector<16xi32>
    %lt3A_483 = arith.constant 600 : i32
    %lt3A_484 = vector.broadcast %lt3A_483 : i32 to vector<16xi32>
    %lt3A_485 = arith.cmpi slt, %get3A_479, %lt3A_484 : vector<16xi32>
    %and3A_486 = arith.andi %ge3A_482, %lt3A_485 : vector<16xi1>
    %sub3A_487 = arith.constant 400 : i32
    %sub3A_488 = vector.broadcast %sub3A_487 : i32 to vector<16xi32>
    %sub3A_489 = arith.subi %get3A_479, %sub3A_488 : vector<16xi32>
    %jit3A_490 = arith.constant 0 : i32
    %broadcast_in_dim3A_491 = vector.broadcast %jit3A_490 : i32 to vector<16xi32>
    %select_n3A_492 = arith.select %and3A_486, %sub3A_489, %broadcast_in_dim3A_491 : vector<16xi1>, vector<16xi32>
    %add3A_493 = arith.constant 96 : i32
    %add3A_494 = vector.broadcast %add3A_493 : i32 to vector<16xi32>
    %add3A_495 = arith.addi %iota3A, %add3A_494 : vector<16xi32>
    tpu.vector_store_idx %arg7[%select_n3A_492, %add3A_495], %broadcast_in_dim3A_8 masked %and3A_486 : memref<200x128xf32, #tpu.memory_space<vmem>>[vector<16xi32>, vector<16xi32>], vector<16xf32>, vector<16xi1>
    %get3A_496 = arith.constant 0 : i32
    %get3A_497 = arith.index_cast %get3A_496 : i32 to index
    %get3A_498 = arith.constant 112 : index
    %get3A_499 = tpu.vector_load %arg4[%get3A_497, %get3A_498] {strides = array<i32>} : memref<20x128xi32, #tpu.memory_space<vmem>>, vector<16xi32>,
    %ge3A_500 = arith.constant 400 : i32
    %ge3A_501 = vector.broadcast %ge3A_500 : i32 to vector<16xi32>
    %ge3A_502 = arith.cmpi sge, %get3A_499, %ge3A_501 : vector<16xi32>
    %lt3A_503 = arith.constant 600 : i32
    %lt3A_504 = vector.broadcast %lt3A_503 : i32 to vector<16xi32>
    %lt3A_505 = arith.cmpi slt, %get3A_499, %lt3A_504 : vector<16xi32>
    %and3A_506 = arith.andi %ge3A_502, %lt3A_505 : vector<16xi1>
    %sub3A_507 = arith.constant 400 : i32
    %sub3A_508 = vector.broadcast %sub3A_507 : i32 to vector<16xi32>
    %sub3A_509 = arith.subi %get3A_499, %sub3A_508 : vector<16xi32>
    %jit3A_510 = arith.constant 0 : i32
    %broadcast_in_dim3A_511 = vector.broadcast %jit3A_510 : i32 to vector<16xi32>
    %select_n3A_512 = arith.select %and3A_506, %sub3A_509, %broadcast_in_dim3A_511 : vector<16xi1>, vector<16xi32>
    %add3A_513 = arith.constant 112 : i32
    %add3A_514 = vector.broadcast %add3A_513 : i32 to vector<16xi32>
    %add3A_515 = arith.addi %iota3A, %add3A_514 : vector<16xi32>
    tpu.vector_store_idx %arg7[%select_n3A_512, %add3A_515], %broadcast_in_dim3A_8 masked %and3A_506 : memref<200x128xf32, #tpu.memory_space<vmem>>[vector<16xi32>, vector<16xi32>], vector<16xf32>, vector<16xi1>
    %dma_start3A_516 = arith.constant 0 : i32
    %dma_start3A_517 = arith.constant 400 : i32
    %dma_start3A_518 = tpu.memref_slice %arg3[%dma_start3A_516, %dma_start3A_517, %mul3A_2] : memref<20x1000x4096xf32, #tpu.memory_space<hbm>> -> memref<1x200x128xf32, #tpu.memory_space<hbm>>
    %dma_start3A_519 = tpu.memref_squeeze %dma_start3A_518 : memref<1x200x128xf32, #tpu.memory_space<hbm>> -> memref<200x128xf32, #tpu.memory_space<hbm>>
    %dma_start3A_520 = arith.constant 400 : i32
    %dma_start3A_521 = tpu.memref_slice %arg3[%dma_start3A_516, %dma_start3A_520, %mul3A_2] : memref<20x1000x4096xf32, #tpu.memory_space<hbm>> -> memref<1x200x128xf32, #tpu.memory_space<hbm>>
    %dma_start3A_522 = tpu.memref_squeeze %dma_start3A_521 : memref<1x200x128xf32, #tpu.memory_space<hbm>> -> memref<200x128xf32, #tpu.memory_space<hbm>>
    tpu.enqueue_dma source(%arg7 : memref<200x128xf32, #tpu.memory_space<vmem>>) target(%dma_start3A_522 : memref<200x128xf32, #tpu.memory_space<hbm>>) target_semaphore(%arg12 : memref<!tpu.dma_semaphore, #tpu.memory_space<semaphore_mem>>)
    %scan3A_523 = arith.constant 0 : i32
    %scan3A_524 = arith.constant 0 : i32
    %scan3A_525 = arith.constant 200 : i32
    %scan3A_526 = arith.addi %scan3A_524, %scan3A_525 : i32
    %scan3A_527 = arith.constant 1 : i32
    scf.for %scan3A_920 = %scan3A_524 to %scan3A_526 step %scan3A_527  : i32 {
      %swap3A = arith.index_cast %scan3A_920 : i32 to index
      %swap3A_921 = arith.constant 0 : index
      %swap3A_922 = tpu.vector_load %arg8[%swap3A, %swap3A_921] {strides = array<i32>} : memref<200x128xf32, #tpu.memory_space<vmem>>, vector<16xf32>,
      tpu.vector_store %arg8[%swap3A, %swap3A_921], %broadcast_in_dim3A_6 {strides = array<i32>} : memref<200x128xf32, #tpu.memory_space<vmem>>, vector<16xf32>,
      %swap3A_923 = arith.index_cast %scan3A_920 : i32 to index
      %swap3A_924 = arith.constant 16 : index
      %swap3A_925 = tpu.vector_load %arg8[%swap3A_923, %swap3A_924] {strides = array<i32>} : memref<200x128xf32, #tpu.memory_space<vmem>>, vector<16xf32>,
      tpu.vector_store %arg8[%swap3A_923, %swap3A_924], %broadcast_in_dim3A_6 {strides = array<i32>} : memref<200x128xf32, #tpu.memory_space<vmem>>, vector<16xf32>,
      %swap3A_926 = arith.index_cast %scan3A_920 : i32 to index
      %swap3A_927 = arith.constant 32 : index
      %swap3A_928 = tpu.vector_load %arg8[%swap3A_926, %swap3A_927] {strides = array<i32>} : memref<200x128xf32, #tpu.memory_space<vmem>>, vector<16xf32>,
      tpu.vector_store %arg8[%swap3A_926, %swap3A_927], %broadcast_in_dim3A_6 {strides = array<i32>} : memref<200x128xf32, #tpu.memory_space<vmem>>, vector<16xf32>,
      %swap3A_929 = arith.index_cast %scan3A_920 : i32 to index
      %swap3A_930 = arith.constant 48 : index
      %swap3A_931 = tpu.vector_load %arg8[%swap3A_929, %swap3A_930] {strides = array<i32>} : memref<200x128xf32, #tpu.memory_space<vmem>>, vector<16xf32>,
      tpu.vector_store %arg8[%swap3A_929, %swap3A_930], %broadcast_in_dim3A_6 {strides = array<i32>} : memref<200x128xf32, #tpu.memory_space<vmem>>, vector<16xf32>,
      %swap3A_932 = arith.index_cast %scan3A_920 : i32 to index
      %swap3A_933 = arith.constant 64 : index
      %swap3A_934 = tpu.vector_load %arg8[%swap3A_932, %swap3A_933] {strides = array<i32>} : memref<200x128xf32, #tpu.memory_space<vmem>>, vector<16xf32>,
      tpu.vector_store %arg8[%swap3A_932, %swap3A_933], %broadcast_in_dim3A_6 {strides = array<i32>} : memref<200x128xf32, #tpu.memory_space<vmem>>, vector<16xf32>,
      %swap3A_935 = arith.index_cast %scan3A_920 : i32 to index
      %swap3A_936 = arith.constant 80 : index
      %swap3A_937 = tpu.vector_load %arg8[%swap3A_935, %swap3A_936] {strides = array<i32>} : memref<200x128xf32, #tpu.memory_space<vmem>>, vector<16xf32>,
      tpu.vector_store %arg8[%swap3A_935, %swap3A_936], %broadcast_in_dim3A_6 {strides = array<i32>} : memref<200x128xf32, #tpu.memory_space<vmem>>, vector<16xf32>,
      %swap3A_938 = arith.index_cast %scan3A_920 : i32 to index
      %swap3A_939 = arith.constant 96 : index
      %swap3A_940 = tpu.vector_load %arg8[%swap3A_938, %swap3A_939] {strides = array<i32>} : memref<200x128xf32, #tpu.memory_space<vmem>>, vector<16xf32>,
      tpu.vector_store %arg8[%swap3A_938, %swap3A_939], %broadcast_in_dim3A_6 {strides = array<i32>} : memref<200x128xf32, #tpu.memory_space<vmem>>, vector<16xf32>,
      %swap3A_941 = arith.index_cast %scan3A_920 : i32 to index
      %swap3A_942 = arith.constant 112 : index
      %swap3A_943 = tpu.vector_load %arg8[%swap3A_941, %swap3A_942] {strides = array<i32>} : memref<200x128xf32, #tpu.memory_space<vmem>>, vector<16xf32>,
      tpu.vector_store %arg8[%swap3A_941, %swap3A_942], %broadcast_in_dim3A_6 {strides = array<i32>} : memref<200x128xf32, #tpu.memory_space<vmem>>, vector<16xf32>,
    }
    %scan3A_528 = arith.constant 200 : i32
    %get3A_529 = arith.constant 0 : i32
    %get3A_530 = arith.index_cast %get3A_529 : i32 to index
    %get3A_531 = arith.constant 0 : index
    %get3A_532 = tpu.vector_load %arg4[%get3A_530, %get3A_531] {strides = array<i32>} : memref<20x128xi32, #tpu.memory_space<vmem>>, vector<16xi32>,
    %ge3A_533 = arith.constant 600 : i32
    %ge3A_534 = vector.broadcast %ge3A_533 : i32 to vector<16xi32>
    %ge3A_535 = arith.cmpi sge, %get3A_532, %ge3A_534 : vector<16xi32>
    %lt3A_536 = arith.constant 800 : i32
    %lt3A_537 = vector.broadcast %lt3A_536 : i32 to vector<16xi32>
    %lt3A_538 = arith.cmpi slt, %get3A_532, %lt3A_537 : vector<16xi32>
    %and3A_539 = arith.andi %ge3A_535, %lt3A_538 : vector<16xi1>
    %sub3A_540 = arith.constant 600 : i32
    %sub3A_541 = vector.broadcast %sub3A_540 : i32 to vector<16xi32>
    %sub3A_542 = arith.subi %get3A_532, %sub3A_541 : vector<16xi32>
    %jit3A_543 = arith.constant 0 : i32
    %broadcast_in_dim3A_544 = vector.broadcast %jit3A_543 : i32 to vector<16xi32>
    %select_n3A_545 = arith.select %and3A_539, %sub3A_542, %broadcast_in_dim3A_544 : vector<16xi1>, vector<16xi32>
    %add3A_546 = arith.constant 0 : i32
    %add3A_547 = vector.broadcast %add3A_546 : i32 to vector<16xi32>
    %add3A_548 = arith.addi %iota3A, %add3A_547 : vector<16xi32>
    tpu.vector_store_idx %arg8[%select_n3A_545, %add3A_548], %broadcast_in_dim3A_8 masked %and3A_539 : memref<200x128xf32, #tpu.memory_space<vmem>>[vector<16xi32>, vector<16xi32>], vector<16xf32>, vector<16xi1>
    %get3A_549 = arith.constant 0 : i32
    %get3A_550 = arith.index_cast %get3A_549 : i32 to index
    %get3A_551 = arith.constant 16 : index
    %get3A_552 = tpu.vector_load %arg4[%get3A_550, %get3A_551] {strides = array<i32>} : memref<20x128xi32, #tpu.memory_space<vmem>>, vector<16xi32>,
    %ge3A_553 = arith.constant 600 : i32
    %ge3A_554 = vector.broadcast %ge3A_553 : i32 to vector<16xi32>
    %ge3A_555 = arith.cmpi sge, %get3A_552, %ge3A_554 : vector<16xi32>
    %lt3A_556 = arith.constant 800 : i32
    %lt3A_557 = vector.broadcast %lt3A_556 : i32 to vector<16xi32>
    %lt3A_558 = arith.cmpi slt, %get3A_552, %lt3A_557 : vector<16xi32>
    %and3A_559 = arith.andi %ge3A_555, %lt3A_558 : vector<16xi1>
    %sub3A_560 = arith.constant 600 : i32
    %sub3A_561 = vector.broadcast %sub3A_560 : i32 to vector<16xi32>
    %sub3A_562 = arith.subi %get3A_552, %sub3A_561 : vector<16xi32>
    %jit3A_563 = arith.constant 0 : i32
    %broadcast_in_dim3A_564 = vector.broadcast %jit3A_563 : i32 to vector<16xi32>
    %select_n3A_565 = arith.select %and3A_559, %sub3A_562, %broadcast_in_dim3A_564 : vector<16xi1>, vector<16xi32>
    %add3A_566 = arith.constant 16 : i32
    %add3A_567 = vector.broadcast %add3A_566 : i32 to vector<16xi32>
    %add3A_568 = arith.addi %iota3A, %add3A_567 : vector<16xi32>
    tpu.vector_store_idx %arg8[%select_n3A_565, %add3A_568], %broadcast_in_dim3A_8 masked %and3A_559 : memref<200x128xf32, #tpu.memory_space<vmem>>[vector<16xi32>, vector<16xi32>], vector<16xf32>, vector<16xi1>
    %get3A_569 = arith.constant 0 : i32
    %get3A_570 = arith.index_cast %get3A_569 : i32 to index
    %get3A_571 = arith.constant 32 : index
    %get3A_572 = tpu.vector_load %arg4[%get3A_570, %get3A_571] {strides = array<i32>} : memref<20x128xi32, #tpu.memory_space<vmem>>, vector<16xi32>,
    %ge3A_573 = arith.constant 600 : i32
    %ge3A_574 = vector.broadcast %ge3A_573 : i32 to vector<16xi32>
    %ge3A_575 = arith.cmpi sge, %get3A_572, %ge3A_574 : vector<16xi32>
    %lt3A_576 = arith.constant 800 : i32
    %lt3A_577 = vector.broadcast %lt3A_576 : i32 to vector<16xi32>
    %lt3A_578 = arith.cmpi slt, %get3A_572, %lt3A_577 : vector<16xi32>
    %and3A_579 = arith.andi %ge3A_575, %lt3A_578 : vector<16xi1>
    %sub3A_580 = arith.constant 600 : i32
    %sub3A_581 = vector.broadcast %sub3A_580 : i32 to vector<16xi32>
    %sub3A_582 = arith.subi %get3A_572, %sub3A_581 : vector<16xi32>
    %jit3A_583 = arith.constant 0 : i32
    %broadcast_in_dim3A_584 = vector.broadcast %jit3A_583 : i32 to vector<16xi32>
    %select_n3A_585 = arith.select %and3A_579, %sub3A_582, %broadcast_in_dim3A_584 : vector<16xi1>, vector<16xi32>
    %add3A_586 = arith.constant 32 : i32
    %add3A_587 = vector.broadcast %add3A_586 : i32 to vector<16xi32>
    %add3A_588 = arith.addi %iota3A, %add3A_587 : vector<16xi32>
    tpu.vector_store_idx %arg8[%select_n3A_585, %add3A_588], %broadcast_in_dim3A_8 masked %and3A_579 : memref<200x128xf32, #tpu.memory_space<vmem>>[vector<16xi32>, vector<16xi32>], vector<16xf32>, vector<16xi1>
    %get3A_589 = arith.constant 0 : i32
    %get3A_590 = arith.index_cast %get3A_589 : i32 to index
    %get3A_591 = arith.constant 48 : index
    %get3A_592 = tpu.vector_load %arg4[%get3A_590, %get3A_591] {strides = array<i32>} : memref<20x128xi32, #tpu.memory_space<vmem>>, vector<16xi32>,
    %ge3A_593 = arith.constant 600 : i32
    %ge3A_594 = vector.broadcast %ge3A_593 : i32 to vector<16xi32>
    %ge3A_595 = arith.cmpi sge, %get3A_592, %ge3A_594 : vector<16xi32>
    %lt3A_596 = arith.constant 800 : i32
    %lt3A_597 = vector.broadcast %lt3A_596 : i32 to vector<16xi32>
    %lt3A_598 = arith.cmpi slt, %get3A_592, %lt3A_597 : vector<16xi32>
    %and3A_599 = arith.andi %ge3A_595, %lt3A_598 : vector<16xi1>
    %sub3A_600 = arith.constant 600 : i32
    %sub3A_601 = vector.broadcast %sub3A_600 : i32 to vector<16xi32>
    %sub3A_602 = arith.subi %get3A_592, %sub3A_601 : vector<16xi32>
    %jit3A_603 = arith.constant 0 : i32
    %broadcast_in_dim3A_604 = vector.broadcast %jit3A_603 : i32 to vector<16xi32>
    %select_n3A_605 = arith.select %and3A_599, %sub3A_602, %broadcast_in_dim3A_604 : vector<16xi1>, vector<16xi32>
    %add3A_606 = arith.constant 48 : i32
    %add3A_607 = vector.broadcast %add3A_606 : i32 to vector<16xi32>
    %add3A_608 = arith.addi %iota3A, %add3A_607 : vector<16xi32>
    tpu.vector_store_idx %arg8[%select_n3A_605, %add3A_608], %broadcast_in_dim3A_8 masked %and3A_599 : memref<200x128xf32, #tpu.memory_space<vmem>>[vector<16xi32>, vector<16xi32>], vector<16xf32>, vector<16xi1>
    %get3A_609 = arith.constant 0 : i32
    %get3A_610 = arith.index_cast %get3A_609 : i32 to index
    %get3A_611 = arith.constant 64 : index
    %get3A_612 = tpu.vector_load %arg4[%get3A_610, %get3A_611] {strides = array<i32>} : memref<20x128xi32, #tpu.memory_space<vmem>>, vector<16xi32>,
    %ge3A_613 = arith.constant 600 : i32
    %ge3A_614 = vector.broadcast %ge3A_613 : i32 to vector<16xi32>
    %ge3A_615 = arith.cmpi sge, %get3A_612, %ge3A_614 : vector<16xi32>
    %lt3A_616 = arith.constant 800 : i32
    %lt3A_617 = vector.broadcast %lt3A_616 : i32 to vector<16xi32>
    %lt3A_618 = arith.cmpi slt, %get3A_612, %lt3A_617 : vector<16xi32>
    %and3A_619 = arith.andi %ge3A_615, %lt3A_618 : vector<16xi1>
    %sub3A_620 = arith.constant 600 : i32
    %sub3A_621 = vector.broadcast %sub3A_620 : i32 to vector<16xi32>
    %sub3A_622 = arith.subi %get3A_612, %sub3A_621 : vector<16xi32>
    %jit3A_623 = arith.constant 0 : i32
    %broadcast_in_dim3A_624 = vector.broadcast %jit3A_623 : i32 to vector<16xi32>
    %select_n3A_625 = arith.select %and3A_619, %sub3A_622, %broadcast_in_dim3A_624 : vector<16xi1>, vector<16xi32>
    %add3A_626 = arith.constant 64 : i32
    %add3A_627 = vector.broadcast %add3A_626 : i32 to vector<16xi32>
    %add3A_628 = arith.addi %iota3A, %add3A_627 : vector<16xi32>
    tpu.vector_store_idx %arg8[%select_n3A_625, %add3A_628], %broadcast_in_dim3A_8 masked %and3A_619 : memref<200x128xf32, #tpu.memory_space<vmem>>[vector<16xi32>, vector<16xi32>], vector<16xf32>, vector<16xi1>
    %get3A_629 = arith.constant 0 : i32
    %get3A_630 = arith.index_cast %get3A_629 : i32 to index
    %get3A_631 = arith.constant 80 : index
    %get3A_632 = tpu.vector_load %arg4[%get3A_630, %get3A_631] {strides = array<i32>} : memref<20x128xi32, #tpu.memory_space<vmem>>, vector<16xi32>,
    %ge3A_633 = arith.constant 600 : i32
    %ge3A_634 = vector.broadcast %ge3A_633 : i32 to vector<16xi32>
    %ge3A_635 = arith.cmpi sge, %get3A_632, %ge3A_634 : vector<16xi32>
    %lt3A_636 = arith.constant 800 : i32
    %lt3A_637 = vector.broadcast %lt3A_636 : i32 to vector<16xi32>
    %lt3A_638 = arith.cmpi slt, %get3A_632, %lt3A_637 : vector<16xi32>
    %and3A_639 = arith.andi %ge3A_635, %lt3A_638 : vector<16xi1>
    %sub3A_640 = arith.constant 600 : i32
    %sub3A_641 = vector.broadcast %sub3A_640 : i32 to vector<16xi32>
    %sub3A_642 = arith.subi %get3A_632, %sub3A_641 : vector<16xi32>
    %jit3A_643 = arith.constant 0 : i32
    %broadcast_in_dim3A_644 = vector.broadcast %jit3A_643 : i32 to vector<16xi32>
    %select_n3A_645 = arith.select %and3A_639, %sub3A_642, %broadcast_in_dim3A_644 : vector<16xi1>, vector<16xi32>
    %add3A_646 = arith.constant 80 : i32
    %add3A_647 = vector.broadcast %add3A_646 : i32 to vector<16xi32>
    %add3A_648 = arith.addi %iota3A, %add3A_647 : vector<16xi32>
    tpu.vector_store_idx %arg8[%select_n3A_645, %add3A_648], %broadcast_in_dim3A_8 masked %and3A_639 : memref<200x128xf32, #tpu.memory_space<vmem>>[vector<16xi32>, vector<16xi32>], vector<16xf32>, vector<16xi1>
    %get3A_649 = arith.constant 0 : i32
    %get3A_650 = arith.index_cast %get3A_649 : i32 to index
    %get3A_651 = arith.constant 96 : index
    %get3A_652 = tpu.vector_load %arg4[%get3A_650, %get3A_651] {strides = array<i32>} : memref<20x128xi32, #tpu.memory_space<vmem>>, vector<16xi32>,
    %ge3A_653 = arith.constant 600 : i32
    %ge3A_654 = vector.broadcast %ge3A_653 : i32 to vector<16xi32>
    %ge3A_655 = arith.cmpi sge, %get3A_652, %ge3A_654 : vector<16xi32>
    %lt3A_656 = arith.constant 800 : i32
    %lt3A_657 = vector.broadcast %lt3A_656 : i32 to vector<16xi32>
    %lt3A_658 = arith.cmpi slt, %get3A_652, %lt3A_657 : vector<16xi32>
    %and3A_659 = arith.andi %ge3A_655, %lt3A_658 : vector<16xi1>
    %sub3A_660 = arith.constant 600 : i32
    %sub3A_661 = vector.broadcast %sub3A_660 : i32 to vector<16xi32>
    %sub3A_662 = arith.subi %get3A_652, %sub3A_661 : vector<16xi32>
    %jit3A_663 = arith.constant 0 : i32
    %broadcast_in_dim3A_664 = vector.broadcast %jit3A_663 : i32 to vector<16xi32>
    %select_n3A_665 = arith.select %and3A_659, %sub3A_662, %broadcast_in_dim3A_664 : vector<16xi1>, vector<16xi32>
    %add3A_666 = arith.constant 96 : i32
    %add3A_667 = vector.broadcast %add3A_666 : i32 to vector<16xi32>
    %add3A_668 = arith.addi %iota3A, %add3A_667 : vector<16xi32>
    tpu.vector_store_idx %arg8[%select_n3A_665, %add3A_668], %broadcast_in_dim3A_8 masked %and3A_659 : memref<200x128xf32, #tpu.memory_space<vmem>>[vector<16xi32>, vector<16xi32>], vector<16xf32>, vector<16xi1>
    %get3A_669 = arith.constant 0 : i32
    %get3A_670 = arith.index_cast %get3A_669 : i32 to index
    %get3A_671 = arith.constant 112 : index
    %get3A_672 = tpu.vector_load %arg4[%get3A_670, %get3A_671] {strides = array<i32>} : memref<20x128xi32, #tpu.memory_space<vmem>>, vector<16xi32>,
    %ge3A_673 = arith.constant 600 : i32
    %ge3A_674 = vector.broadcast %ge3A_673 : i32 to vector<16xi32>
    %ge3A_675 = arith.cmpi sge, %get3A_672, %ge3A_674 : vector<16xi32>
    %lt3A_676 = arith.constant 800 : i32
    %lt3A_677 = vector.broadcast %lt3A_676 : i32 to vector<16xi32>
    %lt3A_678 = arith.cmpi slt, %get3A_672, %lt3A_677 : vector<16xi32>
    %and3A_679 = arith.andi %ge3A_675, %lt3A_678 : vector<16xi1>
    %sub3A_680 = arith.constant 600 : i32
    %sub3A_681 = vector.broadcast %sub3A_680 : i32 to vector<16xi32>
    %sub3A_682 = arith.subi %get3A_672, %sub3A_681 : vector<16xi32>
    %jit3A_683 = arith.constant 0 : i32
    %broadcast_in_dim3A_684 = vector.broadcast %jit3A_683 : i32 to vector<16xi32>
    %select_n3A_685 = arith.select %and3A_679, %sub3A_682, %broadcast_in_dim3A_684 : vector<16xi1>, vector<16xi32>
    %add3A_686 = arith.constant 112 : i32
    %add3A_687 = vector.broadcast %add3A_686 : i32 to vector<16xi32>
    %add3A_688 = arith.addi %iota3A, %add3A_687 : vector<16xi32>
    tpu.vector_store_idx %arg8[%select_n3A_685, %add3A_688], %broadcast_in_dim3A_8 masked %and3A_679 : memref<200x128xf32, #tpu.memory_space<vmem>>[vector<16xi32>, vector<16xi32>], vector<16xf32>, vector<16xi1>
    %dma_start3A_689 = arith.constant 0 : i32
    %dma_start3A_690 = arith.constant 600 : i32
    %dma_start3A_691 = tpu.memref_slice %arg3[%dma_start3A_689, %dma_start3A_690, %mul3A_2] : memref<20x1000x4096xf32, #tpu.memory_space<hbm>> -> memref<1x200x128xf32, #tpu.memory_space<hbm>>
    %dma_start3A_692 = tpu.memref_squeeze %dma_start3A_691 : memref<1x200x128xf32, #tpu.memory_space<hbm>> -> memref<200x128xf32, #tpu.memory_space<hbm>>
    %dma_start3A_693 = arith.constant 600 : i32
    %dma_start3A_694 = tpu.memref_slice %arg3[%dma_start3A_689, %dma_start3A_693, %mul3A_2] : memref<20x1000x4096xf32, #tpu.memory_space<hbm>> -> memref<1x200x128xf32, #tpu.memory_space<hbm>>
    %dma_start3A_695 = tpu.memref_squeeze %dma_start3A_694 : memref<1x200x128xf32, #tpu.memory_space<hbm>> -> memref<200x128xf32, #tpu.memory_space<hbm>>
    tpu.enqueue_dma source(%arg8 : memref<200x128xf32, #tpu.memory_space<vmem>>) target(%dma_start3A_695 : memref<200x128xf32, #tpu.memory_space<hbm>>) target_semaphore(%arg13 : memref<!tpu.dma_semaphore, #tpu.memory_space<semaphore_mem>>)
    %scan3A_696 = arith.constant 0 : i32
    %scan3A_697 = arith.constant 0 : i32
    %scan3A_698 = arith.constant 200 : i32
    %scan3A_699 = arith.addi %scan3A_697, %scan3A_698 : i32
    %scan3A_700 = arith.constant 1 : i32
    scf.for %scan3A_920 = %scan3A_697 to %scan3A_699 step %scan3A_700  : i32 {
      %swap3A = arith.index_cast %scan3A_920 : i32 to index
      %swap3A_921 = arith.constant 0 : index
      %swap3A_922 = tpu.vector_load %arg9[%swap3A, %swap3A_921] {strides = array<i32>} : memref<200x128xf32, #tpu.memory_space<vmem>>, vector<16xf32>,
      tpu.vector_store %arg9[%swap3A, %swap3A_921], %broadcast_in_dim3A_6 {strides = array<i32>} : memref<200x128xf32, #tpu.memory_space<vmem>>, vector<16xf32>,
      %swap3A_923 = arith.index_cast %scan3A_920 : i32 to index
      %swap3A_924 = arith.constant 16 : index
      %swap3A_925 = tpu.vector_load %arg9[%swap3A_923, %swap3A_924] {strides = array<i32>} : memref<200x128xf32, #tpu.memory_space<vmem>>, vector<16xf32>,
      tpu.vector_store %arg9[%swap3A_923, %swap3A_924], %broadcast_in_dim3A_6 {strides = array<i32>} : memref<200x128xf32, #tpu.memory_space<vmem>>, vector<16xf32>,
      %swap3A_926 = arith.index_cast %scan3A_920 : i32 to index
      %swap3A_927 = arith.constant 32 : index
      %swap3A_928 = tpu.vector_load %arg9[%swap3A_926, %swap3A_927] {strides = array<i32>} : memref<200x128xf32, #tpu.memory_space<vmem>>, vector<16xf32>,
      tpu.vector_store %arg9[%swap3A_926, %swap3A_927], %broadcast_in_dim3A_6 {strides = array<i32>} : memref<200x128xf32, #tpu.memory_space<vmem>>, vector<16xf32>,
      %swap3A_929 = arith.index_cast %scan3A_920 : i32 to index
      %swap3A_930 = arith.constant 48 : index
      %swap3A_931 = tpu.vector_load %arg9[%swap3A_929, %swap3A_930] {strides = array<i32>} : memref<200x128xf32, #tpu.memory_space<vmem>>, vector<16xf32>,
      tpu.vector_store %arg9[%swap3A_929, %swap3A_930], %broadcast_in_dim3A_6 {strides = array<i32>} : memref<200x128xf32, #tpu.memory_space<vmem>>, vector<16xf32>,
      %swap3A_932 = arith.index_cast %scan3A_920 : i32 to index
      %swap3A_933 = arith.constant 64 : index
      %swap3A_934 = tpu.vector_load %arg9[%swap3A_932, %swap3A_933] {strides = array<i32>} : memref<200x128xf32, #tpu.memory_space<vmem>>, vector<16xf32>,
      tpu.vector_store %arg9[%swap3A_932, %swap3A_933], %broadcast_in_dim3A_6 {strides = array<i32>} : memref<200x128xf32, #tpu.memory_space<vmem>>, vector<16xf32>,
      %swap3A_935 = arith.index_cast %scan3A_920 : i32 to index
      %swap3A_936 = arith.constant 80 : index
      %swap3A_937 = tpu.vector_load %arg9[%swap3A_935, %swap3A_936] {strides = array<i32>} : memref<200x128xf32, #tpu.memory_space<vmem>>, vector<16xf32>,
      tpu.vector_store %arg9[%swap3A_935, %swap3A_936], %broadcast_in_dim3A_6 {strides = array<i32>} : memref<200x128xf32, #tpu.memory_space<vmem>>, vector<16xf32>,
      %swap3A_938 = arith.index_cast %scan3A_920 : i32 to index
      %swap3A_939 = arith.constant 96 : index
      %swap3A_940 = tpu.vector_load %arg9[%swap3A_938, %swap3A_939] {strides = array<i32>} : memref<200x128xf32, #tpu.memory_space<vmem>>, vector<16xf32>,
      tpu.vector_store %arg9[%swap3A_938, %swap3A_939], %broadcast_in_dim3A_6 {strides = array<i32>} : memref<200x128xf32, #tpu.memory_space<vmem>>, vector<16xf32>,
      %swap3A_941 = arith.index_cast %scan3A_920 : i32 to index
      %swap3A_942 = arith.constant 112 : index
      %swap3A_943 = tpu.vector_load %arg9[%swap3A_941, %swap3A_942] {strides = array<i32>} : memref<200x128xf32, #tpu.memory_space<vmem>>, vector<16xf32>,
      tpu.vector_store %arg9[%swap3A_941, %swap3A_942], %broadcast_in_dim3A_6 {strides = array<i32>} : memref<200x128xf32, #tpu.memory_space<vmem>>, vector<16xf32>,
    }
    %scan3A_701 = arith.constant 200 : i32
    %get3A_702 = arith.constant 0 : i32
    %get3A_703 = arith.index_cast %get3A_702 : i32 to index
    %get3A_704 = arith.constant 0 : index
    %get3A_705 = tpu.vector_load %arg4[%get3A_703, %get3A_704] {strides = array<i32>} : memref<20x128xi32, #tpu.memory_space<vmem>>, vector<16xi32>,
    %ge3A_706 = arith.constant 800 : i32
    %ge3A_707 = vector.broadcast %ge3A_706 : i32 to vector<16xi32>
    %ge3A_708 = arith.cmpi sge, %get3A_705, %ge3A_707 : vector<16xi32>
    %lt3A_709 = arith.constant 1000 : i32
    %lt3A_710 = vector.broadcast %lt3A_709 : i32 to vector<16xi32>
    %lt3A_711 = arith.cmpi slt, %get3A_705, %lt3A_710 : vector<16xi32>
    %and3A_712 = arith.andi %ge3A_708, %lt3A_711 : vector<16xi1>
    %sub3A_713 = arith.constant 800 : i32
    %sub3A_714 = vector.broadcast %sub3A_713 : i32 to vector<16xi32>
    %sub3A_715 = arith.subi %get3A_705, %sub3A_714 : vector<16xi32>
    %jit3A_716 = arith.constant 0 : i32
    %broadcast_in_dim3A_717 = vector.broadcast %jit3A_716 : i32 to vector<16xi32>
    %select_n3A_718 = arith.select %and3A_712, %sub3A_715, %broadcast_in_dim3A_717 : vector<16xi1>, vector<16xi32>
    %add3A_719 = arith.constant 0 : i32
    %add3A_720 = vector.broadcast %add3A_719 : i32 to vector<16xi32>
    %add3A_721 = arith.addi %iota3A, %add3A_720 : vector<16xi32>
    tpu.vector_store_idx %arg9[%select_n3A_718, %add3A_721], %broadcast_in_dim3A_8 masked %and3A_712 : memref<200x128xf32, #tpu.memory_space<vmem>>[vector<16xi32>, vector<16xi32>], vector<16xf32>, vector<16xi1>
    %get3A_722 = arith.constant 0 : i32
    %get3A_723 = arith.index_cast %get3A_722 : i32 to index
    %get3A_724 = arith.constant 16 : index
    %get3A_725 = tpu.vector_load %arg4[%get3A_723, %get3A_724] {strides = array<i32>} : memref<20x128xi32, #tpu.memory_space<vmem>>, vector<16xi32>,
    %ge3A_726 = arith.constant 800 : i32
    %ge3A_727 = vector.broadcast %ge3A_726 : i32 to vector<16xi32>
    %ge3A_728 = arith.cmpi sge, %get3A_725, %ge3A_727 : vector<16xi32>
    %lt3A_729 = arith.constant 1000 : i32
    %lt3A_730 = vector.broadcast %lt3A_729 : i32 to vector<16xi32>
    %lt3A_731 = arith.cmpi slt, %get3A_725, %lt3A_730 : vector<16xi32>
    %and3A_732 = arith.andi %ge3A_728, %lt3A_731 : vector<16xi1>
    %sub3A_733 = arith.constant 800 : i32
    %sub3A_734 = vector.broadcast %sub3A_733 : i32 to vector<16xi32>
    %sub3A_735 = arith.subi %get3A_725, %sub3A_734 : vector<16xi32>
    %jit3A_736 = arith.constant 0 : i32
    %broadcast_in_dim3A_737 = vector.broadcast %jit3A_736 : i32 to vector<16xi32>
    %select_n3A_738 = arith.select %and3A_732, %sub3A_735, %broadcast_in_dim3A_737 : vector<16xi1>, vector<16xi32>
    %add3A_739 = arith.constant 16 : i32
    %add3A_740 = vector.broadcast %add3A_739 : i32 to vector<16xi32>
    %add3A_741 = arith.addi %iota3A, %add3A_740 : vector<16xi32>
    tpu.vector_store_idx %arg9[%select_n3A_738, %add3A_741], %broadcast_in_dim3A_8 masked %and3A_732 : memref<200x128xf32, #tpu.memory_space<vmem>>[vector<16xi32>, vector<16xi32>], vector<16xf32>, vector<16xi1>
    %get3A_742 = arith.constant 0 : i32
    %get3A_743 = arith.index_cast %get3A_742 : i32 to index
    %get3A_744 = arith.constant 32 : index
    %get3A_745 = tpu.vector_load %arg4[%get3A_743, %get3A_744] {strides = array<i32>} : memref<20x128xi32, #tpu.memory_space<vmem>>, vector<16xi32>,
    %ge3A_746 = arith.constant 800 : i32
    %ge3A_747 = vector.broadcast %ge3A_746 : i32 to vector<16xi32>
    %ge3A_748 = arith.cmpi sge, %get3A_745, %ge3A_747 : vector<16xi32>
    %lt3A_749 = arith.constant 1000 : i32
    %lt3A_750 = vector.broadcast %lt3A_749 : i32 to vector<16xi32>
    %lt3A_751 = arith.cmpi slt, %get3A_745, %lt3A_750 : vector<16xi32>
    %and3A_752 = arith.andi %ge3A_748, %lt3A_751 : vector<16xi1>
    %sub3A_753 = arith.constant 800 : i32
    %sub3A_754 = vector.broadcast %sub3A_753 : i32 to vector<16xi32>
    %sub3A_755 = arith.subi %get3A_745, %sub3A_754 : vector<16xi32>
    %jit3A_756 = arith.constant 0 : i32
    %broadcast_in_dim3A_757 = vector.broadcast %jit3A_756 : i32 to vector<16xi32>
    %select_n3A_758 = arith.select %and3A_752, %sub3A_755, %broadcast_in_dim3A_757 : vector<16xi1>, vector<16xi32>
    %add3A_759 = arith.constant 32 : i32
    %add3A_760 = vector.broadcast %add3A_759 : i32 to vector<16xi32>
    %add3A_761 = arith.addi %iota3A, %add3A_760 : vector<16xi32>
    tpu.vector_store_idx %arg9[%select_n3A_758, %add3A_761], %broadcast_in_dim3A_8 masked %and3A_752 : memref<200x128xf32, #tpu.memory_space<vmem>>[vector<16xi32>, vector<16xi32>], vector<16xf32>, vector<16xi1>
    %get3A_762 = arith.constant 0 : i32
    %get3A_763 = arith.index_cast %get3A_762 : i32 to index
    %get3A_764 = arith.constant 48 : index
    %get3A_765 = tpu.vector_load %arg4[%get3A_763, %get3A_764] {strides = array<i32>} : memref<20x128xi32, #tpu.memory_space<vmem>>, vector<16xi32>,
    %ge3A_766 = arith.constant 800 : i32
    %ge3A_767 = vector.broadcast %ge3A_766 : i32 to vector<16xi32>
    %ge3A_768 = arith.cmpi sge, %get3A_765, %ge3A_767 : vector<16xi32>
    %lt3A_769 = arith.constant 1000 : i32
    %lt3A_770 = vector.broadcast %lt3A_769 : i32 to vector<16xi32>
    %lt3A_771 = arith.cmpi slt, %get3A_765, %lt3A_770 : vector<16xi32>
    %and3A_772 = arith.andi %ge3A_768, %lt3A_771 : vector<16xi1>
    %sub3A_773 = arith.constant 800 : i32
    %sub3A_774 = vector.broadcast %sub3A_773 : i32 to vector<16xi32>
    %sub3A_775 = arith.subi %get3A_765, %sub3A_774 : vector<16xi32>
    %jit3A_776 = arith.constant 0 : i32
    %broadcast_in_dim3A_777 = vector.broadcast %jit3A_776 : i32 to vector<16xi32>
    %select_n3A_778 = arith.select %and3A_772, %sub3A_775, %broadcast_in_dim3A_777 : vector<16xi1>, vector<16xi32>
    %add3A_779 = arith.constant 48 : i32
    %add3A_780 = vector.broadcast %add3A_779 : i32 to vector<16xi32>
    %add3A_781 = arith.addi %iota3A, %add3A_780 : vector<16xi32>
    tpu.vector_store_idx %arg9[%select_n3A_778, %add3A_781], %broadcast_in_dim3A_8 masked %and3A_772 : memref<200x128xf32, #tpu.memory_space<vmem>>[vector<16xi32>, vector<16xi32>], vector<16xf32>, vector<16xi1>
    %get3A_782 = arith.constant 0 : i32
    %get3A_783 = arith.index_cast %get3A_782 : i32 to index
    %get3A_784 = arith.constant 64 : index
    %get3A_785 = tpu.vector_load %arg4[%get3A_783, %get3A_784] {strides = array<i32>} : memref<20x128xi32, #tpu.memory_space<vmem>>, vector<16xi32>,
    %ge3A_786 = arith.constant 800 : i32
    %ge3A_787 = vector.broadcast %ge3A_786 : i32 to vector<16xi32>
    %ge3A_788 = arith.cmpi sge, %get3A_785, %ge3A_787 : vector<16xi32>
    %lt3A_789 = arith.constant 1000 : i32
    %lt3A_790 = vector.broadcast %lt3A_789 : i32 to vector<16xi32>
    %lt3A_791 = arith.cmpi slt, %get3A_785, %lt3A_790 : vector<16xi32>
    %and3A_792 = arith.andi %ge3A_788, %lt3A_791 : vector<16xi1>
    %sub3A_793 = arith.constant 800 : i32
    %sub3A_794 = vector.broadcast %sub3A_793 : i32 to vector<16xi32>
    %sub3A_795 = arith.subi %get3A_785, %sub3A_794 : vector<16xi32>
    %jit3A_796 = arith.constant 0 : i32
    %broadcast_in_dim3A_797 = vector.broadcast %jit3A_796 : i32 to vector<16xi32>
    %select_n3A_798 = arith.select %and3A_792, %sub3A_795, %broadcast_in_dim3A_797 : vector<16xi1>, vector<16xi32>
    %add3A_799 = arith.constant 64 : i32
    %add3A_800 = vector.broadcast %add3A_799 : i32 to vector<16xi32>
    %add3A_801 = arith.addi %iota3A, %add3A_800 : vector<16xi32>
    tpu.vector_store_idx %arg9[%select_n3A_798, %add3A_801], %broadcast_in_dim3A_8 masked %and3A_792 : memref<200x128xf32, #tpu.memory_space<vmem>>[vector<16xi32>, vector<16xi32>], vector<16xf32>, vector<16xi1>
    %get3A_802 = arith.constant 0 : i32
    %get3A_803 = arith.index_cast %get3A_802 : i32 to index
    %get3A_804 = arith.constant 80 : index
    %get3A_805 = tpu.vector_load %arg4[%get3A_803, %get3A_804] {strides = array<i32>} : memref<20x128xi32, #tpu.memory_space<vmem>>, vector<16xi32>,
    %ge3A_806 = arith.constant 800 : i32
    %ge3A_807 = vector.broadcast %ge3A_806 : i32 to vector<16xi32>
    %ge3A_808 = arith.cmpi sge, %get3A_805, %ge3A_807 : vector<16xi32>
    %lt3A_809 = arith.constant 1000 : i32
    %lt3A_810 = vector.broadcast %lt3A_809 : i32 to vector<16xi32>
    %lt3A_811 = arith.cmpi slt, %get3A_805, %lt3A_810 : vector<16xi32>
    %and3A_812 = arith.andi %ge3A_808, %lt3A_811 : vector<16xi1>
    %sub3A_813 = arith.constant 800 : i32
    %sub3A_814 = vector.broadcast %sub3A_813 : i32 to vector<16xi32>
    %sub3A_815 = arith.subi %get3A_805, %sub3A_814 : vector<16xi32>
    %jit3A_816 = arith.constant 0 : i32
    %broadcast_in_dim3A_817 = vector.broadcast %jit3A_816 : i32 to vector<16xi32>
    %select_n3A_818 = arith.select %and3A_812, %sub3A_815, %broadcast_in_dim3A_817 : vector<16xi1>, vector<16xi32>
    %add3A_819 = arith.constant 80 : i32
    %add3A_820 = vector.broadcast %add3A_819 : i32 to vector<16xi32>
    %add3A_821 = arith.addi %iota3A, %add3A_820 : vector<16xi32>
    tpu.vector_store_idx %arg9[%select_n3A_818, %add3A_821], %broadcast_in_dim3A_8 masked %and3A_812 : memref<200x128xf32, #tpu.memory_space<vmem>>[vector<16xi32>, vector<16xi32>], vector<16xf32>, vector<16xi1>
    %get3A_822 = arith.constant 0 : i32
    %get3A_823 = arith.index_cast %get3A_822 : i32 to index
    %get3A_824 = arith.constant 96 : index
    %get3A_825 = tpu.vector_load %arg4[%get3A_823, %get3A_824] {strides = array<i32>} : memref<20x128xi32, #tpu.memory_space<vmem>>, vector<16xi32>,
    %ge3A_826 = arith.constant 800 : i32
    %ge3A_827 = vector.broadcast %ge3A_826 : i32 to vector<16xi32>
    %ge3A_828 = arith.cmpi sge, %get3A_825, %ge3A_827 : vector<16xi32>
    %lt3A_829 = arith.constant 1000 : i32
    %lt3A_830 = vector.broadcast %lt3A_829 : i32 to vector<16xi32>
    %lt3A_831 = arith.cmpi slt, %get3A_825, %lt3A_830 : vector<16xi32>
    %and3A_832 = arith.andi %ge3A_828, %lt3A_831 : vector<16xi1>
    %sub3A_833 = arith.constant 800 : i32
    %sub3A_834 = vector.broadcast %sub3A_833 : i32 to vector<16xi32>
    %sub3A_835 = arith.subi %get3A_825, %sub3A_834 : vector<16xi32>
    %jit3A_836 = arith.constant 0 : i32
    %broadcast_in_dim3A_837 = vector.broadcast %jit3A_836 : i32 to vector<16xi32>
    %select_n3A_838 = arith.select %and3A_832, %sub3A_835, %broadcast_in_dim3A_837 : vector<16xi1>, vector<16xi32>
    %add3A_839 = arith.constant 96 : i32
    %add3A_840 = vector.broadcast %add3A_839 : i32 to vector<16xi32>
    %add3A_841 = arith.addi %iota3A, %add3A_840 : vector<16xi32>
    tpu.vector_store_idx %arg9[%select_n3A_838, %add3A_841], %broadcast_in_dim3A_8 masked %and3A_832 : memref<200x128xf32, #tpu.memory_space<vmem>>[vector<16xi32>, vector<16xi32>], vector<16xf32>, vector<16xi1>
    %get3A_842 = arith.constant 0 : i32
    %get3A_843 = arith.index_cast %get3A_842 : i32 to index
    %get3A_844 = arith.constant 112 : index
    %get3A_845 = tpu.vector_load %arg4[%get3A_843, %get3A_844] {strides = array<i32>} : memref<20x128xi32, #tpu.memory_space<vmem>>, vector<16xi32>,
    %ge3A_846 = arith.constant 800 : i32
    %ge3A_847 = vector.broadcast %ge3A_846 : i32 to vector<16xi32>
    %ge3A_848 = arith.cmpi sge, %get3A_845, %ge3A_847 : vector<16xi32>
    %lt3A_849 = arith.constant 1000 : i32
    %lt3A_850 = vector.broadcast %lt3A_849 : i32 to vector<16xi32>
    %lt3A_851 = arith.cmpi slt, %get3A_845, %lt3A_850 : vector<16xi32>
    %and3A_852 = arith.andi %ge3A_848, %lt3A_851 : vector<16xi1>
    %sub3A_853 = arith.constant 800 : i32
    %sub3A_854 = vector.broadcast %sub3A_853 : i32 to vector<16xi32>
    %sub3A_855 = arith.subi %get3A_845, %sub3A_854 : vector<16xi32>
    %jit3A_856 = arith.constant 0 : i32
    %broadcast_in_dim3A_857 = vector.broadcast %jit3A_856 : i32 to vector<16xi32>
    %select_n3A_858 = arith.select %and3A_852, %sub3A_855, %broadcast_in_dim3A_857 : vector<16xi1>, vector<16xi32>
    %add3A_859 = arith.constant 112 : i32
    %add3A_860 = vector.broadcast %add3A_859 : i32 to vector<16xi32>
    %add3A_861 = arith.addi %iota3A, %add3A_860 : vector<16xi32>
    tpu.vector_store_idx %arg9[%select_n3A_858, %add3A_861], %broadcast_in_dim3A_8 masked %and3A_852 : memref<200x128xf32, #tpu.memory_space<vmem>>[vector<16xi32>, vector<16xi32>], vector<16xf32>, vector<16xi1>
    %dma_start3A_862 = arith.constant 0 : i32
    %dma_start3A_863 = arith.constant 800 : i32
    %dma_start3A_864 = tpu.memref_slice %arg3[%dma_start3A_862, %dma_start3A_863, %mul3A_2] : memref<20x1000x4096xf32, #tpu.memory_space<hbm>> -> memref<1x200x128xf32, #tpu.memory_space<hbm>>
    %dma_start3A_865 = tpu.memref_squeeze %dma_start3A_864 : memref<1x200x128xf32, #tpu.memory_space<hbm>> -> memref<200x128xf32, #tpu.memory_space<hbm>>
    %dma_start3A_866 = arith.constant 800 : i32
    %dma_start3A_867 = tpu.memref_slice %arg3[%dma_start3A_862, %dma_start3A_866, %mul3A_2] : memref<20x1000x4096xf32, #tpu.memory_space<hbm>> -> memref<1x200x128xf32, #tpu.memory_space<hbm>>
    %dma_start3A_868 = tpu.memref_squeeze %dma_start3A_867 : memref<1x200x128xf32, #tpu.memory_space<hbm>> -> memref<200x128xf32, #tpu.memory_space<hbm>>
    tpu.enqueue_dma source(%arg9 : memref<200x128xf32, #tpu.memory_space<vmem>>) target(%dma_start3A_868 : memref<200x128xf32, #tpu.memory_space<hbm>>) target_semaphore(%arg14 : memref<!tpu.dma_semaphore, #tpu.memory_space<semaphore_mem>>)
    %scan3A_869 = arith.constant 0 : i32
    %scan3A_870 = arith.constant 0 : i32
    %scan3A_871 = arith.constant 19 : i32
    %scan3A_872 = arith.addi %scan3A_870, %scan3A_871 : i32
    %scan3A_873 = arith.constant 1 : i32
    scf.for %scan3A_920 = %scan3A_870 to %scan3A_872 step %scan3A_873  : i32 {
      %mul3A_921 = arith.constant 5 : i32
      %mul3A_922 = arith.muli %scan3A_920, %mul3A_921 : i32
      %add3A_923 = arith.constant 5 : i32
      %add3A_924 = arith.addi %add3A_923, %mul3A_922 : i32
      %add3A_925 = arith.constant 0 : i32
      %add3A_926 = arith.addi %add3A_924, %add3A_925 : i32
      %dma_wait3A_927 = arith.constant 0 : i32
      %dma_wait3A_928 = arith.constant 0 : i32
      %dma_wait3A_929 = arith.constant 0 : i32
      %dma_wait3A_930 = tpu.memref_slice %arg3[%dma_wait3A_927, %dma_wait3A_928, %dma_wait3A_929] : memref<20x1000x4096xf32, #tpu.memory_space<hbm>> -> memref<1x200x128xf32, #tpu.memory_space<hbm>>
      %dma_wait3A_931 = tpu.memref_squeeze %dma_wait3A_930 : memref<1x200x128xf32, #tpu.memory_space<hbm>> -> memref<200x128xf32, #tpu.memory_space<hbm>>
      %dma_wait3A_932 = arith.constant 0 : i32
      %dma_wait3A_933 = arith.constant 0 : i32
      %dma_wait3A_934 = tpu.memref_slice %arg3[%dma_wait3A_927, %dma_wait3A_932, %dma_wait3A_933] : memref<20x1000x4096xf32, #tpu.memory_space<hbm>> -> memref<1x200x128xf32, #tpu.memory_space<hbm>>
      %dma_wait3A_935 = tpu.memref_squeeze %dma_wait3A_934 : memref<1x200x128xf32, #tpu.memory_space<hbm>> -> memref<200x128xf32, #tpu.memory_space<hbm>>
      tpu.wait_dma2 semaphore(%arg10 : memref<!tpu.dma_semaphore, #tpu.memory_space<semaphore_mem>>) src(%arg5 : memref<200x128xf32, #tpu.memory_space<vmem>>) dst(%dma_wait3A_935 : memref<200x128xf32, #tpu.memory_space<hbm>>)
      %sub3A_936 = arith.constant 5 : i32
      %sub3A_937 = arith.subi %add3A_926, %sub3A_936 : i32
      %jit3A_938 = arith.constant 5 : i32
      %div3A = arith.divsi %sub3A_937, %jit3A_938 : i32
      %sign3A = arith.constant 0 : i32
      %sign3A_939 = arith.cmpi sgt, %sub3A_937, %sign3A : i32
      %sign3A_940 = arith.extui %sign3A_939 : i1 to i32
      %sign3A_941 = arith.constant 0 : i32
      %sign3A_942 = arith.cmpi slt, %sub3A_937, %sign3A_941 : i32
      %sign3A_943 = arith.extui %sign3A_942 : i1 to i32
      %sign3A_944 = arith.subi %sign3A_940, %sign3A_943 : i32
      %sign3A_945 = arith.constant 0 : i32
      %sign3A_946 = arith.cmpi sgt, %jit3A_938, %sign3A_945 : i32
      %sign3A_947 = arith.extui %sign3A_946 : i1 to i32
      %sign3A_948 = arith.constant 0 : i32
      %sign3A_949 = arith.cmpi slt, %jit3A_938, %sign3A_948 : i32
      %sign3A_950 = arith.extui %sign3A_949 : i1 to i32
      %sign3A_951 = arith.subi %sign3A_947, %sign3A_950 : i32
      %ne3A = arith.cmpi ne, %sign3A_944, %sign3A_951 : i32
      %rem3A = arith.remsi %sub3A_937, %jit3A_938 : i32
      %ne3A_952 = arith.constant 0 : i32
      %ne3A_953 = arith.cmpi ne, %rem3A, %ne3A_952 : i32
      %and3A_954 = arith.andi %ne3A, %ne3A_953 : i1
      %sub3A_955 = arith.constant 1 : i32
      %sub3A_956 = arith.subi %div3A, %sub3A_955 : i32
      %select_n3A_957 = arith.select %and3A_954, %sub3A_956, %div3A : i32
      %jit3A_958 = arith.constant 5 : i32
      %eq3A = arith.constant 0 : i32
      %eq3A_959 = arith.cmpi eq, %jit3A_958, %eq3A : i32
      %jit3A_960 = arith.constant 1 : i32
      %select_n3A_961 = arith.select %eq3A_959, %jit3A_960, %jit3A_958 : i32
      %rem3A_962 = arith.remsi %sub3A_937, %select_n3A_961 : i32
      %ne3A_963 = arith.constant 0 : i32
      %ne3A_964 = arith.cmpi ne, %rem3A_962, %ne3A_963 : i32
      %lt3A_965 = arith.constant 0 : i32
      %lt3A_966 = arith.cmpi slt, %rem3A_962, %lt3A_965 : i32
      %lt3A_967 = arith.constant 0 : i32
      %lt3A_968 = arith.cmpi slt, %select_n3A_961, %lt3A_967 : i32
      %ne3A_969 = arith.xori %lt3A_966, %lt3A_968 : i1
      %and3A_970 = arith.andi %ne3A_969, %ne3A_964 : i1
      %add3A_971 = arith.addi %rem3A_962, %select_n3A_961 : i32
      %select_n3A_972 = arith.select %and3A_970, %add3A_971, %rem3A_962 : i32
      %mul3A_973 = arith.constant 200 : i32
      %mul3A_974 = arith.muli %select_n3A_972, %mul3A_973 : i32
      %get3A_975 = arith.index_cast %select_n3A_957 : i32 to index
      %get3A_976 = arith.constant 0 : index
      %get3A_977 = tpu.vector_load %arg4[%get3A_975, %get3A_976] {strides = array<i32>} : memref<20x128xi32, #tpu.memory_space<vmem>>, vector<16xi32>,
      %ge3A_978 = vector.broadcast %mul3A_974 : i32 to vector<16xi32>
      %ge3A_979 = arith.cmpi sge, %get3A_977, %ge3A_978 : vector<16xi32>
      %add3A_980 = arith.constant 200 : i32
      %add3A_981 = arith.addi %mul3A_974, %add3A_980 : i32
      %lt3A_982 = vector.broadcast %add3A_981 : i32 to vector<16xi32>
      %lt3A_983 = arith.cmpi slt, %get3A_977, %lt3A_982 : vector<16xi32>
      %and3A_984 = arith.andi %ge3A_979, %lt3A_983 : vector<16xi1>
      %sub3A_985 = vector.broadcast %mul3A_974 : i32 to vector<16xi32>
      %sub3A_986 = arith.subi %get3A_977, %sub3A_985 : vector<16xi32>
      %jit3A_987 = arith.constant 0 : i32
      %broadcast_in_dim3A_988 = vector.broadcast %jit3A_987 : i32 to vector<16xi32>
      %select_n3A_989 = arith.select %and3A_984, %sub3A_986, %broadcast_in_dim3A_988 : vector<16xi1>, vector<16xi32>
      %add3A_990 = arith.constant 0 : i32
      %add3A_991 = vector.broadcast %add3A_990 : i32 to vector<16xi32>
      %add3A_992 = arith.addi %iota3A, %add3A_991 : vector<16xi32>
      tpu.vector_store_idx %arg5[%select_n3A_989, %add3A_992], %broadcast_in_dim3A_6 masked %and3A_984 : memref<200x128xf32, #tpu.memory_space<vmem>>[vector<16xi32>, vector<16xi32>], vector<16xf32>, vector<16xi1>
      %get3A_993 = arith.index_cast %select_n3A_957 : i32 to index
      %get3A_994 = arith.constant 16 : index
      %get3A_995 = tpu.vector_load %arg4[%get3A_993, %get3A_994] {strides = array<i32>} : memref<20x128xi32, #tpu.memory_space<vmem>>, vector<16xi32>,
      %ge3A_996 = vector.broadcast %mul3A_974 : i32 to vector<16xi32>
      %ge3A_997 = arith.cmpi sge, %get3A_995, %ge3A_996 : vector<16xi32>
      %add3A_998 = arith.constant 200 : i32
      %add3A_999 = arith.addi %mul3A_974, %add3A_998 : i32
      %lt3A_1000 = vector.broadcast %add3A_999 : i32 to vector<16xi32>
      %lt3A_1001 = arith.cmpi slt, %get3A_995, %lt3A_1000 : vector<16xi32>
      %and3A_1002 = arith.andi %ge3A_997, %lt3A_1001 : vector<16xi1>
      %sub3A_1003 = vector.broadcast %mul3A_974 : i32 to vector<16xi32>
      %sub3A_1004 = arith.subi %get3A_995, %sub3A_1003 : vector<16xi32>
      %jit3A_1005 = arith.constant 0 : i32
      %broadcast_in_dim3A_1006 = vector.broadcast %jit3A_1005 : i32 to vector<16xi32>
      %select_n3A_1007 = arith.select %and3A_1002, %sub3A_1004, %broadcast_in_dim3A_1006 : vector<16xi1>, vector<16xi32>
      %add3A_1008 = arith.constant 16 : i32
      %add3A_1009 = vector.broadcast %add3A_1008 : i32 to vector<16xi32>
      %add3A_1010 = arith.addi %iota3A, %add3A_1009 : vector<16xi32>
      tpu.vector_store_idx %arg5[%select_n3A_1007, %add3A_1010], %broadcast_in_dim3A_6 masked %and3A_1002 : memref<200x128xf32, #tpu.memory_space<vmem>>[vector<16xi32>, vector<16xi32>], vector<16xf32>, vector<16xi1>
      %get3A_1011 = arith.index_cast %select_n3A_957 : i32 to index
      %get3A_1012 = arith.constant 32 : index
      %get3A_1013 = tpu.vector_load %arg4[%get3A_1011, %get3A_1012] {strides = array<i32>} : memref<20x128xi32, #tpu.memory_space<vmem>>, vector<16xi32>,
      %ge3A_1014 = vector.broadcast %mul3A_974 : i32 to vector<16xi32>
      %ge3A_1015 = arith.cmpi sge, %get3A_1013, %ge3A_1014 : vector<16xi32>
      %add3A_1016 = arith.constant 200 : i32
      %add3A_1017 = arith.addi %mul3A_974, %add3A_1016 : i32
      %lt3A_1018 = vector.broadcast %add3A_1017 : i32 to vector<16xi32>
      %lt3A_1019 = arith.cmpi slt, %get3A_1013, %lt3A_1018 : vector<16xi32>
      %and3A_1020 = arith.andi %ge3A_1015, %lt3A_1019 : vector<16xi1>
      %sub3A_1021 = vector.broadcast %mul3A_974 : i32 to vector<16xi32>
      %sub3A_1022 = arith.subi %get3A_1013, %sub3A_1021 : vector<16xi32>
      %jit3A_1023 = arith.constant 0 : i32
      %broadcast_in_dim3A_1024 = vector.broadcast %jit3A_1023 : i32 to vector<16xi32>
      %select_n3A_1025 = arith.select %and3A_1020, %sub3A_1022, %broadcast_in_dim3A_1024 : vector<16xi1>, vector<16xi32>
      %add3A_1026 = arith.constant 32 : i32
      %add3A_1027 = vector.broadcast %add3A_1026 : i32 to vector<16xi32>
      %add3A_1028 = arith.addi %iota3A, %add3A_1027 : vector<16xi32>
      tpu.vector_store_idx %arg5[%select_n3A_1025, %add3A_1028], %broadcast_in_dim3A_6 masked %and3A_1020 : memref<200x128xf32, #tpu.memory_space<vmem>>[vector<16xi32>, vector<16xi32>], vector<16xf32>, vector<16xi1>
      %get3A_1029 = arith.index_cast %select_n3A_957 : i32 to index
      %get3A_1030 = arith.constant 48 : index
      %get3A_1031 = tpu.vector_load %arg4[%get3A_1029, %get3A_1030] {strides = array<i32>} : memref<20x128xi32, #tpu.memory_space<vmem>>, vector<16xi32>,
      %ge3A_1032 = vector.broadcast %mul3A_974 : i32 to vector<16xi32>
      %ge3A_1033 = arith.cmpi sge, %get3A_1031, %ge3A_1032 : vector<16xi32>
      %add3A_1034 = arith.constant 200 : i32
      %add3A_1035 = arith.addi %mul3A_974, %add3A_1034 : i32
      %lt3A_1036 = vector.broadcast %add3A_1035 : i32 to vector<16xi32>
      %lt3A_1037 = arith.cmpi slt, %get3A_1031, %lt3A_1036 : vector<16xi32>
      %and3A_1038 = arith.andi %ge3A_1033, %lt3A_1037 : vector<16xi1>
      %sub3A_1039 = vector.broadcast %mul3A_974 : i32 to vector<16xi32>
      %sub3A_1040 = arith.subi %get3A_1031, %sub3A_1039 : vector<16xi32>
      %jit3A_1041 = arith.constant 0 : i32
      %broadcast_in_dim3A_1042 = vector.broadcast %jit3A_1041 : i32 to vector<16xi32>
      %select_n3A_1043 = arith.select %and3A_1038, %sub3A_1040, %broadcast_in_dim3A_1042 : vector<16xi1>, vector<16xi32>
      %add3A_1044 = arith.constant 48 : i32
      %add3A_1045 = vector.broadcast %add3A_1044 : i32 to vector<16xi32>
      %add3A_1046 = arith.addi %iota3A, %add3A_1045 : vector<16xi32>
      tpu.vector_store_idx %arg5[%select_n3A_1043, %add3A_1046], %broadcast_in_dim3A_6 masked %and3A_1038 : memref<200x128xf32, #tpu.memory_space<vmem>>[vector<16xi32>, vector<16xi32>], vector<16xf32>, vector<16xi1>
      %get3A_1047 = arith.index_cast %select_n3A_957 : i32 to index
      %get3A_1048 = arith.constant 64 : index
      %get3A_1049 = tpu.vector_load %arg4[%get3A_1047, %get3A_1048] {strides = array<i32>} : memref<20x128xi32, #tpu.memory_space<vmem>>, vector<16xi32>,
      %ge3A_1050 = vector.broadcast %mul3A_974 : i32 to vector<16xi32>
      %ge3A_1051 = arith.cmpi sge, %get3A_1049, %ge3A_1050 : vector<16xi32>
      %add3A_1052 = arith.constant 200 : i32
      %add3A_1053 = arith.addi %mul3A_974, %add3A_1052 : i32
      %lt3A_1054 = vector.broadcast %add3A_1053 : i32 to vector<16xi32>
      %lt3A_1055 = arith.cmpi slt, %get3A_1049, %lt3A_1054 : vector<16xi32>
      %and3A_1056 = arith.andi %ge3A_1051, %lt3A_1055 : vector<16xi1>
      %sub3A_1057 = vector.broadcast %mul3A_974 : i32 to vector<16xi32>
      %sub3A_1058 = arith.subi %get3A_1049, %sub3A_1057 : vector<16xi32>
      %jit3A_1059 = arith.constant 0 : i32
      %broadcast_in_dim3A_1060 = vector.broadcast %jit3A_1059 : i32 to vector<16xi32>
      %select_n3A_1061 = arith.select %and3A_1056, %sub3A_1058, %broadcast_in_dim3A_1060 : vector<16xi1>, vector<16xi32>
      %add3A_1062 = arith.constant 64 : i32
      %add3A_1063 = vector.broadcast %add3A_1062 : i32 to vector<16xi32>
      %add3A_1064 = arith.addi %iota3A, %add3A_1063 : vector<16xi32>
      tpu.vector_store_idx %arg5[%select_n3A_1061, %add3A_1064], %broadcast_in_dim3A_6 masked %and3A_1056 : memref<200x128xf32, #tpu.memory_space<vmem>>[vector<16xi32>, vector<16xi32>], vector<16xf32>, vector<16xi1>
      %get3A_1065 = arith.index_cast %select_n3A_957 : i32 to index
      %get3A_1066 = arith.constant 80 : index
      %get3A_1067 = tpu.vector_load %arg4[%get3A_1065, %get3A_1066] {strides = array<i32>} : memref<20x128xi32, #tpu.memory_space<vmem>>, vector<16xi32>,
      %ge3A_1068 = vector.broadcast %mul3A_974 : i32 to vector<16xi32>
      %ge3A_1069 = arith.cmpi sge, %get3A_1067, %ge3A_1068 : vector<16xi32>
      %add3A_1070 = arith.constant 200 : i32
      %add3A_1071 = arith.addi %mul3A_974, %add3A_1070 : i32
      %lt3A_1072 = vector.broadcast %add3A_1071 : i32 to vector<16xi32>
      %lt3A_1073 = arith.cmpi slt, %get3A_1067, %lt3A_1072 : vector<16xi32>
      %and3A_1074 = arith.andi %ge3A_1069, %lt3A_1073 : vector<16xi1>
      %sub3A_1075 = vector.broadcast %mul3A_974 : i32 to vector<16xi32>
      %sub3A_1076 = arith.subi %get3A_1067, %sub3A_1075 : vector<16xi32>
      %jit3A_1077 = arith.constant 0 : i32
      %broadcast_in_dim3A_1078 = vector.broadcast %jit3A_1077 : i32 to vector<16xi32>
      %select_n3A_1079 = arith.select %and3A_1074, %sub3A_1076, %broadcast_in_dim3A_1078 : vector<16xi1>, vector<16xi32>
      %add3A_1080 = arith.constant 80 : i32
      %add3A_1081 = vector.broadcast %add3A_1080 : i32 to vector<16xi32>
      %add3A_1082 = arith.addi %iota3A, %add3A_1081 : vector<16xi32>
      tpu.vector_store_idx %arg5[%select_n3A_1079, %add3A_1082], %broadcast_in_dim3A_6 masked %and3A_1074 : memref<200x128xf32, #tpu.memory_space<vmem>>[vector<16xi32>, vector<16xi32>], vector<16xf32>, vector<16xi1>
      %get3A_1083 = arith.index_cast %select_n3A_957 : i32 to index
      %get3A_1084 = arith.constant 96 : index
      %get3A_1085 = tpu.vector_load %arg4[%get3A_1083, %get3A_1084] {strides = array<i32>} : memref<20x128xi32, #tpu.memory_space<vmem>>, vector<16xi32>,
      %ge3A_1086 = vector.broadcast %mul3A_974 : i32 to vector<16xi32>
      %ge3A_1087 = arith.cmpi sge, %get3A_1085, %ge3A_1086 : vector<16xi32>
      %add3A_1088 = arith.constant 200 : i32
      %add3A_1089 = arith.addi %mul3A_974, %add3A_1088 : i32
      %lt3A_1090 = vector.broadcast %add3A_1089 : i32 to vector<16xi32>
      %lt3A_1091 = arith.cmpi slt, %get3A_1085, %lt3A_1090 : vector<16xi32>
      %and3A_1092 = arith.andi %ge3A_1087, %lt3A_1091 : vector<16xi1>
      %sub3A_1093 = vector.broadcast %mul3A_974 : i32 to vector<16xi32>
      %sub3A_1094 = arith.subi %get3A_1085, %sub3A_1093 : vector<16xi32>
      %jit3A_1095 = arith.constant 0 : i32
      %broadcast_in_dim3A_1096 = vector.broadcast %jit3A_1095 : i32 to vector<16xi32>
      %select_n3A_1097 = arith.select %and3A_1092, %sub3A_1094, %broadcast_in_dim3A_1096 : vector<16xi1>, vector<16xi32>
      %add3A_1098 = arith.constant 96 : i32
      %add3A_1099 = vector.broadcast %add3A_1098 : i32 to vector<16xi32>
      %add3A_1100 = arith.addi %iota3A, %add3A_1099 : vector<16xi32>
      tpu.vector_store_idx %arg5[%select_n3A_1097, %add3A_1100], %broadcast_in_dim3A_6 masked %and3A_1092 : memref<200x128xf32, #tpu.memory_space<vmem>>[vector<16xi32>, vector<16xi32>], vector<16xf32>, vector<16xi1>
      %get3A_1101 = arith.index_cast %select_n3A_957 : i32 to index
      %get3A_1102 = arith.constant 112 : index
      %get3A_1103 = tpu.vector_load %arg4[%get3A_1101, %get3A_1102] {strides = array<i32>} : memref<20x128xi32, #tpu.memory_space<vmem>>, vector<16xi32>,
      %ge3A_1104 = vector.broadcast %mul3A_974 : i32 to vector<16xi32>
      %ge3A_1105 = arith.cmpi sge, %get3A_1103, %ge3A_1104 : vector<16xi32>
      %add3A_1106 = arith.constant 200 : i32
      %add3A_1107 = arith.addi %mul3A_974, %add3A_1106 : i32
      %lt3A_1108 = vector.broadcast %add3A_1107 : i32 to vector<16xi32>
      %lt3A_1109 = arith.cmpi slt, %get3A_1103, %lt3A_1108 : vector<16xi32>
      %and3A_1110 = arith.andi %ge3A_1105, %lt3A_1109 : vector<16xi1>
      %sub3A_1111 = vector.broadcast %mul3A_974 : i32 to vector<16xi32>
      %sub3A_1112 = arith.subi %get3A_1103, %sub3A_1111 : vector<16xi32>
      %jit3A_1113 = arith.constant 0 : i32
      %broadcast_in_dim3A_1114 = vector.broadcast %jit3A_1113 : i32 to vector<16xi32>
      %select_n3A_1115 = arith.select %and3A_1110, %sub3A_1112, %broadcast_in_dim3A_1114 : vector<16xi1>, vector<16xi32>
      %add3A_1116 = arith.constant 112 : i32
      %add3A_1117 = vector.broadcast %add3A_1116 : i32 to vector<16xi32>
      %add3A_1118 = arith.addi %iota3A, %add3A_1117 : vector<16xi32>
      tpu.vector_store_idx %arg5[%select_n3A_1115, %add3A_1118], %broadcast_in_dim3A_6 masked %and3A_1110 : memref<200x128xf32, #tpu.memory_space<vmem>>[vector<16xi32>, vector<16xi32>], vector<16xf32>, vector<16xi1>
      %jit3A_1119 = arith.constant 5 : i32
      %div3A_1120 = arith.divsi %add3A_926, %jit3A_1119 : i32
      %sign3A_1121 = arith.constant 0 : i32
      %sign3A_1122 = arith.cmpi sgt, %add3A_926, %sign3A_1121 : i32
      %sign3A_1123 = arith.extui %sign3A_1122 : i1 to i32
      %sign3A_1124 = arith.constant 0 : i32
      %sign3A_1125 = arith.cmpi slt, %add3A_926, %sign3A_1124 : i32
      %sign3A_1126 = arith.extui %sign3A_1125 : i1 to i32
      %sign3A_1127 = arith.subi %sign3A_1123, %sign3A_1126 : i32
      %sign3A_1128 = arith.constant 0 : i32
      %sign3A_1129 = arith.cmpi sgt, %jit3A_1119, %sign3A_1128 : i32
      %sign3A_1130 = arith.extui %sign3A_1129 : i1 to i32
      %sign3A_1131 = arith.constant 0 : i32
      %sign3A_1132 = arith.cmpi slt, %jit3A_1119, %sign3A_1131 : i32
      %sign3A_1133 = arith.extui %sign3A_1132 : i1 to i32
      %sign3A_1134 = arith.subi %sign3A_1130, %sign3A_1133 : i32
      %ne3A_1135 = arith.cmpi ne, %sign3A_1127, %sign3A_1134 : i32
      %rem3A_1136 = arith.remsi %add3A_926, %jit3A_1119 : i32
      %ne3A_1137 = arith.constant 0 : i32
      %ne3A_1138 = arith.cmpi ne, %rem3A_1136, %ne3A_1137 : i32
      %and3A_1139 = arith.andi %ne3A_1135, %ne3A_1138 : i1
      %sub3A_1140 = arith.constant 1 : i32
      %sub3A_1141 = arith.subi %div3A_1120, %sub3A_1140 : i32
      %select_n3A_1142 = arith.select %and3A_1139, %sub3A_1141, %div3A_1120 : i32
      %jit3A_1143 = arith.constant 5 : i32
      %eq3A_1144 = arith.constant 0 : i32
      %eq3A_1145 = arith.cmpi eq, %jit3A_1143, %eq3A_1144 : i32
      %jit3A_1146 = arith.constant 1 : i32
      %select_n3A_1147 = arith.select %eq3A_1145, %jit3A_1146, %jit3A_1143 : i32
      %rem3A_1148 = arith.remsi %add3A_926, %select_n3A_1147 : i32
      %ne3A_1149 = arith.constant 0 : i32
      %ne3A_1150 = arith.cmpi ne, %rem3A_1148, %ne3A_1149 : i32
      %lt3A_1151 = arith.constant 0 : i32
      %lt3A_1152 = arith.cmpi slt, %rem3A_1148, %lt3A_1151 : i32
      %lt3A_1153 = arith.constant 0 : i32
      %lt3A_1154 = arith.cmpi slt, %select_n3A_1147, %lt3A_1153 : i32
      %ne3A_1155 = arith.xori %lt3A_1152, %lt3A_1154 : i1
      %and3A_1156 = arith.andi %ne3A_1155, %ne3A_1150 : i1
      %add3A_1157 = arith.addi %rem3A_1148, %select_n3A_1147 : i32
      %select_n3A_1158 = arith.select %and3A_1156, %add3A_1157, %rem3A_1148 : i32
      %mul3A_1159 = arith.constant 200 : i32
      %mul3A_1160 = arith.muli %select_n3A_1158, %mul3A_1159 : i32
      %get3A_1161 = arith.index_cast %select_n3A_1142 : i32 to index
      %get3A_1162 = arith.constant 0 : index
      %get3A_1163 = tpu.vector_load %arg4[%get3A_1161, %get3A_1162] {strides = array<i32>} : memref<20x128xi32, #tpu.memory_space<vmem>>, vector<16xi32>,
      %ge3A_1164 = vector.broadcast %mul3A_1160 : i32 to vector<16xi32>
      %ge3A_1165 = arith.cmpi sge, %get3A_1163, %ge3A_1164 : vector<16xi32>
      %add3A_1166 = arith.constant 200 : i32
      %add3A_1167 = arith.addi %mul3A_1160, %add3A_1166 : i32
      %lt3A_1168 = vector.broadcast %add3A_1167 : i32 to vector<16xi32>
      %lt3A_1169 = arith.cmpi slt, %get3A_1163, %lt3A_1168 : vector<16xi32>
      %and3A_1170 = arith.andi %ge3A_1165, %lt3A_1169 : vector<16xi1>
      %sub3A_1171 = vector.broadcast %mul3A_1160 : i32 to vector<16xi32>
      %sub3A_1172 = arith.subi %get3A_1163, %sub3A_1171 : vector<16xi32>
      %jit3A_1173 = arith.constant 0 : i32
      %broadcast_in_dim3A_1174 = vector.broadcast %jit3A_1173 : i32 to vector<16xi32>
      %select_n3A_1175 = arith.select %and3A_1170, %sub3A_1172, %broadcast_in_dim3A_1174 : vector<16xi1>, vector<16xi32>
      %add3A_1176 = arith.constant 0 : i32
      %add3A_1177 = vector.broadcast %add3A_1176 : i32 to vector<16xi32>
      %add3A_1178 = arith.addi %iota3A, %add3A_1177 : vector<16xi32>
      tpu.vector_store_idx %arg5[%select_n3A_1175, %add3A_1178], %broadcast_in_dim3A_8 masked %and3A_1170 : memref<200x128xf32, #tpu.memory_space<vmem>>[vector<16xi32>, vector<16xi32>], vector<16xf32>, vector<16xi1>
      %get3A_1179 = arith.index_cast %select_n3A_1142 : i32 to index
      %get3A_1180 = arith.constant 16 : index
      %get3A_1181 = tpu.vector_load %arg4[%get3A_1179, %get3A_1180] {strides = array<i32>} : memref<20x128xi32, #tpu.memory_space<vmem>>, vector<16xi32>,
      %ge3A_1182 = vector.broadcast %mul3A_1160 : i32 to vector<16xi32>
      %ge3A_1183 = arith.cmpi sge, %get3A_1181, %ge3A_1182 : vector<16xi32>
      %add3A_1184 = arith.constant 200 : i32
      %add3A_1185 = arith.addi %mul3A_1160, %add3A_1184 : i32
      %lt3A_1186 = vector.broadcast %add3A_1185 : i32 to vector<16xi32>
      %lt3A_1187 = arith.cmpi slt, %get3A_1181, %lt3A_1186 : vector<16xi32>
      %and3A_1188 = arith.andi %ge3A_1183, %lt3A_1187 : vector<16xi1>
      %sub3A_1189 = vector.broadcast %mul3A_1160 : i32 to vector<16xi32>
      %sub3A_1190 = arith.subi %get3A_1181, %sub3A_1189 : vector<16xi32>
      %jit3A_1191 = arith.constant 0 : i32
      %broadcast_in_dim3A_1192 = vector.broadcast %jit3A_1191 : i32 to vector<16xi32>
      %select_n3A_1193 = arith.select %and3A_1188, %sub3A_1190, %broadcast_in_dim3A_1192 : vector<16xi1>, vector<16xi32>
      %add3A_1194 = arith.constant 16 : i32
      %add3A_1195 = vector.broadcast %add3A_1194 : i32 to vector<16xi32>
      %add3A_1196 = arith.addi %iota3A, %add3A_1195 : vector<16xi32>
      tpu.vector_store_idx %arg5[%select_n3A_1193, %add3A_1196], %broadcast_in_dim3A_8 masked %and3A_1188 : memref<200x128xf32, #tpu.memory_space<vmem>>[vector<16xi32>, vector<16xi32>], vector<16xf32>, vector<16xi1>
      %get3A_1197 = arith.index_cast %select_n3A_1142 : i32 to index
      %get3A_1198 = arith.constant 32 : index
      %get3A_1199 = tpu.vector_load %arg4[%get3A_1197, %get3A_1198] {strides = array<i32>} : memref<20x128xi32, #tpu.memory_space<vmem>>, vector<16xi32>,
      %ge3A_1200 = vector.broadcast %mul3A_1160 : i32 to vector<16xi32>
      %ge3A_1201 = arith.cmpi sge, %get3A_1199, %ge3A_1200 : vector<16xi32>
      %add3A_1202 = arith.constant 200 : i32
      %add3A_1203 = arith.addi %mul3A_1160, %add3A_1202 : i32
      %lt3A_1204 = vector.broadcast %add3A_1203 : i32 to vector<16xi32>
      %lt3A_1205 = arith.cmpi slt, %get3A_1199, %lt3A_1204 : vector<16xi32>
      %and3A_1206 = arith.andi %ge3A_1201, %lt3A_1205 : vector<16xi1>
      %sub3A_1207 = vector.broadcast %mul3A_1160 : i32 to vector<16xi32>
      %sub3A_1208 = arith.subi %get3A_1199, %sub3A_1207 : vector<16xi32>
      %jit3A_1209 = arith.constant 0 : i32
      %broadcast_in_dim3A_1210 = vector.broadcast %jit3A_1209 : i32 to vector<16xi32>
      %select_n3A_1211 = arith.select %and3A_1206, %sub3A_1208, %broadcast_in_dim3A_1210 : vector<16xi1>, vector<16xi32>
      %add3A_1212 = arith.constant 32 : i32
      %add3A_1213 = vector.broadcast %add3A_1212 : i32 to vector<16xi32>
      %add3A_1214 = arith.addi %iota3A, %add3A_1213 : vector<16xi32>
      tpu.vector_store_idx %arg5[%select_n3A_1211, %add3A_1214], %broadcast_in_dim3A_8 masked %and3A_1206 : memref<200x128xf32, #tpu.memory_space<vmem>>[vector<16xi32>, vector<16xi32>], vector<16xf32>, vector<16xi1>
      %get3A_1215 = arith.index_cast %select_n3A_1142 : i32 to index
      %get3A_1216 = arith.constant 48 : index
      %get3A_1217 = tpu.vector_load %arg4[%get3A_1215, %get3A_1216] {strides = array<i32>} : memref<20x128xi32, #tpu.memory_space<vmem>>, vector<16xi32>,
      %ge3A_1218 = vector.broadcast %mul3A_1160 : i32 to vector<16xi32>
      %ge3A_1219 = arith.cmpi sge, %get3A_1217, %ge3A_1218 : vector<16xi32>
      %add3A_1220 = arith.constant 200 : i32
      %add3A_1221 = arith.addi %mul3A_1160, %add3A_1220 : i32
      %lt3A_1222 = vector.broadcast %add3A_1221 : i32 to vector<16xi32>
      %lt3A_1223 = arith.cmpi slt, %get3A_1217, %lt3A_1222 : vector<16xi32>
      %and3A_1224 = arith.andi %ge3A_1219, %lt3A_1223 : vector<16xi1>
      %sub3A_1225 = vector.broadcast %mul3A_1160 : i32 to vector<16xi32>
      %sub3A_1226 = arith.subi %get3A_1217, %sub3A_1225 : vector<16xi32>
      %jit3A_1227 = arith.constant 0 : i32
      %broadcast_in_dim3A_1228 = vector.broadcast %jit3A_1227 : i32 to vector<16xi32>
      %select_n3A_1229 = arith.select %and3A_1224, %sub3A_1226, %broadcast_in_dim3A_1228 : vector<16xi1>, vector<16xi32>
      %add3A_1230 = arith.constant 48 : i32
      %add3A_1231 = vector.broadcast %add3A_1230 : i32 to vector<16xi32>
      %add3A_1232 = arith.addi %iota3A, %add3A_1231 : vector<16xi32>
      tpu.vector_store_idx %arg5[%select_n3A_1229, %add3A_1232], %broadcast_in_dim3A_8 masked %and3A_1224 : memref<200x128xf32, #tpu.memory_space<vmem>>[vector<16xi32>, vector<16xi32>], vector<16xf32>, vector<16xi1>
      %get3A_1233 = arith.index_cast %select_n3A_1142 : i32 to index
      %get3A_1234 = arith.constant 64 : index
      %get3A_1235 = tpu.vector_load %arg4[%get3A_1233, %get3A_1234] {strides = array<i32>} : memref<20x128xi32, #tpu.memory_space<vmem>>, vector<16xi32>,
      %ge3A_1236 = vector.broadcast %mul3A_1160 : i32 to vector<16xi32>
      %ge3A_1237 = arith.cmpi sge, %get3A_1235, %ge3A_1236 : vector<16xi32>
      %add3A_1238 = arith.constant 200 : i32
      %add3A_1239 = arith.addi %mul3A_1160, %add3A_1238 : i32
      %lt3A_1240 = vector.broadcast %add3A_1239 : i32 to vector<16xi32>
      %lt3A_1241 = arith.cmpi slt, %get3A_1235, %lt3A_1240 : vector<16xi32>
      %and3A_1242 = arith.andi %ge3A_1237, %lt3A_1241 : vector<16xi1>
      %sub3A_1243 = vector.broadcast %mul3A_1160 : i32 to vector<16xi32>
      %sub3A_1244 = arith.subi %get3A_1235, %sub3A_1243 : vector<16xi32>
      %jit3A_1245 = arith.constant 0 : i32
      %broadcast_in_dim3A_1246 = vector.broadcast %jit3A_1245 : i32 to vector<16xi32>
      %select_n3A_1247 = arith.select %and3A_1242, %sub3A_1244, %broadcast_in_dim3A_1246 : vector<16xi1>, vector<16xi32>
      %add3A_1248 = arith.constant 64 : i32
      %add3A_1249 = vector.broadcast %add3A_1248 : i32 to vector<16xi32>
      %add3A_1250 = arith.addi %iota3A, %add3A_1249 : vector<16xi32>
      tpu.vector_store_idx %arg5[%select_n3A_1247, %add3A_1250], %broadcast_in_dim3A_8 masked %and3A_1242 : memref<200x128xf32, #tpu.memory_space<vmem>>[vector<16xi32>, vector<16xi32>], vector<16xf32>, vector<16xi1>
      %get3A_1251 = arith.index_cast %select_n3A_1142 : i32 to index
      %get3A_1252 = arith.constant 80 : index
      %get3A_1253 = tpu.vector_load %arg4[%get3A_1251, %get3A_1252] {strides = array<i32>} : memref<20x128xi32, #tpu.memory_space<vmem>>, vector<16xi32>,
      %ge3A_1254 = vector.broadcast %mul3A_1160 : i32 to vector<16xi32>
      %ge3A_1255 = arith.cmpi sge, %get3A_1253, %ge3A_1254 : vector<16xi32>
      %add3A_1256 = arith.constant 200 : i32
      %add3A_1257 = arith.addi %mul3A_1160, %add3A_1256 : i32
      %lt3A_1258 = vector.broadcast %add3A_1257 : i32 to vector<16xi32>
      %lt3A_1259 = arith.cmpi slt, %get3A_1253, %lt3A_1258 : vector<16xi32>
      %and3A_1260 = arith.andi %ge3A_1255, %lt3A_1259 : vector<16xi1>
      %sub3A_1261 = vector.broadcast %mul3A_1160 : i32 to vector<16xi32>
      %sub3A_1262 = arith.subi %get3A_1253, %sub3A_1261 : vector<16xi32>
      %jit3A_1263 = arith.constant 0 : i32
      %broadcast_in_dim3A_1264 = vector.broadcast %jit3A_1263 : i32 to vector<16xi32>
      %select_n3A_1265 = arith.select %and3A_1260, %sub3A_1262, %broadcast_in_dim3A_1264 : vector<16xi1>, vector<16xi32>
      %add3A_1266 = arith.constant 80 : i32
      %add3A_1267 = vector.broadcast %add3A_1266 : i32 to vector<16xi32>
      %add3A_1268 = arith.addi %iota3A, %add3A_1267 : vector<16xi32>
      tpu.vector_store_idx %arg5[%select_n3A_1265, %add3A_1268], %broadcast_in_dim3A_8 masked %and3A_1260 : memref<200x128xf32, #tpu.memory_space<vmem>>[vector<16xi32>, vector<16xi32>], vector<16xf32>, vector<16xi1>
      %get3A_1269 = arith.index_cast %select_n3A_1142 : i32 to index
      %get3A_1270 = arith.constant 96 : index
      %get3A_1271 = tpu.vector_load %arg4[%get3A_1269, %get3A_1270] {strides = array<i32>} : memref<20x128xi32, #tpu.memory_space<vmem>>, vector<16xi32>,
      %ge3A_1272 = vector.broadcast %mul3A_1160 : i32 to vector<16xi32>
      %ge3A_1273 = arith.cmpi sge, %get3A_1271, %ge3A_1272 : vector<16xi32>
      %add3A_1274 = arith.constant 200 : i32
      %add3A_1275 = arith.addi %mul3A_1160, %add3A_1274 : i32
      %lt3A_1276 = vector.broadcast %add3A_1275 : i32 to vector<16xi32>
      %lt3A_1277 = arith.cmpi slt, %get3A_1271, %lt3A_1276 : vector<16xi32>
      %and3A_1278 = arith.andi %ge3A_1273, %lt3A_1277 : vector<16xi1>
      %sub3A_1279 = vector.broadcast %mul3A_1160 : i32 to vector<16xi32>
      %sub3A_1280 = arith.subi %get3A_1271, %sub3A_1279 : vector<16xi32>
      %jit3A_1281 = arith.constant 0 : i32
      %broadcast_in_dim3A_1282 = vector.broadcast %jit3A_1281 : i32 to vector<16xi32>
      %select_n3A_1283 = arith.select %and3A_1278, %sub3A_1280, %broadcast_in_dim3A_1282 : vector<16xi1>, vector<16xi32>
      %add3A_1284 = arith.constant 96 : i32
      %add3A_1285 = vector.broadcast %add3A_1284 : i32 to vector<16xi32>
      %add3A_1286 = arith.addi %iota3A, %add3A_1285 : vector<16xi32>
      tpu.vector_store_idx %arg5[%select_n3A_1283, %add3A_1286], %broadcast_in_dim3A_8 masked %and3A_1278 : memref<200x128xf32, #tpu.memory_space<vmem>>[vector<16xi32>, vector<16xi32>], vector<16xf32>, vector<16xi1>
      %get3A_1287 = arith.index_cast %select_n3A_1142 : i32 to index
      %get3A_1288 = arith.constant 112 : index
      %get3A_1289 = tpu.vector_load %arg4[%get3A_1287, %get3A_1288] {strides = array<i32>} : memref<20x128xi32, #tpu.memory_space<vmem>>, vector<16xi32>,
      %ge3A_1290 = vector.broadcast %mul3A_1160 : i32 to vector<16xi32>
      %ge3A_1291 = arith.cmpi sge, %get3A_1289, %ge3A_1290 : vector<16xi32>
      %add3A_1292 = arith.constant 200 : i32
      %add3A_1293 = arith.addi %mul3A_1160, %add3A_1292 : i32
      %lt3A_1294 = vector.broadcast %add3A_1293 : i32 to vector<16xi32>
      %lt3A_1295 = arith.cmpi slt, %get3A_1289, %lt3A_1294 : vector<16xi32>
      %and3A_1296 = arith.andi %ge3A_1291, %lt3A_1295 : vector<16xi1>
      %sub3A_1297 = vector.broadcast %mul3A_1160 : i32 to vector<16xi32>
      %sub3A_1298 = arith.subi %get3A_1289, %sub3A_1297 : vector<16xi32>
      %jit3A_1299 = arith.constant 0 : i32
      %broadcast_in_dim3A_1300 = vector.broadcast %jit3A_1299 : i32 to vector<16xi32>
      %select_n3A_1301 = arith.select %and3A_1296, %sub3A_1298, %broadcast_in_dim3A_1300 : vector<16xi1>, vector<16xi32>
      %add3A_1302 = arith.constant 112 : i32
      %add3A_1303 = vector.broadcast %add3A_1302 : i32 to vector<16xi32>
      %add3A_1304 = arith.addi %iota3A, %add3A_1303 : vector<16xi32>
      tpu.vector_store_idx %arg5[%select_n3A_1301, %add3A_1304], %broadcast_in_dim3A_8 masked %and3A_1296 : memref<200x128xf32, #tpu.memory_space<vmem>>[vector<16xi32>, vector<16xi32>], vector<16xf32>, vector<16xi1>
      %jit3A_1305 = arith.constant 5 : i32
      %div3A_1306 = arith.divsi %add3A_926, %jit3A_1305 : i32
      %sign3A_1307 = arith.constant 0 : i32
      %sign3A_1308 = arith.cmpi sgt, %add3A_926, %sign3A_1307 : i32
      %sign3A_1309 = arith.extui %sign3A_1308 : i1 to i32
      %sign3A_1310 = arith.constant 0 : i32
      %sign3A_1311 = arith.cmpi slt, %add3A_926, %sign3A_1310 : i32
      %sign3A_1312 = arith.extui %sign3A_1311 : i1 to i32
      %sign3A_1313 = arith.subi %sign3A_1309, %sign3A_1312 : i32
      %sign3A_1314 = arith.constant 0 : i32
      %sign3A_1315 = arith.cmpi sgt, %jit3A_1305, %sign3A_1314 : i32
      %sign3A_1316 = arith.extui %sign3A_1315 : i1 to i32
      %sign3A_1317 = arith.constant 0 : i32
      %sign3A_1318 = arith.cmpi slt, %jit3A_1305, %sign3A_1317 : i32
      %sign3A_1319 = arith.extui %sign3A_1318 : i1 to i32
      %sign3A_1320 = arith.subi %sign3A_1316, %sign3A_1319 : i32
      %ne3A_1321 = arith.cmpi ne, %sign3A_1313, %sign3A_1320 : i32
      %rem3A_1322 = arith.remsi %add3A_926, %jit3A_1305 : i32
      %ne3A_1323 = arith.constant 0 : i32
      %ne3A_1324 = arith.cmpi ne, %rem3A_1322, %ne3A_1323 : i32
      %and3A_1325 = arith.andi %ne3A_1321, %ne3A_1324 : i1
      %sub3A_1326 = arith.constant 1 : i32
      %sub3A_1327 = arith.subi %div3A_1306, %sub3A_1326 : i32
      %select_n3A_1328 = arith.select %and3A_1325, %sub3A_1327, %div3A_1306 : i32
      %jit3A_1329 = arith.constant 5 : i32
      %eq3A_1330 = arith.constant 0 : i32
      %eq3A_1331 = arith.cmpi eq, %jit3A_1329, %eq3A_1330 : i32
      %jit3A_1332 = arith.constant 1 : i32
      %select_n3A_1333 = arith.select %eq3A_1331, %jit3A_1332, %jit3A_1329 : i32
      %rem3A_1334 = arith.remsi %add3A_926, %select_n3A_1333 : i32
      %ne3A_1335 = arith.constant 0 : i32
      %ne3A_1336 = arith.cmpi ne, %rem3A_1334, %ne3A_1335 : i32
      %lt3A_1337 = arith.constant 0 : i32
      %lt3A_1338 = arith.cmpi slt, %rem3A_1334, %lt3A_1337 : i32
      %lt3A_1339 = arith.constant 0 : i32
      %lt3A_1340 = arith.cmpi slt, %select_n3A_1333, %lt3A_1339 : i32
      %ne3A_1341 = arith.xori %lt3A_1338, %lt3A_1340 : i1
      %and3A_1342 = arith.andi %ne3A_1341, %ne3A_1336 : i1
      %add3A_1343 = arith.addi %rem3A_1334, %select_n3A_1333 : i32
      %select_n3A_1344 = arith.select %and3A_1342, %add3A_1343, %rem3A_1334 : i32
      %mul3A_1345 = arith.constant 200 : i32
      %mul3A_1346 = arith.muli %select_n3A_1344, %mul3A_1345 : i32
      %dma_start3A_1347 = tpu.memref_slice %arg3[%select_n3A_1328, %mul3A_1346, %mul3A_2] : memref<20x1000x4096xf32, #tpu.memory_space<hbm>> -> memref<1x200x128xf32, #tpu.memory_space<hbm>>
      %dma_start3A_1348 = tpu.memref_squeeze %dma_start3A_1347 : memref<1x200x128xf32, #tpu.memory_space<hbm>> -> memref<200x128xf32, #tpu.memory_space<hbm>>
      %dma_start3A_1349 = tpu.memref_slice %arg3[%select_n3A_1328, %mul3A_1346, %mul3A_2] : memref<20x1000x4096xf32, #tpu.memory_space<hbm>> -> memref<1x200x128xf32, #tpu.memory_space<hbm>>
      %dma_start3A_1350 = tpu.memref_squeeze %dma_start3A_1349 : memref<1x200x128xf32, #tpu.memory_space<hbm>> -> memref<200x128xf32, #tpu.memory_space<hbm>>
      tpu.enqueue_dma source(%arg5 : memref<200x128xf32, #tpu.memory_space<vmem>>) target(%dma_start3A_1350 : memref<200x128xf32, #tpu.memory_space<hbm>>) target_semaphore(%arg10 : memref<!tpu.dma_semaphore, #tpu.memory_space<semaphore_mem>>)
      %add3A_1351 = arith.constant 1 : i32
      %add3A_1352 = arith.addi %add3A_924, %add3A_1351 : i32
      %dma_wait3A_1353 = arith.constant 0 : i32
      %dma_wait3A_1354 = arith.constant 0 : i32
      %dma_wait3A_1355 = arith.constant 0 : i32
      %dma_wait3A_1356 = tpu.memref_slice %arg3[%dma_wait3A_1353, %dma_wait3A_1354, %dma_wait3A_1355] : memref<20x1000x4096xf32, #tpu.memory_space<hbm>> -> memref<1x200x128xf32, #tpu.memory_space<hbm>>
      %dma_wait3A_1357 = tpu.memref_squeeze %dma_wait3A_1356 : memref<1x200x128xf32, #tpu.memory_space<hbm>> -> memref<200x128xf32, #tpu.memory_space<hbm>>
      %dma_wait3A_1358 = arith.constant 0 : i32
      %dma_wait3A_1359 = arith.constant 0 : i32
      %dma_wait3A_1360 = tpu.memref_slice %arg3[%dma_wait3A_1353, %dma_wait3A_1358, %dma_wait3A_1359] : memref<20x1000x4096xf32, #tpu.memory_space<hbm>> -> memref<1x200x128xf32, #tpu.memory_space<hbm>>
      %dma_wait3A_1361 = tpu.memref_squeeze %dma_wait3A_1360 : memref<1x200x128xf32, #tpu.memory_space<hbm>> -> memref<200x128xf32, #tpu.memory_space<hbm>>
      tpu.wait_dma2 semaphore(%arg11 : memref<!tpu.dma_semaphore, #tpu.memory_space<semaphore_mem>>) src(%arg6 : memref<200x128xf32, #tpu.memory_space<vmem>>) dst(%dma_wait3A_1361 : memref<200x128xf32, #tpu.memory_space<hbm>>)
      %sub3A_1362 = arith.constant 5 : i32
      %sub3A_1363 = arith.subi %add3A_1352, %sub3A_1362 : i32
      %jit3A_1364 = arith.constant 5 : i32
      %div3A_1365 = arith.divsi %sub3A_1363, %jit3A_1364 : i32
      %sign3A_1366 = arith.constant 0 : i32
      %sign3A_1367 = arith.cmpi sgt, %sub3A_1363, %sign3A_1366 : i32
      %sign3A_1368 = arith.extui %sign3A_1367 : i1 to i32
      %sign3A_1369 = arith.constant 0 : i32
      %sign3A_1370 = arith.cmpi slt, %sub3A_1363, %sign3A_1369 : i32
      %sign3A_1371 = arith.extui %sign3A_1370 : i1 to i32
      %sign3A_1372 = arith.subi %sign3A_1368, %sign3A_1371 : i32
      %sign3A_1373 = arith.constant 0 : i32
      %sign3A_1374 = arith.cmpi sgt, %jit3A_1364, %sign3A_1373 : i32
      %sign3A_1375 = arith.extui %sign3A_1374 : i1 to i32
      %sign3A_1376 = arith.constant 0 : i32
      %sign3A_1377 = arith.cmpi slt, %jit3A_1364, %sign3A_1376 : i32
      %sign3A_1378 = arith.extui %sign3A_1377 : i1 to i32
      %sign3A_1379 = arith.subi %sign3A_1375, %sign3A_1378 : i32
      %ne3A_1380 = arith.cmpi ne, %sign3A_1372, %sign3A_1379 : i32
      %rem3A_1381 = arith.remsi %sub3A_1363, %jit3A_1364 : i32
      %ne3A_1382 = arith.constant 0 : i32
      %ne3A_1383 = arith.cmpi ne, %rem3A_1381, %ne3A_1382 : i32
      %and3A_1384 = arith.andi %ne3A_1380, %ne3A_1383 : i1
      %sub3A_1385 = arith.constant 1 : i32
      %sub3A_1386 = arith.subi %div3A_1365, %sub3A_1385 : i32
      %select_n3A_1387 = arith.select %and3A_1384, %sub3A_1386, %div3A_1365 : i32
      %jit3A_1388 = arith.constant 5 : i32
      %eq3A_1389 = arith.constant 0 : i32
      %eq3A_1390 = arith.cmpi eq, %jit3A_1388, %eq3A_1389 : i32
      %jit3A_1391 = arith.constant 1 : i32
      %select_n3A_1392 = arith.select %eq3A_1390, %jit3A_1391, %jit3A_1388 : i32
      %rem3A_1393 = arith.remsi %sub3A_1363, %select_n3A_1392 : i32
      %ne3A_1394 = arith.constant 0 : i32
      %ne3A_1395 = arith.cmpi ne, %rem3A_1393, %ne3A_1394 : i32
      %lt3A_1396 = arith.constant 0 : i32
      %lt3A_1397 = arith.cmpi slt, %rem3A_1393, %lt3A_1396 : i32
      %lt3A_1398 = arith.constant 0 : i32
      %lt3A_1399 = arith.cmpi slt, %select_n3A_1392, %lt3A_1398 : i32
      %ne3A_1400 = arith.xori %lt3A_1397, %lt3A_1399 : i1
      %and3A_1401 = arith.andi %ne3A_1400, %ne3A_1395 : i1
      %add3A_1402 = arith.addi %rem3A_1393, %select_n3A_1392 : i32
      %select_n3A_1403 = arith.select %and3A_1401, %add3A_1402, %rem3A_1393 : i32
      %mul3A_1404 = arith.constant 200 : i32
      %mul3A_1405 = arith.muli %select_n3A_1403, %mul3A_1404 : i32
      %get3A_1406 = arith.index_cast %select_n3A_1387 : i32 to index
      %get3A_1407 = arith.constant 0 : index
      %get3A_1408 = tpu.vector_load %arg4[%get3A_1406, %get3A_1407] {strides = array<i32>} : memref<20x128xi32, #tpu.memory_space<vmem>>, vector<16xi32>,
      %ge3A_1409 = vector.broadcast %mul3A_1405 : i32 to vector<16xi32>
      %ge3A_1410 = arith.cmpi sge, %get3A_1408, %ge3A_1409 : vector<16xi32>
      %add3A_1411 = arith.constant 200 : i32
      %add3A_1412 = arith.addi %mul3A_1405, %add3A_1411 : i32
      %lt3A_1413 = vector.broadcast %add3A_1412 : i32 to vector<16xi32>
      %lt3A_1414 = arith.cmpi slt, %get3A_1408, %lt3A_1413 : vector<16xi32>
      %and3A_1415 = arith.andi %ge3A_1410, %lt3A_1414 : vector<16xi1>
      %sub3A_1416 = vector.broadcast %mul3A_1405 : i32 to vector<16xi32>
      %sub3A_1417 = arith.subi %get3A_1408, %sub3A_1416 : vector<16xi32>
      %jit3A_1418 = arith.constant 0 : i32
      %broadcast_in_dim3A_1419 = vector.broadcast %jit3A_1418 : i32 to vector<16xi32>
      %select_n3A_1420 = arith.select %and3A_1415, %sub3A_1417, %broadcast_in_dim3A_1419 : vector<16xi1>, vector<16xi32>
      %add3A_1421 = arith.constant 0 : i32
      %add3A_1422 = vector.broadcast %add3A_1421 : i32 to vector<16xi32>
      %add3A_1423 = arith.addi %iota3A, %add3A_1422 : vector<16xi32>
      tpu.vector_store_idx %arg6[%select_n3A_1420, %add3A_1423], %broadcast_in_dim3A_6 masked %and3A_1415 : memref<200x128xf32, #tpu.memory_space<vmem>>[vector<16xi32>, vector<16xi32>], vector<16xf32>, vector<16xi1>
      %get3A_1424 = arith.index_cast %select_n3A_1387 : i32 to index
      %get3A_1425 = arith.constant 16 : index
      %get3A_1426 = tpu.vector_load %arg4[%get3A_1424, %get3A_1425] {strides = array<i32>} : memref<20x128xi32, #tpu.memory_space<vmem>>, vector<16xi32>,
      %ge3A_1427 = vector.broadcast %mul3A_1405 : i32 to vector<16xi32>
      %ge3A_1428 = arith.cmpi sge, %get3A_1426, %ge3A_1427 : vector<16xi32>
      %add3A_1429 = arith.constant 200 : i32
      %add3A_1430 = arith.addi %mul3A_1405, %add3A_1429 : i32
      %lt3A_1431 = vector.broadcast %add3A_1430 : i32 to vector<16xi32>
      %lt3A_1432 = arith.cmpi slt, %get3A_1426, %lt3A_1431 : vector<16xi32>
      %and3A_1433 = arith.andi %ge3A_1428, %lt3A_1432 : vector<16xi1>
      %sub3A_1434 = vector.broadcast %mul3A_1405 : i32 to vector<16xi32>
      %sub3A_1435 = arith.subi %get3A_1426, %sub3A_1434 : vector<16xi32>
      %jit3A_1436 = arith.constant 0 : i32
      %broadcast_in_dim3A_1437 = vector.broadcast %jit3A_1436 : i32 to vector<16xi32>
      %select_n3A_1438 = arith.select %and3A_1433, %sub3A_1435, %broadcast_in_dim3A_1437 : vector<16xi1>, vector<16xi32>
      %add3A_1439 = arith.constant 16 : i32
      %add3A_1440 = vector.broadcast %add3A_1439 : i32 to vector<16xi32>
      %add3A_1441 = arith.addi %iota3A, %add3A_1440 : vector<16xi32>
      tpu.vector_store_idx %arg6[%select_n3A_1438, %add3A_1441], %broadcast_in_dim3A_6 masked %and3A_1433 : memref<200x128xf32, #tpu.memory_space<vmem>>[vector<16xi32>, vector<16xi32>], vector<16xf32>, vector<16xi1>
      %get3A_1442 = arith.index_cast %select_n3A_1387 : i32 to index
      %get3A_1443 = arith.constant 32 : index
      %get3A_1444 = tpu.vector_load %arg4[%get3A_1442, %get3A_1443] {strides = array<i32>} : memref<20x128xi32, #tpu.memory_space<vmem>>, vector<16xi32>,
      %ge3A_1445 = vector.broadcast %mul3A_1405 : i32 to vector<16xi32>
      %ge3A_1446 = arith.cmpi sge, %get3A_1444, %ge3A_1445 : vector<16xi32>
      %add3A_1447 = arith.constant 200 : i32
      %add3A_1448 = arith.addi %mul3A_1405, %add3A_1447 : i32
      %lt3A_1449 = vector.broadcast %add3A_1448 : i32 to vector<16xi32>
      %lt3A_1450 = arith.cmpi slt, %get3A_1444, %lt3A_1449 : vector<16xi32>
      %and3A_1451 = arith.andi %ge3A_1446, %lt3A_1450 : vector<16xi1>
      %sub3A_1452 = vector.broadcast %mul3A_1405 : i32 to vector<16xi32>
      %sub3A_1453 = arith.subi %get3A_1444, %sub3A_1452 : vector<16xi32>
      %jit3A_1454 = arith.constant 0 : i32
      %broadcast_in_dim3A_1455 = vector.broadcast %jit3A_1454 : i32 to vector<16xi32>
      %select_n3A_1456 = arith.select %and3A_1451, %sub3A_1453, %broadcast_in_dim3A_1455 : vector<16xi1>, vector<16xi32>
      %add3A_1457 = arith.constant 32 : i32
      %add3A_1458 = vector.broadcast %add3A_1457 : i32 to vector<16xi32>
      %add3A_1459 = arith.addi %iota3A, %add3A_1458 : vector<16xi32>
      tpu.vector_store_idx %arg6[%select_n3A_1456, %add3A_1459], %broadcast_in_dim3A_6 masked %and3A_1451 : memref<200x128xf32, #tpu.memory_space<vmem>>[vector<16xi32>, vector<16xi32>], vector<16xf32>, vector<16xi1>
      %get3A_1460 = arith.index_cast %select_n3A_1387 : i32 to index
      %get3A_1461 = arith.constant 48 : index
      %get3A_1462 = tpu.vector_load %arg4[%get3A_1460, %get3A_1461] {strides = array<i32>} : memref<20x128xi32, #tpu.memory_space<vmem>>, vector<16xi32>,
      %ge3A_1463 = vector.broadcast %mul3A_1405 : i32 to vector<16xi32>
      %ge3A_1464 = arith.cmpi sge, %get3A_1462, %ge3A_1463 : vector<16xi32>
      %add3A_1465 = arith.constant 200 : i32
      %add3A_1466 = arith.addi %mul3A_1405, %add3A_1465 : i32
      %lt3A_1467 = vector.broadcast %add3A_1466 : i32 to vector<16xi32>
      %lt3A_1468 = arith.cmpi slt, %get3A_1462, %lt3A_1467 : vector<16xi32>
      %and3A_1469 = arith.andi %ge3A_1464, %lt3A_1468 : vector<16xi1>
      %sub3A_1470 = vector.broadcast %mul3A_1405 : i32 to vector<16xi32>
      %sub3A_1471 = arith.subi %get3A_1462, %sub3A_1470 : vector<16xi32>
      %jit3A_1472 = arith.constant 0 : i32
      %broadcast_in_dim3A_1473 = vector.broadcast %jit3A_1472 : i32 to vector<16xi32>
      %select_n3A_1474 = arith.select %and3A_1469, %sub3A_1471, %broadcast_in_dim3A_1473 : vector<16xi1>, vector<16xi32>
      %add3A_1475 = arith.constant 48 : i32
      %add3A_1476 = vector.broadcast %add3A_1475 : i32 to vector<16xi32>
      %add3A_1477 = arith.addi %iota3A, %add3A_1476 : vector<16xi32>
      tpu.vector_store_idx %arg6[%select_n3A_1474, %add3A_1477], %broadcast_in_dim3A_6 masked %and3A_1469 : memref<200x128xf32, #tpu.memory_space<vmem>>[vector<16xi32>, vector<16xi32>], vector<16xf32>, vector<16xi1>
      %get3A_1478 = arith.index_cast %select_n3A_1387 : i32 to index
      %get3A_1479 = arith.constant 64 : index
      %get3A_1480 = tpu.vector_load %arg4[%get3A_1478, %get3A_1479] {strides = array<i32>} : memref<20x128xi32, #tpu.memory_space<vmem>>, vector<16xi32>,
      %ge3A_1481 = vector.broadcast %mul3A_1405 : i32 to vector<16xi32>
      %ge3A_1482 = arith.cmpi sge, %get3A_1480, %ge3A_1481 : vector<16xi32>
      %add3A_1483 = arith.constant 200 : i32
      %add3A_1484 = arith.addi %mul3A_1405, %add3A_1483 : i32
      %lt3A_1485 = vector.broadcast %add3A_1484 : i32 to vector<16xi32>
      %lt3A_1486 = arith.cmpi slt, %get3A_1480, %lt3A_1485 : vector<16xi32>
      %and3A_1487 = arith.andi %ge3A_1482, %lt3A_1486 : vector<16xi1>
      %sub3A_1488 = vector.broadcast %mul3A_1405 : i32 to vector<16xi32>
      %sub3A_1489 = arith.subi %get3A_1480, %sub3A_1488 : vector<16xi32>
      %jit3A_1490 = arith.constant 0 : i32
      %broadcast_in_dim3A_1491 = vector.broadcast %jit3A_1490 : i32 to vector<16xi32>
      %select_n3A_1492 = arith.select %and3A_1487, %sub3A_1489, %broadcast_in_dim3A_1491 : vector<16xi1>, vector<16xi32>
      %add3A_1493 = arith.constant 64 : i32
      %add3A_1494 = vector.broadcast %add3A_1493 : i32 to vector<16xi32>
      %add3A_1495 = arith.addi %iota3A, %add3A_1494 : vector<16xi32>
      tpu.vector_store_idx %arg6[%select_n3A_1492, %add3A_1495], %broadcast_in_dim3A_6 masked %and3A_1487 : memref<200x128xf32, #tpu.memory_space<vmem>>[vector<16xi32>, vector<16xi32>], vector<16xf32>, vector<16xi1>
      %get3A_1496 = arith.index_cast %select_n3A_1387 : i32 to index
      %get3A_1497 = arith.constant 80 : index
      %get3A_1498 = tpu.vector_load %arg4[%get3A_1496, %get3A_1497] {strides = array<i32>} : memref<20x128xi32, #tpu.memory_space<vmem>>, vector<16xi32>,
      %ge3A_1499 = vector.broadcast %mul3A_1405 : i32 to vector<16xi32>
      %ge3A_1500 = arith.cmpi sge, %get3A_1498, %ge3A_1499 : vector<16xi32>
      %add3A_1501 = arith.constant 200 : i32
      %add3A_1502 = arith.addi %mul3A_1405, %add3A_1501 : i32
      %lt3A_1503 = vector.broadcast %add3A_1502 : i32 to vector<16xi32>
      %lt3A_1504 = arith.cmpi slt, %get3A_1498, %lt3A_1503 : vector<16xi32>
      %and3A_1505 = arith.andi %ge3A_1500, %lt3A_1504 : vector<16xi1>
      %sub3A_1506 = vector.broadcast %mul3A_1405 : i32 to vector<16xi32>
      %sub3A_1507 = arith.subi %get3A_1498, %sub3A_1506 : vector<16xi32>
      %jit3A_1508 = arith.constant 0 : i32
      %broadcast_in_dim3A_1509 = vector.broadcast %jit3A_1508 : i32 to vector<16xi32>
      %select_n3A_1510 = arith.select %and3A_1505, %sub3A_1507, %broadcast_in_dim3A_1509 : vector<16xi1>, vector<16xi32>
      %add3A_1511 = arith.constant 80 : i32
      %add3A_1512 = vector.broadcast %add3A_1511 : i32 to vector<16xi32>
      %add3A_1513 = arith.addi %iota3A, %add3A_1512 : vector<16xi32>
      tpu.vector_store_idx %arg6[%select_n3A_1510, %add3A_1513], %broadcast_in_dim3A_6 masked %and3A_1505 : memref<200x128xf32, #tpu.memory_space<vmem>>[vector<16xi32>, vector<16xi32>], vector<16xf32>, vector<16xi1>
      %get3A_1514 = arith.index_cast %select_n3A_1387 : i32 to index
      %get3A_1515 = arith.constant 96 : index
      %get3A_1516 = tpu.vector_load %arg4[%get3A_1514, %get3A_1515] {strides = array<i32>} : memref<20x128xi32, #tpu.memory_space<vmem>>, vector<16xi32>,
      %ge3A_1517 = vector.broadcast %mul3A_1405 : i32 to vector<16xi32>
      %ge3A_1518 = arith.cmpi sge, %get3A_1516, %ge3A_1517 : vector<16xi32>
      %add3A_1519 = arith.constant 200 : i32
      %add3A_1520 = arith.addi %mul3A_1405, %add3A_1519 : i32
      %lt3A_1521 = vector.broadcast %add3A_1520 : i32 to vector<16xi32>
      %lt3A_1522 = arith.cmpi slt, %get3A_1516, %lt3A_1521 : vector<16xi32>
      %and3A_1523 = arith.andi %ge3A_1518, %lt3A_1522 : vector<16xi1>
      %sub3A_1524 = vector.broadcast %mul3A_1405 : i32 to vector<16xi32>
      %sub3A_1525 = arith.subi %get3A_1516, %sub3A_1524 : vector<16xi32>
      %jit3A_1526 = arith.constant 0 : i32
      %broadcast_in_dim3A_1527 = vector.broadcast %jit3A_1526 : i32 to vector<16xi32>
      %select_n3A_1528 = arith.select %and3A_1523, %sub3A_1525, %broadcast_in_dim3A_1527 : vector<16xi1>, vector<16xi32>
      %add3A_1529 = arith.constant 96 : i32
      %add3A_1530 = vector.broadcast %add3A_1529 : i32 to vector<16xi32>
      %add3A_1531 = arith.addi %iota3A, %add3A_1530 : vector<16xi32>
      tpu.vector_store_idx %arg6[%select_n3A_1528, %add3A_1531], %broadcast_in_dim3A_6 masked %and3A_1523 : memref<200x128xf32, #tpu.memory_space<vmem>>[vector<16xi32>, vector<16xi32>], vector<16xf32>, vector<16xi1>
      %get3A_1532 = arith.index_cast %select_n3A_1387 : i32 to index
      %get3A_1533 = arith.constant 112 : index
      %get3A_1534 = tpu.vector_load %arg4[%get3A_1532, %get3A_1533] {strides = array<i32>} : memref<20x128xi32, #tpu.memory_space<vmem>>, vector<16xi32>,
      %ge3A_1535 = vector.broadcast %mul3A_1405 : i32 to vector<16xi32>
      %ge3A_1536 = arith.cmpi sge, %get3A_1534, %ge3A_1535 : vector<16xi32>
      %add3A_1537 = arith.constant 200 : i32
      %add3A_1538 = arith.addi %mul3A_1405, %add3A_1537 : i32
      %lt3A_1539 = vector.broadcast %add3A_1538 : i32 to vector<16xi32>
      %lt3A_1540 = arith.cmpi slt, %get3A_1534, %lt3A_1539 : vector<16xi32>
      %and3A_1541 = arith.andi %ge3A_1536, %lt3A_1540 : vector<16xi1>
      %sub3A_1542 = vector.broadcast %mul3A_1405 : i32 to vector<16xi32>
      %sub3A_1543 = arith.subi %get3A_1534, %sub3A_1542 : vector<16xi32>
      %jit3A_1544 = arith.constant 0 : i32
      %broadcast_in_dim3A_1545 = vector.broadcast %jit3A_1544 : i32 to vector<16xi32>
      %select_n3A_1546 = arith.select %and3A_1541, %sub3A_1543, %broadcast_in_dim3A_1545 : vector<16xi1>, vector<16xi32>
      %add3A_1547 = arith.constant 112 : i32
      %add3A_1548 = vector.broadcast %add3A_1547 : i32 to vector<16xi32>
      %add3A_1549 = arith.addi %iota3A, %add3A_1548 : vector<16xi32>
      tpu.vector_store_idx %arg6[%select_n3A_1546, %add3A_1549], %broadcast_in_dim3A_6 masked %and3A_1541 : memref<200x128xf32, #tpu.memory_space<vmem>>[vector<16xi32>, vector<16xi32>], vector<16xf32>, vector<16xi1>
      %jit3A_1550 = arith.constant 5 : i32
      %div3A_1551 = arith.divsi %add3A_1352, %jit3A_1550 : i32
      %sign3A_1552 = arith.constant 0 : i32
      %sign3A_1553 = arith.cmpi sgt, %add3A_1352, %sign3A_1552 : i32
      %sign3A_1554 = arith.extui %sign3A_1553 : i1 to i32
      %sign3A_1555 = arith.constant 0 : i32
      %sign3A_1556 = arith.cmpi slt, %add3A_1352, %sign3A_1555 : i32
      %sign3A_1557 = arith.extui %sign3A_1556 : i1 to i32
      %sign3A_1558 = arith.subi %sign3A_1554, %sign3A_1557 : i32
      %sign3A_1559 = arith.constant 0 : i32
      %sign3A_1560 = arith.cmpi sgt, %jit3A_1550, %sign3A_1559 : i32
      %sign3A_1561 = arith.extui %sign3A_1560 : i1 to i32
      %sign3A_1562 = arith.constant 0 : i32
      %sign3A_1563 = arith.cmpi slt, %jit3A_1550, %sign3A_1562 : i32
      %sign3A_1564 = arith.extui %sign3A_1563 : i1 to i32
      %sign3A_1565 = arith.subi %sign3A_1561, %sign3A_1564 : i32
      %ne3A_1566 = arith.cmpi ne, %sign3A_1558, %sign3A_1565 : i32
      %rem3A_1567 = arith.remsi %add3A_1352, %jit3A_1550 : i32
      %ne3A_1568 = arith.constant 0 : i32
      %ne3A_1569 = arith.cmpi ne, %rem3A_1567, %ne3A_1568 : i32
      %and3A_1570 = arith.andi %ne3A_1566, %ne3A_1569 : i1
      %sub3A_1571 = arith.constant 1 : i32
      %sub3A_1572 = arith.subi %div3A_1551, %sub3A_1571 : i32
      %select_n3A_1573 = arith.select %and3A_1570, %sub3A_1572, %div3A_1551 : i32
      %jit3A_1574 = arith.constant 5 : i32
      %eq3A_1575 = arith.constant 0 : i32
      %eq3A_1576 = arith.cmpi eq, %jit3A_1574, %eq3A_1575 : i32
      %jit3A_1577 = arith.constant 1 : i32
      %select_n3A_1578 = arith.select %eq3A_1576, %jit3A_1577, %jit3A_1574 : i32
      %rem3A_1579 = arith.remsi %add3A_1352, %select_n3A_1578 : i32
      %ne3A_1580 = arith.constant 0 : i32
      %ne3A_1581 = arith.cmpi ne, %rem3A_1579, %ne3A_1580 : i32
      %lt3A_1582 = arith.constant 0 : i32
      %lt3A_1583 = arith.cmpi slt, %rem3A_1579, %lt3A_1582 : i32
      %lt3A_1584 = arith.constant 0 : i32
      %lt3A_1585 = arith.cmpi slt, %select_n3A_1578, %lt3A_1584 : i32
      %ne3A_1586 = arith.xori %lt3A_1583, %lt3A_1585 : i1
      %and3A_1587 = arith.andi %ne3A_1586, %ne3A_1581 : i1
      %add3A_1588 = arith.addi %rem3A_1579, %select_n3A_1578 : i32
      %select_n3A_1589 = arith.select %and3A_1587, %add3A_1588, %rem3A_1579 : i32
      %mul3A_1590 = arith.constant 200 : i32
      %mul3A_1591 = arith.muli %select_n3A_1589, %mul3A_1590 : i32
      %get3A_1592 = arith.index_cast %select_n3A_1573 : i32 to index
      %get3A_1593 = arith.constant 0 : index
      %get3A_1594 = tpu.vector_load %arg4[%get3A_1592, %get3A_1593] {strides = array<i32>} : memref<20x128xi32, #tpu.memory_space<vmem>>, vector<16xi32>,
      %ge3A_1595 = vector.broadcast %mul3A_1591 : i32 to vector<16xi32>
      %ge3A_1596 = arith.cmpi sge, %get3A_1594, %ge3A_1595 : vector<16xi32>
      %add3A_1597 = arith.constant 200 : i32
      %add3A_1598 = arith.addi %mul3A_1591, %add3A_1597 : i32
      %lt3A_1599 = vector.broadcast %add3A_1598 : i32 to vector<16xi32>
      %lt3A_1600 = arith.cmpi slt, %get3A_1594, %lt3A_1599 : vector<16xi32>
      %and3A_1601 = arith.andi %ge3A_1596, %lt3A_1600 : vector<16xi1>
      %sub3A_1602 = vector.broadcast %mul3A_1591 : i32 to vector<16xi32>
      %sub3A_1603 = arith.subi %get3A_1594, %sub3A_1602 : vector<16xi32>
      %jit3A_1604 = arith.constant 0 : i32
      %broadcast_in_dim3A_1605 = vector.broadcast %jit3A_1604 : i32 to vector<16xi32>
      %select_n3A_1606 = arith.select %and3A_1601, %sub3A_1603, %broadcast_in_dim3A_1605 : vector<16xi1>, vector<16xi32>
      %add3A_1607 = arith.constant 0 : i32
      %add3A_1608 = vector.broadcast %add3A_1607 : i32 to vector<16xi32>
      %add3A_1609 = arith.addi %iota3A, %add3A_1608 : vector<16xi32>
      tpu.vector_store_idx %arg6[%select_n3A_1606, %add3A_1609], %broadcast_in_dim3A_8 masked %and3A_1601 : memref<200x128xf32, #tpu.memory_space<vmem>>[vector<16xi32>, vector<16xi32>], vector<16xf32>, vector<16xi1>
      %get3A_1610 = arith.index_cast %select_n3A_1573 : i32 to index
      %get3A_1611 = arith.constant 16 : index
      %get3A_1612 = tpu.vector_load %arg4[%get3A_1610, %get3A_1611] {strides = array<i32>} : memref<20x128xi32, #tpu.memory_space<vmem>>, vector<16xi32>,
      %ge3A_1613 = vector.broadcast %mul3A_1591 : i32 to vector<16xi32>
      %ge3A_1614 = arith.cmpi sge, %get3A_1612, %ge3A_1613 : vector<16xi32>
      %add3A_1615 = arith.constant 200 : i32
      %add3A_1616 = arith.addi %mul3A_1591, %add3A_1615 : i32
      %lt3A_1617 = vector.broadcast %add3A_1616 : i32 to vector<16xi32>
      %lt3A_1618 = arith.cmpi slt, %get3A_1612, %lt3A_1617 : vector<16xi32>
      %and3A_1619 = arith.andi %ge3A_1614, %lt3A_1618 : vector<16xi1>
      %sub3A_1620 = vector.broadcast %mul3A_1591 : i32 to vector<16xi32>
      %sub3A_1621 = arith.subi %get3A_1612, %sub3A_1620 : vector<16xi32>
      %jit3A_1622 = arith.constant 0 : i32
      %broadcast_in_dim3A_1623 = vector.broadcast %jit3A_1622 : i32 to vector<16xi32>
      %select_n3A_1624 = arith.select %and3A_1619, %sub3A_1621, %broadcast_in_dim3A_1623 : vector<16xi1>, vector<16xi32>
      %add3A_1625 = arith.constant 16 : i32
      %add3A_1626 = vector.broadcast %add3A_1625 : i32 to vector<16xi32>
      %add3A_1627 = arith.addi %iota3A, %add3A_1626 : vector<16xi32>
      tpu.vector_store_idx %arg6[%select_n3A_1624, %add3A_1627], %broadcast_in_dim3A_8 masked %and3A_1619 : memref<200x128xf32, #tpu.memory_space<vmem>>[vector<16xi32>, vector<16xi32>], vector<16xf32>, vector<16xi1>
      %get3A_1628 = arith.index_cast %select_n3A_1573 : i32 to index
      %get3A_1629 = arith.constant 32 : index
      %get3A_1630 = tpu.vector_load %arg4[%get3A_1628, %get3A_1629] {strides = array<i32>} : memref<20x128xi32, #tpu.memory_space<vmem>>, vector<16xi32>,
      %ge3A_1631 = vector.broadcast %mul3A_1591 : i32 to vector<16xi32>
      %ge3A_1632 = arith.cmpi sge, %get3A_1630, %ge3A_1631 : vector<16xi32>
      %add3A_1633 = arith.constant 200 : i32
      %add3A_1634 = arith.addi %mul3A_1591, %add3A_1633 : i32
      %lt3A_1635 = vector.broadcast %add3A_1634 : i32 to vector<16xi32>
      %lt3A_1636 = arith.cmpi slt, %get3A_1630, %lt3A_1635 : vector<16xi32>
      %and3A_1637 = arith.andi %ge3A_1632, %lt3A_1636 : vector<16xi1>
      %sub3A_1638 = vector.broadcast %mul3A_1591 : i32 to vector<16xi32>
      %sub3A_1639 = arith.subi %get3A_1630, %sub3A_1638 : vector<16xi32>
      %jit3A_1640 = arith.constant 0 : i32
      %broadcast_in_dim3A_1641 = vector.broadcast %jit3A_1640 : i32 to vector<16xi32>
      %select_n3A_1642 = arith.select %and3A_1637, %sub3A_1639, %broadcast_in_dim3A_1641 : vector<16xi1>, vector<16xi32>
      %add3A_1643 = arith.constant 32 : i32
      %add3A_1644 = vector.broadcast %add3A_1643 : i32 to vector<16xi32>
      %add3A_1645 = arith.addi %iota3A, %add3A_1644 : vector<16xi32>
      tpu.vector_store_idx %arg6[%select_n3A_1642, %add3A_1645], %broadcast_in_dim3A_8 masked %and3A_1637 : memref<200x128xf32, #tpu.memory_space<vmem>>[vector<16xi32>, vector<16xi32>], vector<16xf32>, vector<16xi1>
      %get3A_1646 = arith.index_cast %select_n3A_1573 : i32 to index
      %get3A_1647 = arith.constant 48 : index
      %get3A_1648 = tpu.vector_load %arg4[%get3A_1646, %get3A_1647] {strides = array<i32>} : memref<20x128xi32, #tpu.memory_space<vmem>>, vector<16xi32>,
      %ge3A_1649 = vector.broadcast %mul3A_1591 : i32 to vector<16xi32>
      %ge3A_1650 = arith.cmpi sge, %get3A_1648, %ge3A_1649 : vector<16xi32>
      %add3A_1651 = arith.constant 200 : i32
      %add3A_1652 = arith.addi %mul3A_1591, %add3A_1651 : i32
      %lt3A_1653 = vector.broadcast %add3A_1652 : i32 to vector<16xi32>
      %lt3A_1654 = arith.cmpi slt, %get3A_1648, %lt3A_1653 : vector<16xi32>
      %and3A_1655 = arith.andi %ge3A_1650, %lt3A_1654 : vector<16xi1>
      %sub3A_1656 = vector.broadcast %mul3A_1591 : i32 to vector<16xi32>
      %sub3A_1657 = arith.subi %get3A_1648, %sub3A_1656 : vector<16xi32>
      %jit3A_1658 = arith.constant 0 : i32
      %broadcast_in_dim3A_1659 = vector.broadcast %jit3A_1658 : i32 to vector<16xi32>
      %select_n3A_1660 = arith.select %and3A_1655, %sub3A_1657, %broadcast_in_dim3A_1659 : vector<16xi1>, vector<16xi32>
      %add3A_1661 = arith.constant 48 : i32
      %add3A_1662 = vector.broadcast %add3A_1661 : i32 to vector<16xi32>
      %add3A_1663 = arith.addi %iota3A, %add3A_1662 : vector<16xi32>
      tpu.vector_store_idx %arg6[%select_n3A_1660, %add3A_1663], %broadcast_in_dim3A_8 masked %and3A_1655 : memref<200x128xf32, #tpu.memory_space<vmem>>[vector<16xi32>, vector<16xi32>], vector<16xf32>, vector<16xi1>
      %get3A_1664 = arith.index_cast %select_n3A_1573 : i32 to index
      %get3A_1665 = arith.constant 64 : index
      %get3A_1666 = tpu.vector_load %arg4[%get3A_1664, %get3A_1665] {strides = array<i32>} : memref<20x128xi32, #tpu.memory_space<vmem>>, vector<16xi32>,
      %ge3A_1667 = vector.broadcast %mul3A_1591 : i32 to vector<16xi32>
      %ge3A_1668 = arith.cmpi sge, %get3A_1666, %ge3A_1667 : vector<16xi32>
      %add3A_1669 = arith.constant 200 : i32
      %add3A_1670 = arith.addi %mul3A_1591, %add3A_1669 : i32
      %lt3A_1671 = vector.broadcast %add3A_1670 : i32 to vector<16xi32>
      %lt3A_1672 = arith.cmpi slt, %get3A_1666, %lt3A_1671 : vector<16xi32>
      %and3A_1673 = arith.andi %ge3A_1668, %lt3A_1672 : vector<16xi1>
      %sub3A_1674 = vector.broadcast %mul3A_1591 : i32 to vector<16xi32>
      %sub3A_1675 = arith.subi %get3A_1666, %sub3A_1674 : vector<16xi32>
      %jit3A_1676 = arith.constant 0 : i32
      %broadcast_in_dim3A_1677 = vector.broadcast %jit3A_1676 : i32 to vector<16xi32>
      %select_n3A_1678 = arith.select %and3A_1673, %sub3A_1675, %broadcast_in_dim3A_1677 : vector<16xi1>, vector<16xi32>
      %add3A_1679 = arith.constant 64 : i32
      %add3A_1680 = vector.broadcast %add3A_1679 : i32 to vector<16xi32>
      %add3A_1681 = arith.addi %iota3A, %add3A_1680 : vector<16xi32>
      tpu.vector_store_idx %arg6[%select_n3A_1678, %add3A_1681], %broadcast_in_dim3A_8 masked %and3A_1673 : memref<200x128xf32, #tpu.memory_space<vmem>>[vector<16xi32>, vector<16xi32>], vector<16xf32>, vector<16xi1>
      %get3A_1682 = arith.index_cast %select_n3A_1573 : i32 to index
      %get3A_1683 = arith.constant 80 : index
      %get3A_1684 = tpu.vector_load %arg4[%get3A_1682, %get3A_1683] {strides = array<i32>} : memref<20x128xi32, #tpu.memory_space<vmem>>, vector<16xi32>,
      %ge3A_1685 = vector.broadcast %mul3A_1591 : i32 to vector<16xi32>
      %ge3A_1686 = arith.cmpi sge, %get3A_1684, %ge3A_1685 : vector<16xi32>
      %add3A_1687 = arith.constant 200 : i32
      %add3A_1688 = arith.addi %mul3A_1591, %add3A_1687 : i32
      %lt3A_1689 = vector.broadcast %add3A_1688 : i32 to vector<16xi32>
      %lt3A_1690 = arith.cmpi slt, %get3A_1684, %lt3A_1689 : vector<16xi32>
      %and3A_1691 = arith.andi %ge3A_1686, %lt3A_1690 : vector<16xi1>
      %sub3A_1692 = vector.broadcast %mul3A_1591 : i32 to vector<16xi32>
      %sub3A_1693 = arith.subi %get3A_1684, %sub3A_1692 : vector<16xi32>
      %jit3A_1694 = arith.constant 0 : i32
      %broadcast_in_dim3A_1695 = vector.broadcast %jit3A_1694 : i32 to vector<16xi32>
      %select_n3A_1696 = arith.select %and3A_1691, %sub3A_1693, %broadcast_in_dim3A_1695 : vector<16xi1>, vector<16xi32>
      %add3A_1697 = arith.constant 80 : i32
      %add3A_1698 = vector.broadcast %add3A_1697 : i32 to vector<16xi32>
      %add3A_1699 = arith.addi %iota3A, %add3A_1698 : vector<16xi32>
      tpu.vector_store_idx %arg6[%select_n3A_1696, %add3A_1699], %broadcast_in_dim3A_8 masked %and3A_1691 : memref<200x128xf32, #tpu.memory_space<vmem>>[vector<16xi32>, vector<16xi32>], vector<16xf32>, vector<16xi1>
      %get3A_1700 = arith.index_cast %select_n3A_1573 : i32 to index
      %get3A_1701 = arith.constant 96 : index
      %get3A_1702 = tpu.vector_load %arg4[%get3A_1700, %get3A_1701] {strides = array<i32>} : memref<20x128xi32, #tpu.memory_space<vmem>>, vector<16xi32>,
      %ge3A_1703 = vector.broadcast %mul3A_1591 : i32 to vector<16xi32>
      %ge3A_1704 = arith.cmpi sge, %get3A_1702, %ge3A_1703 : vector<16xi32>
      %add3A_1705 = arith.constant 200 : i32
      %add3A_1706 = arith.addi %mul3A_1591, %add3A_1705 : i32
      %lt3A_1707 = vector.broadcast %add3A_1706 : i32 to vector<16xi32>
      %lt3A_1708 = arith.cmpi slt, %get3A_1702, %lt3A_1707 : vector<16xi32>
      %and3A_1709 = arith.andi %ge3A_1704, %lt3A_1708 : vector<16xi1>
      %sub3A_1710 = vector.broadcast %mul3A_1591 : i32 to vector<16xi32>
      %sub3A_1711 = arith.subi %get3A_1702, %sub3A_1710 : vector<16xi32>
      %jit3A_1712 = arith.constant 0 : i32
      %broadcast_in_dim3A_1713 = vector.broadcast %jit3A_1712 : i32 to vector<16xi32>
      %select_n3A_1714 = arith.select %and3A_1709, %sub3A_1711, %broadcast_in_dim3A_1713 : vector<16xi1>, vector<16xi32>
      %add3A_1715 = arith.constant 96 : i32
      %add3A_1716 = vector.broadcast %add3A_1715 : i32 to vector<16xi32>
      %add3A_1717 = arith.addi %iota3A, %add3A_1716 : vector<16xi32>
      tpu.vector_store_idx %arg6[%select_n3A_1714, %add3A_1717], %broadcast_in_dim3A_8 masked %and3A_1709 : memref<200x128xf32, #tpu.memory_space<vmem>>[vector<16xi32>, vector<16xi32>], vector<16xf32>, vector<16xi1>
      %get3A_1718 = arith.index_cast %select_n3A_1573 : i32 to index
      %get3A_1719 = arith.constant 112 : index
      %get3A_1720 = tpu.vector_load %arg4[%get3A_1718, %get3A_1719] {strides = array<i32>} : memref<20x128xi32, #tpu.memory_space<vmem>>, vector<16xi32>,
      %ge3A_1721 = vector.broadcast %mul3A_1591 : i32 to vector<16xi32>
      %ge3A_1722 = arith.cmpi sge, %get3A_1720, %ge3A_1721 : vector<16xi32>
      %add3A_1723 = arith.constant 200 : i32
      %add3A_1724 = arith.addi %mul3A_1591, %add3A_1723 : i32
      %lt3A_1725 = vector.broadcast %add3A_1724 : i32 to vector<16xi32>
      %lt3A_1726 = arith.cmpi slt, %get3A_1720, %lt3A_1725 : vector<16xi32>
      %and3A_1727 = arith.andi %ge3A_1722, %lt3A_1726 : vector<16xi1>
      %sub3A_1728 = vector.broadcast %mul3A_1591 : i32 to vector<16xi32>
      %sub3A_1729 = arith.subi %get3A_1720, %sub3A_1728 : vector<16xi32>
      %jit3A_1730 = arith.constant 0 : i32
      %broadcast_in_dim3A_1731 = vector.broadcast %jit3A_1730 : i32 to vector<16xi32>
      %select_n3A_1732 = arith.select %and3A_1727, %sub3A_1729, %broadcast_in_dim3A_1731 : vector<16xi1>, vector<16xi32>
      %add3A_1733 = arith.constant 112 : i32
      %add3A_1734 = vector.broadcast %add3A_1733 : i32 to vector<16xi32>
      %add3A_1735 = arith.addi %iota3A, %add3A_1734 : vector<16xi32>
      tpu.vector_store_idx %arg6[%select_n3A_1732, %add3A_1735], %broadcast_in_dim3A_8 masked %and3A_1727 : memref<200x128xf32, #tpu.memory_space<vmem>>[vector<16xi32>, vector<16xi32>], vector<16xf32>, vector<16xi1>
      %jit3A_1736 = arith.constant 5 : i32
      %div3A_1737 = arith.divsi %add3A_1352, %jit3A_1736 : i32
      %sign3A_1738 = arith.constant 0 : i32
      %sign3A_1739 = arith.cmpi sgt, %add3A_1352, %sign3A_1738 : i32
      %sign3A_1740 = arith.extui %sign3A_1739 : i1 to i32
      %sign3A_1741 = arith.constant 0 : i32
      %sign3A_1742 = arith.cmpi slt, %add3A_1352, %sign3A_1741 : i32
      %sign3A_1743 = arith.extui %sign3A_1742 : i1 to i32
      %sign3A_1744 = arith.subi %sign3A_1740, %sign3A_1743 : i32
      %sign3A_1745 = arith.constant 0 : i32
      %sign3A_1746 = arith.cmpi sgt, %jit3A_1736, %sign3A_1745 : i32
      %sign3A_1747 = arith.extui %sign3A_1746 : i1 to i32
      %sign3A_1748 = arith.constant 0 : i32
      %sign3A_1749 = arith.cmpi slt, %jit3A_1736, %sign3A_1748 : i32
      %sign3A_1750 = arith.extui %sign3A_1749 : i1 to i32
      %sign3A_1751 = arith.subi %sign3A_1747, %sign3A_1750 : i32
      %ne3A_1752 = arith.cmpi ne, %sign3A_1744, %sign3A_1751 : i32
      %rem3A_1753 = arith.remsi %add3A_1352, %jit3A_1736 : i32
      %ne3A_1754 = arith.constant 0 : i32
      %ne3A_1755 = arith.cmpi ne, %rem3A_1753, %ne3A_1754 : i32
      %and3A_1756 = arith.andi %ne3A_1752, %ne3A_1755 : i1
      %sub3A_1757 = arith.constant 1 : i32
      %sub3A_1758 = arith.subi %div3A_1737, %sub3A_1757 : i32
      %select_n3A_1759 = arith.select %and3A_1756, %sub3A_1758, %div3A_1737 : i32
      %jit3A_1760 = arith.constant 5 : i32
      %eq3A_1761 = arith.constant 0 : i32
      %eq3A_1762 = arith.cmpi eq, %jit3A_1760, %eq3A_1761 : i32
      %jit3A_1763 = arith.constant 1 : i32
      %select_n3A_1764 = arith.select %eq3A_1762, %jit3A_1763, %jit3A_1760 : i32
      %rem3A_1765 = arith.remsi %add3A_1352, %select_n3A_1764 : i32
      %ne3A_1766 = arith.constant 0 : i32
      %ne3A_1767 = arith.cmpi ne, %rem3A_1765, %ne3A_1766 : i32
      %lt3A_1768 = arith.constant 0 : i32
      %lt3A_1769 = arith.cmpi slt, %rem3A_1765, %lt3A_1768 : i32
      %lt3A_1770 = arith.constant 0 : i32
      %lt3A_1771 = arith.cmpi slt, %select_n3A_1764, %lt3A_1770 : i32
      %ne3A_1772 = arith.xori %lt3A_1769, %lt3A_1771 : i1
      %and3A_1773 = arith.andi %ne3A_1772, %ne3A_1767 : i1
      %add3A_1774 = arith.addi %rem3A_1765, %select_n3A_1764 : i32
      %select_n3A_1775 = arith.select %and3A_1773, %add3A_1774, %rem3A_1765 : i32
      %mul3A_1776 = arith.constant 200 : i32
      %mul3A_1777 = arith.muli %select_n3A_1775, %mul3A_1776 : i32
      %dma_start3A_1778 = tpu.memref_slice %arg3[%select_n3A_1759, %mul3A_1777, %mul3A_2] : memref<20x1000x4096xf32, #tpu.memory_space<hbm>> -> memref<1x200x128xf32, #tpu.memory_space<hbm>>
      %dma_start3A_1779 = tpu.memref_squeeze %dma_start3A_1778 : memref<1x200x128xf32, #tpu.memory_space<hbm>> -> memref<200x128xf32, #tpu.memory_space<hbm>>
      %dma_start3A_1780 = tpu.memref_slice %arg3[%select_n3A_1759, %mul3A_1777, %mul3A_2] : memref<20x1000x4096xf32, #tpu.memory_space<hbm>> -> memref<1x200x128xf32, #tpu.memory_space<hbm>>
      %dma_start3A_1781 = tpu.memref_squeeze %dma_start3A_1780 : memref<1x200x128xf32, #tpu.memory_space<hbm>> -> memref<200x128xf32, #tpu.memory_space<hbm>>
      tpu.enqueue_dma source(%arg6 : memref<200x128xf32, #tpu.memory_space<vmem>>) target(%dma_start3A_1781 : memref<200x128xf32, #tpu.memory_space<hbm>>) target_semaphore(%arg11 : memref<!tpu.dma_semaphore, #tpu.memory_space<semaphore_mem>>)
      %add3A_1782 = arith.constant 2 : i32
      %add3A_1783 = arith.addi %add3A_924, %add3A_1782 : i32
      %dma_wait3A_1784 = arith.constant 0 : i32
      %dma_wait3A_1785 = arith.constant 0 : i32
      %dma_wait3A_1786 = arith.constant 0 : i32
      %dma_wait3A_1787 = tpu.memref_slice %arg3[%dma_wait3A_1784, %dma_wait3A_1785, %dma_wait3A_1786] : memref<20x1000x4096xf32, #tpu.memory_space<hbm>> -> memref<1x200x128xf32, #tpu.memory_space<hbm>>
      %dma_wait3A_1788 = tpu.memref_squeeze %dma_wait3A_1787 : memref<1x200x128xf32, #tpu.memory_space<hbm>> -> memref<200x128xf32, #tpu.memory_space<hbm>>
      %dma_wait3A_1789 = arith.constant 0 : i32
      %dma_wait3A_1790 = arith.constant 0 : i32
      %dma_wait3A_1791 = tpu.memref_slice %arg3[%dma_wait3A_1784, %dma_wait3A_1789, %dma_wait3A_1790] : memref<20x1000x4096xf32, #tpu.memory_space<hbm>> -> memref<1x200x128xf32, #tpu.memory_space<hbm>>
      %dma_wait3A_1792 = tpu.memref_squeeze %dma_wait3A_1791 : memref<1x200x128xf32, #tpu.memory_space<hbm>> -> memref<200x128xf32, #tpu.memory_space<hbm>>
      tpu.wait_dma2 semaphore(%arg12 : memref<!tpu.dma_semaphore, #tpu.memory_space<semaphore_mem>>) src(%arg7 : memref<200x128xf32, #tpu.memory_space<vmem>>) dst(%dma_wait3A_1792 : memref<200x128xf32, #tpu.memory_space<hbm>>)
      %sub3A_1793 = arith.constant 5 : i32
      %sub3A_1794 = arith.subi %add3A_1783, %sub3A_1793 : i32
      %jit3A_1795 = arith.constant 5 : i32
      %div3A_1796 = arith.divsi %sub3A_1794, %jit3A_1795 : i32
      %sign3A_1797 = arith.constant 0 : i32
      %sign3A_1798 = arith.cmpi sgt, %sub3A_1794, %sign3A_1797 : i32
      %sign3A_1799 = arith.extui %sign3A_1798 : i1 to i32
      %sign3A_1800 = arith.constant 0 : i32
      %sign3A_1801 = arith.cmpi slt, %sub3A_1794, %sign3A_1800 : i32
      %sign3A_1802 = arith.extui %sign3A_1801 : i1 to i32
      %sign3A_1803 = arith.subi %sign3A_1799, %sign3A_1802 : i32
      %sign3A_1804 = arith.constant 0 : i32
      %sign3A_1805 = arith.cmpi sgt, %jit3A_1795, %sign3A_1804 : i32
      %sign3A_1806 = arith.extui %sign3A_1805 : i1 to i32
      %sign3A_1807 = arith.constant 0 : i32
      %sign3A_1808 = arith.cmpi slt, %jit3A_1795, %sign3A_1807 : i32
      %sign3A_1809 = arith.extui %sign3A_1808 : i1 to i32
      %sign3A_1810 = arith.subi %sign3A_1806, %sign3A_1809 : i32
      %ne3A_1811 = arith.cmpi ne, %sign3A_1803, %sign3A_1810 : i32
      %rem3A_1812 = arith.remsi %sub3A_1794, %jit3A_1795 : i32
      %ne3A_1813 = arith.constant 0 : i32
      %ne3A_1814 = arith.cmpi ne, %rem3A_1812, %ne3A_1813 : i32
      %and3A_1815 = arith.andi %ne3A_1811, %ne3A_1814 : i1
      %sub3A_1816 = arith.constant 1 : i32
      %sub3A_1817 = arith.subi %div3A_1796, %sub3A_1816 : i32
      %select_n3A_1818 = arith.select %and3A_1815, %sub3A_1817, %div3A_1796 : i32
      %jit3A_1819 = arith.constant 5 : i32
      %eq3A_1820 = arith.constant 0 : i32
      %eq3A_1821 = arith.cmpi eq, %jit3A_1819, %eq3A_1820 : i32
      %jit3A_1822 = arith.constant 1 : i32
      %select_n3A_1823 = arith.select %eq3A_1821, %jit3A_1822, %jit3A_1819 : i32
      %rem3A_1824 = arith.remsi %sub3A_1794, %select_n3A_1823 : i32
      %ne3A_1825 = arith.constant 0 : i32
      %ne3A_1826 = arith.cmpi ne, %rem3A_1824, %ne3A_1825 : i32
      %lt3A_1827 = arith.constant 0 : i32
      %lt3A_1828 = arith.cmpi slt, %rem3A_1824, %lt3A_1827 : i32
      %lt3A_1829 = arith.constant 0 : i32
      %lt3A_1830 = arith.cmpi slt, %select_n3A_1823, %lt3A_1829 : i32
      %ne3A_1831 = arith.xori %lt3A_1828, %lt3A_1830 : i1
      %and3A_1832 = arith.andi %ne3A_1831, %ne3A_1826 : i1
      %add3A_1833 = arith.addi %rem3A_1824, %select_n3A_1823 : i32
      %select_n3A_1834 = arith.select %and3A_1832, %add3A_1833, %rem3A_1824 : i32
      %mul3A_1835 = arith.constant 200 : i32
      %mul3A_1836 = arith.muli %select_n3A_1834, %mul3A_1835 : i32
      %get3A_1837 = arith.index_cast %select_n3A_1818 : i32 to index
      %get3A_1838 = arith.constant 0 : index
      %get3A_1839 = tpu.vector_load %arg4[%get3A_1837, %get3A_1838] {strides = array<i32>} : memref<20x128xi32, #tpu.memory_space<vmem>>, vector<16xi32>,
      %ge3A_1840 = vector.broadcast %mul3A_1836 : i32 to vector<16xi32>
      %ge3A_1841 = arith.cmpi sge, %get3A_1839, %ge3A_1840 : vector<16xi32>
      %add3A_1842 = arith.constant 200 : i32
      %add3A_1843 = arith.addi %mul3A_1836, %add3A_1842 : i32
      %lt3A_1844 = vector.broadcast %add3A_1843 : i32 to vector<16xi32>
      %lt3A_1845 = arith.cmpi slt, %get3A_1839, %lt3A_1844 : vector<16xi32>
      %and3A_1846 = arith.andi %ge3A_1841, %lt3A_1845 : vector<16xi1>
      %sub3A_1847 = vector.broadcast %mul3A_1836 : i32 to vector<16xi32>
      %sub3A_1848 = arith.subi %get3A_1839, %sub3A_1847 : vector<16xi32>
      %jit3A_1849 = arith.constant 0 : i32
      %broadcast_in_dim3A_1850 = vector.broadcast %jit3A_1849 : i32 to vector<16xi32>
      %select_n3A_1851 = arith.select %and3A_1846, %sub3A_1848, %broadcast_in_dim3A_1850 : vector<16xi1>, vector<16xi32>
      %add3A_1852 = arith.constant 0 : i32
      %add3A_1853 = vector.broadcast %add3A_1852 : i32 to vector<16xi32>
      %add3A_1854 = arith.addi %iota3A, %add3A_1853 : vector<16xi32>
      tpu.vector_store_idx %arg7[%select_n3A_1851, %add3A_1854], %broadcast_in_dim3A_6 masked %and3A_1846 : memref<200x128xf32, #tpu.memory_space<vmem>>[vector<16xi32>, vector<16xi32>], vector<16xf32>, vector<16xi1>
      %get3A_1855 = arith.index_cast %select_n3A_1818 : i32 to index
      %get3A_1856 = arith.constant 16 : index
      %get3A_1857 = tpu.vector_load %arg4[%get3A_1855, %get3A_1856] {strides = array<i32>} : memref<20x128xi32, #tpu.memory_space<vmem>>, vector<16xi32>,
      %ge3A_1858 = vector.broadcast %mul3A_1836 : i32 to vector<16xi32>
      %ge3A_1859 = arith.cmpi sge, %get3A_1857, %ge3A_1858 : vector<16xi32>
      %add3A_1860 = arith.constant 200 : i32
      %add3A_1861 = arith.addi %mul3A_1836, %add3A_1860 : i32
      %lt3A_1862 = vector.broadcast %add3A_1861 : i32 to vector<16xi32>
      %lt3A_1863 = arith.cmpi slt, %get3A_1857, %lt3A_1862 : vector<16xi32>
      %and3A_1864 = arith.andi %ge3A_1859, %lt3A_1863 : vector<16xi1>
      %sub3A_1865 = vector.broadcast %mul3A_1836 : i32 to vector<16xi32>
      %sub3A_1866 = arith.subi %get3A_1857, %sub3A_1865 : vector<16xi32>
      %jit3A_1867 = arith.constant 0 : i32
      %broadcast_in_dim3A_1868 = vector.broadcast %jit3A_1867 : i32 to vector<16xi32>
      %select_n3A_1869 = arith.select %and3A_1864, %sub3A_1866, %broadcast_in_dim3A_1868 : vector<16xi1>, vector<16xi32>
      %add3A_1870 = arith.constant 16 : i32
      %add3A_1871 = vector.broadcast %add3A_1870 : i32 to vector<16xi32>
      %add3A_1872 = arith.addi %iota3A, %add3A_1871 : vector<16xi32>
      tpu.vector_store_idx %arg7[%select_n3A_1869, %add3A_1872], %broadcast_in_dim3A_6 masked %and3A_1864 : memref<200x128xf32, #tpu.memory_space<vmem>>[vector<16xi32>, vector<16xi32>], vector<16xf32>, vector<16xi1>
      %get3A_1873 = arith.index_cast %select_n3A_1818 : i32 to index
      %get3A_1874 = arith.constant 32 : index
      %get3A_1875 = tpu.vector_load %arg4[%get3A_1873, %get3A_1874] {strides = array<i32>} : memref<20x128xi32, #tpu.memory_space<vmem>>, vector<16xi32>,
      %ge3A_1876 = vector.broadcast %mul3A_1836 : i32 to vector<16xi32>
      %ge3A_1877 = arith.cmpi sge, %get3A_1875, %ge3A_1876 : vector<16xi32>
      %add3A_1878 = arith.constant 200 : i32
      %add3A_1879 = arith.addi %mul3A_1836, %add3A_1878 : i32
      %lt3A_1880 = vector.broadcast %add3A_1879 : i32 to vector<16xi32>
      %lt3A_1881 = arith.cmpi slt, %get3A_1875, %lt3A_1880 : vector<16xi32>
      %and3A_1882 = arith.andi %ge3A_1877, %lt3A_1881 : vector<16xi1>
      %sub3A_1883 = vector.broadcast %mul3A_1836 : i32 to vector<16xi32>
      %sub3A_1884 = arith.subi %get3A_1875, %sub3A_1883 : vector<16xi32>
      %jit3A_1885 = arith.constant 0 : i32
      %broadcast_in_dim3A_1886 = vector.broadcast %jit3A_1885 : i32 to vector<16xi32>
      %select_n3A_1887 = arith.select %and3A_1882, %sub3A_1884, %broadcast_in_dim3A_1886 : vector<16xi1>, vector<16xi32>
      %add3A_1888 = arith.constant 32 : i32
      %add3A_1889 = vector.broadcast %add3A_1888 : i32 to vector<16xi32>
      %add3A_1890 = arith.addi %iota3A, %add3A_1889 : vector<16xi32>
      tpu.vector_store_idx %arg7[%select_n3A_1887, %add3A_1890], %broadcast_in_dim3A_6 masked %and3A_1882 : memref<200x128xf32, #tpu.memory_space<vmem>>[vector<16xi32>, vector<16xi32>], vector<16xf32>, vector<16xi1>
      %get3A_1891 = arith.index_cast %select_n3A_1818 : i32 to index
      %get3A_1892 = arith.constant 48 : index
      %get3A_1893 = tpu.vector_load %arg4[%get3A_1891, %get3A_1892] {strides = array<i32>} : memref<20x128xi32, #tpu.memory_space<vmem>>, vector<16xi32>,
      %ge3A_1894 = vector.broadcast %mul3A_1836 : i32 to vector<16xi32>
      %ge3A_1895 = arith.cmpi sge, %get3A_1893, %ge3A_1894 : vector<16xi32>
      %add3A_1896 = arith.constant 200 : i32
      %add3A_1897 = arith.addi %mul3A_1836, %add3A_1896 : i32
      %lt3A_1898 = vector.broadcast %add3A_1897 : i32 to vector<16xi32>
      %lt3A_1899 = arith.cmpi slt, %get3A_1893, %lt3A_1898 : vector<16xi32>
      %and3A_1900 = arith.andi %ge3A_1895, %lt3A_1899 : vector<16xi1>
      %sub3A_1901 = vector.broadcast %mul3A_1836 : i32 to vector<16xi32>
      %sub3A_1902 = arith.subi %get3A_1893, %sub3A_1901 : vector<16xi32>
      %jit3A_1903 = arith.constant 0 : i32
      %broadcast_in_dim3A_1904 = vector.broadcast %jit3A_1903 : i32 to vector<16xi32>
      %select_n3A_1905 = arith.select %and3A_1900, %sub3A_1902, %broadcast_in_dim3A_1904 : vector<16xi1>, vector<16xi32>
      %add3A_1906 = arith.constant 48 : i32
      %add3A_1907 = vector.broadcast %add3A_1906 : i32 to vector<16xi32>
      %add3A_1908 = arith.addi %iota3A, %add3A_1907 : vector<16xi32>
      tpu.vector_store_idx %arg7[%select_n3A_1905, %add3A_1908], %broadcast_in_dim3A_6 masked %and3A_1900 : memref<200x128xf32, #tpu.memory_space<vmem>>[vector<16xi32>, vector<16xi32>], vector<16xf32>, vector<16xi1>
      %get3A_1909 = arith.index_cast %select_n3A_1818 : i32 to index
      %get3A_1910 = arith.constant 64 : index
      %get3A_1911 = tpu.vector_load %arg4[%get3A_1909, %get3A_1910] {strides = array<i32>} : memref<20x128xi32, #tpu.memory_space<vmem>>, vector<16xi32>,
      %ge3A_1912 = vector.broadcast %mul3A_1836 : i32 to vector<16xi32>
      %ge3A_1913 = arith.cmpi sge, %get3A_1911, %ge3A_1912 : vector<16xi32>
      %add3A_1914 = arith.constant 200 : i32
      %add3A_1915 = arith.addi %mul3A_1836, %add3A_1914 : i32
      %lt3A_1916 = vector.broadcast %add3A_1915 : i32 to vector<16xi32>
      %lt3A_1917 = arith.cmpi slt, %get3A_1911, %lt3A_1916 : vector<16xi32>
      %and3A_1918 = arith.andi %ge3A_1913, %lt3A_1917 : vector<16xi1>
      %sub3A_1919 = vector.broadcast %mul3A_1836 : i32 to vector<16xi32>
      %sub3A_1920 = arith.subi %get3A_1911, %sub3A_1919 : vector<16xi32>
      %jit3A_1921 = arith.constant 0 : i32
      %broadcast_in_dim3A_1922 = vector.broadcast %jit3A_1921 : i32 to vector<16xi32>
      %select_n3A_1923 = arith.select %and3A_1918, %sub3A_1920, %broadcast_in_dim3A_1922 : vector<16xi1>, vector<16xi32>
      %add3A_1924 = arith.constant 64 : i32
      %add3A_1925 = vector.broadcast %add3A_1924 : i32 to vector<16xi32>
      %add3A_1926 = arith.addi %iota3A, %add3A_1925 : vector<16xi32>
      tpu.vector_store_idx %arg7[%select_n3A_1923, %add3A_1926], %broadcast_in_dim3A_6 masked %and3A_1918 : memref<200x128xf32, #tpu.memory_space<vmem>>[vector<16xi32>, vector<16xi32>], vector<16xf32>, vector<16xi1>
      %get3A_1927 = arith.index_cast %select_n3A_1818 : i32 to index
      %get3A_1928 = arith.constant 80 : index
      %get3A_1929 = tpu.vector_load %arg4[%get3A_1927, %get3A_1928] {strides = array<i32>} : memref<20x128xi32, #tpu.memory_space<vmem>>, vector<16xi32>,
      %ge3A_1930 = vector.broadcast %mul3A_1836 : i32 to vector<16xi32>
      %ge3A_1931 = arith.cmpi sge, %get3A_1929, %ge3A_1930 : vector<16xi32>
      %add3A_1932 = arith.constant 200 : i32
      %add3A_1933 = arith.addi %mul3A_1836, %add3A_1932 : i32
      %lt3A_1934 = vector.broadcast %add3A_1933 : i32 to vector<16xi32>
      %lt3A_1935 = arith.cmpi slt, %get3A_1929, %lt3A_1934 : vector<16xi32>
      %and3A_1936 = arith.andi %ge3A_1931, %lt3A_1935 : vector<16xi1>
      %sub3A_1937 = vector.broadcast %mul3A_1836 : i32 to vector<16xi32>
      %sub3A_1938 = arith.subi %get3A_1929, %sub3A_1937 : vector<16xi32>
      %jit3A_1939 = arith.constant 0 : i32
      %broadcast_in_dim3A_1940 = vector.broadcast %jit3A_1939 : i32 to vector<16xi32>
      %select_n3A_1941 = arith.select %and3A_1936, %sub3A_1938, %broadcast_in_dim3A_1940 : vector<16xi1>, vector<16xi32>
      %add3A_1942 = arith.constant 80 : i32
      %add3A_1943 = vector.broadcast %add3A_1942 : i32 to vector<16xi32>
      %add3A_1944 = arith.addi %iota3A, %add3A_1943 : vector<16xi32>
      tpu.vector_store_idx %arg7[%select_n3A_1941, %add3A_1944], %broadcast_in_dim3A_6 masked %and3A_1936 : memref<200x128xf32, #tpu.memory_space<vmem>>[vector<16xi32>, vector<16xi32>], vector<16xf32>, vector<16xi1>
      %get3A_1945 = arith.index_cast %select_n3A_1818 : i32 to index
      %get3A_1946 = arith.constant 96 : index
      %get3A_1947 = tpu.vector_load %arg4[%get3A_1945, %get3A_1946] {strides = array<i32>} : memref<20x128xi32, #tpu.memory_space<vmem>>, vector<16xi32>,
      %ge3A_1948 = vector.broadcast %mul3A_1836 : i32 to vector<16xi32>
      %ge3A_1949 = arith.cmpi sge, %get3A_1947, %ge3A_1948 : vector<16xi32>
      %add3A_1950 = arith.constant 200 : i32
      %add3A_1951 = arith.addi %mul3A_1836, %add3A_1950 : i32
      %lt3A_1952 = vector.broadcast %add3A_1951 : i32 to vector<16xi32>
      %lt3A_1953 = arith.cmpi slt, %get3A_1947, %lt3A_1952 : vector<16xi32>
      %and3A_1954 = arith.andi %ge3A_1949, %lt3A_1953 : vector<16xi1>
      %sub3A_1955 = vector.broadcast %mul3A_1836 : i32 to vector<16xi32>
      %sub3A_1956 = arith.subi %get3A_1947, %sub3A_1955 : vector<16xi32>
      %jit3A_1957 = arith.constant 0 : i32
      %broadcast_in_dim3A_1958 = vector.broadcast %jit3A_1957 : i32 to vector<16xi32>
      %select_n3A_1959 = arith.select %and3A_1954, %sub3A_1956, %broadcast_in_dim3A_1958 : vector<16xi1>, vector<16xi32>
      %add3A_1960 = arith.constant 96 : i32
      %add3A_1961 = vector.broadcast %add3A_1960 : i32 to vector<16xi32>
      %add3A_1962 = arith.addi %iota3A, %add3A_1961 : vector<16xi32>
      tpu.vector_store_idx %arg7[%select_n3A_1959, %add3A_1962], %broadcast_in_dim3A_6 masked %and3A_1954 : memref<200x128xf32, #tpu.memory_space<vmem>>[vector<16xi32>, vector<16xi32>], vector<16xf32>, vector<16xi1>
      %get3A_1963 = arith.index_cast %select_n3A_1818 : i32 to index
      %get3A_1964 = arith.constant 112 : index
      %get3A_1965 = tpu.vector_load %arg4[%get3A_1963, %get3A_1964] {strides = array<i32>} : memref<20x128xi32, #tpu.memory_space<vmem>>, vector<16xi32>,
      %ge3A_1966 = vector.broadcast %mul3A_1836 : i32 to vector<16xi32>
      %ge3A_1967 = arith.cmpi sge, %get3A_1965, %ge3A_1966 : vector<16xi32>
      %add3A_1968 = arith.constant 200 : i32
      %add3A_1969 = arith.addi %mul3A_1836, %add3A_1968 : i32
      %lt3A_1970 = vector.broadcast %add3A_1969 : i32 to vector<16xi32>
      %lt3A_1971 = arith.cmpi slt, %get3A_1965, %lt3A_1970 : vector<16xi32>
      %and3A_1972 = arith.andi %ge3A_1967, %lt3A_1971 : vector<16xi1>
      %sub3A_1973 = vector.broadcast %mul3A_1836 : i32 to vector<16xi32>
      %sub3A_1974 = arith.subi %get3A_1965, %sub3A_1973 : vector<16xi32>
      %jit3A_1975 = arith.constant 0 : i32
      %broadcast_in_dim3A_1976 = vector.broadcast %jit3A_1975 : i32 to vector<16xi32>
      %select_n3A_1977 = arith.select %and3A_1972, %sub3A_1974, %broadcast_in_dim3A_1976 : vector<16xi1>, vector<16xi32>
      %add3A_1978 = arith.constant 112 : i32
      %add3A_1979 = vector.broadcast %add3A_1978 : i32 to vector<16xi32>
      %add3A_1980 = arith.addi %iota3A, %add3A_1979 : vector<16xi32>
      tpu.vector_store_idx %arg7[%select_n3A_1977, %add3A_1980], %broadcast_in_dim3A_6 masked %and3A_1972 : memref<200x128xf32, #tpu.memory_space<vmem>>[vector<16xi32>, vector<16xi32>], vector<16xf32>, vector<16xi1>
      %jit3A_1981 = arith.constant 5 : i32
      %div3A_1982 = arith.divsi %add3A_1783, %jit3A_1981 : i32
      %sign3A_1983 = arith.constant 0 : i32
      %sign3A_1984 = arith.cmpi sgt, %add3A_1783, %sign3A_1983 : i32
      %sign3A_1985 = arith.extui %sign3A_1984 : i1 to i32
      %sign3A_1986 = arith.constant 0 : i32
      %sign3A_1987 = arith.cmpi slt, %add3A_1783, %sign3A_1986 : i32
      %sign3A_1988 = arith.extui %sign3A_1987 : i1 to i32
      %sign3A_1989 = arith.subi %sign3A_1985, %sign3A_1988 : i32
      %sign3A_1990 = arith.constant 0 : i32
      %sign3A_1991 = arith.cmpi sgt, %jit3A_1981, %sign3A_1990 : i32
      %sign3A_1992 = arith.extui %sign3A_1991 : i1 to i32
      %sign3A_1993 = arith.constant 0 : i32
      %sign3A_1994 = arith.cmpi slt, %jit3A_1981, %sign3A_1993 : i32
      %sign3A_1995 = arith.extui %sign3A_1994 : i1 to i32
      %sign3A_1996 = arith.subi %sign3A_1992, %sign3A_1995 : i32
      %ne3A_1997 = arith.cmpi ne, %sign3A_1989, %sign3A_1996 : i32
      %rem3A_1998 = arith.remsi %add3A_1783, %jit3A_1981 : i32
      %ne3A_1999 = arith.constant 0 : i32
      %ne3A_2000 = arith.cmpi ne, %rem3A_1998, %ne3A_1999 : i32
      %and3A_2001 = arith.andi %ne3A_1997, %ne3A_2000 : i1
      %sub3A_2002 = arith.constant 1 : i32
      %sub3A_2003 = arith.subi %div3A_1982, %sub3A_2002 : i32
      %select_n3A_2004 = arith.select %and3A_2001, %sub3A_2003, %div3A_1982 : i32
      %jit3A_2005 = arith.constant 5 : i32
      %eq3A_2006 = arith.constant 0 : i32
      %eq3A_2007 = arith.cmpi eq, %jit3A_2005, %eq3A_2006 : i32
      %jit3A_2008 = arith.constant 1 : i32
      %select_n3A_2009 = arith.select %eq3A_2007, %jit3A_2008, %jit3A_2005 : i32
      %rem3A_2010 = arith.remsi %add3A_1783, %select_n3A_2009 : i32
      %ne3A_2011 = arith.constant 0 : i32
      %ne3A_2012 = arith.cmpi ne, %rem3A_2010, %ne3A_2011 : i32
      %lt3A_2013 = arith.constant 0 : i32
      %lt3A_2014 = arith.cmpi slt, %rem3A_2010, %lt3A_2013 : i32
      %lt3A_2015 = arith.constant 0 : i32
      %lt3A_2016 = arith.cmpi slt, %select_n3A_2009, %lt3A_2015 : i32
      %ne3A_2017 = arith.xori %lt3A_2014, %lt3A_2016 : i1
      %and3A_2018 = arith.andi %ne3A_2017, %ne3A_2012 : i1
      %add3A_2019 = arith.addi %rem3A_2010, %select_n3A_2009 : i32
      %select_n3A_2020 = arith.select %and3A_2018, %add3A_2019, %rem3A_2010 : i32
      %mul3A_2021 = arith.constant 200 : i32
      %mul3A_2022 = arith.muli %select_n3A_2020, %mul3A_2021 : i32
      %get3A_2023 = arith.index_cast %select_n3A_2004 : i32 to index
      %get3A_2024 = arith.constant 0 : index
      %get3A_2025 = tpu.vector_load %arg4[%get3A_2023, %get3A_2024] {strides = array<i32>} : memref<20x128xi32, #tpu.memory_space<vmem>>, vector<16xi32>,
      %ge3A_2026 = vector.broadcast %mul3A_2022 : i32 to vector<16xi32>
      %ge3A_2027 = arith.cmpi sge, %get3A_2025, %ge3A_2026 : vector<16xi32>
      %add3A_2028 = arith.constant 200 : i32
      %add3A_2029 = arith.addi %mul3A_2022, %add3A_2028 : i32
      %lt3A_2030 = vector.broadcast %add3A_2029 : i32 to vector<16xi32>
      %lt3A_2031 = arith.cmpi slt, %get3A_2025, %lt3A_2030 : vector<16xi32>
      %and3A_2032 = arith.andi %ge3A_2027, %lt3A_2031 : vector<16xi1>
      %sub3A_2033 = vector.broadcast %mul3A_2022 : i32 to vector<16xi32>
      %sub3A_2034 = arith.subi %get3A_2025, %sub3A_2033 : vector<16xi32>
      %jit3A_2035 = arith.constant 0 : i32
      %broadcast_in_dim3A_2036 = vector.broadcast %jit3A_2035 : i32 to vector<16xi32>
      %select_n3A_2037 = arith.select %and3A_2032, %sub3A_2034, %broadcast_in_dim3A_2036 : vector<16xi1>, vector<16xi32>
      %add3A_2038 = arith.constant 0 : i32
      %add3A_2039 = vector.broadcast %add3A_2038 : i32 to vector<16xi32>
      %add3A_2040 = arith.addi %iota3A, %add3A_2039 : vector<16xi32>
      tpu.vector_store_idx %arg7[%select_n3A_2037, %add3A_2040], %broadcast_in_dim3A_8 masked %and3A_2032 : memref<200x128xf32, #tpu.memory_space<vmem>>[vector<16xi32>, vector<16xi32>], vector<16xf32>, vector<16xi1>
      %get3A_2041 = arith.index_cast %select_n3A_2004 : i32 to index
      %get3A_2042 = arith.constant 16 : index
      %get3A_2043 = tpu.vector_load %arg4[%get3A_2041, %get3A_2042] {strides = array<i32>} : memref<20x128xi32, #tpu.memory_space<vmem>>, vector<16xi32>,
      %ge3A_2044 = vector.broadcast %mul3A_2022 : i32 to vector<16xi32>
      %ge3A_2045 = arith.cmpi sge, %get3A_2043, %ge3A_2044 : vector<16xi32>
      %add3A_2046 = arith.constant 200 : i32
      %add3A_2047 = arith.addi %mul3A_2022, %add3A_2046 : i32
      %lt3A_2048 = vector.broadcast %add3A_2047 : i32 to vector<16xi32>
      %lt3A_2049 = arith.cmpi slt, %get3A_2043, %lt3A_2048 : vector<16xi32>
      %and3A_2050 = arith.andi %ge3A_2045, %lt3A_2049 : vector<16xi1>
      %sub3A_2051 = vector.broadcast %mul3A_2022 : i32 to vector<16xi32>
      %sub3A_2052 = arith.subi %get3A_2043, %sub3A_2051 : vector<16xi32>
      %jit3A_2053 = arith.constant 0 : i32
      %broadcast_in_dim3A_2054 = vector.broadcast %jit3A_2053 : i32 to vector<16xi32>
      %select_n3A_2055 = arith.select %and3A_2050, %sub3A_2052, %broadcast_in_dim3A_2054 : vector<16xi1>, vector<16xi32>
      %add3A_2056 = arith.constant 16 : i32
      %add3A_2057 = vector.broadcast %add3A_2056 : i32 to vector<16xi32>
      %add3A_2058 = arith.addi %iota3A, %add3A_2057 : vector<16xi32>
      tpu.vector_store_idx %arg7[%select_n3A_2055, %add3A_2058], %broadcast_in_dim3A_8 masked %and3A_2050 : memref<200x128xf32, #tpu.memory_space<vmem>>[vector<16xi32>, vector<16xi32>], vector<16xf32>, vector<16xi1>
      %get3A_2059 = arith.index_cast %select_n3A_2004 : i32 to index
      %get3A_2060 = arith.constant 32 : index
      %get3A_2061 = tpu.vector_load %arg4[%get3A_2059, %get3A_2060] {strides = array<i32>} : memref<20x128xi32, #tpu.memory_space<vmem>>, vector<16xi32>,
      %ge3A_2062 = vector.broadcast %mul3A_2022 : i32 to vector<16xi32>
      %ge3A_2063 = arith.cmpi sge, %get3A_2061, %ge3A_2062 : vector<16xi32>
      %add3A_2064 = arith.constant 200 : i32
      %add3A_2065 = arith.addi %mul3A_2022, %add3A_2064 : i32
      %lt3A_2066 = vector.broadcast %add3A_2065 : i32 to vector<16xi32>
      %lt3A_2067 = arith.cmpi slt, %get3A_2061, %lt3A_2066 : vector<16xi32>
      %and3A_2068 = arith.andi %ge3A_2063, %lt3A_2067 : vector<16xi1>
      %sub3A_2069 = vector.broadcast %mul3A_2022 : i32 to vector<16xi32>
      %sub3A_2070 = arith.subi %get3A_2061, %sub3A_2069 : vector<16xi32>
      %jit3A_2071 = arith.constant 0 : i32
      %broadcast_in_dim3A_2072 = vector.broadcast %jit3A_2071 : i32 to vector<16xi32>
      %select_n3A_2073 = arith.select %and3A_2068, %sub3A_2070, %broadcast_in_dim3A_2072 : vector<16xi1>, vector<16xi32>
      %add3A_2074 = arith.constant 32 : i32
      %add3A_2075 = vector.broadcast %add3A_2074 : i32 to vector<16xi32>
      %add3A_2076 = arith.addi %iota3A, %add3A_2075 : vector<16xi32>
      tpu.vector_store_idx %arg7[%select_n3A_2073, %add3A_2076], %broadcast_in_dim3A_8 masked %and3A_2068 : memref<200x128xf32, #tpu.memory_space<vmem>>[vector<16xi32>, vector<16xi32>], vector<16xf32>, vector<16xi1>
      %get3A_2077 = arith.index_cast %select_n3A_2004 : i32 to index
      %get3A_2078 = arith.constant 48 : index
      %get3A_2079 = tpu.vector_load %arg4[%get3A_2077, %get3A_2078] {strides = array<i32>} : memref<20x128xi32, #tpu.memory_space<vmem>>, vector<16xi32>,
      %ge3A_2080 = vector.broadcast %mul3A_2022 : i32 to vector<16xi32>
      %ge3A_2081 = arith.cmpi sge, %get3A_2079, %ge3A_2080 : vector<16xi32>
      %add3A_2082 = arith.constant 200 : i32
      %add3A_2083 = arith.addi %mul3A_2022, %add3A_2082 : i32
      %lt3A_2084 = vector.broadcast %add3A_2083 : i32 to vector<16xi32>
      %lt3A_2085 = arith.cmpi slt, %get3A_2079, %lt3A_2084 : vector<16xi32>
      %and3A_2086 = arith.andi %ge3A_2081, %lt3A_2085 : vector<16xi1>
      %sub3A_2087 = vector.broadcast %mul3A_2022 : i32 to vector<16xi32>
      %sub3A_2088 = arith.subi %get3A_2079, %sub3A_2087 : vector<16xi32>
      %jit3A_2089 = arith.constant 0 : i32
      %broadcast_in_dim3A_2090 = vector.broadcast %jit3A_2089 : i32 to vector<16xi32>
      %select_n3A_2091 = arith.select %and3A_2086, %sub3A_2088, %broadcast_in_dim3A_2090 : vector<16xi1>, vector<16xi32>
      %add3A_2092 = arith.constant 48 : i32
      %add3A_2093 = vector.broadcast %add3A_2092 : i32 to vector<16xi32>
      %add3A_2094 = arith.addi %iota3A, %add3A_2093 : vector<16xi32>
      tpu.vector_store_idx %arg7[%select_n3A_2091, %add3A_2094], %broadcast_in_dim3A_8 masked %and3A_2086 : memref<200x128xf32, #tpu.memory_space<vmem>>[vector<16xi32>, vector<16xi32>], vector<16xf32>, vector<16xi1>
      %get3A_2095 = arith.index_cast %select_n3A_2004 : i32 to index
      %get3A_2096 = arith.constant 64 : index
      %get3A_2097 = tpu.vector_load %arg4[%get3A_2095, %get3A_2096] {strides = array<i32>} : memref<20x128xi32, #tpu.memory_space<vmem>>, vector<16xi32>,
      %ge3A_2098 = vector.broadcast %mul3A_2022 : i32 to vector<16xi32>
      %ge3A_2099 = arith.cmpi sge, %get3A_2097, %ge3A_2098 : vector<16xi32>
      %add3A_2100 = arith.constant 200 : i32
      %add3A_2101 = arith.addi %mul3A_2022, %add3A_2100 : i32
      %lt3A_2102 = vector.broadcast %add3A_2101 : i32 to vector<16xi32>
      %lt3A_2103 = arith.cmpi slt, %get3A_2097, %lt3A_2102 : vector<16xi32>
      %and3A_2104 = arith.andi %ge3A_2099, %lt3A_2103 : vector<16xi1>
      %sub3A_2105 = vector.broadcast %mul3A_2022 : i32 to vector<16xi32>
      %sub3A_2106 = arith.subi %get3A_2097, %sub3A_2105 : vector<16xi32>
      %jit3A_2107 = arith.constant 0 : i32
      %broadcast_in_dim3A_2108 = vector.broadcast %jit3A_2107 : i32 to vector<16xi32>
      %select_n3A_2109 = arith.select %and3A_2104, %sub3A_2106, %broadcast_in_dim3A_2108 : vector<16xi1>, vector<16xi32>
      %add3A_2110 = arith.constant 64 : i32
      %add3A_2111 = vector.broadcast %add3A_2110 : i32 to vector<16xi32>
      %add3A_2112 = arith.addi %iota3A, %add3A_2111 : vector<16xi32>
      tpu.vector_store_idx %arg7[%select_n3A_2109, %add3A_2112], %broadcast_in_dim3A_8 masked %and3A_2104 : memref<200x128xf32, #tpu.memory_space<vmem>>[vector<16xi32>, vector<16xi32>], vector<16xf32>, vector<16xi1>
      %get3A_2113 = arith.index_cast %select_n3A_2004 : i32 to index
      %get3A_2114 = arith.constant 80 : index
      %get3A_2115 = tpu.vector_load %arg4[%get3A_2113, %get3A_2114] {strides = array<i32>} : memref<20x128xi32, #tpu.memory_space<vmem>>, vector<16xi32>,
      %ge3A_2116 = vector.broadcast %mul3A_2022 : i32 to vector<16xi32>
      %ge3A_2117 = arith.cmpi sge, %get3A_2115, %ge3A_2116 : vector<16xi32>
      %add3A_2118 = arith.constant 200 : i32
      %add3A_2119 = arith.addi %mul3A_2022, %add3A_2118 : i32
      %lt3A_2120 = vector.broadcast %add3A_2119 : i32 to vector<16xi32>
      %lt3A_2121 = arith.cmpi slt, %get3A_2115, %lt3A_2120 : vector<16xi32>
      %and3A_2122 = arith.andi %ge3A_2117, %lt3A_2121 : vector<16xi1>
      %sub3A_2123 = vector.broadcast %mul3A_2022 : i32 to vector<16xi32>
      %sub3A_2124 = arith.subi %get3A_2115, %sub3A_2123 : vector<16xi32>
      %jit3A_2125 = arith.constant 0 : i32
      %broadcast_in_dim3A_2126 = vector.broadcast %jit3A_2125 : i32 to vector<16xi32>
      %select_n3A_2127 = arith.select %and3A_2122, %sub3A_2124, %broadcast_in_dim3A_2126 : vector<16xi1>, vector<16xi32>
      %add3A_2128 = arith.constant 80 : i32
      %add3A_2129 = vector.broadcast %add3A_2128 : i32 to vector<16xi32>
      %add3A_2130 = arith.addi %iota3A, %add3A_2129 : vector<16xi32>
      tpu.vector_store_idx %arg7[%select_n3A_2127, %add3A_2130], %broadcast_in_dim3A_8 masked %and3A_2122 : memref<200x128xf32, #tpu.memory_space<vmem>>[vector<16xi32>, vector<16xi32>], vector<16xf32>, vector<16xi1>
      %get3A_2131 = arith.index_cast %select_n3A_2004 : i32 to index
      %get3A_2132 = arith.constant 96 : index
      %get3A_2133 = tpu.vector_load %arg4[%get3A_2131, %get3A_2132] {strides = array<i32>} : memref<20x128xi32, #tpu.memory_space<vmem>>, vector<16xi32>,
      %ge3A_2134 = vector.broadcast %mul3A_2022 : i32 to vector<16xi32>
      %ge3A_2135 = arith.cmpi sge, %get3A_2133, %ge3A_2134 : vector<16xi32>
      %add3A_2136 = arith.constant 200 : i32
      %add3A_2137 = arith.addi %mul3A_2022, %add3A_2136 : i32
      %lt3A_2138 = vector.broadcast %add3A_2137 : i32 to vector<16xi32>
      %lt3A_2139 = arith.cmpi slt, %get3A_2133, %lt3A_2138 : vector<16xi32>
      %and3A_2140 = arith.andi %ge3A_2135, %lt3A_2139 : vector<16xi1>
      %sub3A_2141 = vector.broadcast %mul3A_2022 : i32 to vector<16xi32>
      %sub3A_2142 = arith.subi %get3A_2133, %sub3A_2141 : vector<16xi32>
      %jit3A_2143 = arith.constant 0 : i32
      %broadcast_in_dim3A_2144 = vector.broadcast %jit3A_2143 : i32 to vector<16xi32>
      %select_n3A_2145 = arith.select %and3A_2140, %sub3A_2142, %broadcast_in_dim3A_2144 : vector<16xi1>, vector<16xi32>
      %add3A_2146 = arith.constant 96 : i32
      %add3A_2147 = vector.broadcast %add3A_2146 : i32 to vector<16xi32>
      %add3A_2148 = arith.addi %iota3A, %add3A_2147 : vector<16xi32>
      tpu.vector_store_idx %arg7[%select_n3A_2145, %add3A_2148], %broadcast_in_dim3A_8 masked %and3A_2140 : memref<200x128xf32, #tpu.memory_space<vmem>>[vector<16xi32>, vector<16xi32>], vector<16xf32>, vector<16xi1>
      %get3A_2149 = arith.index_cast %select_n3A_2004 : i32 to index
      %get3A_2150 = arith.constant 112 : index
      %get3A_2151 = tpu.vector_load %arg4[%get3A_2149, %get3A_2150] {strides = array<i32>} : memref<20x128xi32, #tpu.memory_space<vmem>>, vector<16xi32>,
      %ge3A_2152 = vector.broadcast %mul3A_2022 : i32 to vector<16xi32>
      %ge3A_2153 = arith.cmpi sge, %get3A_2151, %ge3A_2152 : vector<16xi32>
      %add3A_2154 = arith.constant 200 : i32
      %add3A_2155 = arith.addi %mul3A_2022, %add3A_2154 : i32
      %lt3A_2156 = vector.broadcast %add3A_2155 : i32 to vector<16xi32>
      %lt3A_2157 = arith.cmpi slt, %get3A_2151, %lt3A_2156 : vector<16xi32>
      %and3A_2158 = arith.andi %ge3A_2153, %lt3A_2157 : vector<16xi1>
      %sub3A_2159 = vector.broadcast %mul3A_2022 : i32 to vector<16xi32>
      %sub3A_2160 = arith.subi %get3A_2151, %sub3A_2159 : vector<16xi32>
      %jit3A_2161 = arith.constant 0 : i32
      %broadcast_in_dim3A_2162 = vector.broadcast %jit3A_2161 : i32 to vector<16xi32>
      %select_n3A_2163 = arith.select %and3A_2158, %sub3A_2160, %broadcast_in_dim3A_2162 : vector<16xi1>, vector<16xi32>
      %add3A_2164 = arith.constant 112 : i32
      %add3A_2165 = vector.broadcast %add3A_2164 : i32 to vector<16xi32>
      %add3A_2166 = arith.addi %iota3A, %add3A_2165 : vector<16xi32>
      tpu.vector_store_idx %arg7[%select_n3A_2163, %add3A_2166], %broadcast_in_dim3A_8 masked %and3A_2158 : memref<200x128xf32, #tpu.memory_space<vmem>>[vector<16xi32>, vector<16xi32>], vector<16xf32>, vector<16xi1>
      %jit3A_2167 = arith.constant 5 : i32
      %div3A_2168 = arith.divsi %add3A_1783, %jit3A_2167 : i32
      %sign3A_2169 = arith.constant 0 : i32
      %sign3A_2170 = arith.cmpi sgt, %add3A_1783, %sign3A_2169 : i32
      %sign3A_2171 = arith.extui %sign3A_2170 : i1 to i32
      %sign3A_2172 = arith.constant 0 : i32
      %sign3A_2173 = arith.cmpi slt, %add3A_1783, %sign3A_2172 : i32
      %sign3A_2174 = arith.extui %sign3A_2173 : i1 to i32
      %sign3A_2175 = arith.subi %sign3A_2171, %sign3A_2174 : i32
      %sign3A_2176 = arith.constant 0 : i32
      %sign3A_2177 = arith.cmpi sgt, %jit3A_2167, %sign3A_2176 : i32
      %sign3A_2178 = arith.extui %sign3A_2177 : i1 to i32
      %sign3A_2179 = arith.constant 0 : i32
      %sign3A_2180 = arith.cmpi slt, %jit3A_2167, %sign3A_2179 : i32
      %sign3A_2181 = arith.extui %sign3A_2180 : i1 to i32
      %sign3A_2182 = arith.subi %sign3A_2178, %sign3A_2181 : i32
      %ne3A_2183 = arith.cmpi ne, %sign3A_2175, %sign3A_2182 : i32
      %rem3A_2184 = arith.remsi %add3A_1783, %jit3A_2167 : i32
      %ne3A_2185 = arith.constant 0 : i32
      %ne3A_2186 = arith.cmpi ne, %rem3A_2184, %ne3A_2185 : i32
      %and3A_2187 = arith.andi %ne3A_2183, %ne3A_2186 : i1
      %sub3A_2188 = arith.constant 1 : i32
      %sub3A_2189 = arith.subi %div3A_2168, %sub3A_2188 : i32
      %select_n3A_2190 = arith.select %and3A_2187, %sub3A_2189, %div3A_2168 : i32
      %jit3A_2191 = arith.constant 5 : i32
      %eq3A_2192 = arith.constant 0 : i32
      %eq3A_2193 = arith.cmpi eq, %jit3A_2191, %eq3A_2192 : i32
      %jit3A_2194 = arith.constant 1 : i32
      %select_n3A_2195 = arith.select %eq3A_2193, %jit3A_2194, %jit3A_2191 : i32
      %rem3A_2196 = arith.remsi %add3A_1783, %select_n3A_2195 : i32
      %ne3A_2197 = arith.constant 0 : i32
      %ne3A_2198 = arith.cmpi ne, %rem3A_2196, %ne3A_2197 : i32
      %lt3A_2199 = arith.constant 0 : i32
      %lt3A_2200 = arith.cmpi slt, %rem3A_2196, %lt3A_2199 : i32
      %lt3A_2201 = arith.constant 0 : i32
      %lt3A_2202 = arith.cmpi slt, %select_n3A_2195, %lt3A_2201 : i32
      %ne3A_2203 = arith.xori %lt3A_2200, %lt3A_2202 : i1
      %and3A_2204 = arith.andi %ne3A_2203, %ne3A_2198 : i1
      %add3A_2205 = arith.addi %rem3A_2196, %select_n3A_2195 : i32
      %select_n3A_2206 = arith.select %and3A_2204, %add3A_2205, %rem3A_2196 : i32
      %mul3A_2207 = arith.constant 200 : i32
      %mul3A_2208 = arith.muli %select_n3A_2206, %mul3A_2207 : i32
      %dma_start3A_2209 = tpu.memref_slice %arg3[%select_n3A_2190, %mul3A_2208, %mul3A_2] : memref<20x1000x4096xf32, #tpu.memory_space<hbm>> -> memref<1x200x128xf32, #tpu.memory_space<hbm>>
      %dma_start3A_2210 = tpu.memref_squeeze %dma_start3A_2209 : memref<1x200x128xf32, #tpu.memory_space<hbm>> -> memref<200x128xf32, #tpu.memory_space<hbm>>
      %dma_start3A_2211 = tpu.memref_slice %arg3[%select_n3A_2190, %mul3A_2208, %mul3A_2] : memref<20x1000x4096xf32, #tpu.memory_space<hbm>> -> memref<1x200x128xf32, #tpu.memory_space<hbm>>
      %dma_start3A_2212 = tpu.memref_squeeze %dma_start3A_2211 : memref<1x200x128xf32, #tpu.memory_space<hbm>> -> memref<200x128xf32, #tpu.memory_space<hbm>>
      tpu.enqueue_dma source(%arg7 : memref<200x128xf32, #tpu.memory_space<vmem>>) target(%dma_start3A_2212 : memref<200x128xf32, #tpu.memory_space<hbm>>) target_semaphore(%arg12 : memref<!tpu.dma_semaphore, #tpu.memory_space<semaphore_mem>>)
      %add3A_2213 = arith.constant 3 : i32
      %add3A_2214 = arith.addi %add3A_924, %add3A_2213 : i32
      %dma_wait3A_2215 = arith.constant 0 : i32
      %dma_wait3A_2216 = arith.constant 0 : i32
      %dma_wait3A_2217 = arith.constant 0 : i32
      %dma_wait3A_2218 = tpu.memref_slice %arg3[%dma_wait3A_2215, %dma_wait3A_2216, %dma_wait3A_2217] : memref<20x1000x4096xf32, #tpu.memory_space<hbm>> -> memref<1x200x128xf32, #tpu.memory_space<hbm>>
      %dma_wait3A_2219 = tpu.memref_squeeze %dma_wait3A_2218 : memref<1x200x128xf32, #tpu.memory_space<hbm>> -> memref<200x128xf32, #tpu.memory_space<hbm>>
      %dma_wait3A_2220 = arith.constant 0 : i32
      %dma_wait3A_2221 = arith.constant 0 : i32
      %dma_wait3A_2222 = tpu.memref_slice %arg3[%dma_wait3A_2215, %dma_wait3A_2220, %dma_wait3A_2221] : memref<20x1000x4096xf32, #tpu.memory_space<hbm>> -> memref<1x200x128xf32, #tpu.memory_space<hbm>>
      %dma_wait3A_2223 = tpu.memref_squeeze %dma_wait3A_2222 : memref<1x200x128xf32, #tpu.memory_space<hbm>> -> memref<200x128xf32, #tpu.memory_space<hbm>>
      tpu.wait_dma2 semaphore(%arg13 : memref<!tpu.dma_semaphore, #tpu.memory_space<semaphore_mem>>) src(%arg8 : memref<200x128xf32, #tpu.memory_space<vmem>>) dst(%dma_wait3A_2223 : memref<200x128xf32, #tpu.memory_space<hbm>>)
      %sub3A_2224 = arith.constant 5 : i32
      %sub3A_2225 = arith.subi %add3A_2214, %sub3A_2224 : i32
      %jit3A_2226 = arith.constant 5 : i32
      %div3A_2227 = arith.divsi %sub3A_2225, %jit3A_2226 : i32
      %sign3A_2228 = arith.constant 0 : i32
      %sign3A_2229 = arith.cmpi sgt, %sub3A_2225, %sign3A_2228 : i32
      %sign3A_2230 = arith.extui %sign3A_2229 : i1 to i32
      %sign3A_2231 = arith.constant 0 : i32
      %sign3A_2232 = arith.cmpi slt, %sub3A_2225, %sign3A_2231 : i32
      %sign3A_2233 = arith.extui %sign3A_2232 : i1 to i32
      %sign3A_2234 = arith.subi %sign3A_2230, %sign3A_2233 : i32
      %sign3A_2235 = arith.constant 0 : i32
      %sign3A_2236 = arith.cmpi sgt, %jit3A_2226, %sign3A_2235 : i32
      %sign3A_2237 = arith.extui %sign3A_2236 : i1 to i32
      %sign3A_2238 = arith.constant 0 : i32
      %sign3A_2239 = arith.cmpi slt, %jit3A_2226, %sign3A_2238 : i32
      %sign3A_2240 = arith.extui %sign3A_2239 : i1 to i32
      %sign3A_2241 = arith.subi %sign3A_2237, %sign3A_2240 : i32
      %ne3A_2242 = arith.cmpi ne, %sign3A_2234, %sign3A_2241 : i32
      %rem3A_2243 = arith.remsi %sub3A_2225, %jit3A_2226 : i32
      %ne3A_2244 = arith.constant 0 : i32
      %ne3A_2245 = arith.cmpi ne, %rem3A_2243, %ne3A_2244 : i32
      %and3A_2246 = arith.andi %ne3A_2242, %ne3A_2245 : i1
      %sub3A_2247 = arith.constant 1 : i32
      %sub3A_2248 = arith.subi %div3A_2227, %sub3A_2247 : i32
      %select_n3A_2249 = arith.select %and3A_2246, %sub3A_2248, %div3A_2227 : i32
      %jit3A_2250 = arith.constant 5 : i32
      %eq3A_2251 = arith.constant 0 : i32
      %eq3A_2252 = arith.cmpi eq, %jit3A_2250, %eq3A_2251 : i32
      %jit3A_2253 = arith.constant 1 : i32
      %select_n3A_2254 = arith.select %eq3A_2252, %jit3A_2253, %jit3A_2250 : i32
      %rem3A_2255 = arith.remsi %sub3A_2225, %select_n3A_2254 : i32
      %ne3A_2256 = arith.constant 0 : i32
      %ne3A_2257 = arith.cmpi ne, %rem3A_2255, %ne3A_2256 : i32
      %lt3A_2258 = arith.constant 0 : i32
      %lt3A_2259 = arith.cmpi slt, %rem3A_2255, %lt3A_2258 : i32
      %lt3A_2260 = arith.constant 0 : i32
      %lt3A_2261 = arith.cmpi slt, %select_n3A_2254, %lt3A_2260 : i32
      %ne3A_2262 = arith.xori %lt3A_2259, %lt3A_2261 : i1
      %and3A_2263 = arith.andi %ne3A_2262, %ne3A_2257 : i1
      %add3A_2264 = arith.addi %rem3A_2255, %select_n3A_2254 : i32
      %select_n3A_2265 = arith.select %and3A_2263, %add3A_2264, %rem3A_2255 : i32
      %mul3A_2266 = arith.constant 200 : i32
      %mul3A_2267 = arith.muli %select_n3A_2265, %mul3A_2266 : i32
      %get3A_2268 = arith.index_cast %select_n3A_2249 : i32 to index
      %get3A_2269 = arith.constant 0 : index
      %get3A_2270 = tpu.vector_load %arg4[%get3A_2268, %get3A_2269] {strides = array<i32>} : memref<20x128xi32, #tpu.memory_space<vmem>>, vector<16xi32>,
      %ge3A_2271 = vector.broadcast %mul3A_2267 : i32 to vector<16xi32>
      %ge3A_2272 = arith.cmpi sge, %get3A_2270, %ge3A_2271 : vector<16xi32>
      %add3A_2273 = arith.constant 200 : i32
      %add3A_2274 = arith.addi %mul3A_2267, %add3A_2273 : i32
      %lt3A_2275 = vector.broadcast %add3A_2274 : i32 to vector<16xi32>
      %lt3A_2276 = arith.cmpi slt, %get3A_2270, %lt3A_2275 : vector<16xi32>
      %and3A_2277 = arith.andi %ge3A_2272, %lt3A_2276 : vector<16xi1>
      %sub3A_2278 = vector.broadcast %mul3A_2267 : i32 to vector<16xi32>
      %sub3A_2279 = arith.subi %get3A_2270, %sub3A_2278 : vector<16xi32>
      %jit3A_2280 = arith.constant 0 : i32
      %broadcast_in_dim3A_2281 = vector.broadcast %jit3A_2280 : i32 to vector<16xi32>
      %select_n3A_2282 = arith.select %and3A_2277, %sub3A_2279, %broadcast_in_dim3A_2281 : vector<16xi1>, vector<16xi32>
      %add3A_2283 = arith.constant 0 : i32
      %add3A_2284 = vector.broadcast %add3A_2283 : i32 to vector<16xi32>
      %add3A_2285 = arith.addi %iota3A, %add3A_2284 : vector<16xi32>
      tpu.vector_store_idx %arg8[%select_n3A_2282, %add3A_2285], %broadcast_in_dim3A_6 masked %and3A_2277 : memref<200x128xf32, #tpu.memory_space<vmem>>[vector<16xi32>, vector<16xi32>], vector<16xf32>, vector<16xi1>
      %get3A_2286 = arith.index_cast %select_n3A_2249 : i32 to index
      %get3A_2287 = arith.constant 16 : index
      %get3A_2288 = tpu.vector_load %arg4[%get3A_2286, %get3A_2287] {strides = array<i32>} : memref<20x128xi32, #tpu.memory_space<vmem>>, vector<16xi32>,
      %ge3A_2289 = vector.broadcast %mul3A_2267 : i32 to vector<16xi32>
      %ge3A_2290 = arith.cmpi sge, %get3A_2288, %ge3A_2289 : vector<16xi32>
      %add3A_2291 = arith.constant 200 : i32
      %add3A_2292 = arith.addi %mul3A_2267, %add3A_2291 : i32
      %lt3A_2293 = vector.broadcast %add3A_2292 : i32 to vector<16xi32>
      %lt3A_2294 = arith.cmpi slt, %get3A_2288, %lt3A_2293 : vector<16xi32>
      %and3A_2295 = arith.andi %ge3A_2290, %lt3A_2294 : vector<16xi1>
      %sub3A_2296 = vector.broadcast %mul3A_2267 : i32 to vector<16xi32>
      %sub3A_2297 = arith.subi %get3A_2288, %sub3A_2296 : vector<16xi32>
      %jit3A_2298 = arith.constant 0 : i32
      %broadcast_in_dim3A_2299 = vector.broadcast %jit3A_2298 : i32 to vector<16xi32>
      %select_n3A_2300 = arith.select %and3A_2295, %sub3A_2297, %broadcast_in_dim3A_2299 : vector<16xi1>, vector<16xi32>
      %add3A_2301 = arith.constant 16 : i32
      %add3A_2302 = vector.broadcast %add3A_2301 : i32 to vector<16xi32>
      %add3A_2303 = arith.addi %iota3A, %add3A_2302 : vector<16xi32>
      tpu.vector_store_idx %arg8[%select_n3A_2300, %add3A_2303], %broadcast_in_dim3A_6 masked %and3A_2295 : memref<200x128xf32, #tpu.memory_space<vmem>>[vector<16xi32>, vector<16xi32>], vector<16xf32>, vector<16xi1>
      %get3A_2304 = arith.index_cast %select_n3A_2249 : i32 to index
      %get3A_2305 = arith.constant 32 : index
      %get3A_2306 = tpu.vector_load %arg4[%get3A_2304, %get3A_2305] {strides = array<i32>} : memref<20x128xi32, #tpu.memory_space<vmem>>, vector<16xi32>,
      %ge3A_2307 = vector.broadcast %mul3A_2267 : i32 to vector<16xi32>
      %ge3A_2308 = arith.cmpi sge, %get3A_2306, %ge3A_2307 : vector<16xi32>
      %add3A_2309 = arith.constant 200 : i32
      %add3A_2310 = arith.addi %mul3A_2267, %add3A_2309 : i32
      %lt3A_2311 = vector.broadcast %add3A_2310 : i32 to vector<16xi32>
      %lt3A_2312 = arith.cmpi slt, %get3A_2306, %lt3A_2311 : vector<16xi32>
      %and3A_2313 = arith.andi %ge3A_2308, %lt3A_2312 : vector<16xi1>
      %sub3A_2314 = vector.broadcast %mul3A_2267 : i32 to vector<16xi32>
      %sub3A_2315 = arith.subi %get3A_2306, %sub3A_2314 : vector<16xi32>
      %jit3A_2316 = arith.constant 0 : i32
      %broadcast_in_dim3A_2317 = vector.broadcast %jit3A_2316 : i32 to vector<16xi32>
      %select_n3A_2318 = arith.select %and3A_2313, %sub3A_2315, %broadcast_in_dim3A_2317 : vector<16xi1>, vector<16xi32>
      %add3A_2319 = arith.constant 32 : i32
      %add3A_2320 = vector.broadcast %add3A_2319 : i32 to vector<16xi32>
      %add3A_2321 = arith.addi %iota3A, %add3A_2320 : vector<16xi32>
      tpu.vector_store_idx %arg8[%select_n3A_2318, %add3A_2321], %broadcast_in_dim3A_6 masked %and3A_2313 : memref<200x128xf32, #tpu.memory_space<vmem>>[vector<16xi32>, vector<16xi32>], vector<16xf32>, vector<16xi1>
      %get3A_2322 = arith.index_cast %select_n3A_2249 : i32 to index
      %get3A_2323 = arith.constant 48 : index
      %get3A_2324 = tpu.vector_load %arg4[%get3A_2322, %get3A_2323] {strides = array<i32>} : memref<20x128xi32, #tpu.memory_space<vmem>>, vector<16xi32>,
      %ge3A_2325 = vector.broadcast %mul3A_2267 : i32 to vector<16xi32>
      %ge3A_2326 = arith.cmpi sge, %get3A_2324, %ge3A_2325 : vector<16xi32>
      %add3A_2327 = arith.constant 200 : i32
      %add3A_2328 = arith.addi %mul3A_2267, %add3A_2327 : i32
      %lt3A_2329 = vector.broadcast %add3A_2328 : i32 to vector<16xi32>
      %lt3A_2330 = arith.cmpi slt, %get3A_2324, %lt3A_2329 : vector<16xi32>
      %and3A_2331 = arith.andi %ge3A_2326, %lt3A_2330 : vector<16xi1>
      %sub3A_2332 = vector.broadcast %mul3A_2267 : i32 to vector<16xi32>
      %sub3A_2333 = arith.subi %get3A_2324, %sub3A_2332 : vector<16xi32>
      %jit3A_2334 = arith.constant 0 : i32
      %broadcast_in_dim3A_2335 = vector.broadcast %jit3A_2334 : i32 to vector<16xi32>
      %select_n3A_2336 = arith.select %and3A_2331, %sub3A_2333, %broadcast_in_dim3A_2335 : vector<16xi1>, vector<16xi32>
      %add3A_2337 = arith.constant 48 : i32
      %add3A_2338 = vector.broadcast %add3A_2337 : i32 to vector<16xi32>
      %add3A_2339 = arith.addi %iota3A, %add3A_2338 : vector<16xi32>
      tpu.vector_store_idx %arg8[%select_n3A_2336, %add3A_2339], %broadcast_in_dim3A_6 masked %and3A_2331 : memref<200x128xf32, #tpu.memory_space<vmem>>[vector<16xi32>, vector<16xi32>], vector<16xf32>, vector<16xi1>
      %get3A_2340 = arith.index_cast %select_n3A_2249 : i32 to index
      %get3A_2341 = arith.constant 64 : index
      %get3A_2342 = tpu.vector_load %arg4[%get3A_2340, %get3A_2341] {strides = array<i32>} : memref<20x128xi32, #tpu.memory_space<vmem>>, vector<16xi32>,
      %ge3A_2343 = vector.broadcast %mul3A_2267 : i32 to vector<16xi32>
      %ge3A_2344 = arith.cmpi sge, %get3A_2342, %ge3A_2343 : vector<16xi32>
      %add3A_2345 = arith.constant 200 : i32
      %add3A_2346 = arith.addi %mul3A_2267, %add3A_2345 : i32
      %lt3A_2347 = vector.broadcast %add3A_2346 : i32 to vector<16xi32>
      %lt3A_2348 = arith.cmpi slt, %get3A_2342, %lt3A_2347 : vector<16xi32>
      %and3A_2349 = arith.andi %ge3A_2344, %lt3A_2348 : vector<16xi1>
      %sub3A_2350 = vector.broadcast %mul3A_2267 : i32 to vector<16xi32>
      %sub3A_2351 = arith.subi %get3A_2342, %sub3A_2350 : vector<16xi32>
      %jit3A_2352 = arith.constant 0 : i32
      %broadcast_in_dim3A_2353 = vector.broadcast %jit3A_2352 : i32 to vector<16xi32>
      %select_n3A_2354 = arith.select %and3A_2349, %sub3A_2351, %broadcast_in_dim3A_2353 : vector<16xi1>, vector<16xi32>
      %add3A_2355 = arith.constant 64 : i32
      %add3A_2356 = vector.broadcast %add3A_2355 : i32 to vector<16xi32>
      %add3A_2357 = arith.addi %iota3A, %add3A_2356 : vector<16xi32>
      tpu.vector_store_idx %arg8[%select_n3A_2354, %add3A_2357], %broadcast_in_dim3A_6 masked %and3A_2349 : memref<200x128xf32, #tpu.memory_space<vmem>>[vector<16xi32>, vector<16xi32>], vector<16xf32>, vector<16xi1>
      %get3A_2358 = arith.index_cast %select_n3A_2249 : i32 to index
      %get3A_2359 = arith.constant 80 : index
      %get3A_2360 = tpu.vector_load %arg4[%get3A_2358, %get3A_2359] {strides = array<i32>} : memref<20x128xi32, #tpu.memory_space<vmem>>, vector<16xi32>,
      %ge3A_2361 = vector.broadcast %mul3A_2267 : i32 to vector<16xi32>
      %ge3A_2362 = arith.cmpi sge, %get3A_2360, %ge3A_2361 : vector<16xi32>
      %add3A_2363 = arith.constant 200 : i32
      %add3A_2364 = arith.addi %mul3A_2267, %add3A_2363 : i32
      %lt3A_2365 = vector.broadcast %add3A_2364 : i32 to vector<16xi32>
      %lt3A_2366 = arith.cmpi slt, %get3A_2360, %lt3A_2365 : vector<16xi32>
      %and3A_2367 = arith.andi %ge3A_2362, %lt3A_2366 : vector<16xi1>
      %sub3A_2368 = vector.broadcast %mul3A_2267 : i32 to vector<16xi32>
      %sub3A_2369 = arith.subi %get3A_2360, %sub3A_2368 : vector<16xi32>
      %jit3A_2370 = arith.constant 0 : i32
      %broadcast_in_dim3A_2371 = vector.broadcast %jit3A_2370 : i32 to vector<16xi32>
      %select_n3A_2372 = arith.select %and3A_2367, %sub3A_2369, %broadcast_in_dim3A_2371 : vector<16xi1>, vector<16xi32>
      %add3A_2373 = arith.constant 80 : i32
      %add3A_2374 = vector.broadcast %add3A_2373 : i32 to vector<16xi32>
      %add3A_2375 = arith.addi %iota3A, %add3A_2374 : vector<16xi32>
      tpu.vector_store_idx %arg8[%select_n3A_2372, %add3A_2375], %broadcast_in_dim3A_6 masked %and3A_2367 : memref<200x128xf32, #tpu.memory_space<vmem>>[vector<16xi32>, vector<16xi32>], vector<16xf32>, vector<16xi1>
      %get3A_2376 = arith.index_cast %select_n3A_2249 : i32 to index
      %get3A_2377 = arith.constant 96 : index
      %get3A_2378 = tpu.vector_load %arg4[%get3A_2376, %get3A_2377] {strides = array<i32>} : memref<20x128xi32, #tpu.memory_space<vmem>>, vector<16xi32>,
      %ge3A_2379 = vector.broadcast %mul3A_2267 : i32 to vector<16xi32>
      %ge3A_2380 = arith.cmpi sge, %get3A_2378, %ge3A_2379 : vector<16xi32>
      %add3A_2381 = arith.constant 200 : i32
      %add3A_2382 = arith.addi %mul3A_2267, %add3A_2381 : i32
      %lt3A_2383 = vector.broadcast %add3A_2382 : i32 to vector<16xi32>
      %lt3A_2384 = arith.cmpi slt, %get3A_2378, %lt3A_2383 : vector<16xi32>
      %and3A_2385 = arith.andi %ge3A_2380, %lt3A_2384 : vector<16xi1>
      %sub3A_2386 = vector.broadcast %mul3A_2267 : i32 to vector<16xi32>
      %sub3A_2387 = arith.subi %get3A_2378, %sub3A_2386 : vector<16xi32>
      %jit3A_2388 = arith.constant 0 : i32
      %broadcast_in_dim3A_2389 = vector.broadcast %jit3A_2388 : i32 to vector<16xi32>
      %select_n3A_2390 = arith.select %and3A_2385, %sub3A_2387, %broadcast_in_dim3A_2389 : vector<16xi1>, vector<16xi32>
      %add3A_2391 = arith.constant 96 : i32
      %add3A_2392 = vector.broadcast %add3A_2391 : i32 to vector<16xi32>
      %add3A_2393 = arith.addi %iota3A, %add3A_2392 : vector<16xi32>
      tpu.vector_store_idx %arg8[%select_n3A_2390, %add3A_2393], %broadcast_in_dim3A_6 masked %and3A_2385 : memref<200x128xf32, #tpu.memory_space<vmem>>[vector<16xi32>, vector<16xi32>], vector<16xf32>, vector<16xi1>
      %get3A_2394 = arith.index_cast %select_n3A_2249 : i32 to index
      %get3A_2395 = arith.constant 112 : index
      %get3A_2396 = tpu.vector_load %arg4[%get3A_2394, %get3A_2395] {strides = array<i32>} : memref<20x128xi32, #tpu.memory_space<vmem>>, vector<16xi32>,
      %ge3A_2397 = vector.broadcast %mul3A_2267 : i32 to vector<16xi32>
      %ge3A_2398 = arith.cmpi sge, %get3A_2396, %ge3A_2397 : vector<16xi32>
      %add3A_2399 = arith.constant 200 : i32
      %add3A_2400 = arith.addi %mul3A_2267, %add3A_2399 : i32
      %lt3A_2401 = vector.broadcast %add3A_2400 : i32 to vector<16xi32>
      %lt3A_2402 = arith.cmpi slt, %get3A_2396, %lt3A_2401 : vector<16xi32>
      %and3A_2403 = arith.andi %ge3A_2398, %lt3A_2402 : vector<16xi1>
      %sub3A_2404 = vector.broadcast %mul3A_2267 : i32 to vector<16xi32>
      %sub3A_2405 = arith.subi %get3A_2396, %sub3A_2404 : vector<16xi32>
      %jit3A_2406 = arith.constant 0 : i32
      %broadcast_in_dim3A_2407 = vector.broadcast %jit3A_2406 : i32 to vector<16xi32>
      %select_n3A_2408 = arith.select %and3A_2403, %sub3A_2405, %broadcast_in_dim3A_2407 : vector<16xi1>, vector<16xi32>
      %add3A_2409 = arith.constant 112 : i32
      %add3A_2410 = vector.broadcast %add3A_2409 : i32 to vector<16xi32>
      %add3A_2411 = arith.addi %iota3A, %add3A_2410 : vector<16xi32>
      tpu.vector_store_idx %arg8[%select_n3A_2408, %add3A_2411], %broadcast_in_dim3A_6 masked %and3A_2403 : memref<200x128xf32, #tpu.memory_space<vmem>>[vector<16xi32>, vector<16xi32>], vector<16xf32>, vector<16xi1>
      %jit3A_2412 = arith.constant 5 : i32
      %div3A_2413 = arith.divsi %add3A_2214, %jit3A_2412 : i32
      %sign3A_2414 = arith.constant 0 : i32
      %sign3A_2415 = arith.cmpi sgt, %add3A_2214, %sign3A_2414 : i32
      %sign3A_2416 = arith.extui %sign3A_2415 : i1 to i32
      %sign3A_2417 = arith.constant 0 : i32
      %sign3A_2418 = arith.cmpi slt, %add3A_2214, %sign3A_2417 : i32
      %sign3A_2419 = arith.extui %sign3A_2418 : i1 to i32
      %sign3A_2420 = arith.subi %sign3A_2416, %sign3A_2419 : i32
      %sign3A_2421 = arith.constant 0 : i32
      %sign3A_2422 = arith.cmpi sgt, %jit3A_2412, %sign3A_2421 : i32
      %sign3A_2423 = arith.extui %sign3A_2422 : i1 to i32
      %sign3A_2424 = arith.constant 0 : i32
      %sign3A_2425 = arith.cmpi slt, %jit3A_2412, %sign3A_2424 : i32
      %sign3A_2426 = arith.extui %sign3A_2425 : i1 to i32
      %sign3A_2427 = arith.subi %sign3A_2423, %sign3A_2426 : i32
      %ne3A_2428 = arith.cmpi ne, %sign3A_2420, %sign3A_2427 : i32
      %rem3A_2429 = arith.remsi %add3A_2214, %jit3A_2412 : i32
      %ne3A_2430 = arith.constant 0 : i32
      %ne3A_2431 = arith.cmpi ne, %rem3A_2429, %ne3A_2430 : i32
      %and3A_2432 = arith.andi %ne3A_2428, %ne3A_2431 : i1
      %sub3A_2433 = arith.constant 1 : i32
      %sub3A_2434 = arith.subi %div3A_2413, %sub3A_2433 : i32
      %select_n3A_2435 = arith.select %and3A_2432, %sub3A_2434, %div3A_2413 : i32
      %jit3A_2436 = arith.constant 5 : i32
      %eq3A_2437 = arith.constant 0 : i32
      %eq3A_2438 = arith.cmpi eq, %jit3A_2436, %eq3A_2437 : i32
      %jit3A_2439 = arith.constant 1 : i32
      %select_n3A_2440 = arith.select %eq3A_2438, %jit3A_2439, %jit3A_2436 : i32
      %rem3A_2441 = arith.remsi %add3A_2214, %select_n3A_2440 : i32
      %ne3A_2442 = arith.constant 0 : i32
      %ne3A_2443 = arith.cmpi ne, %rem3A_2441, %ne3A_2442 : i32
      %lt3A_2444 = arith.constant 0 : i32
      %lt3A_2445 = arith.cmpi slt, %rem3A_2441, %lt3A_2444 : i32
      %lt3A_2446 = arith.constant 0 : i32
      %lt3A_2447 = arith.cmpi slt, %select_n3A_2440, %lt3A_2446 : i32
      %ne3A_2448 = arith.xori %lt3A_2445, %lt3A_2447 : i1
      %and3A_2449 = arith.andi %ne3A_2448, %ne3A_2443 : i1
      %add3A_2450 = arith.addi %rem3A_2441, %select_n3A_2440 : i32
      %select_n3A_2451 = arith.select %and3A_2449, %add3A_2450, %rem3A_2441 : i32
      %mul3A_2452 = arith.constant 200 : i32
      %mul3A_2453 = arith.muli %select_n3A_2451, %mul3A_2452 : i32
      %get3A_2454 = arith.index_cast %select_n3A_2435 : i32 to index
      %get3A_2455 = arith.constant 0 : index
      %get3A_2456 = tpu.vector_load %arg4[%get3A_2454, %get3A_2455] {strides = array<i32>} : memref<20x128xi32, #tpu.memory_space<vmem>>, vector<16xi32>,
      %ge3A_2457 = vector.broadcast %mul3A_2453 : i32 to vector<16xi32>
      %ge3A_2458 = arith.cmpi sge, %get3A_2456, %ge3A_2457 : vector<16xi32>
      %add3A_2459 = arith.constant 200 : i32
      %add3A_2460 = arith.addi %mul3A_2453, %add3A_2459 : i32
      %lt3A_2461 = vector.broadcast %add3A_2460 : i32 to vector<16xi32>
      %lt3A_2462 = arith.cmpi slt, %get3A_2456, %lt3A_2461 : vector<16xi32>
      %and3A_2463 = arith.andi %ge3A_2458, %lt3A_2462 : vector<16xi1>
      %sub3A_2464 = vector.broadcast %mul3A_2453 : i32 to vector<16xi32>
      %sub3A_2465 = arith.subi %get3A_2456, %sub3A_2464 : vector<16xi32>
      %jit3A_2466 = arith.constant 0 : i32
      %broadcast_in_dim3A_2467 = vector.broadcast %jit3A_2466 : i32 to vector<16xi32>
      %select_n3A_2468 = arith.select %and3A_2463, %sub3A_2465, %broadcast_in_dim3A_2467 : vector<16xi1>, vector<16xi32>
      %add3A_2469 = arith.constant 0 : i32
      %add3A_2470 = vector.broadcast %add3A_2469 : i32 to vector<16xi32>
      %add3A_2471 = arith.addi %iota3A, %add3A_2470 : vector<16xi32>
      tpu.vector_store_idx %arg8[%select_n3A_2468, %add3A_2471], %broadcast_in_dim3A_8 masked %and3A_2463 : memref<200x128xf32, #tpu.memory_space<vmem>>[vector<16xi32>, vector<16xi32>], vector<16xf32>, vector<16xi1>
      %get3A_2472 = arith.index_cast %select_n3A_2435 : i32 to index
      %get3A_2473 = arith.constant 16 : index
      %get3A_2474 = tpu.vector_load %arg4[%get3A_2472, %get3A_2473] {strides = array<i32>} : memref<20x128xi32, #tpu.memory_space<vmem>>, vector<16xi32>,
      %ge3A_2475 = vector.broadcast %mul3A_2453 : i32 to vector<16xi32>
      %ge3A_2476 = arith.cmpi sge, %get3A_2474, %ge3A_2475 : vector<16xi32>
      %add3A_2477 = arith.constant 200 : i32
      %add3A_2478 = arith.addi %mul3A_2453, %add3A_2477 : i32
      %lt3A_2479 = vector.broadcast %add3A_2478 : i32 to vector<16xi32>
      %lt3A_2480 = arith.cmpi slt, %get3A_2474, %lt3A_2479 : vector<16xi32>
      %and3A_2481 = arith.andi %ge3A_2476, %lt3A_2480 : vector<16xi1>
      %sub3A_2482 = vector.broadcast %mul3A_2453 : i32 to vector<16xi32>
      %sub3A_2483 = arith.subi %get3A_2474, %sub3A_2482 : vector<16xi32>
      %jit3A_2484 = arith.constant 0 : i32
      %broadcast_in_dim3A_2485 = vector.broadcast %jit3A_2484 : i32 to vector<16xi32>
      %select_n3A_2486 = arith.select %and3A_2481, %sub3A_2483, %broadcast_in_dim3A_2485 : vector<16xi1>, vector<16xi32>
      %add3A_2487 = arith.constant 16 : i32
      %add3A_2488 = vector.broadcast %add3A_2487 : i32 to vector<16xi32>
      %add3A_2489 = arith.addi %iota3A, %add3A_2488 : vector<16xi32>
      tpu.vector_store_idx %arg8[%select_n3A_2486, %add3A_2489], %broadcast_in_dim3A_8 masked %and3A_2481 : memref<200x128xf32, #tpu.memory_space<vmem>>[vector<16xi32>, vector<16xi32>], vector<16xf32>, vector<16xi1>
      %get3A_2490 = arith.index_cast %select_n3A_2435 : i32 to index
      %get3A_2491 = arith.constant 32 : index
      %get3A_2492 = tpu.vector_load %arg4[%get3A_2490, %get3A_2491] {strides = array<i32>} : memref<20x128xi32, #tpu.memory_space<vmem>>, vector<16xi32>,
      %ge3A_2493 = vector.broadcast %mul3A_2453 : i32 to vector<16xi32>
      %ge3A_2494 = arith.cmpi sge, %get3A_2492, %ge3A_2493 : vector<16xi32>
      %add3A_2495 = arith.constant 200 : i32
      %add3A_2496 = arith.addi %mul3A_2453, %add3A_2495 : i32
      %lt3A_2497 = vector.broadcast %add3A_2496 : i32 to vector<16xi32>
      %lt3A_2498 = arith.cmpi slt, %get3A_2492, %lt3A_2497 : vector<16xi32>
      %and3A_2499 = arith.andi %ge3A_2494, %lt3A_2498 : vector<16xi1>
      %sub3A_2500 = vector.broadcast %mul3A_2453 : i32 to vector<16xi32>
      %sub3A_2501 = arith.subi %get3A_2492, %sub3A_2500 : vector<16xi32>
      %jit3A_2502 = arith.constant 0 : i32
      %broadcast_in_dim3A_2503 = vector.broadcast %jit3A_2502 : i32 to vector<16xi32>
      %select_n3A_2504 = arith.select %and3A_2499, %sub3A_2501, %broadcast_in_dim3A_2503 : vector<16xi1>, vector<16xi32>
      %add3A_2505 = arith.constant 32 : i32
      %add3A_2506 = vector.broadcast %add3A_2505 : i32 to vector<16xi32>
      %add3A_2507 = arith.addi %iota3A, %add3A_2506 : vector<16xi32>
      tpu.vector_store_idx %arg8[%select_n3A_2504, %add3A_2507], %broadcast_in_dim3A_8 masked %and3A_2499 : memref<200x128xf32, #tpu.memory_space<vmem>>[vector<16xi32>, vector<16xi32>], vector<16xf32>, vector<16xi1>
      %get3A_2508 = arith.index_cast %select_n3A_2435 : i32 to index
      %get3A_2509 = arith.constant 48 : index
      %get3A_2510 = tpu.vector_load %arg4[%get3A_2508, %get3A_2509] {strides = array<i32>} : memref<20x128xi32, #tpu.memory_space<vmem>>, vector<16xi32>,
      %ge3A_2511 = vector.broadcast %mul3A_2453 : i32 to vector<16xi32>
      %ge3A_2512 = arith.cmpi sge, %get3A_2510, %ge3A_2511 : vector<16xi32>
      %add3A_2513 = arith.constant 200 : i32
      %add3A_2514 = arith.addi %mul3A_2453, %add3A_2513 : i32
      %lt3A_2515 = vector.broadcast %add3A_2514 : i32 to vector<16xi32>
      %lt3A_2516 = arith.cmpi slt, %get3A_2510, %lt3A_2515 : vector<16xi32>
      %and3A_2517 = arith.andi %ge3A_2512, %lt3A_2516 : vector<16xi1>
      %sub3A_2518 = vector.broadcast %mul3A_2453 : i32 to vector<16xi32>
      %sub3A_2519 = arith.subi %get3A_2510, %sub3A_2518 : vector<16xi32>
      %jit3A_2520 = arith.constant 0 : i32
      %broadcast_in_dim3A_2521 = vector.broadcast %jit3A_2520 : i32 to vector<16xi32>
      %select_n3A_2522 = arith.select %and3A_2517, %sub3A_2519, %broadcast_in_dim3A_2521 : vector<16xi1>, vector<16xi32>
      %add3A_2523 = arith.constant 48 : i32
      %add3A_2524 = vector.broadcast %add3A_2523 : i32 to vector<16xi32>
      %add3A_2525 = arith.addi %iota3A, %add3A_2524 : vector<16xi32>
      tpu.vector_store_idx %arg8[%select_n3A_2522, %add3A_2525], %broadcast_in_dim3A_8 masked %and3A_2517 : memref<200x128xf32, #tpu.memory_space<vmem>>[vector<16xi32>, vector<16xi32>], vector<16xf32>, vector<16xi1>
      %get3A_2526 = arith.index_cast %select_n3A_2435 : i32 to index
      %get3A_2527 = arith.constant 64 : index
      %get3A_2528 = tpu.vector_load %arg4[%get3A_2526, %get3A_2527] {strides = array<i32>} : memref<20x128xi32, #tpu.memory_space<vmem>>, vector<16xi32>,
      %ge3A_2529 = vector.broadcast %mul3A_2453 : i32 to vector<16xi32>
      %ge3A_2530 = arith.cmpi sge, %get3A_2528, %ge3A_2529 : vector<16xi32>
      %add3A_2531 = arith.constant 200 : i32
      %add3A_2532 = arith.addi %mul3A_2453, %add3A_2531 : i32
      %lt3A_2533 = vector.broadcast %add3A_2532 : i32 to vector<16xi32>
      %lt3A_2534 = arith.cmpi slt, %get3A_2528, %lt3A_2533 : vector<16xi32>
      %and3A_2535 = arith.andi %ge3A_2530, %lt3A_2534 : vector<16xi1>
      %sub3A_2536 = vector.broadcast %mul3A_2453 : i32 to vector<16xi32>
      %sub3A_2537 = arith.subi %get3A_2528, %sub3A_2536 : vector<16xi32>
      %jit3A_2538 = arith.constant 0 : i32
      %broadcast_in_dim3A_2539 = vector.broadcast %jit3A_2538 : i32 to vector<16xi32>
      %select_n3A_2540 = arith.select %and3A_2535, %sub3A_2537, %broadcast_in_dim3A_2539 : vector<16xi1>, vector<16xi32>
      %add3A_2541 = arith.constant 64 : i32
      %add3A_2542 = vector.broadcast %add3A_2541 : i32 to vector<16xi32>
      %add3A_2543 = arith.addi %iota3A, %add3A_2542 : vector<16xi32>
      tpu.vector_store_idx %arg8[%select_n3A_2540, %add3A_2543], %broadcast_in_dim3A_8 masked %and3A_2535 : memref<200x128xf32, #tpu.memory_space<vmem>>[vector<16xi32>, vector<16xi32>], vector<16xf32>, vector<16xi1>
      %get3A_2544 = arith.index_cast %select_n3A_2435 : i32 to index
      %get3A_2545 = arith.constant 80 : index
      %get3A_2546 = tpu.vector_load %arg4[%get3A_2544, %get3A_2545] {strides = array<i32>} : memref<20x128xi32, #tpu.memory_space<vmem>>, vector<16xi32>,
      %ge3A_2547 = vector.broadcast %mul3A_2453 : i32 to vector<16xi32>
      %ge3A_2548 = arith.cmpi sge, %get3A_2546, %ge3A_2547 : vector<16xi32>
      %add3A_2549 = arith.constant 200 : i32
      %add3A_2550 = arith.addi %mul3A_2453, %add3A_2549 : i32
      %lt3A_2551 = vector.broadcast %add3A_2550 : i32 to vector<16xi32>
      %lt3A_2552 = arith.cmpi slt, %get3A_2546, %lt3A_2551 : vector<16xi32>
      %and3A_2553 = arith.andi %ge3A_2548, %lt3A_2552 : vector<16xi1>
      %sub3A_2554 = vector.broadcast %mul3A_2453 : i32 to vector<16xi32>
      %sub3A_2555 = arith.subi %get3A_2546, %sub3A_2554 : vector<16xi32>
      %jit3A_2556 = arith.constant 0 : i32
      %broadcast_in_dim3A_2557 = vector.broadcast %jit3A_2556 : i32 to vector<16xi32>
      %select_n3A_2558 = arith.select %and3A_2553, %sub3A_2555, %broadcast_in_dim3A_2557 : vector<16xi1>, vector<16xi32>
      %add3A_2559 = arith.constant 80 : i32
      %add3A_2560 = vector.broadcast %add3A_2559 : i32 to vector<16xi32>
      %add3A_2561 = arith.addi %iota3A, %add3A_2560 : vector<16xi32>
      tpu.vector_store_idx %arg8[%select_n3A_2558, %add3A_2561], %broadcast_in_dim3A_8 masked %and3A_2553 : memref<200x128xf32, #tpu.memory_space<vmem>>[vector<16xi32>, vector<16xi32>], vector<16xf32>, vector<16xi1>
      %get3A_2562 = arith.index_cast %select_n3A_2435 : i32 to index
      %get3A_2563 = arith.constant 96 : index
      %get3A_2564 = tpu.vector_load %arg4[%get3A_2562, %get3A_2563] {strides = array<i32>} : memref<20x128xi32, #tpu.memory_space<vmem>>, vector<16xi32>,
      %ge3A_2565 = vector.broadcast %mul3A_2453 : i32 to vector<16xi32>
      %ge3A_2566 = arith.cmpi sge, %get3A_2564, %ge3A_2565 : vector<16xi32>
      %add3A_2567 = arith.constant 200 : i32
      %add3A_2568 = arith.addi %mul3A_2453, %add3A_2567 : i32
      %lt3A_2569 = vector.broadcast %add3A_2568 : i32 to vector<16xi32>
      %lt3A_2570 = arith.cmpi slt, %get3A_2564, %lt3A_2569 : vector<16xi32>
      %and3A_2571 = arith.andi %ge3A_2566, %lt3A_2570 : vector<16xi1>
      %sub3A_2572 = vector.broadcast %mul3A_2453 : i32 to vector<16xi32>
      %sub3A_2573 = arith.subi %get3A_2564, %sub3A_2572 : vector<16xi32>
      %jit3A_2574 = arith.constant 0 : i32
      %broadcast_in_dim3A_2575 = vector.broadcast %jit3A_2574 : i32 to vector<16xi32>
      %select_n3A_2576 = arith.select %and3A_2571, %sub3A_2573, %broadcast_in_dim3A_2575 : vector<16xi1>, vector<16xi32>
      %add3A_2577 = arith.constant 96 : i32
      %add3A_2578 = vector.broadcast %add3A_2577 : i32 to vector<16xi32>
      %add3A_2579 = arith.addi %iota3A, %add3A_2578 : vector<16xi32>
      tpu.vector_store_idx %arg8[%select_n3A_2576, %add3A_2579], %broadcast_in_dim3A_8 masked %and3A_2571 : memref<200x128xf32, #tpu.memory_space<vmem>>[vector<16xi32>, vector<16xi32>], vector<16xf32>, vector<16xi1>
      %get3A_2580 = arith.index_cast %select_n3A_2435 : i32 to index
      %get3A_2581 = arith.constant 112 : index
      %get3A_2582 = tpu.vector_load %arg4[%get3A_2580, %get3A_2581] {strides = array<i32>} : memref<20x128xi32, #tpu.memory_space<vmem>>, vector<16xi32>,
      %ge3A_2583 = vector.broadcast %mul3A_2453 : i32 to vector<16xi32>
      %ge3A_2584 = arith.cmpi sge, %get3A_2582, %ge3A_2583 : vector<16xi32>
      %add3A_2585 = arith.constant 200 : i32
      %add3A_2586 = arith.addi %mul3A_2453, %add3A_2585 : i32
      %lt3A_2587 = vector.broadcast %add3A_2586 : i32 to vector<16xi32>
      %lt3A_2588 = arith.cmpi slt, %get3A_2582, %lt3A_2587 : vector<16xi32>
      %and3A_2589 = arith.andi %ge3A_2584, %lt3A_2588 : vector<16xi1>
      %sub3A_2590 = vector.broadcast %mul3A_2453 : i32 to vector<16xi32>
      %sub3A_2591 = arith.subi %get3A_2582, %sub3A_2590 : vector<16xi32>
      %jit3A_2592 = arith.constant 0 : i32
      %broadcast_in_dim3A_2593 = vector.broadcast %jit3A_2592 : i32 to vector<16xi32>
      %select_n3A_2594 = arith.select %and3A_2589, %sub3A_2591, %broadcast_in_dim3A_2593 : vector<16xi1>, vector<16xi32>
      %add3A_2595 = arith.constant 112 : i32
      %add3A_2596 = vector.broadcast %add3A_2595 : i32 to vector<16xi32>
      %add3A_2597 = arith.addi %iota3A, %add3A_2596 : vector<16xi32>
      tpu.vector_store_idx %arg8[%select_n3A_2594, %add3A_2597], %broadcast_in_dim3A_8 masked %and3A_2589 : memref<200x128xf32, #tpu.memory_space<vmem>>[vector<16xi32>, vector<16xi32>], vector<16xf32>, vector<16xi1>
      %jit3A_2598 = arith.constant 5 : i32
      %div3A_2599 = arith.divsi %add3A_2214, %jit3A_2598 : i32
      %sign3A_2600 = arith.constant 0 : i32
      %sign3A_2601 = arith.cmpi sgt, %add3A_2214, %sign3A_2600 : i32
      %sign3A_2602 = arith.extui %sign3A_2601 : i1 to i32
      %sign3A_2603 = arith.constant 0 : i32
      %sign3A_2604 = arith.cmpi slt, %add3A_2214, %sign3A_2603 : i32
      %sign3A_2605 = arith.extui %sign3A_2604 : i1 to i32
      %sign3A_2606 = arith.subi %sign3A_2602, %sign3A_2605 : i32
      %sign3A_2607 = arith.constant 0 : i32
      %sign3A_2608 = arith.cmpi sgt, %jit3A_2598, %sign3A_2607 : i32
      %sign3A_2609 = arith.extui %sign3A_2608 : i1 to i32
      %sign3A_2610 = arith.constant 0 : i32
      %sign3A_2611 = arith.cmpi slt, %jit3A_2598, %sign3A_2610 : i32
      %sign3A_2612 = arith.extui %sign3A_2611 : i1 to i32
      %sign3A_2613 = arith.subi %sign3A_2609, %sign3A_2612 : i32
      %ne3A_2614 = arith.cmpi ne, %sign3A_2606, %sign3A_2613 : i32
      %rem3A_2615 = arith.remsi %add3A_2214, %jit3A_2598 : i32
      %ne3A_2616 = arith.constant 0 : i32
      %ne3A_2617 = arith.cmpi ne, %rem3A_2615, %ne3A_2616 : i32
      %and3A_2618 = arith.andi %ne3A_2614, %ne3A_2617 : i1
      %sub3A_2619 = arith.constant 1 : i32
      %sub3A_2620 = arith.subi %div3A_2599, %sub3A_2619 : i32
      %select_n3A_2621 = arith.select %and3A_2618, %sub3A_2620, %div3A_2599 : i32
      %jit3A_2622 = arith.constant 5 : i32
      %eq3A_2623 = arith.constant 0 : i32
      %eq3A_2624 = arith.cmpi eq, %jit3A_2622, %eq3A_2623 : i32
      %jit3A_2625 = arith.constant 1 : i32
      %select_n3A_2626 = arith.select %eq3A_2624, %jit3A_2625, %jit3A_2622 : i32
      %rem3A_2627 = arith.remsi %add3A_2214, %select_n3A_2626 : i32
      %ne3A_2628 = arith.constant 0 : i32
      %ne3A_2629 = arith.cmpi ne, %rem3A_2627, %ne3A_2628 : i32
      %lt3A_2630 = arith.constant 0 : i32
      %lt3A_2631 = arith.cmpi slt, %rem3A_2627, %lt3A_2630 : i32
      %lt3A_2632 = arith.constant 0 : i32
      %lt3A_2633 = arith.cmpi slt, %select_n3A_2626, %lt3A_2632 : i32
      %ne3A_2634 = arith.xori %lt3A_2631, %lt3A_2633 : i1
      %and3A_2635 = arith.andi %ne3A_2634, %ne3A_2629 : i1
      %add3A_2636 = arith.addi %rem3A_2627, %select_n3A_2626 : i32
      %select_n3A_2637 = arith.select %and3A_2635, %add3A_2636, %rem3A_2627 : i32
      %mul3A_2638 = arith.constant 200 : i32
      %mul3A_2639 = arith.muli %select_n3A_2637, %mul3A_2638 : i32
      %dma_start3A_2640 = tpu.memref_slice %arg3[%select_n3A_2621, %mul3A_2639, %mul3A_2] : memref<20x1000x4096xf32, #tpu.memory_space<hbm>> -> memref<1x200x128xf32, #tpu.memory_space<hbm>>
      %dma_start3A_2641 = tpu.memref_squeeze %dma_start3A_2640 : memref<1x200x128xf32, #tpu.memory_space<hbm>> -> memref<200x128xf32, #tpu.memory_space<hbm>>
      %dma_start3A_2642 = tpu.memref_slice %arg3[%select_n3A_2621, %mul3A_2639, %mul3A_2] : memref<20x1000x4096xf32, #tpu.memory_space<hbm>> -> memref<1x200x128xf32, #tpu.memory_space<hbm>>
      %dma_start3A_2643 = tpu.memref_squeeze %dma_start3A_2642 : memref<1x200x128xf32, #tpu.memory_space<hbm>> -> memref<200x128xf32, #tpu.memory_space<hbm>>
      tpu.enqueue_dma source(%arg8 : memref<200x128xf32, #tpu.memory_space<vmem>>) target(%dma_start3A_2643 : memref<200x128xf32, #tpu.memory_space<hbm>>) target_semaphore(%arg13 : memref<!tpu.dma_semaphore, #tpu.memory_space<semaphore_mem>>)
      %add3A_2644 = arith.constant 4 : i32
      %add3A_2645 = arith.addi %add3A_924, %add3A_2644 : i32
      %dma_wait3A_2646 = arith.constant 0 : i32
      %dma_wait3A_2647 = arith.constant 0 : i32
      %dma_wait3A_2648 = arith.constant 0 : i32
      %dma_wait3A_2649 = tpu.memref_slice %arg3[%dma_wait3A_2646, %dma_wait3A_2647, %dma_wait3A_2648] : memref<20x1000x4096xf32, #tpu.memory_space<hbm>> -> memref<1x200x128xf32, #tpu.memory_space<hbm>>
      %dma_wait3A_2650 = tpu.memref_squeeze %dma_wait3A_2649 : memref<1x200x128xf32, #tpu.memory_space<hbm>> -> memref<200x128xf32, #tpu.memory_space<hbm>>
      %dma_wait3A_2651 = arith.constant 0 : i32
      %dma_wait3A_2652 = arith.constant 0 : i32
      %dma_wait3A_2653 = tpu.memref_slice %arg3[%dma_wait3A_2646, %dma_wait3A_2651, %dma_wait3A_2652] : memref<20x1000x4096xf32, #tpu.memory_space<hbm>> -> memref<1x200x128xf32, #tpu.memory_space<hbm>>
      %dma_wait3A_2654 = tpu.memref_squeeze %dma_wait3A_2653 : memref<1x200x128xf32, #tpu.memory_space<hbm>> -> memref<200x128xf32, #tpu.memory_space<hbm>>
      tpu.wait_dma2 semaphore(%arg14 : memref<!tpu.dma_semaphore, #tpu.memory_space<semaphore_mem>>) src(%arg9 : memref<200x128xf32, #tpu.memory_space<vmem>>) dst(%dma_wait3A_2654 : memref<200x128xf32, #tpu.memory_space<hbm>>)
      %sub3A_2655 = arith.constant 5 : i32
      %sub3A_2656 = arith.subi %add3A_2645, %sub3A_2655 : i32
      %jit3A_2657 = arith.constant 5 : i32
      %div3A_2658 = arith.divsi %sub3A_2656, %jit3A_2657 : i32
      %sign3A_2659 = arith.constant 0 : i32
      %sign3A_2660 = arith.cmpi sgt, %sub3A_2656, %sign3A_2659 : i32
      %sign3A_2661 = arith.extui %sign3A_2660 : i1 to i32
      %sign3A_2662 = arith.constant 0 : i32
      %sign3A_2663 = arith.cmpi slt, %sub3A_2656, %sign3A_2662 : i32
      %sign3A_2664 = arith.extui %sign3A_2663 : i1 to i32
      %sign3A_2665 = arith.subi %sign3A_2661, %sign3A_2664 : i32
      %sign3A_2666 = arith.constant 0 : i32
      %sign3A_2667 = arith.cmpi sgt, %jit3A_2657, %sign3A_2666 : i32
      %sign3A_2668 = arith.extui %sign3A_2667 : i1 to i32
      %sign3A_2669 = arith.constant 0 : i32
      %sign3A_2670 = arith.cmpi slt, %jit3A_2657, %sign3A_2669 : i32
      %sign3A_2671 = arith.extui %sign3A_2670 : i1 to i32
      %sign3A_2672 = arith.subi %sign3A_2668, %sign3A_2671 : i32
      %ne3A_2673 = arith.cmpi ne, %sign3A_2665, %sign3A_2672 : i32
      %rem3A_2674 = arith.remsi %sub3A_2656, %jit3A_2657 : i32
      %ne3A_2675 = arith.constant 0 : i32
      %ne3A_2676 = arith.cmpi ne, %rem3A_2674, %ne3A_2675 : i32
      %and3A_2677 = arith.andi %ne3A_2673, %ne3A_2676 : i1
      %sub3A_2678 = arith.constant 1 : i32
      %sub3A_2679 = arith.subi %div3A_2658, %sub3A_2678 : i32
      %select_n3A_2680 = arith.select %and3A_2677, %sub3A_2679, %div3A_2658 : i32
      %jit3A_2681 = arith.constant 5 : i32
      %eq3A_2682 = arith.constant 0 : i32
      %eq3A_2683 = arith.cmpi eq, %jit3A_2681, %eq3A_2682 : i32
      %jit3A_2684 = arith.constant 1 : i32
      %select_n3A_2685 = arith.select %eq3A_2683, %jit3A_2684, %jit3A_2681 : i32
      %rem3A_2686 = arith.remsi %sub3A_2656, %select_n3A_2685 : i32
      %ne3A_2687 = arith.constant 0 : i32
      %ne3A_2688 = arith.cmpi ne, %rem3A_2686, %ne3A_2687 : i32
      %lt3A_2689 = arith.constant 0 : i32
      %lt3A_2690 = arith.cmpi slt, %rem3A_2686, %lt3A_2689 : i32
      %lt3A_2691 = arith.constant 0 : i32
      %lt3A_2692 = arith.cmpi slt, %select_n3A_2685, %lt3A_2691 : i32
      %ne3A_2693 = arith.xori %lt3A_2690, %lt3A_2692 : i1
      %and3A_2694 = arith.andi %ne3A_2693, %ne3A_2688 : i1
      %add3A_2695 = arith.addi %rem3A_2686, %select_n3A_2685 : i32
      %select_n3A_2696 = arith.select %and3A_2694, %add3A_2695, %rem3A_2686 : i32
      %mul3A_2697 = arith.constant 200 : i32
      %mul3A_2698 = arith.muli %select_n3A_2696, %mul3A_2697 : i32
      %get3A_2699 = arith.index_cast %select_n3A_2680 : i32 to index
      %get3A_2700 = arith.constant 0 : index
      %get3A_2701 = tpu.vector_load %arg4[%get3A_2699, %get3A_2700] {strides = array<i32>} : memref<20x128xi32, #tpu.memory_space<vmem>>, vector<16xi32>,
      %ge3A_2702 = vector.broadcast %mul3A_2698 : i32 to vector<16xi32>
      %ge3A_2703 = arith.cmpi sge, %get3A_2701, %ge3A_2702 : vector<16xi32>
      %add3A_2704 = arith.constant 200 : i32
      %add3A_2705 = arith.addi %mul3A_2698, %add3A_2704 : i32
      %lt3A_2706 = vector.broadcast %add3A_2705 : i32 to vector<16xi32>
      %lt3A_2707 = arith.cmpi slt, %get3A_2701, %lt3A_2706 : vector<16xi32>
      %and3A_2708 = arith.andi %ge3A_2703, %lt3A_2707 : vector<16xi1>
      %sub3A_2709 = vector.broadcast %mul3A_2698 : i32 to vector<16xi32>
      %sub3A_2710 = arith.subi %get3A_2701, %sub3A_2709 : vector<16xi32>
      %jit3A_2711 = arith.constant 0 : i32
      %broadcast_in_dim3A_2712 = vector.broadcast %jit3A_2711 : i32 to vector<16xi32>
      %select_n3A_2713 = arith.select %and3A_2708, %sub3A_2710, %broadcast_in_dim3A_2712 : vector<16xi1>, vector<16xi32>
      %add3A_2714 = arith.constant 0 : i32
      %add3A_2715 = vector.broadcast %add3A_2714 : i32 to vector<16xi32>
      %add3A_2716 = arith.addi %iota3A, %add3A_2715 : vector<16xi32>
      tpu.vector_store_idx %arg9[%select_n3A_2713, %add3A_2716], %broadcast_in_dim3A_6 masked %and3A_2708 : memref<200x128xf32, #tpu.memory_space<vmem>>[vector<16xi32>, vector<16xi32>], vector<16xf32>, vector<16xi1>
      %get3A_2717 = arith.index_cast %select_n3A_2680 : i32 to index
      %get3A_2718 = arith.constant 16 : index
      %get3A_2719 = tpu.vector_load %arg4[%get3A_2717, %get3A_2718] {strides = array<i32>} : memref<20x128xi32, #tpu.memory_space<vmem>>, vector<16xi32>,
      %ge3A_2720 = vector.broadcast %mul3A_2698 : i32 to vector<16xi32>
      %ge3A_2721 = arith.cmpi sge, %get3A_2719, %ge3A_2720 : vector<16xi32>
      %add3A_2722 = arith.constant 200 : i32
      %add3A_2723 = arith.addi %mul3A_2698, %add3A_2722 : i32
      %lt3A_2724 = vector.broadcast %add3A_2723 : i32 to vector<16xi32>
      %lt3A_2725 = arith.cmpi slt, %get3A_2719, %lt3A_2724 : vector<16xi32>
      %and3A_2726 = arith.andi %ge3A_2721, %lt3A_2725 : vector<16xi1>
      %sub3A_2727 = vector.broadcast %mul3A_2698 : i32 to vector<16xi32>
      %sub3A_2728 = arith.subi %get3A_2719, %sub3A_2727 : vector<16xi32>
      %jit3A_2729 = arith.constant 0 : i32
      %broadcast_in_dim3A_2730 = vector.broadcast %jit3A_2729 : i32 to vector<16xi32>
      %select_n3A_2731 = arith.select %and3A_2726, %sub3A_2728, %broadcast_in_dim3A_2730 : vector<16xi1>, vector<16xi32>
      %add3A_2732 = arith.constant 16 : i32
      %add3A_2733 = vector.broadcast %add3A_2732 : i32 to vector<16xi32>
      %add3A_2734 = arith.addi %iota3A, %add3A_2733 : vector<16xi32>
      tpu.vector_store_idx %arg9[%select_n3A_2731, %add3A_2734], %broadcast_in_dim3A_6 masked %and3A_2726 : memref<200x128xf32, #tpu.memory_space<vmem>>[vector<16xi32>, vector<16xi32>], vector<16xf32>, vector<16xi1>
      %get3A_2735 = arith.index_cast %select_n3A_2680 : i32 to index
      %get3A_2736 = arith.constant 32 : index
      %get3A_2737 = tpu.vector_load %arg4[%get3A_2735, %get3A_2736] {strides = array<i32>} : memref<20x128xi32, #tpu.memory_space<vmem>>, vector<16xi32>,
      %ge3A_2738 = vector.broadcast %mul3A_2698 : i32 to vector<16xi32>
      %ge3A_2739 = arith.cmpi sge, %get3A_2737, %ge3A_2738 : vector<16xi32>
      %add3A_2740 = arith.constant 200 : i32
      %add3A_2741 = arith.addi %mul3A_2698, %add3A_2740 : i32
      %lt3A_2742 = vector.broadcast %add3A_2741 : i32 to vector<16xi32>
      %lt3A_2743 = arith.cmpi slt, %get3A_2737, %lt3A_2742 : vector<16xi32>
      %and3A_2744 = arith.andi %ge3A_2739, %lt3A_2743 : vector<16xi1>
      %sub3A_2745 = vector.broadcast %mul3A_2698 : i32 to vector<16xi32>
      %sub3A_2746 = arith.subi %get3A_2737, %sub3A_2745 : vector<16xi32>
      %jit3A_2747 = arith.constant 0 : i32
      %broadcast_in_dim3A_2748 = vector.broadcast %jit3A_2747 : i32 to vector<16xi32>
      %select_n3A_2749 = arith.select %and3A_2744, %sub3A_2746, %broadcast_in_dim3A_2748 : vector<16xi1>, vector<16xi32>
      %add3A_2750 = arith.constant 32 : i32
      %add3A_2751 = vector.broadcast %add3A_2750 : i32 to vector<16xi32>
      %add3A_2752 = arith.addi %iota3A, %add3A_2751 : vector<16xi32>
      tpu.vector_store_idx %arg9[%select_n3A_2749, %add3A_2752], %broadcast_in_dim3A_6 masked %and3A_2744 : memref<200x128xf32, #tpu.memory_space<vmem>>[vector<16xi32>, vector<16xi32>], vector<16xf32>, vector<16xi1>
      %get3A_2753 = arith.index_cast %select_n3A_2680 : i32 to index
      %get3A_2754 = arith.constant 48 : index
      %get3A_2755 = tpu.vector_load %arg4[%get3A_2753, %get3A_2754] {strides = array<i32>} : memref<20x128xi32, #tpu.memory_space<vmem>>, vector<16xi32>,
      %ge3A_2756 = vector.broadcast %mul3A_2698 : i32 to vector<16xi32>
      %ge3A_2757 = arith.cmpi sge, %get3A_2755, %ge3A_2756 : vector<16xi32>
      %add3A_2758 = arith.constant 200 : i32
      %add3A_2759 = arith.addi %mul3A_2698, %add3A_2758 : i32
      %lt3A_2760 = vector.broadcast %add3A_2759 : i32 to vector<16xi32>
      %lt3A_2761 = arith.cmpi slt, %get3A_2755, %lt3A_2760 : vector<16xi32>
      %and3A_2762 = arith.andi %ge3A_2757, %lt3A_2761 : vector<16xi1>
      %sub3A_2763 = vector.broadcast %mul3A_2698 : i32 to vector<16xi32>
      %sub3A_2764 = arith.subi %get3A_2755, %sub3A_2763 : vector<16xi32>
      %jit3A_2765 = arith.constant 0 : i32
      %broadcast_in_dim3A_2766 = vector.broadcast %jit3A_2765 : i32 to vector<16xi32>
      %select_n3A_2767 = arith.select %and3A_2762, %sub3A_2764, %broadcast_in_dim3A_2766 : vector<16xi1>, vector<16xi32>
      %add3A_2768 = arith.constant 48 : i32
      %add3A_2769 = vector.broadcast %add3A_2768 : i32 to vector<16xi32>
      %add3A_2770 = arith.addi %iota3A, %add3A_2769 : vector<16xi32>
      tpu.vector_store_idx %arg9[%select_n3A_2767, %add3A_2770], %broadcast_in_dim3A_6 masked %and3A_2762 : memref<200x128xf32, #tpu.memory_space<vmem>>[vector<16xi32>, vector<16xi32>], vector<16xf32>, vector<16xi1>
      %get3A_2771 = arith.index_cast %select_n3A_2680 : i32 to index
      %get3A_2772 = arith.constant 64 : index
      %get3A_2773 = tpu.vector_load %arg4[%get3A_2771, %get3A_2772] {strides = array<i32>} : memref<20x128xi32, #tpu.memory_space<vmem>>, vector<16xi32>,
      %ge3A_2774 = vector.broadcast %mul3A_2698 : i32 to vector<16xi32>
      %ge3A_2775 = arith.cmpi sge, %get3A_2773, %ge3A_2774 : vector<16xi32>
      %add3A_2776 = arith.constant 200 : i32
      %add3A_2777 = arith.addi %mul3A_2698, %add3A_2776 : i32
      %lt3A_2778 = vector.broadcast %add3A_2777 : i32 to vector<16xi32>
      %lt3A_2779 = arith.cmpi slt, %get3A_2773, %lt3A_2778 : vector<16xi32>
      %and3A_2780 = arith.andi %ge3A_2775, %lt3A_2779 : vector<16xi1>
      %sub3A_2781 = vector.broadcast %mul3A_2698 : i32 to vector<16xi32>
      %sub3A_2782 = arith.subi %get3A_2773, %sub3A_2781 : vector<16xi32>
      %jit3A_2783 = arith.constant 0 : i32
      %broadcast_in_dim3A_2784 = vector.broadcast %jit3A_2783 : i32 to vector<16xi32>
      %select_n3A_2785 = arith.select %and3A_2780, %sub3A_2782, %broadcast_in_dim3A_2784 : vector<16xi1>, vector<16xi32>
      %add3A_2786 = arith.constant 64 : i32
      %add3A_2787 = vector.broadcast %add3A_2786 : i32 to vector<16xi32>
      %add3A_2788 = arith.addi %iota3A, %add3A_2787 : vector<16xi32>
      tpu.vector_store_idx %arg9[%select_n3A_2785, %add3A_2788], %broadcast_in_dim3A_6 masked %and3A_2780 : memref<200x128xf32, #tpu.memory_space<vmem>>[vector<16xi32>, vector<16xi32>], vector<16xf32>, vector<16xi1>
      %get3A_2789 = arith.index_cast %select_n3A_2680 : i32 to index
      %get3A_2790 = arith.constant 80 : index
      %get3A_2791 = tpu.vector_load %arg4[%get3A_2789, %get3A_2790] {strides = array<i32>} : memref<20x128xi32, #tpu.memory_space<vmem>>, vector<16xi32>,
      %ge3A_2792 = vector.broadcast %mul3A_2698 : i32 to vector<16xi32>
      %ge3A_2793 = arith.cmpi sge, %get3A_2791, %ge3A_2792 : vector<16xi32>
      %add3A_2794 = arith.constant 200 : i32
      %add3A_2795 = arith.addi %mul3A_2698, %add3A_2794 : i32
      %lt3A_2796 = vector.broadcast %add3A_2795 : i32 to vector<16xi32>
      %lt3A_2797 = arith.cmpi slt, %get3A_2791, %lt3A_2796 : vector<16xi32>
      %and3A_2798 = arith.andi %ge3A_2793, %lt3A_2797 : vector<16xi1>
      %sub3A_2799 = vector.broadcast %mul3A_2698 : i32 to vector<16xi32>
      %sub3A_2800 = arith.subi %get3A_2791, %sub3A_2799 : vector<16xi32>
      %jit3A_2801 = arith.constant 0 : i32
      %broadcast_in_dim3A_2802 = vector.broadcast %jit3A_2801 : i32 to vector<16xi32>
      %select_n3A_2803 = arith.select %and3A_2798, %sub3A_2800, %broadcast_in_dim3A_2802 : vector<16xi1>, vector<16xi32>
      %add3A_2804 = arith.constant 80 : i32
      %add3A_2805 = vector.broadcast %add3A_2804 : i32 to vector<16xi32>
      %add3A_2806 = arith.addi %iota3A, %add3A_2805 : vector<16xi32>
      tpu.vector_store_idx %arg9[%select_n3A_2803, %add3A_2806], %broadcast_in_dim3A_6 masked %and3A_2798 : memref<200x128xf32, #tpu.memory_space<vmem>>[vector<16xi32>, vector<16xi32>], vector<16xf32>, vector<16xi1>
      %get3A_2807 = arith.index_cast %select_n3A_2680 : i32 to index
      %get3A_2808 = arith.constant 96 : index
      %get3A_2809 = tpu.vector_load %arg4[%get3A_2807, %get3A_2808] {strides = array<i32>} : memref<20x128xi32, #tpu.memory_space<vmem>>, vector<16xi32>,
      %ge3A_2810 = vector.broadcast %mul3A_2698 : i32 to vector<16xi32>
      %ge3A_2811 = arith.cmpi sge, %get3A_2809, %ge3A_2810 : vector<16xi32>
      %add3A_2812 = arith.constant 200 : i32
      %add3A_2813 = arith.addi %mul3A_2698, %add3A_2812 : i32
      %lt3A_2814 = vector.broadcast %add3A_2813 : i32 to vector<16xi32>
      %lt3A_2815 = arith.cmpi slt, %get3A_2809, %lt3A_2814 : vector<16xi32>
      %and3A_2816 = arith.andi %ge3A_2811, %lt3A_2815 : vector<16xi1>
      %sub3A_2817 = vector.broadcast %mul3A_2698 : i32 to vector<16xi32>
      %sub3A_2818 = arith.subi %get3A_2809, %sub3A_2817 : vector<16xi32>
      %jit3A_2819 = arith.constant 0 : i32
      %broadcast_in_dim3A_2820 = vector.broadcast %jit3A_2819 : i32 to vector<16xi32>
      %select_n3A_2821 = arith.select %and3A_2816, %sub3A_2818, %broadcast_in_dim3A_2820 : vector<16xi1>, vector<16xi32>
      %add3A_2822 = arith.constant 96 : i32
      %add3A_2823 = vector.broadcast %add3A_2822 : i32 to vector<16xi32>
      %add3A_2824 = arith.addi %iota3A, %add3A_2823 : vector<16xi32>
      tpu.vector_store_idx %arg9[%select_n3A_2821, %add3A_2824], %broadcast_in_dim3A_6 masked %and3A_2816 : memref<200x128xf32, #tpu.memory_space<vmem>>[vector<16xi32>, vector<16xi32>], vector<16xf32>, vector<16xi1>
      %get3A_2825 = arith.index_cast %select_n3A_2680 : i32 to index
      %get3A_2826 = arith.constant 112 : index
      %get3A_2827 = tpu.vector_load %arg4[%get3A_2825, %get3A_2826] {strides = array<i32>} : memref<20x128xi32, #tpu.memory_space<vmem>>, vector<16xi32>,
      %ge3A_2828 = vector.broadcast %mul3A_2698 : i32 to vector<16xi32>
      %ge3A_2829 = arith.cmpi sge, %get3A_2827, %ge3A_2828 : vector<16xi32>
      %add3A_2830 = arith.constant 200 : i32
      %add3A_2831 = arith.addi %mul3A_2698, %add3A_2830 : i32
      %lt3A_2832 = vector.broadcast %add3A_2831 : i32 to vector<16xi32>
      %lt3A_2833 = arith.cmpi slt, %get3A_2827, %lt3A_2832 : vector<16xi32>
      %and3A_2834 = arith.andi %ge3A_2829, %lt3A_2833 : vector<16xi1>
      %sub3A_2835 = vector.broadcast %mul3A_2698 : i32 to vector<16xi32>
      %sub3A_2836 = arith.subi %get3A_2827, %sub3A_2835 : vector<16xi32>
      %jit3A_2837 = arith.constant 0 : i32
      %broadcast_in_dim3A_2838 = vector.broadcast %jit3A_2837 : i32 to vector<16xi32>
      %select_n3A_2839 = arith.select %and3A_2834, %sub3A_2836, %broadcast_in_dim3A_2838 : vector<16xi1>, vector<16xi32>
      %add3A_2840 = arith.constant 112 : i32
      %add3A_2841 = vector.broadcast %add3A_2840 : i32 to vector<16xi32>
      %add3A_2842 = arith.addi %iota3A, %add3A_2841 : vector<16xi32>
      tpu.vector_store_idx %arg9[%select_n3A_2839, %add3A_2842], %broadcast_in_dim3A_6 masked %and3A_2834 : memref<200x128xf32, #tpu.memory_space<vmem>>[vector<16xi32>, vector<16xi32>], vector<16xf32>, vector<16xi1>
      %jit3A_2843 = arith.constant 5 : i32
      %div3A_2844 = arith.divsi %add3A_2645, %jit3A_2843 : i32
      %sign3A_2845 = arith.constant 0 : i32
      %sign3A_2846 = arith.cmpi sgt, %add3A_2645, %sign3A_2845 : i32
      %sign3A_2847 = arith.extui %sign3A_2846 : i1 to i32
      %sign3A_2848 = arith.constant 0 : i32
      %sign3A_2849 = arith.cmpi slt, %add3A_2645, %sign3A_2848 : i32
      %sign3A_2850 = arith.extui %sign3A_2849 : i1 to i32
      %sign3A_2851 = arith.subi %sign3A_2847, %sign3A_2850 : i32
      %sign3A_2852 = arith.constant 0 : i32
      %sign3A_2853 = arith.cmpi sgt, %jit3A_2843, %sign3A_2852 : i32
      %sign3A_2854 = arith.extui %sign3A_2853 : i1 to i32
      %sign3A_2855 = arith.constant 0 : i32
      %sign3A_2856 = arith.cmpi slt, %jit3A_2843, %sign3A_2855 : i32
      %sign3A_2857 = arith.extui %sign3A_2856 : i1 to i32
      %sign3A_2858 = arith.subi %sign3A_2854, %sign3A_2857 : i32
      %ne3A_2859 = arith.cmpi ne, %sign3A_2851, %sign3A_2858 : i32
      %rem3A_2860 = arith.remsi %add3A_2645, %jit3A_2843 : i32
      %ne3A_2861 = arith.constant 0 : i32
      %ne3A_2862 = arith.cmpi ne, %rem3A_2860, %ne3A_2861 : i32
      %and3A_2863 = arith.andi %ne3A_2859, %ne3A_2862 : i1
      %sub3A_2864 = arith.constant 1 : i32
      %sub3A_2865 = arith.subi %div3A_2844, %sub3A_2864 : i32
      %select_n3A_2866 = arith.select %and3A_2863, %sub3A_2865, %div3A_2844 : i32
      %jit3A_2867 = arith.constant 5 : i32
      %eq3A_2868 = arith.constant 0 : i32
      %eq3A_2869 = arith.cmpi eq, %jit3A_2867, %eq3A_2868 : i32
      %jit3A_2870 = arith.constant 1 : i32
      %select_n3A_2871 = arith.select %eq3A_2869, %jit3A_2870, %jit3A_2867 : i32
      %rem3A_2872 = arith.remsi %add3A_2645, %select_n3A_2871 : i32
      %ne3A_2873 = arith.constant 0 : i32
      %ne3A_2874 = arith.cmpi ne, %rem3A_2872, %ne3A_2873 : i32
      %lt3A_2875 = arith.constant 0 : i32
      %lt3A_2876 = arith.cmpi slt, %rem3A_2872, %lt3A_2875 : i32
      %lt3A_2877 = arith.constant 0 : i32
      %lt3A_2878 = arith.cmpi slt, %select_n3A_2871, %lt3A_2877 : i32
      %ne3A_2879 = arith.xori %lt3A_2876, %lt3A_2878 : i1
      %and3A_2880 = arith.andi %ne3A_2879, %ne3A_2874 : i1
      %add3A_2881 = arith.addi %rem3A_2872, %select_n3A_2871 : i32
      %select_n3A_2882 = arith.select %and3A_2880, %add3A_2881, %rem3A_2872 : i32
      %mul3A_2883 = arith.constant 200 : i32
      %mul3A_2884 = arith.muli %select_n3A_2882, %mul3A_2883 : i32
      %get3A_2885 = arith.index_cast %select_n3A_2866 : i32 to index
      %get3A_2886 = arith.constant 0 : index
      %get3A_2887 = tpu.vector_load %arg4[%get3A_2885, %get3A_2886] {strides = array<i32>} : memref<20x128xi32, #tpu.memory_space<vmem>>, vector<16xi32>,
      %ge3A_2888 = vector.broadcast %mul3A_2884 : i32 to vector<16xi32>
      %ge3A_2889 = arith.cmpi sge, %get3A_2887, %ge3A_2888 : vector<16xi32>
      %add3A_2890 = arith.constant 200 : i32
      %add3A_2891 = arith.addi %mul3A_2884, %add3A_2890 : i32
      %lt3A_2892 = vector.broadcast %add3A_2891 : i32 to vector<16xi32>
      %lt3A_2893 = arith.cmpi slt, %get3A_2887, %lt3A_2892 : vector<16xi32>
      %and3A_2894 = arith.andi %ge3A_2889, %lt3A_2893 : vector<16xi1>
      %sub3A_2895 = vector.broadcast %mul3A_2884 : i32 to vector<16xi32>
      %sub3A_2896 = arith.subi %get3A_2887, %sub3A_2895 : vector<16xi32>
      %jit3A_2897 = arith.constant 0 : i32
      %broadcast_in_dim3A_2898 = vector.broadcast %jit3A_2897 : i32 to vector<16xi32>
      %select_n3A_2899 = arith.select %and3A_2894, %sub3A_2896, %broadcast_in_dim3A_2898 : vector<16xi1>, vector<16xi32>
      %add3A_2900 = arith.constant 0 : i32
      %add3A_2901 = vector.broadcast %add3A_2900 : i32 to vector<16xi32>
      %add3A_2902 = arith.addi %iota3A, %add3A_2901 : vector<16xi32>
      tpu.vector_store_idx %arg9[%select_n3A_2899, %add3A_2902], %broadcast_in_dim3A_8 masked %and3A_2894 : memref<200x128xf32, #tpu.memory_space<vmem>>[vector<16xi32>, vector<16xi32>], vector<16xf32>, vector<16xi1>
      %get3A_2903 = arith.index_cast %select_n3A_2866 : i32 to index
      %get3A_2904 = arith.constant 16 : index
      %get3A_2905 = tpu.vector_load %arg4[%get3A_2903, %get3A_2904] {strides = array<i32>} : memref<20x128xi32, #tpu.memory_space<vmem>>, vector<16xi32>,
      %ge3A_2906 = vector.broadcast %mul3A_2884 : i32 to vector<16xi32>
      %ge3A_2907 = arith.cmpi sge, %get3A_2905, %ge3A_2906 : vector<16xi32>
      %add3A_2908 = arith.constant 200 : i32
      %add3A_2909 = arith.addi %mul3A_2884, %add3A_2908 : i32
      %lt3A_2910 = vector.broadcast %add3A_2909 : i32 to vector<16xi32>
      %lt3A_2911 = arith.cmpi slt, %get3A_2905, %lt3A_2910 : vector<16xi32>
      %and3A_2912 = arith.andi %ge3A_2907, %lt3A_2911 : vector<16xi1>
      %sub3A_2913 = vector.broadcast %mul3A_2884 : i32 to vector<16xi32>
      %sub3A_2914 = arith.subi %get3A_2905, %sub3A_2913 : vector<16xi32>
      %jit3A_2915 = arith.constant 0 : i32
      %broadcast_in_dim3A_2916 = vector.broadcast %jit3A_2915 : i32 to vector<16xi32>
      %select_n3A_2917 = arith.select %and3A_2912, %sub3A_2914, %broadcast_in_dim3A_2916 : vector<16xi1>, vector<16xi32>
      %add3A_2918 = arith.constant 16 : i32
      %add3A_2919 = vector.broadcast %add3A_2918 : i32 to vector<16xi32>
      %add3A_2920 = arith.addi %iota3A, %add3A_2919 : vector<16xi32>
      tpu.vector_store_idx %arg9[%select_n3A_2917, %add3A_2920], %broadcast_in_dim3A_8 masked %and3A_2912 : memref<200x128xf32, #tpu.memory_space<vmem>>[vector<16xi32>, vector<16xi32>], vector<16xf32>, vector<16xi1>
      %get3A_2921 = arith.index_cast %select_n3A_2866 : i32 to index
      %get3A_2922 = arith.constant 32 : index
      %get3A_2923 = tpu.vector_load %arg4[%get3A_2921, %get3A_2922] {strides = array<i32>} : memref<20x128xi32, #tpu.memory_space<vmem>>, vector<16xi32>,
      %ge3A_2924 = vector.broadcast %mul3A_2884 : i32 to vector<16xi32>
      %ge3A_2925 = arith.cmpi sge, %get3A_2923, %ge3A_2924 : vector<16xi32>
      %add3A_2926 = arith.constant 200 : i32
      %add3A_2927 = arith.addi %mul3A_2884, %add3A_2926 : i32
      %lt3A_2928 = vector.broadcast %add3A_2927 : i32 to vector<16xi32>
      %lt3A_2929 = arith.cmpi slt, %get3A_2923, %lt3A_2928 : vector<16xi32>
      %and3A_2930 = arith.andi %ge3A_2925, %lt3A_2929 : vector<16xi1>
      %sub3A_2931 = vector.broadcast %mul3A_2884 : i32 to vector<16xi32>
      %sub3A_2932 = arith.subi %get3A_2923, %sub3A_2931 : vector<16xi32>
      %jit3A_2933 = arith.constant 0 : i32
      %broadcast_in_dim3A_2934 = vector.broadcast %jit3A_2933 : i32 to vector<16xi32>
      %select_n3A_2935 = arith.select %and3A_2930, %sub3A_2932, %broadcast_in_dim3A_2934 : vector<16xi1>, vector<16xi32>
      %add3A_2936 = arith.constant 32 : i32
      %add3A_2937 = vector.broadcast %add3A_2936 : i32 to vector<16xi32>
      %add3A_2938 = arith.addi %iota3A, %add3A_2937 : vector<16xi32>
      tpu.vector_store_idx %arg9[%select_n3A_2935, %add3A_2938], %broadcast_in_dim3A_8 masked %and3A_2930 : memref<200x128xf32, #tpu.memory_space<vmem>>[vector<16xi32>, vector<16xi32>], vector<16xf32>, vector<16xi1>
      %get3A_2939 = arith.index_cast %select_n3A_2866 : i32 to index
      %get3A_2940 = arith.constant 48 : index
      %get3A_2941 = tpu.vector_load %arg4[%get3A_2939, %get3A_2940] {strides = array<i32>} : memref<20x128xi32, #tpu.memory_space<vmem>>, vector<16xi32>,
      %ge3A_2942 = vector.broadcast %mul3A_2884 : i32 to vector<16xi32>
      %ge3A_2943 = arith.cmpi sge, %get3A_2941, %ge3A_2942 : vector<16xi32>
      %add3A_2944 = arith.constant 200 : i32
      %add3A_2945 = arith.addi %mul3A_2884, %add3A_2944 : i32
      %lt3A_2946 = vector.broadcast %add3A_2945 : i32 to vector<16xi32>
      %lt3A_2947 = arith.cmpi slt, %get3A_2941, %lt3A_2946 : vector<16xi32>
      %and3A_2948 = arith.andi %ge3A_2943, %lt3A_2947 : vector<16xi1>
      %sub3A_2949 = vector.broadcast %mul3A_2884 : i32 to vector<16xi32>
      %sub3A_2950 = arith.subi %get3A_2941, %sub3A_2949 : vector<16xi32>
      %jit3A_2951 = arith.constant 0 : i32
      %broadcast_in_dim3A_2952 = vector.broadcast %jit3A_2951 : i32 to vector<16xi32>
      %select_n3A_2953 = arith.select %and3A_2948, %sub3A_2950, %broadcast_in_dim3A_2952 : vector<16xi1>, vector<16xi32>
      %add3A_2954 = arith.constant 48 : i32
      %add3A_2955 = vector.broadcast %add3A_2954 : i32 to vector<16xi32>
      %add3A_2956 = arith.addi %iota3A, %add3A_2955 : vector<16xi32>
      tpu.vector_store_idx %arg9[%select_n3A_2953, %add3A_2956], %broadcast_in_dim3A_8 masked %and3A_2948 : memref<200x128xf32, #tpu.memory_space<vmem>>[vector<16xi32>, vector<16xi32>], vector<16xf32>, vector<16xi1>
      %get3A_2957 = arith.index_cast %select_n3A_2866 : i32 to index
      %get3A_2958 = arith.constant 64 : index
      %get3A_2959 = tpu.vector_load %arg4[%get3A_2957, %get3A_2958] {strides = array<i32>} : memref<20x128xi32, #tpu.memory_space<vmem>>, vector<16xi32>,
      %ge3A_2960 = vector.broadcast %mul3A_2884 : i32 to vector<16xi32>
      %ge3A_2961 = arith.cmpi sge, %get3A_2959, %ge3A_2960 : vector<16xi32>
      %add3A_2962 = arith.constant 200 : i32
      %add3A_2963 = arith.addi %mul3A_2884, %add3A_2962 : i32
      %lt3A_2964 = vector.broadcast %add3A_2963 : i32 to vector<16xi32>
      %lt3A_2965 = arith.cmpi slt, %get3A_2959, %lt3A_2964 : vector<16xi32>
      %and3A_2966 = arith.andi %ge3A_2961, %lt3A_2965 : vector<16xi1>
      %sub3A_2967 = vector.broadcast %mul3A_2884 : i32 to vector<16xi32>
      %sub3A_2968 = arith.subi %get3A_2959, %sub3A_2967 : vector<16xi32>
      %jit3A_2969 = arith.constant 0 : i32
      %broadcast_in_dim3A_2970 = vector.broadcast %jit3A_2969 : i32 to vector<16xi32>
      %select_n3A_2971 = arith.select %and3A_2966, %sub3A_2968, %broadcast_in_dim3A_2970 : vector<16xi1>, vector<16xi32>
      %add3A_2972 = arith.constant 64 : i32
      %add3A_2973 = vector.broadcast %add3A_2972 : i32 to vector<16xi32>
      %add3A_2974 = arith.addi %iota3A, %add3A_2973 : vector<16xi32>
      tpu.vector_store_idx %arg9[%select_n3A_2971, %add3A_2974], %broadcast_in_dim3A_8 masked %and3A_2966 : memref<200x128xf32, #tpu.memory_space<vmem>>[vector<16xi32>, vector<16xi32>], vector<16xf32>, vector<16xi1>
      %get3A_2975 = arith.index_cast %select_n3A_2866 : i32 to index
      %get3A_2976 = arith.constant 80 : index
      %get3A_2977 = tpu.vector_load %arg4[%get3A_2975, %get3A_2976] {strides = array<i32>} : memref<20x128xi32, #tpu.memory_space<vmem>>, vector<16xi32>,
      %ge3A_2978 = vector.broadcast %mul3A_2884 : i32 to vector<16xi32>
      %ge3A_2979 = arith.cmpi sge, %get3A_2977, %ge3A_2978 : vector<16xi32>
      %add3A_2980 = arith.constant 200 : i32
      %add3A_2981 = arith.addi %mul3A_2884, %add3A_2980 : i32
      %lt3A_2982 = vector.broadcast %add3A_2981 : i32 to vector<16xi32>
      %lt3A_2983 = arith.cmpi slt, %get3A_2977, %lt3A_2982 : vector<16xi32>
      %and3A_2984 = arith.andi %ge3A_2979, %lt3A_2983 : vector<16xi1>
      %sub3A_2985 = vector.broadcast %mul3A_2884 : i32 to vector<16xi32>
      %sub3A_2986 = arith.subi %get3A_2977, %sub3A_2985 : vector<16xi32>
      %jit3A_2987 = arith.constant 0 : i32
      %broadcast_in_dim3A_2988 = vector.broadcast %jit3A_2987 : i32 to vector<16xi32>
      %select_n3A_2989 = arith.select %and3A_2984, %sub3A_2986, %broadcast_in_dim3A_2988 : vector<16xi1>, vector<16xi32>
      %add3A_2990 = arith.constant 80 : i32
      %add3A_2991 = vector.broadcast %add3A_2990 : i32 to vector<16xi32>
      %add3A_2992 = arith.addi %iota3A, %add3A_2991 : vector<16xi32>
      tpu.vector_store_idx %arg9[%select_n3A_2989, %add3A_2992], %broadcast_in_dim3A_8 masked %and3A_2984 : memref<200x128xf32, #tpu.memory_space<vmem>>[vector<16xi32>, vector<16xi32>], vector<16xf32>, vector<16xi1>
      %get3A_2993 = arith.index_cast %select_n3A_2866 : i32 to index
      %get3A_2994 = arith.constant 96 : index
      %get3A_2995 = tpu.vector_load %arg4[%get3A_2993, %get3A_2994] {strides = array<i32>} : memref<20x128xi32, #tpu.memory_space<vmem>>, vector<16xi32>,
      %ge3A_2996 = vector.broadcast %mul3A_2884 : i32 to vector<16xi32>
      %ge3A_2997 = arith.cmpi sge, %get3A_2995, %ge3A_2996 : vector<16xi32>
      %add3A_2998 = arith.constant 200 : i32
      %add3A_2999 = arith.addi %mul3A_2884, %add3A_2998 : i32
      %lt3A_3000 = vector.broadcast %add3A_2999 : i32 to vector<16xi32>
      %lt3A_3001 = arith.cmpi slt, %get3A_2995, %lt3A_3000 : vector<16xi32>
      %and3A_3002 = arith.andi %ge3A_2997, %lt3A_3001 : vector<16xi1>
      %sub3A_3003 = vector.broadcast %mul3A_2884 : i32 to vector<16xi32>
      %sub3A_3004 = arith.subi %get3A_2995, %sub3A_3003 : vector<16xi32>
      %jit3A_3005 = arith.constant 0 : i32
      %broadcast_in_dim3A_3006 = vector.broadcast %jit3A_3005 : i32 to vector<16xi32>
      %select_n3A_3007 = arith.select %and3A_3002, %sub3A_3004, %broadcast_in_dim3A_3006 : vector<16xi1>, vector<16xi32>
      %add3A_3008 = arith.constant 96 : i32
      %add3A_3009 = vector.broadcast %add3A_3008 : i32 to vector<16xi32>
      %add3A_3010 = arith.addi %iota3A, %add3A_3009 : vector<16xi32>
      tpu.vector_store_idx %arg9[%select_n3A_3007, %add3A_3010], %broadcast_in_dim3A_8 masked %and3A_3002 : memref<200x128xf32, #tpu.memory_space<vmem>>[vector<16xi32>, vector<16xi32>], vector<16xf32>, vector<16xi1>
      %get3A_3011 = arith.index_cast %select_n3A_2866 : i32 to index
      %get3A_3012 = arith.constant 112 : index
      %get3A_3013 = tpu.vector_load %arg4[%get3A_3011, %get3A_3012] {strides = array<i32>} : memref<20x128xi32, #tpu.memory_space<vmem>>, vector<16xi32>,
      %ge3A_3014 = vector.broadcast %mul3A_2884 : i32 to vector<16xi32>
      %ge3A_3015 = arith.cmpi sge, %get3A_3013, %ge3A_3014 : vector<16xi32>
      %add3A_3016 = arith.constant 200 : i32
      %add3A_3017 = arith.addi %mul3A_2884, %add3A_3016 : i32
      %lt3A_3018 = vector.broadcast %add3A_3017 : i32 to vector<16xi32>
      %lt3A_3019 = arith.cmpi slt, %get3A_3013, %lt3A_3018 : vector<16xi32>
      %and3A_3020 = arith.andi %ge3A_3015, %lt3A_3019 : vector<16xi1>
      %sub3A_3021 = vector.broadcast %mul3A_2884 : i32 to vector<16xi32>
      %sub3A_3022 = arith.subi %get3A_3013, %sub3A_3021 : vector<16xi32>
      %jit3A_3023 = arith.constant 0 : i32
      %broadcast_in_dim3A_3024 = vector.broadcast %jit3A_3023 : i32 to vector<16xi32>
      %select_n3A_3025 = arith.select %and3A_3020, %sub3A_3022, %broadcast_in_dim3A_3024 : vector<16xi1>, vector<16xi32>
      %add3A_3026 = arith.constant 112 : i32
      %add3A_3027 = vector.broadcast %add3A_3026 : i32 to vector<16xi32>
      %add3A_3028 = arith.addi %iota3A, %add3A_3027 : vector<16xi32>
      tpu.vector_store_idx %arg9[%select_n3A_3025, %add3A_3028], %broadcast_in_dim3A_8 masked %and3A_3020 : memref<200x128xf32, #tpu.memory_space<vmem>>[vector<16xi32>, vector<16xi32>], vector<16xf32>, vector<16xi1>
      %jit3A_3029 = arith.constant 5 : i32
      %div3A_3030 = arith.divsi %add3A_2645, %jit3A_3029 : i32
      %sign3A_3031 = arith.constant 0 : i32
      %sign3A_3032 = arith.cmpi sgt, %add3A_2645, %sign3A_3031 : i32
      %sign3A_3033 = arith.extui %sign3A_3032 : i1 to i32
      %sign3A_3034 = arith.constant 0 : i32
      %sign3A_3035 = arith.cmpi slt, %add3A_2645, %sign3A_3034 : i32
      %sign3A_3036 = arith.extui %sign3A_3035 : i1 to i32
      %sign3A_3037 = arith.subi %sign3A_3033, %sign3A_3036 : i32
      %sign3A_3038 = arith.constant 0 : i32
      %sign3A_3039 = arith.cmpi sgt, %jit3A_3029, %sign3A_3038 : i32
      %sign3A_3040 = arith.extui %sign3A_3039 : i1 to i32
      %sign3A_3041 = arith.constant 0 : i32
      %sign3A_3042 = arith.cmpi slt, %jit3A_3029, %sign3A_3041 : i32
      %sign3A_3043 = arith.extui %sign3A_3042 : i1 to i32
      %sign3A_3044 = arith.subi %sign3A_3040, %sign3A_3043 : i32
      %ne3A_3045 = arith.cmpi ne, %sign3A_3037, %sign3A_3044 : i32
      %rem3A_3046 = arith.remsi %add3A_2645, %jit3A_3029 : i32
      %ne3A_3047 = arith.constant 0 : i32
      %ne3A_3048 = arith.cmpi ne, %rem3A_3046, %ne3A_3047 : i32
      %and3A_3049 = arith.andi %ne3A_3045, %ne3A_3048 : i1
      %sub3A_3050 = arith.constant 1 : i32
      %sub3A_3051 = arith.subi %div3A_3030, %sub3A_3050 : i32
      %select_n3A_3052 = arith.select %and3A_3049, %sub3A_3051, %div3A_3030 : i32
      %jit3A_3053 = arith.constant 5 : i32
      %eq3A_3054 = arith.constant 0 : i32
      %eq3A_3055 = arith.cmpi eq, %jit3A_3053, %eq3A_3054 : i32
      %jit3A_3056 = arith.constant 1 : i32
      %select_n3A_3057 = arith.select %eq3A_3055, %jit3A_3056, %jit3A_3053 : i32
      %rem3A_3058 = arith.remsi %add3A_2645, %select_n3A_3057 : i32
      %ne3A_3059 = arith.constant 0 : i32
      %ne3A_3060 = arith.cmpi ne, %rem3A_3058, %ne3A_3059 : i32
      %lt3A_3061 = arith.constant 0 : i32
      %lt3A_3062 = arith.cmpi slt, %rem3A_3058, %lt3A_3061 : i32
      %lt3A_3063 = arith.constant 0 : i32
      %lt3A_3064 = arith.cmpi slt, %select_n3A_3057, %lt3A_3063 : i32
      %ne3A_3065 = arith.xori %lt3A_3062, %lt3A_3064 : i1
      %and3A_3066 = arith.andi %ne3A_3065, %ne3A_3060 : i1
      %add3A_3067 = arith.addi %rem3A_3058, %select_n3A_3057 : i32
      %select_n3A_3068 = arith.select %and3A_3066, %add3A_3067, %rem3A_3058 : i32
      %mul3A_3069 = arith.constant 200 : i32
      %mul3A_3070 = arith.muli %select_n3A_3068, %mul3A_3069 : i32
      %dma_start3A_3071 = tpu.memref_slice %arg3[%select_n3A_3052, %mul3A_3070, %mul3A_2] : memref<20x1000x4096xf32, #tpu.memory_space<hbm>> -> memref<1x200x128xf32, #tpu.memory_space<hbm>>
      %dma_start3A_3072 = tpu.memref_squeeze %dma_start3A_3071 : memref<1x200x128xf32, #tpu.memory_space<hbm>> -> memref<200x128xf32, #tpu.memory_space<hbm>>
      %dma_start3A_3073 = tpu.memref_slice %arg3[%select_n3A_3052, %mul3A_3070, %mul3A_2] : memref<20x1000x4096xf32, #tpu.memory_space<hbm>> -> memref<1x200x128xf32, #tpu.memory_space<hbm>>
      %dma_start3A_3074 = tpu.memref_squeeze %dma_start3A_3073 : memref<1x200x128xf32, #tpu.memory_space<hbm>> -> memref<200x128xf32, #tpu.memory_space<hbm>>
      tpu.enqueue_dma source(%arg9 : memref<200x128xf32, #tpu.memory_space<vmem>>) target(%dma_start3A_3074 : memref<200x128xf32, #tpu.memory_space<hbm>>) target_semaphore(%arg14 : memref<!tpu.dma_semaphore, #tpu.memory_space<semaphore_mem>>)
    }
    %scan3A_874 = arith.constant 19 : i32
    %dma_wait3A_875 = arith.constant 0 : i32
    %dma_wait3A_876 = arith.constant 0 : i32
    %dma_wait3A_877 = arith.constant 0 : i32
    %dma_wait3A_878 = tpu.memref_slice %arg3[%dma_wait3A_875, %dma_wait3A_876, %dma_wait3A_877] : memref<20x1000x4096xf32, #tpu.memory_space<hbm>> -> memref<1x200x128xf32, #tpu.memory_space<hbm>>
    %dma_wait3A_879 = tpu.memref_squeeze %dma_wait3A_878 : memref<1x200x128xf32, #tpu.memory_space<hbm>> -> memref<200x128xf32, #tpu.memory_space<hbm>>
    %dma_wait3A_880 = arith.constant 0 : i32
    %dma_wait3A_881 = arith.constant 0 : i32
    %dma_wait3A_882 = tpu.memref_slice %arg3[%dma_wait3A_875, %dma_wait3A_880, %dma_wait3A_881] : memref<20x1000x4096xf32, #tpu.memory_space<hbm>> -> memref<1x200x128xf32, #tpu.memory_space<hbm>>
    %dma_wait3A_883 = tpu.memref_squeeze %dma_wait3A_882 : memref<1x200x128xf32, #tpu.memory_space<hbm>> -> memref<200x128xf32, #tpu.memory_space<hbm>>
    tpu.wait_dma2 semaphore(%arg10 : memref<!tpu.dma_semaphore, #tpu.memory_space<semaphore_mem>>) src(%arg5 : memref<200x128xf32, #tpu.memory_space<vmem>>) dst(%dma_wait3A_883 : memref<200x128xf32, #tpu.memory_space<hbm>>)
    %dma_wait3A_884 = arith.constant 0 : i32
    %dma_wait3A_885 = arith.constant 0 : i32
    %dma_wait3A_886 = arith.constant 0 : i32
    %dma_wait3A_887 = tpu.memref_slice %arg3[%dma_wait3A_884, %dma_wait3A_885, %dma_wait3A_886] : memref<20x1000x4096xf32, #tpu.memory_space<hbm>> -> memref<1x200x128xf32, #tpu.memory_space<hbm>>
    %dma_wait3A_888 = tpu.memref_squeeze %dma_wait3A_887 : memref<1x200x128xf32, #tpu.memory_space<hbm>> -> memref<200x128xf32, #tpu.memory_space<hbm>>
    %dma_wait3A_889 = arith.constant 0 : i32
    %dma_wait3A_890 = arith.constant 0 : i32
    %dma_wait3A_891 = tpu.memref_slice %arg3[%dma_wait3A_884, %dma_wait3A_889, %dma_wait3A_890] : memref<20x1000x4096xf32, #tpu.memory_space<hbm>> -> memref<1x200x128xf32, #tpu.memory_space<hbm>>
    %dma_wait3A_892 = tpu.memref_squeeze %dma_wait3A_891 : memref<1x200x128xf32, #tpu.memory_space<hbm>> -> memref<200x128xf32, #tpu.memory_space<hbm>>
    tpu.wait_dma2 semaphore(%arg11 : memref<!tpu.dma_semaphore, #tpu.memory_space<semaphore_mem>>) src(%arg6 : memref<200x128xf32, #tpu.memory_space<vmem>>) dst(%dma_wait3A_892 : memref<200x128xf32, #tpu.memory_space<hbm>>)
    %dma_wait3A_893 = arith.constant 0 : i32
    %dma_wait3A_894 = arith.constant 0 : i32
    %dma_wait3A_895 = arith.constant 0 : i32
    %dma_wait3A_896 = tpu.memref_slice %arg3[%dma_wait3A_893, %dma_wait3A_894, %dma_wait3A_895] : memref<20x1000x4096xf32, #tpu.memory_space<hbm>> -> memref<1x200x128xf32, #tpu.memory_space<hbm>>
    %dma_wait3A_897 = tpu.memref_squeeze %dma_wait3A_896 : memref<1x200x128xf32, #tpu.memory_space<hbm>> -> memref<200x128xf32, #tpu.memory_space<hbm>>
    %dma_wait3A_898 = arith.constant 0 : i32
    %dma_wait3A_899 = arith.constant 0 : i32
    %dma_wait3A_900 = tpu.memref_slice %arg3[%dma_wait3A_893, %dma_wait3A_898, %dma_wait3A_899] : memref<20x1000x4096xf32, #tpu.memory_space<hbm>> -> memref<1x200x128xf32, #tpu.memory_space<hbm>>
    %dma_wait3A_901 = tpu.memref_squeeze %dma_wait3A_900 : memref<1x200x128xf32, #tpu.memory_space<hbm>> -> memref<200x128xf32, #tpu.memory_space<hbm>>
    tpu.wait_dma2 semaphore(%arg12 : memref<!tpu.dma_semaphore, #tpu.memory_space<semaphore_mem>>) src(%arg7 : memref<200x128xf32, #tpu.memory_space<vmem>>) dst(%dma_wait3A_901 : memref<200x128xf32, #tpu.memory_space<hbm>>)
    %dma_wait3A_902 = arith.constant 0 : i32
    %dma_wait3A_903 = arith.constant 0 : i32
    %dma_wait3A_904 = arith.constant 0 : i32
    %dma_wait3A_905 = tpu.memref_slice %arg3[%dma_wait3A_902, %dma_wait3A_903, %dma_wait3A_904] : memref<20x1000x4096xf32, #tpu.memory_space<hbm>> -> memref<1x200x128xf32, #tpu.memory_space<hbm>>
    %dma_wait3A_906 = tpu.memref_squeeze %dma_wait3A_905 : memref<1x200x128xf32, #tpu.memory_space<hbm>> -> memref<200x128xf32, #tpu.memory_space<hbm>>
    %dma_wait3A_907 = arith.constant 0 : i32
    %dma_wait3A_908 = arith.constant 0 : i32
    %dma_wait3A_909 = tpu.memref_slice %arg3[%dma_wait3A_902, %dma_wait3A_907, %dma_wait3A_908] : memref<20x1000x4096xf32, #tpu.memory_space<hbm>> -> memref<1x200x128xf32, #tpu.memory_space<hbm>>
    %dma_wait3A_910 = tpu.memref_squeeze %dma_wait3A_909 : memref<1x200x128xf32, #tpu.memory_space<hbm>> -> memref<200x128xf32, #tpu.memory_space<hbm>>
    tpu.wait_dma2 semaphore(%arg13 : memref<!tpu.dma_semaphore, #tpu.memory_space<semaphore_mem>>) src(%arg8 : memref<200x128xf32, #tpu.memory_space<vmem>>) dst(%dma_wait3A_910 : memref<200x128xf32, #tpu.memory_space<hbm>>)
    %dma_wait3A_911 = arith.constant 0 : i32
    %dma_wait3A_912 = arith.constant 0 : i32
    %dma_wait3A_913 = arith.constant 0 : i32
    %dma_wait3A_914 = tpu.memref_slice %arg3[%dma_wait3A_911, %dma_wait3A_912, %dma_wait3A_913] : memref<20x1000x4096xf32, #tpu.memory_space<hbm>> -> memref<1x200x128xf32, #tpu.memory_space<hbm>>
    %dma_wait3A_915 = tpu.memref_squeeze %dma_wait3A_914 : memref<1x200x128xf32, #tpu.memory_space<hbm>> -> memref<200x128xf32, #tpu.memory_space<hbm>>
    %dma_wait3A_916 = arith.constant 0 : i32
    %dma_wait3A_917 = arith.constant 0 : i32
    %dma_wait3A_918 = tpu.memref_slice %arg3[%dma_wait3A_911, %dma_wait3A_916, %dma_wait3A_917] : memref<20x1000x4096xf32, #tpu.memory_space<hbm>> -> memref<1x200x128xf32, #tpu.memory_space<hbm>>
    %dma_wait3A_919 = tpu.memref_squeeze %dma_wait3A_918 : memref<1x200x128xf32, #tpu.memory_space<hbm>> -> memref<200x128xf32, #tpu.memory_space<hbm>>
    tpu.wait_dma2 semaphore(%arg14 : memref<!tpu.dma_semaphore, #tpu.memory_space<semaphore_mem>>) src(%arg9 : memref<200x128xf32, #tpu.memory_space<vmem>>) dst(%dma_wait3A_919 : memref<200x128xf32, #tpu.memory_space<hbm>>)
    return
  }
}

</mosaic_0001>

<sc_bundles>
// kernel: kernel.3.cloned.1.call-start
scs
__scs_entry_jumppad:
0x0: {  	(pc) =	sbr.rel $0x88, $3  }
0x1: {  	(tag) =	ssettag $0x0;
	lr =	simm.s32 $0x1  }
0x2: {  	[smem:$0x3FA0] =	sst lr;
	_ =	strace $0xD0000000  }
0x3: {  	_ = 	snop  }
0x4: {  	_ = 	snop  }
0x5: {  	_ = 	snop  }
0x6: {  	_ = 	snop  }
0x7: {  	_ = 	snop  }
__scs_overlays_trampoline_lowered:
0x8: {  	[smem:$0x3FAF] =	sst s0  }
0x9: {  	[smem:$0x3FB0] =	sst s1  }
0xa: {  	[smem:$0x3FB1] =	sst s2  }
0xb: {  	[smem:$0x3FB2] =	sst s3  }
0xc: {  	[smem:$0x3FB3] =	sst s4  }
0xd: {  	[smem:$0x3FB4] =	sst s5  }
0xe: {  	[smem:$0x3FB5] =	sst s6  }
0xf: {  	[smem:$0x3FB6] =	sst s7  }
0x10: {  	[smem:$0x3FB7] =	sst s8  }
0x11: {  	[smem:$0x3FB8] =	sst s9;
	s0 =	simm.s32 @!p0 $0x0  }
0x12: {  	s1 =	sld [smem:$0x3F9E];
	s0 =	simm.s32 @p0 $0x1  }
0x13: {  	[smem:$0x3FB9] =	sst s0;
	s0 =	simm.s32 @!p1 $0x0  }
0x14: {  	s2 =	sld [smem:$0x3F9D];
	s0 =	simm.s32 @p1 $0x1  }
0x15: {  	[smem:$0x3FBA] =	sst s0;
	s0 =	simm.s32 @!p2 $0x0  }
0x16: {  	s3 =	sld [smem:$0x3FDB];
	s0 =	simm.s32 @p2 $0x1  }
0x17: {  	s4 =	simm.s32 $0x1BF5;
	[smem:$0x3FBC] =	sst s0  }
0x18: {  	s0 =	sld [smem:$0x3F9F];
	_ =	swait.ge [sflag:s4], $0x0  }
0x19: {  	s7 =	sld [smem:$0x3FA0]  }
0x1a: {  	s8 =	sadd.s32 $0xFFFFE003, lr  }
0x1b: {  	s9 =	sadd.s32 $0xFFFFFEF7, lr;
	s5 =	simm.s32 $0xFFFFFFFF;
	p2 =	slt.u32 s8, $0xFFFFF086  }
0x1c: {  	p1 =	slt.u32 s9, $0xF7A;
	s5 =	simm.s32 @!p2 $0x0  }
0x1d: {  	s5 =	simm.s32 @p1 $0x1;
	p0 =	seq.s32 s7, s2  }
0x1e: {  	s7 =	smul.u32 @!p0 $0xF7A, s2;
	p2 =	seq.s32 @!p0 s5, $0x0  }
0x1f: {  	s9 =	smul.u32 $0xF7A, s1;
	s8 =	simm.s32 @!p0 $0x1BF5;
	p2 =	por !p2, p0  }
0x20: {  	[sflag:s8] =	ssyncset.s32 @!p0 $0xFFFFF086;
	s6 =	sadd.s32 @!p0 s3, s7;
	s7 =	simm.s32 @!p0 $0x108  }
0x21: {  	s3 =	sadd.s32 s3, s9;
	s6 =	sadd.s32 @!p0 $0x88, s6;
	s7 =	simm.s32 @p2 $0x1082  }
0x22: {  	[simem:s7], [sflag:s8] =	dma.local @!p0 [hbm:s6], $0xF7A  }
0x23: {  	s9 =	sor.u32 $0xD0000000, s2;
	s6 =	simm.s32 $0x108;
	_ =	swait.ge @!p0 [sflag:s8], $0x0  }
0x24: {  	s3 =	sadd.s32 $0x88, s3;
	s6 =	simm.s32 @!p1 $0x1082;
	[sflag:s4] =	ssyncset.s32 $0xFFFFF086  }
0x25: {  	[simem:s6], [sflag:s4] =	dma.local [hbm:s3], $0xF7A  }
0x26: {  	[smem:$0x3FA0] =	sst s1;
	(tag) =	ssettag s2;
	_ =	strace s9  }
0x27: {  	s1 =	sld [smem:$0x3FB0]  }
0x28: {  	s2 =	sld [smem:$0x3FB1]  }
0x29: {  	s4 =	sld [smem:$0x3FB3]  }
0x2a: {  	p0 =	seq.s32 s5, $0x0;
	s5 =	sld [smem:$0x3FB4]  }
0x2b: {  	s6 =	sld [smem:$0x3FB5]  }
0x2c: {  	s7 =	sld [smem:$0x3FB6]  }
0x2d: {  	s3 =	simm.s32 $0x108;
	s8 =	sld [smem:$0x3FB7]  }
0x2e: {  	s3 =	simm.s32 @!p0 $0x1082;
	s9 =	sld [smem:$0x3FB8]  }
0x2f: {  	lr =	sadd.s32 s0, s3;
	s0 =	sld [smem:$0x3FAF]  }
0x30: {  	s3 =	sld [smem:$0x3FB2]  }
0x31: {  	[smem:$0x3FBB] =	sst s10  }
0x32: {  	s10 =	sld [smem:$0x3FB9];
	_ =	sdelay $0x3  }
0x33: {  	p0 =	seq.s32 s10, $0x1;
	s10 =	sld [smem:$0x3FBB];
	_ =	sdelay $0x3  }
0x34: {  	[smem:$0x3FBB] =	sst s10  }
0x35: {  	s10 =	sld [smem:$0x3FBA];
	_ =	sdelay $0x3  }
0x36: {  	p1 =	seq.s32 s10, $0x1;
	s10 =	sld [smem:$0x3FBB];
	_ =	sdelay $0x3  }
0x37: {  	[smem:$0x3FBB] =	sst s10  }
0x38: {  	s10 =	sld [smem:$0x3FBC]  }
0x39: {  	_ = 	snop;
	(pc) =	sbr.ind lr, $3  }
0x3a: {  	_ = 	snop  }
0x3b: {  	_ = 	snop  }
0x3c: {  	p2 =	seq.s32 s10, $0x1;
	s10 =	sld [smem:$0x3FBB]  }
0x3d: {  	_ =	shalt  }
0x3e: {  	_ =	shalt  }
0x3f: {  	_ =	shalt  }
0x40: {  	_ =	shalt  }
0x41: {  	_ =	shalt  }
0x42: {  	_ =	shalt  }
0x43: {  	_ =	shalt  }
0x44: {  	_ =	shalt  }
0x45: {  	_ =	shalt  }
0x46: {  	_ =	shalt  }
0x47: {  	_ =	shalt  }
0x48: {  	_ =	shalt  }
0x49: {  	_ =	shalt  }
0x4a: {  	_ =	shalt  }
0x4b: {  	_ =	shalt  }
0x4c: {  	_ =	shalt  }
0x4d: {  	_ =	shalt  }
0x4e: {  	_ =	shalt  }
0x4f: {  	_ =	shalt  }
0x50: {  	_ =	shalt  }
0x51: {  	_ =	shalt  }
0x52: {  	_ =	shalt  }
0x53: {  	_ =	shalt  }
0x54: {  	_ =	shalt  }
0x55: {  	_ =	shalt  }
0x56: {  	_ =	shalt  }
0x57: {  	_ =	shalt  }
0x58: {  	_ =	shalt  }
0x59: {  	_ =	shalt  }
0x5a: {  	_ =	shalt  }
0x5b: {  	_ =	shalt  }
0x5c: {  	_ =	shalt  }
0x5d: {  	_ =	shalt  }
0x5e: {  	_ =	shalt  }
0x5f: {  	_ =	shalt  }
0x60: {  	_ =	shalt  }
0x61: {  	_ =	shalt  }
0x62: {  	_ =	shalt  }
0x63: {  	_ =	shalt  }
0x64: {  	_ =	shalt  }
0x65: {  	_ =	shalt  }
0x66: {  	_ =	shalt  }
0x67: {  	_ =	shalt  }
0x68: {  	_ =	shalt  }
0x69: {  	_ =	shalt  }
0x6a: {  	_ =	shalt  }
0x6b: {  	_ =	shalt  }
0x6c: {  	_ =	shalt  }
0x6d: {  	_ =	shalt  }
0x6e: {  	_ =	shalt  }
0x6f: {  	_ =	shalt  }
0x70: {  	_ =	shalt  }
0x71: {  	_ =	shalt  }
0x72: {  	_ =	shalt  }
0x73: {  	_ =	shalt  }
0x74: {  	_ =	shalt  }
0x75: {  	_ =	shalt  }
0x76: {  	_ =	shalt  }
0x77: {  	_ =	shalt  }
0x78: {  	_ =	shalt  }
0x79: {  	_ =	shalt  }
0x7a: {  	_ =	shalt  }
0x7b: {  	_ =	shalt  }
0x7c: {  	_ =	shalt  }
0x7d: {  	_ =	shalt  }
0x7e: {  	_ =	shalt  }
0x7f: {  	_ =	shalt  }
0x80: {  	_ =	shalt  }
0x81: {  	_ =	shalt  }
0x82: {  	_ =	shalt  }
0x83: {  	_ =	shalt  }
0x84: {  	_ =	shalt  }
0x85: {  	_ =	shalt  }
0x86: {  	_ =	shalt  }
0x87: {  	_ =	shalt  }
.Lfunc_end0:
.L_simem_size_0:
called_computation_lowered:
.L_overlay_start_0:
0x88: {  	s2 =	sld [smem:$0x3FD9]  }
0x89: {  	s3 =	sld [smem:$0x3FFE];
	_ =	sdelay $0x1  }
0x8a: {  	s1 =	srdreg.scid  }
0x8b: {  	s0 =	sand.u32 $0x1, s1  }
0x8c: {  	s18 =	sshll.u32 s0, $0xA;
	s2 =	sadd.s32 s3, s2  }
0x8d: {  	s2 =	sadd.s32 s2, s18  }
0x8e: {  	[smem:$0x3FC7] =	sst s2  }
0x8f: {  	_ = 	snop  }
0x90: {  	s2 =	sld [smem:$0x3FC9]  }
0x91: {  	s19 =	sld [smem:$0x3FD0];
	(tm) =	ssettm $0x1  }
0x92: {  	s4 =	sld [smem:$0x3FFB];
	_ =	sdelay $0x3  }
0x93: {  	_ =	strace s4  }
0x94: {  	s4 =	sld [smem:$0x3FFC];
	_ =	sdelay $0x3  }
0x95: {  	_ =	strace s4  }
0x96: {  	s4 =	sld [smem:$0x3FFD];
	_ =	sdelay $0x3  }
0x97: {  	_ =	strace s4  }
0x98: {  	_ =	strace $0x8FFFFFFF  }
0x99: {  	s20 =	sld [smem:$0x3FDB];
	_ =	sdelay $0x1  }
0x9a: {  	s5 =	simm.s32 $_scs_section_size  }
0x9b: {  	s6 =	simm.s32 $_size__tile_overlayer_lowered;
	s7 =	simm.s32 $_tile_overlayer_lowered  }
0x9c: {  	s23 =	simm.s32 $0x1BFF;
	s22 =	sshll.u32 s7, $0x1;
	s4 =	sadd.s32 s5, s20  }
0x9d: {  	s8 =	simm.s32 $0x0;
	s21 =	sshll.u32 s6, $0x1;
	s6 =	sadd.s32 s22, s4  }
0x9e: {  	[timem:s8], [sflag:s23] =	dma.local [hbm:s6], s21  }
0x9f: {  	_ =	swait.ge [sflag:s23], s21  }
0xa0: {  	s5 =	ssub.s32 $0x0, s21;
	[sflag:s23] =	ssyncset.done $0x0  }
0xa1: {  	[sflag:s23] =	ssyncadd.s32 s5;
	_ =	sdelay $0x1  }
0xa2: {  	s24 =	simm.s32 $0x1B8B  }
0xa3: {  	_ =	swait.ge [sflag:s24], $0x1  }
0xa4: {  	[sflag:s24] =	ssyncset.done $0x0  }
0xa5: {  	s25 =	simm.s32 $0x1B8E;
	[sflag:s24] =	ssyncadd.s32 $0xFFFFFFFF  }
0xa6: {  	s26 =	simm.s32 $execute0_lowered;
	[smem:$0x3FD2] =	sst s25  }
0xa7: {  	s5 =	sshll.u32 s26, $0x1;
	_ =	strace $0x80000046;
	[dreg:$0x1] =	wrdreg $0xFFFFFFFF  }
0xa8: {  	s28 =	simm.s32 $_size_execute0_lowered;
	s4 =	sadd.s32 s4, s5;
	[dreg:$0x0] =	wrdreg $0x0  }
0xa9: {  	s5 =	sshll.u32 s28, $0x1;
	[dreg:$0x2] =	wrdreg s4  }
0xaa: {  	[dreg:$0x3] =	wrdreg s5  }
0xab: {  	[dreg:$0x4] =	wrdreg $0xC0  }
0xac: {  	_ =	task [dreg:s8], $0x5FFFF  }
0xad: {  	[dreg:$0x1] =	wrdreg $0xFFFFFFFF  }
0xae: {  	[dreg:$0x0] =	wrdreg $0x60  }
0xaf: {  	[dreg:$0x2] =	wrdreg s2  }
0xb0: {  	[dreg:$0x3] =	wrdreg s19  }
0xb1: {  	[dreg:$0x4] =	wrdreg $0x9  }
0xb2: {  	_ =	task.clear_ibuf [dreg:s8], $0x5FFFF;
	_ =	strace $0x90000046  }
0xb3: {  	s29 =	simm.s32 $0x9;
	_ =	strace $0x80000048  }
0xb4: {  	_ =	swait.ge [sflag:s29], $0x1  }
0xb5: {  	[sflag:s29] =	ssyncadd.s32 $0xFFFFFFFF  }
0xb6: {  	_ =	strace $0x90000048  }
0xb7: {  	_ =	sfence  }
0xb8: {  	s30 =	sld [smem:$0x0];
	_ =	sdelay $0x2  }
0xb9: {  	s31 =	sshll.u32 s1, $0xD;
	s1 =	sshrl.u32 s1, $0x2  }
0xba: {  	s3 =	sand.u32 $0x4000, s31;
	s1 =	sadd.s32 s1, s30  }
0xbb: {  	s0 =	sor.u32 s3, s0;
	s1 =	sshll.u32 s1, $0x11  }
0xbc: {  	s0 =	sor.u32 s1, s0  }
0xbd: {  	s0 =	sadd.s32 $0x8F2B, s0  }
0xbe: {  	[sflag:s0] =	ssyncadd.remote.s32 $0x1  }
0xbf: {  	_ =	sfence.sel $0xFFFF  }
0xc0: {  	[dreg:$0x0] =	wrdreg $0xFFFFFFFF;
	(pc) =	sbr.abs _section_cstart, $3  }
0xc1: {  	[dreg:$0x1] =	wrdreg $0xFFFFFFFF  }
0xc2: {  	_ =	task.clear_ibuf [dreg:s8], $0x2FFFF;
	_ =	strace $0x9FFFFFFF  }
0xc3: {  	(tm) =	ssettm $0x7FFFFFFF  }
tec
execute0_lowered:
.L_overlay_start_1:
0x0: {  	(tag) =	ssettag $0x1  }
0x1: {  	s0 =	rddreg [dreg:$0x0];
	s1 =	srdreg.scid  }
0x2: {  	s2 =	rddreg [dreg:$0x1];
	s3 =	stileid.u32  }
0x3: {  	s5 =	simm.s32 $0x0;
	s13 =	simm.s32 $0x400;
	s14 =	simm.s32 $0x8000  }
0x4: {  	s16 =	simm.s32 $0x6;
	s17 =	simm.s32 $0xC00;
	s18 =	simm.s32 $0x7000  }
0x5: {  	s19 =	simm.s32 $0xD400;
	s20 =	simm.s32 $0x13800;
	s21 =	simm.s32 $0x19C00  }
0x6: {  	v0 =	vimm.f32 $0.0e+00;
	v1 =	vlaneseq.u32;
	v2 =	vimm.f32 $1.000000000e+00;
	s22 =	simm.s32 $0x1;
	s23 =	simm.s32 $0x2;
	s1 =	sand.u32 $0x1, s1  }
0x7: {  	s28 =	simm.s32 $0x0;
	s3 =	sshll.u32 s3, $0xB;
	v3 =	vor.u32 $0x10, v1;
	v4 =	vor.u32 $0x20, v1;
	v5 =	vor.u32 $0x30, v1;
	s4 =	sshll.u32 s1, $0xA  }
0x8: {  	[smem:$0x7FF] =	sst s5;
	v6 =	vor.u32 $0x40, v1;
	v7 =	vor.u32 $0x50, v1;
	v8 =	vor.u32 $0x60, v1;
	s1 =	ssub.s32 $0x2, s1;
	s3 =	sor.u32 s4, s3  }
0x9: {  	v9 =	vor.u32 $0x70, v1;
	v10 =	vor.u32 $0xFFFF9C00, v1;
	v11 =	vor.u32 $0xFFFF9C10, v1;
	_ =	strace $0x80000047;
	s24 =	sshrl.u32 s1, $0x1;
	s6 =	sshrl.u32 s3, $0x3  }
0xa: {  	v12 =	vor.u32 $0xFFFF9C20, v1;
	v13 =	vor.u32 $0xFFFF9C30, v1;
	v14 =	vor.u32 $0xFFFF9C40, v1;
	s1 =	ssub.s32 s1, s24;
	s25 =	sor.u32 $0x4B0000, s3;
	s10 =	sor.u32 $0x578000, s3  }
0xb: {  	v15 =	vor.u32 $0xFFFF9C50, v1;
	v16 =	vor.u32 $0xFFFF9C60, v1;
	v17 =	vor.u32 $0xFFFF9C70, v1;
	s29 =	sor.u32 $0x640000, s3;
	s11 =	sor.u32 $0x708000, s3;
	s12 =	sor.u32 $0x3E8000, s3  }
0xc: {  	v18 =	vor.u32 $0xFFFF3800, v1;
	v19 =	vor.u32 $0xFFFF3810, v1;
	v20 =	vor.u32 $0xFFFF3820, v1;
	s24 =	simm.s32 $0x3;
	s4 =	sadd.s32 s0, s6;
	s6 =	sadd.s32 s2, s6  }
0xd: {  	v21 =	vor.u32 $0xFFFF3830, v1;
	v22 =	vor.u32 $0xFFFF3840, v1;
	v23 =	vor.u32 $0xFFFF3850, v1;
	s26 =	sshrl.u32 s10, $0x3;
	s10 =	sshrl.u32 s29, $0x3;
	s11 =	sshrl.u32 s11, $0x3  }
0xe: {  	v24 =	vor.u32 $0xFFFF3860, v1;
	v25 =	vor.u32 $0xFFFF3870, v1;
	v26 =	vor.u32 $0xFFFED400, v1;
	s0 =	sadd.s32 $0x2000, s4;
	s7 =	sadd.s32 $0x19000, s6;
	s8 =	sadd.s32 $0x32000, s6  }
0xf: {  	v27 =	vor.u32 $0xFFFED410, v1;
	v28 =	vor.u32 $0xFFFED420, v1;
	v29 =	vor.u32 $0xFFFED430, v1;
	s9 =	sadd.s32 $0x4B000, s6;
	s30 =	sadd.s32 s10, s2;
	[dreg:$0x7] =	wrdreg s0  }
0x10: {  	v30 =	vor.u32 $0xFFFED440, v1;
	v31 =	vor.u32 $0xFFFED450, v1;
	v32 =	vor.u32 $0xFFFED460, v1;
	s31 =	sadd.s32 s11, s2;
	s0 =	sshrl.u32 s25, $0x3;
	[dreg:$0x5] =	wrdreg s30  }
0x11: {  	v33 =	vor.u32 $0xFFFED470, v1;
	v34 =	vor.u32 $0xFFFE7000, v1;
	v35 =	vor.u32 $0xFFFE7010, v1;
	s10 =	sadd.s32 $0x64000, s6;
	[dreg:$0x6] =	wrdreg s31;
	s0 =	sadd.s32 s0, s2  }
0x12: {  	v36 =	vor.u32 $0xFFFE7020, v1;
	v37 =	vor.u32 $0xFFFE7030, v1;
	v38 =	vor.u32 $0xFFFE7040, v1;
	s11 =	smax.u32 s1, $0x1;
	[dreg:$0x3] =	wrdreg s0;
	s0 =	sadd.s32 s26, s2  }
0x13: {  	v39 =	vor.u32 $0xFFFE7050, v1;
	v40 =	vor.u32 $0xFFFE7060, v1;
	v41 =	vor.u32 $0xFFFE7070, v1;
	s25 =	simm.s32 $0x4;
	s26 =	simm.s32 $0x5;
	[dreg:$0x4] =	wrdreg s0  }
.LBB2_1:
0x14: {  	s0 =	simm.s32 $0x0  }
0x15: {  	[tilespmem:s0], [sflag:$0x6] =	stream.strided.gather [hbm4b:s4+s13], $0x800, s14, s13, $0x38;
	v63 =	vld [tilespmem:$0x0]  }
0x16: {  	s1 =	rddreg [dreg:$0x7];
	s3 =	simm.s32 $0x800  }
0x17: {  	[tilespmem:s3], [sflag:$0x6] =	stream.linear.gather [hbm4b:s1+s0], $0x200, $0x38;
	v63 =	vld [tilespmem:$0x0]  }
0x18: {  	s0 =	simm.s32 $0x0;
	s1 =	simm.s32 $0x200  }
.LBB2_2:
0x19: {  	p0 =	sne.s32 s1, $0x18E00;
	[tilespmem:s0+$0xC70] =	vst v0  }
0x1a: {  	[tilespmem:s0+$0xC00] =	vst v0  }
0x1b: {  	[tilespmem:s0+$0xC10] =	vst v0  }
.Ltmp0:
0x1c: {  	[tilespmem:s0+$0xC20] =	vst v0;
	(pc) =	sbr.rel @p0 .LBB2_2-.Ltmp0, $4  }
0x1d: {  	[tilespmem:s0+$0xC30] =	vst v0  }
0x1e: {  	[tilespmem:s0+$0xC40] =	vst v0  }
0x1f: {  	[tilespmem:s0+$0xC50] =	vst v0  }
0x20: {  	[tilespmem:s0+$0xC60] =	vst v0;
	s0 =	sshra.s32 s1, $0x2;
	s1 =	sadd.s32 $0x200, s1  }
0x21: {  	[tilespmem:s0+$0xC70] =	vst v0  }
0x22: {  	[tilespmem:s0+$0xC00] =	vst v0  }
0x23: {  	[tilespmem:s0+$0xC10] =	vst v0  }
0x24: {  	[tilespmem:s0+$0xC20] =	vst v0  }
0x25: {  	[tilespmem:s0+$0xC30] =	vst v0  }
0x26: {  	[tilespmem:s0+$0xC40] =	vst v0  }
0x27: {  	[tilespmem:s0+$0xC50] =	vst v0  }
0x28: {  	[tilespmem:s0+$0xC60] =	vst v0  }
0x29: {  	_ =	swait.ge [sflag:s16], $0xA00  }
0x2a: {  	[sflag:s16] =	ssyncset.done $0x0  }
0x2b: {  	[sflag:s16] =	ssyncadd.s32 $0xFFFFF600  }
0x2c: {  	v42 =	vld [tilespmem:$0x0];
	_ =	sdelay $0x4  }
0x2d: {  	v43 =	vshll.u32 v42, $0x7  }
0x2e: {  	vm0 =	vlt.u32 v42, $0xC8;
	v48 =	vor.u32 v1, v43  }
0x2f: {  	v42 =	vsel vm0, v48, v1;
	_ =	sdelay $0x4  }
0x30: {  	[tilespmem:v42+s17+$0x0] =	vst.idx.msk vm0, v2  }
0x31: {  	v42 =	vld [tilespmem:$0x10];
	_ =	sdelay $0x4  }
0x32: {  	v49 =	vshll.u32 v42, $0x7  }
0x33: {  	vm9 =	vlt.u32 v42, $0xC8;
	v50 =	vor.u32 v3, v49  }
0x34: {  	v42 =	vsel vm9, v50, v3;
	_ =	sdelay $0x4  }
0x35: {  	[tilespmem:v42+s17+$0x0] =	vst.idx.msk vm9, v2  }
0x36: {  	v42 =	vld [tilespmem:$0x20];
	_ =	sdelay $0x4  }
0x37: {  	v51 =	vshll.u32 v42, $0x7  }
0x38: {  	vm10 =	vlt.u32 v42, $0xC8;
	v52 =	vor.u32 v4, v51  }
0x39: {  	v42 =	vsel vm10, v52, v4;
	_ =	sdelay $0x4  }
0x3a: {  	[tilespmem:v42+s17+$0x0] =	vst.idx.msk vm10, v2  }
0x3b: {  	v42 =	vld [tilespmem:$0x30];
	_ =	sdelay $0x4  }
0x3c: {  	v53 =	vshll.u32 v42, $0x7  }
0x3d: {  	vm11 =	vlt.u32 v42, $0xC8;
	v54 =	vor.u32 v5, v53  }
0x3e: {  	v42 =	vsel vm11, v54, v5;
	_ =	sdelay $0x4  }
0x3f: {  	[tilespmem:v42+s17+$0x0] =	vst.idx.msk vm11, v2  }
0x40: {  	v42 =	vld [tilespmem:$0x40];
	_ =	sdelay $0x4  }
0x41: {  	v55 =	vshll.u32 v42, $0x7  }
0x42: {  	vm12 =	vlt.u32 v42, $0xC8;
	v56 =	vor.u32 v6, v55  }
0x43: {  	v42 =	vsel vm12, v56, v6;
	_ =	sdelay $0x4  }
0x44: {  	[tilespmem:v42+s17+$0x0] =	vst.idx.msk vm12, v2  }
0x45: {  	v42 =	vld [tilespmem:$0x50];
	_ =	sdelay $0x4  }
0x46: {  	v57 =	vshll.u32 v42, $0x7  }
0x47: {  	vm13 =	vlt.u32 v42, $0xC8;
	v58 =	vor.u32 v7, v57  }
0x48: {  	v42 =	vsel vm13, v58, v7;
	_ =	sdelay $0x4  }
0x49: {  	[tilespmem:v42+s17+$0x0] =	vst.idx.msk vm13, v2  }
0x4a: {  	v42 =	vld [tilespmem:$0x60];
	_ =	sdelay $0x4  }
0x4b: {  	v59 =	vshll.u32 v42, $0x7  }
0x4c: {  	vm14 =	vlt.u32 v42, $0xC8;
	v60 =	vor.u32 v8, v59  }
0x4d: {  	v42 =	vsel vm14, v60, v8;
	_ =	sdelay $0x4  }
0x4e: {  	[tilespmem:v42+s17+$0x0] =	vst.idx.msk vm14, v2  }
0x4f: {  	v42 =	vld [tilespmem:$0x70];
	_ =	sdelay $0x4  }
0x50: {  	v61 =	vshll.u32 v42, $0x7  }
0x51: {  	vm15 =	vlt.u32 v42, $0xC8;
	v62 =	vor.u32 v9, v61  }
0x52: {  	v42 =	vsel vm15, v62, v9;
	_ =	sdelay $0x4  }
0x53: {  	s0 =	simm.s32 $0x0;
	s1 =	simm.s32 $0x200;
	[tilespmem:v42+s17+$0x0] =	vst.idx.msk vm15, v2  }
0x54: {  	[hbm4b:s6+s13] =	stream.strided.scatter [tilespmem:s17], [sflag:$0x1], $0x6400, s14, s13, $0x38;
	v63 =	vld [tilespmem:$0x0]  }
.LBB2_4:
0x55: {  	p0 =	sne.s32 s1, $0x18E00;
	[tilespmem:s0+$0x7070] =	vst v0  }
0x56: {  	[tilespmem:s0+$0x7000] =	vst v0  }
0x57: {  	[tilespmem:s0+$0x7010] =	vst v0  }
.Ltmp1:
0x58: {  	[tilespmem:s0+$0x7020] =	vst v0;
	(pc) =	sbr.rel @p0 .LBB2_4-.Ltmp1, $4  }
0x59: {  	[tilespmem:s0+$0x7030] =	vst v0  }
0x5a: {  	[tilespmem:s0+$0x7040] =	vst v0  }
0x5b: {  	[tilespmem:s0+$0x7050] =	vst v0  }
0x5c: {  	[tilespmem:s0+$0x7060] =	vst v0;
	s0 =	sshra.s32 s1, $0x2;
	s1 =	sadd.s32 $0x200, s1  }
0x5d: {  	[tilespmem:s0+$0x7070] =	vst v0  }
0x5e: {  	[tilespmem:s0+$0x7000] =	vst v0  }
0x5f: {  	[tilespmem:s0+$0x7010] =	vst v0  }
0x60: {  	[tilespmem:s0+$0x7020] =	vst v0  }
0x61: {  	[tilespmem:s0+$0x7030] =	vst v0  }
0x62: {  	[tilespmem:s0+$0x7040] =	vst v0  }
0x63: {  	[tilespmem:s0+$0x7050] =	vst v0  }
0x64: {  	[tilespmem:s0+$0x7060] =	vst v0  }
0x65: {  	v42 =	vld [tilespmem:$0x0];
	_ =	sdelay $0x4  }
0x66: {  	v43 =	vadd.s32 $0xFFFFFF38, v42;
	v42 =	vshll.u32 v42, $0x7  }
0x67: {  	vm0 =	vlt.u32 v43, $0xC8;
	v42 =	vadd.s32 v10, v42  }
0x68: {  	v42 =	vsel vm0, v42, v1;
	_ =	sdelay $0x4  }
0x69: {  	[tilespmem:v42+s18+$0x0] =	vst.idx.msk vm0, v2  }
0x6a: {  	v42 =	vld [tilespmem:$0x10];
	_ =	sdelay $0x4  }
0x6b: {  	v56 =	vadd.s32 $0xFFFFFF38, v42;
	v42 =	vshll.u32 v42, $0x7  }
0x6c: {  	vm9 =	vlt.u32 v56, $0xC8;
	v42 =	vadd.s32 v11, v42  }
0x6d: {  	v42 =	vsel vm9, v42, v3;
	_ =	sdelay $0x4  }
0x6e: {  	[tilespmem:v42+s18+$0x0] =	vst.idx.msk vm9, v2  }
0x6f: {  	v42 =	vld [tilespmem:$0x20];
	_ =	sdelay $0x4  }
0x70: {  	v57 =	vadd.s32 $0xFFFFFF38, v42;
	v42 =	vshll.u32 v42, $0x7  }
0x71: {  	vm10 =	vlt.u32 v57, $0xC8;
	v42 =	vadd.s32 v12, v42  }
0x72: {  	v42 =	vsel vm10, v42, v4;
	_ =	sdelay $0x4  }
0x73: {  	[tilespmem:v42+s18+$0x0] =	vst.idx.msk vm10, v2  }
0x74: {  	v42 =	vld [tilespmem:$0x30];
	_ =	sdelay $0x4  }
0x75: {  	v58 =	vadd.s32 $0xFFFFFF38, v42;
	v42 =	vshll.u32 v42, $0x7  }
0x76: {  	vm11 =	vlt.u32 v58, $0xC8;
	v42 =	vadd.s32 v13, v42  }
0x77: {  	v42 =	vsel vm11, v42, v5;
	_ =	sdelay $0x4  }
0x78: {  	[tilespmem:v42+s18+$0x0] =	vst.idx.msk vm11, v2  }
0x79: {  	v42 =	vld [tilespmem:$0x40];
	_ =	sdelay $0x4  }
0x7a: {  	v59 =	vadd.s32 $0xFFFFFF38, v42;
	v42 =	vshll.u32 v42, $0x7  }
0x7b: {  	vm12 =	vlt.u32 v59, $0xC8;
	v42 =	vadd.s32 v14, v42  }
0x7c: {  	v42 =	vsel vm12, v42, v6;
	_ =	sdelay $0x4  }
0x7d: {  	[tilespmem:v42+s18+$0x0] =	vst.idx.msk vm12, v2  }
0x7e: {  	v42 =	vld [tilespmem:$0x50];
	_ =	sdelay $0x4  }
0x7f: {  	v60 =	vadd.s32 $0xFFFFFF38, v42;
	v42 =	vshll.u32 v42, $0x7  }
0x80: {  	vm13 =	vlt.u32 v60, $0xC8;
	v42 =	vadd.s32 v15, v42  }
0x81: {  	v42 =	vsel vm13, v42, v7;
	_ =	sdelay $0x4  }
0x82: {  	[tilespmem:v42+s18+$0x0] =	vst.idx.msk vm13, v2  }
0x83: {  	v42 =	vld [tilespmem:$0x60];
	_ =	sdelay $0x4  }
0x84: {  	v61 =	vadd.s32 $0xFFFFFF38, v42;
	v42 =	vshll.u32 v42, $0x7  }
0x85: {  	vm14 =	vlt.u32 v61, $0xC8;
	v42 =	vadd.s32 v16, v42  }
0x86: {  	v42 =	vsel vm14, v42, v8;
	_ =	sdelay $0x4  }
0x87: {  	[tilespmem:v42+s18+$0x0] =	vst.idx.msk vm14, v2  }
0x88: {  	v42 =	vld [tilespmem:$0x70];
	_ =	sdelay $0x4  }
0x89: {  	v62 =	vadd.s32 $0xFFFFFF38, v42;
	v42 =	vshll.u32 v42, $0x7  }
0x8a: {  	vm15 =	vlt.u32 v62, $0xC8;
	v42 =	vadd.s32 v17, v42  }
0x8b: {  	v42 =	vsel vm15, v42, v9;
	_ =	sdelay $0x4  }
0x8c: {  	s0 =	simm.s32 $0x0;
	s1 =	simm.s32 $0x200;
	[tilespmem:v42+s18+$0x0] =	vst.idx.msk vm15, v2  }
0x8d: {  	[hbm4b:s7+s13] =	stream.strided.scatter [tilespmem:s18], [sflag:$0x2], $0x6400, s14, s13, $0x38;
	v63 =	vld [tilespmem:$0x0]  }
.LBB2_6:
0x8e: {  	p0 =	sne.s32 s1, $0x18E00;
	[tilespmem:s0+$0xD470] =	vst v0  }
0x8f: {  	[tilespmem:s0+$0xD400] =	vst v0  }
0x90: {  	[tilespmem:s0+$0xD410] =	vst v0  }
.Ltmp2:
0x91: {  	[tilespmem:s0+$0xD420] =	vst v0;
	(pc) =	sbr.rel @p0 .LBB2_6-.Ltmp2, $4  }
0x92: {  	[tilespmem:s0+$0xD430] =	vst v0  }
0x93: {  	[tilespmem:s0+$0xD440] =	vst v0  }
0x94: {  	[tilespmem:s0+$0xD450] =	vst v0  }
0x95: {  	[tilespmem:s0+$0xD460] =	vst v0;
	s0 =	sshra.s32 s1, $0x2;
	s1 =	sadd.s32 $0x200, s1  }
0x96: {  	[tilespmem:s0+$0xD470] =	vst v0  }
0x97: {  	[tilespmem:s0+$0xD400] =	vst v0  }
0x98: {  	[tilespmem:s0+$0xD410] =	vst v0  }
0x99: {  	[tilespmem:s0+$0xD420] =	vst v0  }
0x9a: {  	[tilespmem:s0+$0xD430] =	vst v0  }
0x9b: {  	[tilespmem:s0+$0xD440] =	vst v0  }
0x9c: {  	[tilespmem:s0+$0xD450] =	vst v0  }
0x9d: {  	[tilespmem:s0+$0xD460] =	vst v0  }
0x9e: {  	v42 =	vld [tilespmem:$0x0];
	_ =	sdelay $0x4  }
0x9f: {  	v43 =	vadd.s32 $0xFFFFFE70, v42;
	v42 =	vshll.u32 v42, $0x7  }
0xa0: {  	vm0 =	vlt.u32 v43, $0xC8;
	v42 =	vadd.s32 v18, v42  }
0xa1: {  	v42 =	vsel vm0, v42, v1;
	_ =	sdelay $0x4  }
0xa2: {  	[tilespmem:v42+s19+$0x0] =	vst.idx.msk vm0, v2  }
0xa3: {  	v42 =	vld [tilespmem:$0x10];
	_ =	sdelay $0x4  }
0xa4: {  	v56 =	vadd.s32 $0xFFFFFE70, v42;
	v42 =	vshll.u32 v42, $0x7  }
0xa5: {  	vm9 =	vlt.u32 v56, $0xC8;
	v42 =	vadd.s32 v19, v42  }
0xa6: {  	v42 =	vsel vm9, v42, v3;
	_ =	sdelay $0x4  }
0xa7: {  	[tilespmem:v42+s19+$0x0] =	vst.idx.msk vm9, v2  }
0xa8: {  	v42 =	vld [tilespmem:$0x20];
	_ =	sdelay $0x4  }
0xa9: {  	v57 =	vadd.s32 $0xFFFFFE70, v42;
	v42 =	vshll.u32 v42, $0x7  }
0xaa: {  	vm10 =	vlt.u32 v57, $0xC8;
	v42 =	vadd.s32 v20, v42  }
0xab: {  	v42 =	vsel vm10, v42, v4;
	_ =	sdelay $0x4  }
0xac: {  	[tilespmem:v42+s19+$0x0] =	vst.idx.msk vm10, v2  }
0xad: {  	v42 =	vld [tilespmem:$0x30];
	_ =	sdelay $0x4  }
0xae: {  	v58 =	vadd.s32 $0xFFFFFE70, v42;
	v42 =	vshll.u32 v42, $0x7  }
0xaf: {  	vm11 =	vlt.u32 v58, $0xC8;
	v42 =	vadd.s32 v21, v42  }
0xb0: {  	v42 =	vsel vm11, v42, v5;
	_ =	sdelay $0x4  }
0xb1: {  	[tilespmem:v42+s19+$0x0] =	vst.idx.msk vm11, v2  }
0xb2: {  	v42 =	vld [tilespmem:$0x40];
	_ =	sdelay $0x4  }
0xb3: {  	v59 =	vadd.s32 $0xFFFFFE70, v42;
	v42 =	vshll.u32 v42, $0x7  }
0xb4: {  	vm12 =	vlt.u32 v59, $0xC8;
	v42 =	vadd.s32 v22, v42  }
0xb5: {  	v42 =	vsel vm12, v42, v6;
	_ =	sdelay $0x4  }
0xb6: {  	[tilespmem:v42+s19+$0x0] =	vst.idx.msk vm12, v2  }
0xb7: {  	v42 =	vld [tilespmem:$0x50];
	_ =	sdelay $0x4  }
0xb8: {  	v60 =	vadd.s32 $0xFFFFFE70, v42;
	v42 =	vshll.u32 v42, $0x7  }
0xb9: {  	vm13 =	vlt.u32 v60, $0xC8;
	v42 =	vadd.s32 v23, v42  }
0xba: {  	v42 =	vsel vm13, v42, v7;
	_ =	sdelay $0x4  }
0xbb: {  	[tilespmem:v42+s19+$0x0] =	vst.idx.msk vm13, v2  }
0xbc: {  	v42 =	vld [tilespmem:$0x60];
	_ =	sdelay $0x4  }
0xbd: {  	v61 =	vadd.s32 $0xFFFFFE70, v42;
	v42 =	vshll.u32 v42, $0x7  }
0xbe: {  	vm14 =	vlt.u32 v61, $0xC8;
	v42 =	vadd.s32 v24, v42  }
0xbf: {  	v42 =	vsel vm14, v42, v8;
	_ =	sdelay $0x4  }
0xc0: {  	[tilespmem:v42+s19+$0x0] =	vst.idx.msk vm14, v2  }
0xc1: {  	v42 =	vld [tilespmem:$0x70];
	_ =	sdelay $0x4  }
0xc2: {  	v62 =	vadd.s32 $0xFFFFFE70, v42;
	v42 =	vshll.u32 v42, $0x7  }
0xc3: {  	vm15 =	vlt.u32 v62, $0xC8;
	v42 =	vadd.s32 v25, v42  }
0xc4: {  	v42 =	vsel vm15, v42, v9;
	_ =	sdelay $0x4  }
0xc5: {  	s0 =	simm.s32 $0x0;
	s1 =	simm.s32 $0x200;
	[tilespmem:v42+s19+$0x0] =	vst.idx.msk vm15, v2  }
0xc6: {  	[hbm4b:s8+s13] =	stream.strided.scatter [tilespmem:s19], [sflag:$0x3], $0x6400, s14, s13, $0x38;
	v63 =	vld [tilespmem:$0x0]  }
.LBB2_8:
0xc7: {  	p0 =	sne.s32 s1, $0x18E00;
	[tilespmem:s0+$0x13870] =	vst v0  }
0xc8: {  	[tilespmem:s0+$0x13800] =	vst v0  }
0xc9: {  	[tilespmem:s0+$0x13810] =	vst v0  }
.Ltmp3:
0xca: {  	[tilespmem:s0+$0x13820] =	vst v0;
	(pc) =	sbr.rel @p0 .LBB2_8-.Ltmp3, $4  }
0xcb: {  	[tilespmem:s0+$0x13830] =	vst v0  }
0xcc: {  	[tilespmem:s0+$0x13840] =	vst v0  }
0xcd: {  	[tilespmem:s0+$0x13850] =	vst v0  }
0xce: {  	[tilespmem:s0+$0x13860] =	vst v0;
	s0 =	sshra.s32 s1, $0x2;
	s1 =	sadd.s32 $0x200, s1  }
0xcf: {  	[tilespmem:s0+$0x13870] =	vst v0  }
0xd0: {  	[tilespmem:s0+$0x13800] =	vst v0  }
0xd1: {  	[tilespmem:s0+$0x13810] =	vst v0  }
0xd2: {  	[tilespmem:s0+$0x13820] =	vst v0  }
0xd3: {  	[tilespmem:s0+$0x13830] =	vst v0  }
0xd4: {  	[tilespmem:s0+$0x13840] =	vst v0  }
0xd5: {  	[tilespmem:s0+$0x13850] =	vst v0  }
0xd6: {  	[tilespmem:s0+$0x13860] =	vst v0  }
0xd7: {  	v42 =	vld [tilespmem:$0x0];
	_ =	sdelay $0x4  }
0xd8: {  	v43 =	vadd.s32 $0xFFFFFDA8, v42;
	v42 =	vshll.u32 v42, $0x7  }
0xd9: {  	vm0 =	vlt.u32 v43, $0xC8;
	v42 =	vadd.s32 v26, v42  }
0xda: {  	v42 =	vsel vm0, v42, v1;
	_ =	sdelay $0x4  }
0xdb: {  	[tilespmem:v42+s20+$0x0] =	vst.idx.msk vm0, v2  }
0xdc: {  	v42 =	vld [tilespmem:$0x10];
	_ =	sdelay $0x4  }
0xdd: {  	v56 =	vadd.s32 $0xFFFFFDA8, v42;
	v42 =	vshll.u32 v42, $0x7  }
0xde: {  	vm9 =	vlt.u32 v56, $0xC8;
	v42 =	vadd.s32 v27, v42  }
0xdf: {  	v42 =	vsel vm9, v42, v3;
	_ =	sdelay $0x4  }
0xe0: {  	[tilespmem:v42+s20+$0x0] =	vst.idx.msk vm9, v2  }
0xe1: {  	v42 =	vld [tilespmem:$0x20];
	_ =	sdelay $0x4  }
0xe2: {  	v57 =	vadd.s32 $0xFFFFFDA8, v42;
	v42 =	vshll.u32 v42, $0x7  }
0xe3: {  	vm10 =	vlt.u32 v57, $0xC8;
	v42 =	vadd.s32 v28, v42  }
0xe4: {  	v42 =	vsel vm10, v42, v4;
	_ =	sdelay $0x4  }
0xe5: {  	[tilespmem:v42+s20+$0x0] =	vst.idx.msk vm10, v2  }
0xe6: {  	v42 =	vld [tilespmem:$0x30];
	_ =	sdelay $0x4  }
0xe7: {  	v58 =	vadd.s32 $0xFFFFFDA8, v42;
	v42 =	vshll.u32 v42, $0x7  }
0xe8: {  	vm11 =	vlt.u32 v58, $0xC8;
	v42 =	vadd.s32 v29, v42  }
0xe9: {  	v42 =	vsel vm11, v42, v5;
	_ =	sdelay $0x4  }
0xea: {  	[tilespmem:v42+s20+$0x0] =	vst.idx.msk vm11, v2  }
0xeb: {  	v42 =	vld [tilespmem:$0x40];
	_ =	sdelay $0x4  }
0xec: {  	v59 =	vadd.s32 $0xFFFFFDA8, v42;
	v42 =	vshll.u32 v42, $0x7  }
0xed: {  	vm12 =	vlt.u32 v59, $0xC8;
	v42 =	vadd.s32 v30, v42  }
0xee: {  	v42 =	vsel vm12, v42, v6;
	_ =	sdelay $0x4  }
0xef: {  	[tilespmem:v42+s20+$0x0] =	vst.idx.msk vm12, v2  }
0xf0: {  	v42 =	vld [tilespmem:$0x50];
	_ =	sdelay $0x4  }
0xf1: {  	v60 =	vadd.s32 $0xFFFFFDA8, v42;
	v42 =	vshll.u32 v42, $0x7  }
0xf2: {  	vm13 =	vlt.u32 v60, $0xC8;
	v42 =	vadd.s32 v31, v42  }
0xf3: {  	v42 =	vsel vm13, v42, v7;
	_ =	sdelay $0x4  }
0xf4: {  	[tilespmem:v42+s20+$0x0] =	vst.idx.msk vm13, v2  }
0xf5: {  	v42 =	vld [tilespmem:$0x60];
	_ =	sdelay $0x4  }
0xf6: {  	v61 =	vadd.s32 $0xFFFFFDA8, v42;
	v42 =	vshll.u32 v42, $0x7  }
0xf7: {  	vm14 =	vlt.u32 v61, $0xC8;
	v42 =	vadd.s32 v32, v42  }
0xf8: {  	v42 =	vsel vm14, v42, v8;
	_ =	sdelay $0x4  }
0xf9: {  	[tilespmem:v42+s20+$0x0] =	vst.idx.msk vm14, v2  }
0xfa: {  	v42 =	vld [tilespmem:$0x70];
	_ =	sdelay $0x4  }
0xfb: {  	v62 =	vadd.s32 $0xFFFFFDA8, v42;
	v42 =	vshll.u32 v42, $0x7  }
0xfc: {  	vm15 =	vlt.u32 v62, $0xC8;
	v42 =	vadd.s32 v33, v42  }
0xfd: {  	v42 =	vsel vm15, v42, v9;
	_ =	sdelay $0x4  }
0xfe: {  	s0 =	simm.s32 $0x0;
	s1 =	simm.s32 $0x200;
	[tilespmem:v42+s20+$0x0] =	vst.idx.msk vm15, v2  }
0xff: {  	[hbm4b:s9+s13] =	stream.strided.scatter [tilespmem:s20], [sflag:$0x4], $0x6400, s14, s13, $0x38;
	v63 =	vld [tilespmem:$0x0]  }
.LBB2_10:
0x100: {  	p0 =	sne.s32 s1, $0x18E00;
	[tilespmem:s0+$0x19C70] =	vst v0  }
0x101: {  	[tilespmem:s0+$0x19C00] =	vst v0  }
0x102: {  	[tilespmem:s0+$0x19C10] =	vst v0  }
.Ltmp4:
0x103: {  	[tilespmem:s0+$0x19C20] =	vst v0;
	(pc) =	sbr.rel @p0 .LBB2_10-.Ltmp4, $4  }
0x104: {  	[tilespmem:s0+$0x19C30] =	vst v0  }
0x105: {  	[tilespmem:s0+$0x19C40] =	vst v0  }
0x106: {  	[tilespmem:s0+$0x19C50] =	vst v0  }
0x107: {  	[tilespmem:s0+$0x19C60] =	vst v0;
	s0 =	sshra.s32 s1, $0x2;
	s1 =	sadd.s32 $0x200, s1  }
0x108: {  	[tilespmem:s0+$0x19C70] =	vst v0  }
0x109: {  	[tilespmem:s0+$0x19C00] =	vst v0  }
0x10a: {  	[tilespmem:s0+$0x19C10] =	vst v0  }
0x10b: {  	[tilespmem:s0+$0x19C20] =	vst v0  }
0x10c: {  	[tilespmem:s0+$0x19C30] =	vst v0  }
0x10d: {  	[tilespmem:s0+$0x19C40] =	vst v0  }
0x10e: {  	[tilespmem:s0+$0x19C50] =	vst v0  }
0x10f: {  	[tilespmem:s0+$0x19C60] =	vst v0  }
0x110: {  	v42 =	vld [tilespmem:$0x0];
	_ =	sdelay $0x4  }
0x111: {  	v43 =	vadd.s32 $0xFFFFFCE0, v42;
	v42 =	vshll.u32 v42, $0x7  }
0x112: {  	vm0 =	vlt.u32 v43, $0xC8;
	v42 =	vadd.s32 v34, v42  }
0x113: {  	v42 =	vsel vm0, v42, v1;
	_ =	sdelay $0x4  }
0x114: {  	[tilespmem:v42+s21+$0x0] =	vst.idx.msk vm0, v2  }
0x115: {  	v42 =	vld [tilespmem:$0x10];
	_ =	sdelay $0x4  }
0x116: {  	v56 =	vadd.s32 $0xFFFFFCE0, v42;
	v42 =	vshll.u32 v42, $0x7  }
0x117: {  	vm9 =	vlt.u32 v56, $0xC8;
	v42 =	vadd.s32 v35, v42  }
0x118: {  	v42 =	vsel vm9, v42, v3;
	_ =	sdelay $0x4  }
0x119: {  	[tilespmem:v42+s21+$0x0] =	vst.idx.msk vm9, v2  }
0x11a: {  	v42 =	vld [tilespmem:$0x20];
	_ =	sdelay $0x4  }
0x11b: {  	v57 =	vadd.s32 $0xFFFFFCE0, v42;
	v42 =	vshll.u32 v42, $0x7  }
0x11c: {  	vm10 =	vlt.u32 v57, $0xC8;
	v42 =	vadd.s32 v36, v42  }
0x11d: {  	v42 =	vsel vm10, v42, v4;
	_ =	sdelay $0x4  }
0x11e: {  	[tilespmem:v42+s21+$0x0] =	vst.idx.msk vm10, v2  }
0x11f: {  	v42 =	vld [tilespmem:$0x30];
	_ =	sdelay $0x4  }
0x120: {  	v58 =	vadd.s32 $0xFFFFFCE0, v42;
	v42 =	vshll.u32 v42, $0x7  }
0x121: {  	vm11 =	vlt.u32 v58, $0xC8;
	v42 =	vadd.s32 v37, v42  }
0x122: {  	v42 =	vsel vm11, v42, v5;
	_ =	sdelay $0x4  }
0x123: {  	[tilespmem:v42+s21+$0x0] =	vst.idx.msk vm11, v2  }
0x124: {  	v42 =	vld [tilespmem:$0x40];
	_ =	sdelay $0x4  }
0x125: {  	v59 =	vadd.s32 $0xFFFFFCE0, v42;
	v42 =	vshll.u32 v42, $0x7  }
0x126: {  	vm12 =	vlt.u32 v59, $0xC8;
	v42 =	vadd.s32 v38, v42  }
0x127: {  	v42 =	vsel vm12, v42, v6;
	_ =	sdelay $0x4  }
0x128: {  	[tilespmem:v42+s21+$0x0] =	vst.idx.msk vm12, v2  }
0x129: {  	v42 =	vld [tilespmem:$0x50];
	_ =	sdelay $0x4  }
0x12a: {  	v60 =	vadd.s32 $0xFFFFFCE0, v42;
	v42 =	vshll.u32 v42, $0x7  }
0x12b: {  	vm13 =	vlt.u32 v60, $0xC8;
	v42 =	vadd.s32 v39, v42  }
0x12c: {  	v42 =	vsel vm13, v42, v7;
	_ =	sdelay $0x4  }
0x12d: {  	[tilespmem:v42+s21+$0x0] =	vst.idx.msk vm13, v2  }
0x12e: {  	v42 =	vld [tilespmem:$0x60];
	_ =	sdelay $0x4  }
0x12f: {  	v61 =	vadd.s32 $0xFFFFFCE0, v42;
	v42 =	vshll.u32 v42, $0x7  }
0x130: {  	vm14 =	vlt.u32 v61, $0xC8;
	v42 =	vadd.s32 v40, v42  }
0x131: {  	v42 =	vsel vm14, v42, v8;
	_ =	sdelay $0x4  }
0x132: {  	[tilespmem:v42+s21+$0x0] =	vst.idx.msk vm14, v2  }
0x133: {  	v42 =	vld [tilespmem:$0x70];
	_ =	sdelay $0x4  }
0x134: {  	v62 =	vadd.s32 $0xFFFFFCE0, v42;
	v42 =	vshll.u32 v42, $0x7  }
0x135: {  	vm15 =	vlt.u32 v62, $0xC8;
	v42 =	vadd.s32 v41, v42  }
0x136: {  	v42 =	vsel vm15, v42, v9;
	_ =	sdelay $0x3  }
0x137: {  	s0 =	simm.s32 $0x0  }
0x138: {  	s29 =	simm.s32 $0x80;
	s30 =	smov.u32 s12;
	s31 =	simm.s32 $0x0;
	[tilespmem:v42+s21+$0x0] =	vst.idx.msk vm15, v2  }
0x139: {  	[hbm4b:s10+s13] =	stream.strided.scatter [tilespmem:s21], [sflag:$0x5], $0x6400, s14, s13, $0x38;
	v63 =	vld [tilespmem:$0x0]  }
.LBB2_12:
0x13a: {  	_ =	swait.ge [sflag:s22], $0x6400  }
0x13b: {  	[sflag:s22] =	ssyncset.done $0x0  }
0x13c: {  	[sflag:s22] =	ssyncadd.s32 $0xFFFF9C00  }
0x13d: {  	v42 =	vld [tilespmem:s29+$0xFFFFFF80];
	_ =	sdelay $0x4  }
0x13e: {  	v43 =	vshll.u32 v42, $0x7  }
0x13f: {  	vm0 =	vlt.u32 v42, $0xC8;
	v57 =	vor.u32 v1, v43  }
0x140: {  	v42 =	vsel vm0, v57, v1;
	_ =	sdelay $0x4  }
0x141: {  	[tilespmem:v42+s17+$0x0] =	vst.idx.msk vm0, v0  }
0x142: {  	v42 =	vld [tilespmem:s29+$0xFFFFFF90];
	_ =	sdelay $0x4  }
0x143: {  	v58 =	vshll.u32 v42, $0x7  }
0x144: {  	vm10 =	vlt.u32 v42, $0xC8;
	v59 =	vor.u32 v3, v58  }
0x145: {  	v42 =	vsel vm10, v59, v3;
	_ =	sdelay $0x4  }
0x146: {  	[tilespmem:v42+s17+$0x0] =	vst.idx.msk vm10, v0  }
0x147: {  	v42 =	vld [tilespmem:s29+$0xFFFFFFA0];
	_ =	sdelay $0x4  }
0x148: {  	v60 =	vshll.u32 v42, $0x7  }
0x149: {  	vm11 =	vlt.u32 v42, $0xC8;
	v61 =	vor.u32 v4, v60  }
0x14a: {  	v42 =	vsel vm11, v61, v4;
	_ =	sdelay $0x4  }
0x14b: {  	[tilespmem:v42+s17+$0x0] =	vst.idx.msk vm11, v0  }
0x14c: {  	v42 =	vld [tilespmem:s29+$0xFFFFFFB0];
	_ =	sdelay $0x4  }
0x14d: {  	v62 =	vshll.u32 v42, $0x7  }
0x14e: {  	vm12 =	vlt.u32 v42, $0xC8;
	v45 =	vor.u32 v5, v62  }
0x14f: {  	v42 =	vsel vm12, v45, v5;
	_ =	sdelay $0x4  }
0x150: {  	[tilespmem:v42+s17+$0x0] =	vst.idx.msk vm12, v0  }
0x151: {  	v42 =	vld [tilespmem:s29+$0xFFFFFFC0];
	_ =	sdelay $0x4  }
0x152: {  	v46 =	vshll.u32 v42, $0x7  }
0x153: {  	vm13 =	vlt.u32 v42, $0xC8;
	v47 =	vor.u32 v6, v46  }
0x154: {  	v42 =	vsel vm13, v47, v6;
	_ =	sdelay $0x4  }
0x155: {  	[tilespmem:v42+s17+$0x0] =	vst.idx.msk vm13, v0  }
0x156: {  	v42 =	vld [tilespmem:s29+$0xFFFFFFD0];
	_ =	sdelay $0x4  }
0x157: {  	v48 =	vshll.u32 v42, $0x7  }
0x158: {  	vm14 =	vlt.u32 v42, $0xC8;
	v49 =	vor.u32 v7, v48  }
0x159: {  	v42 =	vsel vm14, v49, v7;
	_ =	sdelay $0x4  }
0x15a: {  	[tilespmem:v42+s17+$0x0] =	vst.idx.msk vm14, v0  }
0x15b: {  	v42 =	vld [tilespmem:s29+$0xFFFFFFE0];
	_ =	sdelay $0x4  }
0x15c: {  	v50 =	vshll.u32 v42, $0x7  }
0x15d: {  	vm15 =	vlt.u32 v42, $0xC8;
	v51 =	vor.u32 v8, v50  }
0x15e: {  	v42 =	vsel vm15, v51, v8;
	_ =	sdelay $0x4  }
0x15f: {  	[tilespmem:v42+s17+$0x0] =	vst.idx.msk vm15, v0  }
0x160: {  	v42 =	vld [tilespmem:s29+$0xFFFFFFF0];
	_ =	sdelay $0x3  }
0x161: {  	s1 =	smul.u32 $0x5, s0  }
0x162: {  	v52 =	vshll.u32 v42, $0x7  }
0x163: {  	s3 =	sadd.s32 $0x5, s1;
	vm4 =	vlt.u32 v42, $0xC8;
	v53 =	vor.u32 v9, v52  }
0x164: {  	s15 =	sand.u32 $0xFF, s3;
	v42 =	vsel vm4, v53, v9  }
0x165: {  	s15 =	smul.u32 $0xCD, s15;
	_ =	sdelay $0x1  }
0x166: {  	s15 =	sshrl.u32 s15, $0xA  }
0x167: {  	s15 =	smul.u32 $0x5, s15  }
0x168: {  	[tilespmem:v42+s17+$0x0] =	vst.idx.msk vm4, v0  }
0x169: {  	s3 =	ssub.s32 s3, s15;
	v42 =	vld [tilespmem:s29+$0x0]  }
0x16a: {  	s3 =	sand.u32 $0xFF, s3  }
0x16b: {  	s5 =	smul.u32 $0xC8, s3;
	_ =	sdelay $0x1  }
0x16c: {  	v54 =	vmov s5  }
0x16d: {  	s3 =	sadd.s32 $0xC8, s5;
	v44 =	vsub.s32 v42, v54  }
0x16e: {  	vm5 =	vge.s32 v42, s5;
	vm1 =	vlt.s32 v42, s3;
	v55 =	vshll.u32 v44, $0x7  }
0x16f: {  	vm0 =	vmand vm5, vm1;
	v42 =	vor.u32 v1, v55  }
0x170: {  	v42 =	vsel vm0, v42, v1;
	_ =	sdelay $0x4  }
0x171: {  	[tilespmem:v42+s17+$0x0] =	vst.idx.msk vm0, v2  }
0x172: {  	v42 =	vld [tilespmem:s29+$0x10];
	_ =	sdelay $0x4  }
0x173: {  	v56 =	vsub.s32 v42, v54  }
0x174: {  	vm6 =	vge.s32 v42, s5;
	vm7 =	vlt.s32 v42, s3;
	v57 =	vshll.u32 v56, $0x7  }
0x175: {  	vm0 =	vmand vm6, vm7;
	v42 =	vor.u32 v3, v57  }
0x176: {  	v42 =	vsel vm0, v42, v3;
	_ =	sdelay $0x4  }
0x177: {  	[tilespmem:v42+s17+$0x0] =	vst.idx.msk vm0, v2  }
0x178: {  	v42 =	vld [tilespmem:s29+$0x20];
	_ =	sdelay $0x4  }
0x179: {  	v58 =	vsub.s32 v42, v54  }
0x17a: {  	vm8 =	vge.s32 v42, s5;
	vm9 =	vlt.s32 v42, s3;
	v59 =	vshll.u32 v58, $0x7  }
0x17b: {  	vm0 =	vmand vm8, vm9;
	v42 =	vor.u32 v4, v59  }
0x17c: {  	v42 =	vsel vm0, v42, v4;
	_ =	sdelay $0x4  }
0x17d: {  	[tilespmem:v42+s17+$0x0] =	vst.idx.msk vm0, v2  }
0x17e: {  	v42 =	vld [tilespmem:s29+$0x30];
	_ =	sdelay $0x4  }
0x17f: {  	v60 =	vsub.s32 v42, v54  }
0x180: {  	vm10 =	vge.s32 v42, s5;
	vm11 =	vlt.s32 v42, s3;
	v61 =	vshll.u32 v60, $0x7  }
0x181: {  	vm0 =	vmand vm10, vm11;
	v42 =	vor.u32 v5, v61  }
0x182: {  	v42 =	vsel vm0, v42, v5;
	_ =	sdelay $0x4  }
0x183: {  	[tilespmem:v42+s17+$0x0] =	vst.idx.msk vm0, v2  }
0x184: {  	v42 =	vld [tilespmem:s29+$0x40];
	_ =	sdelay $0x4  }
0x185: {  	v62 =	vsub.s32 v42, v54  }
0x186: {  	vm12 =	vge.s32 v42, s5;
	vm13 =	vlt.s32 v42, s3;
	v48 =	vshll.u32 v62, $0x7  }
0x187: {  	vm0 =	vmand vm12, vm13;
	v42 =	vor.u32 v6, v48  }
0x188: {  	v42 =	vsel vm0, v42, v6;
	_ =	sdelay $0x4  }
0x189: {  	[tilespmem:v42+s17+$0x0] =	vst.idx.msk vm0, v2  }
0x18a: {  	v42 =	vld [tilespmem:s29+$0x50];
	_ =	sdelay $0x4  }
0x18b: {  	v49 =	vsub.s32 v42, v54  }
0x18c: {  	vm14 =	vge.s32 v42, s5;
	vm15 =	vlt.s32 v42, s3;
	v50 =	vshll.u32 v49, $0x7  }
0x18d: {  	vm0 =	vmand vm14, vm15;
	v42 =	vor.u32 v7, v50  }
0x18e: {  	v42 =	vsel vm0, v42, v7;
	_ =	sdelay $0x4  }
0x18f: {  	[tilespmem:v42+s17+$0x0] =	vst.idx.msk vm0, v2  }
0x190: {  	v42 =	vld [tilespmem:s29+$0x60];
	_ =	sdelay $0x4  }
0x191: {  	v51 =	vsub.s32 v42, v54  }
0x192: {  	vm4 =	vge.s32 v42, s5;
	vm5 =	vlt.s32 v42, s3;
	v52 =	vshll.u32 v51, $0x7  }
0x193: {  	vm0 =	vmand vm4, vm5;
	v42 =	vor.u32 v8, v52  }
0x194: {  	v42 =	vsel vm0, v42, v8;
	_ =	sdelay $0x4  }
0x195: {  	[tilespmem:v42+s17+$0x0] =	vst.idx.msk vm0, v2  }
0x196: {  	v42 =	vld [tilespmem:s29+$0x70];
	_ =	sdelay $0x4  }
0x197: {  	v43 =	vsub.s32 v42, v54  }
0x198: {  	vm6 =	vge.s32 v42, s5;
	vm7 =	vlt.s32 v42, s3;
	v53 =	vshll.u32 v43, $0x7  }
0x199: {  	vm0 =	vmand vm6, vm7;
	v42 =	vor.u32 v9, v53  }
0x19a: {  	v42 =	vsel vm0, v42, v9;
	_ =	sdelay $0x2  }
0x19b: {  	s3 =	sadd.s32 $0x1, s1  }
0x19c: {  	s15 =	sshrl.u32 s30, $0x3;
	s5 =	sand.u32 $0xFF, s3  }
0x19d: {  	s15 =	sadd.s32 s2, s15;
	s5 =	smul.u32 $0xCD, s5;
	[tilespmem:v42+s17+$0x0] =	vst.idx.msk vm0, v2  }
0x19e: {  	[hbm4b:s15+s13] =	stream.strided.scatter [tilespmem:s17], [sflag:$0x1], $0x6400, s14, s13, $0x38;
	v63 =	vld [tilespmem:$0x0]  }
0x19f: {  	s5 =	sshrl.u32 s5, $0xA;
	_ =	swait.ge [sflag:s23], $0x6400  }
0x1a0: {  	s5 =	smul.u32 $0x5, s5;
	[sflag:s23] =	ssyncset.done $0x0  }
0x1a1: {  	[sflag:s23] =	ssyncadd.s32 $0xFFFF9C00  }
0x1a2: {  	s3 =	ssub.s32 s3, s5;
	v54 =	vld [tilespmem:s29+$0xFFFFFF80]  }
0x1a3: {  	s3 =	sand.u32 $0xFF, s3  }
0x1a4: {  	s5 =	smul.u32 $0xC8, s3;
	_ =	sdelay $0x1  }
0x1a5: {  	v55 =	vmov s5  }
0x1a6: {  	s3 =	sadd.s32 $0xC8, s5;
	v56 =	vsub.s32 v54, v55  }
0x1a7: {  	vm8 =	vge.s32 v54, s5;
	vm9 =	vlt.s32 v54, s3;
	v57 =	vshll.u32 v56, $0x7  }
0x1a8: {  	vm0 =	vmand vm8, vm9;
	v42 =	vor.u32 v1, v57  }
0x1a9: {  	v42 =	vsel vm0, v42, v1;
	_ =	sdelay $0x4  }
0x1aa: {  	[tilespmem:v42+s18+$0x0] =	vst.idx.msk vm0, v0  }
0x1ab: {  	v42 =	vld [tilespmem:s29+$0xFFFFFF90];
	_ =	sdelay $0x4  }
0x1ac: {  	v58 =	vsub.s32 v42, v55  }
0x1ad: {  	vm10 =	vge.s32 v42, s5;
	vm11 =	vlt.s32 v42, s3;
	v59 =	vshll.u32 v58, $0x7  }
0x1ae: {  	vm0 =	vmand vm10, vm11;
	v42 =	vor.u32 v3, v59  }
0x1af: {  	v42 =	vsel vm0, v42, v3;
	_ =	sdelay $0x4  }
0x1b0: {  	[tilespmem:v42+s18+$0x0] =	vst.idx.msk vm0, v0  }
0x1b1: {  	v42 =	vld [tilespmem:s29+$0xFFFFFFA0];
	_ =	sdelay $0x4  }
0x1b2: {  	v60 =	vsub.s32 v42, v55  }
0x1b3: {  	vm12 =	vge.s32 v42, s5;
	vm13 =	vlt.s32 v42, s3;
	v61 =	vshll.u32 v60, $0x7  }
0x1b4: {  	vm0 =	vmand vm12, vm13;
	v42 =	vor.u32 v4, v61  }
0x1b5: {  	v42 =	vsel vm0, v42, v4;
	_ =	sdelay $0x4  }
0x1b6: {  	[tilespmem:v42+s18+$0x0] =	vst.idx.msk vm0, v0  }
0x1b7: {  	v42 =	vld [tilespmem:s29+$0xFFFFFFB0];
	_ =	sdelay $0x4  }
0x1b8: {  	v62 =	vsub.s32 v42, v55  }
0x1b9: {  	vm14 =	vge.s32 v42, s5;
	vm15 =	vlt.s32 v42, s3;
	v47 =	vshll.u32 v62, $0x7  }
0x1ba: {  	vm0 =	vmand vm14, vm15;
	v42 =	vor.u32 v5, v47  }
0x1bb: {  	v42 =	vsel vm0, v42, v5;
	_ =	sdelay $0x4  }
0x1bc: {  	[tilespmem:v42+s18+$0x0] =	vst.idx.msk vm0, v0  }
0x1bd: {  	v42 =	vld [tilespmem:s29+$0xFFFFFFC0];
	_ =	sdelay $0x4  }
0x1be: {  	v48 =	vsub.s32 v42, v55  }
0x1bf: {  	vm4 =	vge.s32 v42, s5;
	vm5 =	vlt.s32 v42, s3;
	v49 =	vshll.u32 v48, $0x7  }
0x1c0: {  	vm0 =	vmand vm4, vm5;
	v42 =	vor.u32 v6, v49  }
0x1c1: {  	v42 =	vsel vm0, v42, v6;
	_ =	sdelay $0x4  }
0x1c2: {  	[tilespmem:v42+s18+$0x0] =	vst.idx.msk vm0, v0  }
0x1c3: {  	v42 =	vld [tilespmem:s29+$0xFFFFFFD0];
	_ =	sdelay $0x4  }
0x1c4: {  	v50 =	vsub.s32 v42, v55  }
0x1c5: {  	vm6 =	vge.s32 v42, s5;
	vm7 =	vlt.s32 v42, s3;
	v51 =	vshll.u32 v50, $0x7  }
0x1c6: {  	vm0 =	vmand vm6, vm7;
	v42 =	vor.u32 v7, v51  }
0x1c7: {  	v42 =	vsel vm0, v42, v7;
	_ =	sdelay $0x4  }
0x1c8: {  	[tilespmem:v42+s18+$0x0] =	vst.idx.msk vm0, v0  }
0x1c9: {  	v42 =	vld [tilespmem:s29+$0xFFFFFFE0];
	_ =	sdelay $0x4  }
0x1ca: {  	v52 =	vsub.s32 v42, v55  }
0x1cb: {  	vm8 =	vge.s32 v42, s5;
	vm9 =	vlt.s32 v42, s3;
	v53 =	vshll.u32 v52, $0x7  }
0x1cc: {  	vm0 =	vmand vm8, vm9;
	v42 =	vor.u32 v8, v53  }
0x1cd: {  	v42 =	vsel vm0, v42, v8;
	_ =	sdelay $0x4  }
0x1ce: {  	[tilespmem:v42+s18+$0x0] =	vst.idx.msk vm0, v0  }
0x1cf: {  	v42 =	vld [tilespmem:s29+$0xFFFFFFF0];
	_ =	sdelay $0x4  }
0x1d0: {  	v43 =	vsub.s32 v42, v55  }
0x1d1: {  	vm10 =	vge.s32 v42, s5;
	vm11 =	vlt.s32 v42, s3;
	v54 =	vshll.u32 v43, $0x7  }
0x1d2: {  	s3 =	sadd.s32 $0x6, s1;
	vm0 =	vmand vm10, vm11;
	v42 =	vor.u32 v9, v54  }
0x1d3: {  	s15 =	sand.u32 $0xFF, s3;
	v42 =	vsel vm0, v42, v9  }
0x1d4: {  	s5 =	smul.u32 $0xCD, s15;
	_ =	sdelay $0x1  }
0x1d5: {  	s5 =	sshrl.u32 s5, $0xA  }
0x1d6: {  	s5 =	smul.u32 $0x5, s5  }
0x1d7: {  	[tilespmem:v42+s18+$0x0] =	vst.idx.msk vm0, v0  }
0x1d8: {  	s3 =	ssub.s32 s3, s5;
	v42 =	vld [tilespmem:s29+$0x0]  }
0x1d9: {  	s3 =	sand.u32 $0xFF, s3  }
0x1da: {  	s5 =	smul.u32 $0xC8, s3;
	_ =	sdelay $0x1  }
0x1db: {  	v55 =	vmov s5  }
0x1dc: {  	s3 =	sadd.s32 $0xC8, s5;
	v56 =	vsub.s32 v42, v55  }
0x1dd: {  	vm12 =	vge.s32 v42, s5;
	vm13 =	vlt.s32 v42, s3;
	v57 =	vshll.u32 v56, $0x7  }
0x1de: {  	vm0 =	vmand vm12, vm13;
	v42 =	vor.u32 v1, v57  }
0x1df: {  	v42 =	vsel vm0, v42, v1;
	_ =	sdelay $0x4  }
0x1e0: {  	[tilespmem:v42+s18+$0x0] =	vst.idx.msk vm0, v2  }
0x1e1: {  	v42 =	vld [tilespmem:s29+$0x10];
	_ =	sdelay $0x4  }
0x1e2: {  	v58 =	vsub.s32 v42, v55  }
0x1e3: {  	vm14 =	vge.s32 v42, s5;
	vm15 =	vlt.s32 v42, s3;
	v59 =	vshll.u32 v58, $0x7  }
0x1e4: {  	vm0 =	vmand vm14, vm15;
	v42 =	vor.u32 v3, v59  }
0x1e5: {  	v42 =	vsel vm0, v42, v3;
	_ =	sdelay $0x4  }
0x1e6: {  	[tilespmem:v42+s18+$0x0] =	vst.idx.msk vm0, v2  }
0x1e7: {  	v42 =	vld [tilespmem:s29+$0x20];
	_ =	sdelay $0x4  }
0x1e8: {  	v60 =	vsub.s32 v42, v55  }
0x1e9: {  	vm4 =	vge.s32 v42, s5;
	vm5 =	vlt.s32 v42, s3;
	v61 =	vshll.u32 v60, $0x7  }
0x1ea: {  	vm0 =	vmand vm4, vm5;
	v42 =	vor.u32 v4, v61  }
0x1eb: {  	v42 =	vsel vm0, v42, v4;
	_ =	sdelay $0x4  }
0x1ec: {  	[tilespmem:v42+s18+$0x0] =	vst.idx.msk vm0, v2  }
0x1ed: {  	v42 =	vld [tilespmem:s29+$0x30];
	_ =	sdelay $0x4  }
0x1ee: {  	v62 =	vsub.s32 v42, v55  }
0x1ef: {  	vm6 =	vge.s32 v42, s5;
	vm7 =	vlt.s32 v42, s3;
	v48 =	vshll.u32 v62, $0x7  }
0x1f0: {  	vm0 =	vmand vm6, vm7;
	v42 =	vor.u32 v5, v48  }
0x1f1: {  	v42 =	vsel vm0, v42, v5;
	_ =	sdelay $0x4  }
0x1f2: {  	[tilespmem:v42+s18+$0x0] =	vst.idx.msk vm0, v2  }
0x1f3: {  	v42 =	vld [tilespmem:s29+$0x40];
	_ =	sdelay $0x4  }
0x1f4: {  	v49 =	vsub.s32 v42, v55  }
0x1f5: {  	vm8 =	vge.s32 v42, s5;
	vm9 =	vlt.s32 v42, s3;
	v50 =	vshll.u32 v49, $0x7  }
0x1f6: {  	vm0 =	vmand vm8, vm9;
	v42 =	vor.u32 v6, v50  }
0x1f7: {  	v42 =	vsel vm0, v42, v6;
	_ =	sdelay $0x4  }
0x1f8: {  	[tilespmem:v42+s18+$0x0] =	vst.idx.msk vm0, v2  }
0x1f9: {  	v42 =	vld [tilespmem:s29+$0x50];
	_ =	sdelay $0x4  }
0x1fa: {  	v51 =	vsub.s32 v42, v55  }
0x1fb: {  	vm10 =	vge.s32 v42, s5;
	vm11 =	vlt.s32 v42, s3;
	v52 =	vshll.u32 v51, $0x7  }
0x1fc: {  	vm0 =	vmand vm10, vm11;
	v42 =	vor.u32 v7, v52  }
0x1fd: {  	v42 =	vsel vm0, v42, v7;
	_ =	sdelay $0x4  }
0x1fe: {  	[tilespmem:v42+s18+$0x0] =	vst.idx.msk vm0, v2  }
0x1ff: {  	v42 =	vld [tilespmem:s29+$0x60];
	_ =	sdelay $0x4  }
0x200: {  	v53 =	vsub.s32 v42, v55  }
0x201: {  	vm12 =	vge.s32 v42, s5;
	vm13 =	vlt.s32 v42, s3;
	v54 =	vshll.u32 v53, $0x7  }
0x202: {  	vm0 =	vmand vm12, vm13;
	v42 =	vor.u32 v8, v54  }
0x203: {  	v42 =	vsel vm0, v42, v8;
	_ =	sdelay $0x4  }
0x204: {  	[tilespmem:v42+s18+$0x0] =	vst.idx.msk vm0, v2  }
0x205: {  	v42 =	vld [tilespmem:s29+$0x70];
	_ =	sdelay $0x4  }
0x206: {  	v43 =	vsub.s32 v42, v55  }
0x207: {  	vm14 =	vge.s32 v42, s5;
	vm15 =	vlt.s32 v42, s3;
	v55 =	vshll.u32 v43, $0x7  }
0x208: {  	vm0 =	vmand vm14, vm15;
	v42 =	vor.u32 v9, v55  }
0x209: {  	v42 =	vsel vm0, v42, v9;
	_ =	sdelay $0x2  }
0x20a: {  	s5 =	sadd.s32 $0x2, s1  }
0x20b: {  	s3 =	rddreg [dreg:$0x3];
	s15 =	sand.u32 $0xFF, s5  }
0x20c: {  	s3 =	sadd.s32 s31, s3;
	s15 =	smul.u32 $0xCD, s15;
	[tilespmem:v42+s18+$0x0] =	vst.idx.msk vm0, v2  }
0x20d: {  	[hbm4b:s3+s13] =	stream.strided.scatter [tilespmem:s18], [sflag:$0x2], $0x6400, s14, s13, $0x38;
	v63 =	vld [tilespmem:$0x0]  }
0x20e: {  	s15 =	sshrl.u32 s15, $0xA;
	_ =	swait.ge [sflag:s24], $0x6400  }
0x20f: {  	s3 =	smul.u32 $0x5, s15;
	[sflag:s24] =	ssyncset.done $0x0  }
0x210: {  	[sflag:s24] =	ssyncadd.s32 $0xFFFF9C00  }
0x211: {  	s3 =	ssub.s32 s5, s3;
	v56 =	vld [tilespmem:s29+$0xFFFFFF80]  }
0x212: {  	s3 =	sand.u32 $0xFF, s3  }
0x213: {  	s5 =	smul.u32 $0xC8, s3;
	_ =	sdelay $0x1  }
0x214: {  	v57 =	vmov s5  }
0x215: {  	s3 =	sadd.s32 $0xC8, s5;
	v58 =	vsub.s32 v56, v57  }
0x216: {  	vm4 =	vge.s32 v56, s5;
	vm5 =	vlt.s32 v56, s3;
	v59 =	vshll.u32 v58, $0x7  }
0x217: {  	vm0 =	vmand vm4, vm5;
	v42 =	vor.u32 v1, v59  }
0x218: {  	v42 =	vsel vm0, v42, v1;
	_ =	sdelay $0x4  }
0x219: {  	[tilespmem:v42+s19+$0x0] =	vst.idx.msk vm0, v0  }
0x21a: {  	v42 =	vld [tilespmem:s29+$0xFFFFFF90];
	_ =	sdelay $0x4  }
0x21b: {  	v60 =	vsub.s32 v42, v57  }
0x21c: {  	vm6 =	vge.s32 v42, s5;
	vm7 =	vlt.s32 v42, s3;
	v61 =	vshll.u32 v60, $0x7  }
0x21d: {  	vm0 =	vmand vm6, vm7;
	v42 =	vor.u32 v3, v61  }
0x21e: {  	v42 =	vsel vm0, v42, v3;
	_ =	sdelay $0x4  }
0x21f: {  	[tilespmem:v42+s19+$0x0] =	vst.idx.msk vm0, v0  }
0x220: {  	v42 =	vld [tilespmem:s29+$0xFFFFFFA0];
	_ =	sdelay $0x4  }
0x221: {  	v62 =	vsub.s32 v42, v57  }
0x222: {  	vm8 =	vge.s32 v42, s5;
	vm9 =	vlt.s32 v42, s3;
	v47 =	vshll.u32 v62, $0x7  }
0x223: {  	vm0 =	vmand vm8, vm9;
	v42 =	vor.u32 v4, v47  }
0x224: {  	v42 =	vsel vm0, v42, v4;
	_ =	sdelay $0x4  }
0x225: {  	[tilespmem:v42+s19+$0x0] =	vst.idx.msk vm0, v0  }
0x226: {  	v42 =	vld [tilespmem:s29+$0xFFFFFFB0];
	_ =	sdelay $0x4  }
0x227: {  	v48 =	vsub.s32 v42, v57  }
0x228: {  	vm10 =	vge.s32 v42, s5;
	vm11 =	vlt.s32 v42, s3;
	v49 =	vshll.u32 v48, $0x7  }
0x229: {  	vm0 =	vmand vm10, vm11;
	v42 =	vor.u32 v5, v49  }
0x22a: {  	v42 =	vsel vm0, v42, v5;
	_ =	sdelay $0x4  }
0x22b: {  	[tilespmem:v42+s19+$0x0] =	vst.idx.msk vm0, v0  }
0x22c: {  	v42 =	vld [tilespmem:s29+$0xFFFFFFC0];
	_ =	sdelay $0x4  }
0x22d: {  	v50 =	vsub.s32 v42, v57  }
0x22e: {  	vm12 =	vge.s32 v42, s5;
	vm13 =	vlt.s32 v42, s3;
	v51 =	vshll.u32 v50, $0x7  }
0x22f: {  	vm0 =	vmand vm12, vm13;
	v42 =	vor.u32 v6, v51  }
0x230: {  	v42 =	vsel vm0, v42, v6;
	_ =	sdelay $0x4  }
0x231: {  	[tilespmem:v42+s19+$0x0] =	vst.idx.msk vm0, v0  }
0x232: {  	v42 =	vld [tilespmem:s29+$0xFFFFFFD0];
	_ =	sdelay $0x4  }
0x233: {  	v52 =	vsub.s32 v42, v57  }
0x234: {  	vm14 =	vge.s32 v42, s5;
	vm15 =	vlt.s32 v42, s3;
	v53 =	vshll.u32 v52, $0x7  }
0x235: {  	vm0 =	vmand vm14, vm15;
	v42 =	vor.u32 v7, v53  }
0x236: {  	v42 =	vsel vm0, v42, v7;
	_ =	sdelay $0x4  }
0x237: {  	[tilespmem:v42+s19+$0x0] =	vst.idx.msk vm0, v0  }
0x238: {  	v42 =	vld [tilespmem:s29+$0xFFFFFFE0];
	_ =	sdelay $0x4  }
0x239: {  	v54 =	vsub.s32 v42, v57  }
0x23a: {  	vm4 =	vge.s32 v42, s5;
	vm5 =	vlt.s32 v42, s3;
	v55 =	vshll.u32 v54, $0x7  }
0x23b: {  	vm0 =	vmand vm4, vm5;
	v42 =	vor.u32 v8, v55  }
0x23c: {  	v42 =	vsel vm0, v42, v8;
	_ =	sdelay $0x4  }
0x23d: {  	[tilespmem:v42+s19+$0x0] =	vst.idx.msk vm0, v0  }
0x23e: {  	v42 =	vld [tilespmem:s29+$0xFFFFFFF0];
	_ =	sdelay $0x4  }
0x23f: {  	v43 =	vsub.s32 v42, v57  }
0x240: {  	vm6 =	vge.s32 v42, s5;
	vm7 =	vlt.s32 v42, s3;
	v56 =	vshll.u32 v43, $0x7  }
0x241: {  	s3 =	sadd.s32 $0x7, s1;
	vm0 =	vmand vm6, vm7;
	v42 =	vor.u32 v9, v56  }
0x242: {  	s15 =	sand.u32 $0xFF, s3;
	v42 =	vsel vm0, v42, v9  }
0x243: {  	s5 =	smul.u32 $0xCD, s15;
	_ =	sdelay $0x1  }
0x244: {  	s5 =	sshrl.u32 s5, $0xA  }
0x245: {  	s5 =	smul.u32 $0x5, s5  }
0x246: {  	[tilespmem:v42+s19+$0x0] =	vst.idx.msk vm0, v0  }
0x247: {  	s3 =	ssub.s32 s3, s5;
	v42 =	vld [tilespmem:s29+$0x0]  }
0x248: {  	s3 =	sand.u32 $0xFF, s3  }
0x249: {  	s5 =	smul.u32 $0xC8, s3;
	_ =	sdelay $0x1  }
0x24a: {  	v57 =	vmov s5  }
0x24b: {  	s3 =	sadd.s32 $0xC8, s5;
	v58 =	vsub.s32 v42, v57  }
0x24c: {  	vm8 =	vge.s32 v42, s5;
	vm9 =	vlt.s32 v42, s3;
	v59 =	vshll.u32 v58, $0x7  }
0x24d: {  	vm0 =	vmand vm8, vm9;
	v42 =	vor.u32 v1, v59  }
0x24e: {  	v42 =	vsel vm0, v42, v1;
	_ =	sdelay $0x4  }
0x24f: {  	[tilespmem:v42+s19+$0x0] =	vst.idx.msk vm0, v2  }
0x250: {  	v42 =	vld [tilespmem:s29+$0x10];
	_ =	sdelay $0x4  }
0x251: {  	v60 =	vsub.s32 v42, v57  }
0x252: {  	vm10 =	vge.s32 v42, s5;
	vm11 =	vlt.s32 v42, s3;
	v61 =	vshll.u32 v60, $0x7  }
0x253: {  	vm0 =	vmand vm10, vm11;
	v42 =	vor.u32 v3, v61  }
0x254: {  	v42 =	vsel vm0, v42, v3;
	_ =	sdelay $0x4  }
0x255: {  	[tilespmem:v42+s19+$0x0] =	vst.idx.msk vm0, v2  }
0x256: {  	v42 =	vld [tilespmem:s29+$0x20];
	_ =	sdelay $0x4  }
0x257: {  	v62 =	vsub.s32 v42, v57  }
0x258: {  	vm12 =	vge.s32 v42, s5;
	vm13 =	vlt.s32 v42, s3;
	v48 =	vshll.u32 v62, $0x7  }
0x259: {  	vm0 =	vmand vm12, vm13;
	v42 =	vor.u32 v4, v48  }
0x25a: {  	v42 =	vsel vm0, v42, v4;
	_ =	sdelay $0x4  }
0x25b: {  	[tilespmem:v42+s19+$0x0] =	vst.idx.msk vm0, v2  }
0x25c: {  	v42 =	vld [tilespmem:s29+$0x30];
	_ =	sdelay $0x4  }
0x25d: {  	v49 =	vsub.s32 v42, v57  }
0x25e: {  	vm14 =	vge.s32 v42, s5;
	vm15 =	vlt.s32 v42, s3;
	v50 =	vshll.u32 v49, $0x7  }
0x25f: {  	vm0 =	vmand vm14, vm15;
	v42 =	vor.u32 v5, v50  }
0x260: {  	v42 =	vsel vm0, v42, v5;
	_ =	sdelay $0x4  }
0x261: {  	[tilespmem:v42+s19+$0x0] =	vst.idx.msk vm0, v2  }
0x262: {  	v42 =	vld [tilespmem:s29+$0x40];
	_ =	sdelay $0x4  }
0x263: {  	v51 =	vsub.s32 v42, v57  }
0x264: {  	vm4 =	vge.s32 v42, s5;
	vm5 =	vlt.s32 v42, s3;
	v52 =	vshll.u32 v51, $0x7  }
0x265: {  	vm0 =	vmand vm4, vm5;
	v42 =	vor.u32 v6, v52  }
0x266: {  	v42 =	vsel vm0, v42, v6;
	_ =	sdelay $0x4  }
0x267: {  	[tilespmem:v42+s19+$0x0] =	vst.idx.msk vm0, v2  }
0x268: {  	v42 =	vld [tilespmem:s29+$0x50];
	_ =	sdelay $0x4  }
0x269: {  	v53 =	vsub.s32 v42, v57  }
0x26a: {  	vm6 =	vge.s32 v42, s5;
	vm7 =	vlt.s32 v42, s3;
	v54 =	vshll.u32 v53, $0x7  }
0x26b: {  	vm0 =	vmand vm6, vm7;
	v42 =	vor.u32 v7, v54  }
0x26c: {  	v42 =	vsel vm0, v42, v7;
	_ =	sdelay $0x4  }
0x26d: {  	[tilespmem:v42+s19+$0x0] =	vst.idx.msk vm0, v2  }
0x26e: {  	v42 =	vld [tilespmem:s29+$0x60];
	_ =	sdelay $0x4  }
0x26f: {  	v55 =	vsub.s32 v42, v57  }
0x270: {  	vm8 =	vge.s32 v42, s5;
	vm9 =	vlt.s32 v42, s3;
	v56 =	vshll.u32 v55, $0x7  }
0x271: {  	vm0 =	vmand vm8, vm9;
	v42 =	vor.u32 v8, v56  }
0x272: {  	v42 =	vsel vm0, v42, v8;
	_ =	sdelay $0x4  }
0x273: {  	[tilespmem:v42+s19+$0x0] =	vst.idx.msk vm0, v2  }
0x274: {  	v42 =	vld [tilespmem:s29+$0x70];
	_ =	sdelay $0x4  }
0x275: {  	v43 =	vsub.s32 v42, v57  }
0x276: {  	vm10 =	vge.s32 v42, s5;
	vm11 =	vlt.s32 v42, s3;
	v57 =	vshll.u32 v43, $0x7  }
0x277: {  	vm0 =	vmand vm10, vm11;
	v42 =	vor.u32 v9, v57  }
0x278: {  	v42 =	vsel vm0, v42, v9;
	_ =	sdelay $0x2  }
0x279: {  	s5 =	sadd.s32 $0x3, s1  }
0x27a: {  	s3 =	rddreg [dreg:$0x4];
	s15 =	sand.u32 $0xFF, s5  }
0x27b: {  	s3 =	sadd.s32 s31, s3;
	s15 =	smul.u32 $0xCD, s15;
	[tilespmem:v42+s19+$0x0] =	vst.idx.msk vm0, v2  }
0x27c: {  	[hbm4b:s3+s13] =	stream.strided.scatter [tilespmem:s19], [sflag:$0x3], $0x6400, s14, s13, $0x38;
	v63 =	vld [tilespmem:$0x0]  }
0x27d: {  	s15 =	sshrl.u32 s15, $0xA;
	_ =	swait.ge [sflag:s25], $0x6400  }
0x27e: {  	s3 =	smul.u32 $0x5, s15;
	[sflag:s25] =	ssyncset.done $0x0  }
0x27f: {  	[sflag:s25] =	ssyncadd.s32 $0xFFFF9C00  }
0x280: {  	s3 =	ssub.s32 s5, s3;
	v58 =	vld [tilespmem:s29+$0xFFFFFF80]  }
0x281: {  	s3 =	sand.u32 $0xFF, s3  }
0x282: {  	s5 =	smul.u32 $0xC8, s3;
	_ =	sdelay $0x1  }
0x283: {  	v59 =	vmov s5  }
0x284: {  	s3 =	sadd.s32 $0xC8, s5;
	v60 =	vsub.s32 v58, v59  }
0x285: {  	vm12 =	vge.s32 v58, s5;
	vm13 =	vlt.s32 v58, s3;
	v61 =	vshll.u32 v60, $0x7  }
0x286: {  	vm0 =	vmand vm12, vm13;
	v42 =	vor.u32 v1, v61  }
0x287: {  	v42 =	vsel vm0, v42, v1;
	_ =	sdelay $0x4  }
0x288: {  	[tilespmem:v42+s20+$0x0] =	vst.idx.msk vm0, v0  }
0x289: {  	v42 =	vld [tilespmem:s29+$0xFFFFFF90];
	_ =	sdelay $0x4  }
0x28a: {  	v62 =	vsub.s32 v42, v59  }
0x28b: {  	vm14 =	vge.s32 v42, s5;
	vm15 =	vlt.s32 v42, s3;
	v47 =	vshll.u32 v62, $0x7  }
0x28c: {  	vm0 =	vmand vm14, vm15;
	v42 =	vor.u32 v3, v47  }
0x28d: {  	v42 =	vsel vm0, v42, v3;
	_ =	sdelay $0x4  }
0x28e: {  	[tilespmem:v42+s20+$0x0] =	vst.idx.msk vm0, v0  }
0x28f: {  	v42 =	vld [tilespmem:s29+$0xFFFFFFA0];
	_ =	sdelay $0x4  }
0x290: {  	v48 =	vsub.s32 v42, v59  }
0x291: {  	vm4 =	vge.s32 v42, s5;
	vm5 =	vlt.s32 v42, s3;
	v49 =	vshll.u32 v48, $0x7  }
0x292: {  	vm0 =	vmand vm4, vm5;
	v42 =	vor.u32 v4, v49  }
0x293: {  	v42 =	vsel vm0, v42, v4;
	_ =	sdelay $0x4  }
0x294: {  	[tilespmem:v42+s20+$0x0] =	vst.idx.msk vm0, v0  }
0x295: {  	v42 =	vld [tilespmem:s29+$0xFFFFFFB0];
	_ =	sdelay $0x4  }
0x296: {  	v50 =	vsub.s32 v42, v59  }
0x297: {  	vm6 =	vge.s32 v42, s5;
	vm7 =	vlt.s32 v42, s3;
	v51 =	vshll.u32 v50, $0x7  }
0x298: {  	vm0 =	vmand vm6, vm7;
	v42 =	vor.u32 v5, v51  }
0x299: {  	v42 =	vsel vm0, v42, v5;
	_ =	sdelay $0x4  }
0x29a: {  	[tilespmem:v42+s20+$0x0] =	vst.idx.msk vm0, v0  }
0x29b: {  	v42 =	vld [tilespmem:s29+$0xFFFFFFC0];
	_ =	sdelay $0x4  }
0x29c: {  	v52 =	vsub.s32 v42, v59  }
0x29d: {  	vm8 =	vge.s32 v42, s5;
	vm9 =	vlt.s32 v42, s3;
	v53 =	vshll.u32 v52, $0x7  }
0x29e: {  	vm0 =	vmand vm8, vm9;
	v42 =	vor.u32 v6, v53  }
0x29f: {  	v42 =	vsel vm0, v42, v6;
	_ =	sdelay $0x4  }
0x2a0: {  	[tilespmem:v42+s20+$0x0] =	vst.idx.msk vm0, v0  }
0x2a1: {  	v42 =	vld [tilespmem:s29+$0xFFFFFFD0];
	_ =	sdelay $0x4  }
0x2a2: {  	v54 =	vsub.s32 v42, v59  }
0x2a3: {  	vm10 =	vge.s32 v42, s5;
	vm11 =	vlt.s32 v42, s3;
	v55 =	vshll.u32 v54, $0x7  }
0x2a4: {  	vm0 =	vmand vm10, vm11;
	v42 =	vor.u32 v7, v55  }
0x2a5: {  	v42 =	vsel vm0, v42, v7;
	_ =	sdelay $0x4  }
0x2a6: {  	[tilespmem:v42+s20+$0x0] =	vst.idx.msk vm0, v0  }
0x2a7: {  	v42 =	vld [tilespmem:s29+$0xFFFFFFE0];
	_ =	sdelay $0x4  }
0x2a8: {  	v56 =	vsub.s32 v42, v59  }
0x2a9: {  	vm12 =	vge.s32 v42, s5;
	vm13 =	vlt.s32 v42, s3;
	v57 =	vshll.u32 v56, $0x7  }
0x2aa: {  	vm0 =	vmand vm12, vm13;
	v42 =	vor.u32 v8, v57  }
0x2ab: {  	v42 =	vsel vm0, v42, v8;
	_ =	sdelay $0x4  }
0x2ac: {  	[tilespmem:v42+s20+$0x0] =	vst.idx.msk vm0, v0  }
0x2ad: {  	v42 =	vld [tilespmem:s29+$0xFFFFFFF0];
	_ =	sdelay $0x4  }
0x2ae: {  	v43 =	vsub.s32 v42, v59  }
0x2af: {  	vm14 =	vge.s32 v42, s5;
	vm15 =	vlt.s32 v42, s3;
	v58 =	vshll.u32 v43, $0x7  }
0x2b0: {  	s3 =	sadd.s32 $0x8, s1;
	vm0 =	vmand vm14, vm15;
	v42 =	vor.u32 v9, v58  }
0x2b1: {  	s15 =	sand.u32 $0xFF, s3;
	v42 =	vsel vm0, v42, v9  }
0x2b2: {  	s5 =	smul.u32 $0xCD, s15;
	_ =	sdelay $0x1  }
0x2b3: {  	s5 =	sshrl.u32 s5, $0xA  }
0x2b4: {  	s5 =	smul.u32 $0x5, s5  }
0x2b5: {  	[tilespmem:v42+s20+$0x0] =	vst.idx.msk vm0, v0  }
0x2b6: {  	s3 =	ssub.s32 s3, s5;
	v42 =	vld [tilespmem:s29+$0x0]  }
0x2b7: {  	s3 =	sand.u32 $0xFF, s3  }
0x2b8: {  	s5 =	smul.u32 $0xC8, s3;
	_ =	sdelay $0x1  }
0x2b9: {  	v59 =	vmov s5  }
0x2ba: {  	s3 =	sadd.s32 $0xC8, s5;
	v60 =	vsub.s32 v42, v59  }
0x2bb: {  	vm4 =	vge.s32 v42, s5;
	vm5 =	vlt.s32 v42, s3;
	v61 =	vshll.u32 v60, $0x7  }
0x2bc: {  	vm0 =	vmand vm4, vm5;
	v42 =	vor.u32 v1, v61  }
0x2bd: {  	v42 =	vsel vm0, v42, v1;
	_ =	sdelay $0x4  }
0x2be: {  	[tilespmem:v42+s20+$0x0] =	vst.idx.msk vm0, v2  }
0x2bf: {  	v42 =	vld [tilespmem:s29+$0x10];
	_ =	sdelay $0x4  }
0x2c0: {  	v62 =	vsub.s32 v42, v59  }
0x2c1: {  	vm6 =	vge.s32 v42, s5;
	vm7 =	vlt.s32 v42, s3;
	v48 =	vshll.u32 v62, $0x7  }
0x2c2: {  	vm0 =	vmand vm6, vm7;
	v42 =	vor.u32 v3, v48  }
0x2c3: {  	v42 =	vsel vm0, v42, v3;
	_ =	sdelay $0x4  }
0x2c4: {  	[tilespmem:v42+s20+$0x0] =	vst.idx.msk vm0, v2  }
0x2c5: {  	v42 =	vld [tilespmem:s29+$0x20];
	_ =	sdelay $0x4  }
0x2c6: {  	v49 =	vsub.s32 v42, v59  }
0x2c7: {  	vm8 =	vge.s32 v42, s5;
	vm9 =	vlt.s32 v42, s3;
	v50 =	vshll.u32 v49, $0x7  }
0x2c8: {  	vm0 =	vmand vm8, vm9;
	v42 =	vor.u32 v4, v50  }
0x2c9: {  	v42 =	vsel vm0, v42, v4;
	_ =	sdelay $0x4  }
0x2ca: {  	[tilespmem:v42+s20+$0x0] =	vst.idx.msk vm0, v2  }
0x2cb: {  	v42 =	vld [tilespmem:s29+$0x30];
	_ =	sdelay $0x4  }
0x2cc: {  	v51 =	vsub.s32 v42, v59  }
0x2cd: {  	vm10 =	vge.s32 v42, s5;
	vm11 =	vlt.s32 v42, s3;
	v52 =	vshll.u32 v51, $0x7  }
0x2ce: {  	vm0 =	vmand vm10, vm11;
	v42 =	vor.u32 v5, v52  }
0x2cf: {  	v42 =	vsel vm0, v42, v5;
	_ =	sdelay $0x4  }
0x2d0: {  	[tilespmem:v42+s20+$0x0] =	vst.idx.msk vm0, v2  }
0x2d1: {  	v42 =	vld [tilespmem:s29+$0x40];
	_ =	sdelay $0x4  }
0x2d2: {  	v53 =	vsub.s32 v42, v59  }
0x2d3: {  	vm12 =	vge.s32 v42, s5;
	vm13 =	vlt.s32 v42, s3;
	v54 =	vshll.u32 v53, $0x7  }
0x2d4: {  	vm0 =	vmand vm12, vm13;
	v42 =	vor.u32 v6, v54  }
0x2d5: {  	v42 =	vsel vm0, v42, v6;
	_ =	sdelay $0x4  }
0x2d6: {  	[tilespmem:v42+s20+$0x0] =	vst.idx.msk vm0, v2  }
0x2d7: {  	v42 =	vld [tilespmem:s29+$0x50];
	_ =	sdelay $0x4  }
0x2d8: {  	v55 =	vsub.s32 v42, v59  }
0x2d9: {  	vm14 =	vge.s32 v42, s5;
	vm15 =	vlt.s32 v42, s3;
	v56 =	vshll.u32 v55, $0x7  }
0x2da: {  	vm0 =	vmand vm14, vm15;
	v42 =	vor.u32 v7, v56  }
0x2db: {  	v42 =	vsel vm0, v42, v7;
	_ =	sdelay $0x4  }
0x2dc: {  	[tilespmem:v42+s20+$0x0] =	vst.idx.msk vm0, v2  }
0x2dd: {  	v42 =	vld [tilespmem:s29+$0x60];
	_ =	sdelay $0x4  }
0x2de: {  	v57 =	vsub.s32 v42, v59  }
0x2df: {  	vm4 =	vge.s32 v42, s5;
	vm5 =	vlt.s32 v42, s3;
	v58 =	vshll.u32 v57, $0x7  }
0x2e0: {  	vm0 =	vmand vm4, vm5;
	v42 =	vor.u32 v8, v58  }
0x2e1: {  	v42 =	vsel vm0, v42, v8;
	_ =	sdelay $0x4  }
0x2e2: {  	[tilespmem:v42+s20+$0x0] =	vst.idx.msk vm0, v2  }
0x2e3: {  	v42 =	vld [tilespmem:s29+$0x70];
	_ =	sdelay $0x4  }
0x2e4: {  	v43 =	vsub.s32 v42, v59  }
0x2e5: {  	vm6 =	vge.s32 v42, s5;
	vm7 =	vlt.s32 v42, s3;
	v59 =	vshll.u32 v43, $0x7  }
0x2e6: {  	vm0 =	vmand vm6, vm7;
	v42 =	vor.u32 v9, v59  }
0x2e7: {  	v42 =	vsel vm0, v42, v9;
	_ =	sdelay $0x2  }
0x2e8: {  	s5 =	sadd.s32 $0x4, s1  }
0x2e9: {  	s3 =	rddreg [dreg:$0x5];
	s15 =	sand.u32 $0xFF, s5  }
0x2ea: {  	s3 =	sadd.s32 s31, s3;
	s15 =	smul.u32 $0xCD, s15;
	[tilespmem:v42+s20+$0x0] =	vst.idx.msk vm0, v2  }
0x2eb: {  	[hbm4b:s3+s13] =	stream.strided.scatter [tilespmem:s20], [sflag:$0x4], $0x6400, s14, s13, $0x38;
	v63 =	vld [tilespmem:$0x0]  }
0x2ec: {  	s15 =	sshrl.u32 s15, $0xA;
	_ =	swait.ge [sflag:s26], $0x6400  }
0x2ed: {  	s3 =	smul.u32 $0x5, s15;
	[sflag:s26] =	ssyncset.done $0x0  }
0x2ee: {  	[sflag:s26] =	ssyncadd.s32 $0xFFFF9C00  }
0x2ef: {  	s3 =	ssub.s32 s5, s3;
	v60 =	vld [tilespmem:s29+$0xFFFFFF80]  }
0x2f0: {  	s3 =	sand.u32 $0xFF, s3  }
0x2f1: {  	s5 =	smul.u32 $0xC8, s3;
	_ =	sdelay $0x1  }
0x2f2: {  	v61 =	vmov s5  }
0x2f3: {  	s3 =	sadd.s32 $0xC8, s5;
	v62 =	vsub.s32 v60, v61  }
0x2f4: {  	vm8 =	vge.s32 v60, s5;
	vm9 =	vlt.s32 v60, s3;
	v48 =	vshll.u32 v62, $0x7  }
0x2f5: {  	vm0 =	vmand vm8, vm9;
	v42 =	vor.u32 v1, v48  }
0x2f6: {  	v42 =	vsel vm0, v42, v1;
	_ =	sdelay $0x4  }
0x2f7: {  	[tilespmem:v42+s21+$0x0] =	vst.idx.msk vm0, v0  }
0x2f8: {  	v42 =	vld [tilespmem:s29+$0xFFFFFF90];
	_ =	sdelay $0x4  }
0x2f9: {  	v49 =	vsub.s32 v42, v61  }
0x2fa: {  	vm10 =	vge.s32 v42, s5;
	vm11 =	vlt.s32 v42, s3;
	v50 =	vshll.u32 v49, $0x7  }
0x2fb: {  	vm0 =	vmand vm10, vm11;
	v42 =	vor.u32 v3, v50  }
0x2fc: {  	v42 =	vsel vm0, v42, v3;
	_ =	sdelay $0x4  }
0x2fd: {  	[tilespmem:v42+s21+$0x0] =	vst.idx.msk vm0, v0  }
0x2fe: {  	v42 =	vld [tilespmem:s29+$0xFFFFFFA0];
	_ =	sdelay $0x4  }
0x2ff: {  	v51 =	vsub.s32 v42, v61  }
0x300: {  	vm12 =	vge.s32 v42, s5;
	vm13 =	vlt.s32 v42, s3;
	v52 =	vshll.u32 v51, $0x7  }
0x301: {  	vm0 =	vmand vm12, vm13;
	v42 =	vor.u32 v4, v52  }
0x302: {  	v42 =	vsel vm0, v42, v4;
	_ =	sdelay $0x4  }
0x303: {  	[tilespmem:v42+s21+$0x0] =	vst.idx.msk vm0, v0  }
0x304: {  	v42 =	vld [tilespmem:s29+$0xFFFFFFB0];
	_ =	sdelay $0x4  }
0x305: {  	v53 =	vsub.s32 v42, v61  }
0x306: {  	vm14 =	vge.s32 v42, s5;
	vm15 =	vlt.s32 v42, s3;
	v54 =	vshll.u32 v53, $0x7  }
0x307: {  	vm0 =	vmand vm14, vm15;
	v42 =	vor.u32 v5, v54  }
0x308: {  	v42 =	vsel vm0, v42, v5;
	_ =	sdelay $0x4  }
0x309: {  	[tilespmem:v42+s21+$0x0] =	vst.idx.msk vm0, v0  }
0x30a: {  	v42 =	vld [tilespmem:s29+$0xFFFFFFC0];
	_ =	sdelay $0x4  }
0x30b: {  	v55 =	vsub.s32 v42, v61  }
0x30c: {  	vm4 =	vge.s32 v42, s5;
	vm5 =	vlt.s32 v42, s3;
	v56 =	vshll.u32 v55, $0x7  }
0x30d: {  	vm0 =	vmand vm4, vm5;
	v42 =	vor.u32 v6, v56  }
0x30e: {  	v42 =	vsel vm0, v42, v6;
	_ =	sdelay $0x4  }
0x30f: {  	[tilespmem:v42+s21+$0x0] =	vst.idx.msk vm0, v0  }
0x310: {  	v42 =	vld [tilespmem:s29+$0xFFFFFFD0];
	_ =	sdelay $0x4  }
0x311: {  	v57 =	vsub.s32 v42, v61  }
0x312: {  	vm6 =	vge.s32 v42, s5;
	vm7 =	vlt.s32 v42, s3;
	v58 =	vshll.u32 v57, $0x7  }
0x313: {  	vm0 =	vmand vm6, vm7;
	v42 =	vor.u32 v7, v58  }
0x314: {  	v42 =	vsel vm0, v42, v7;
	_ =	sdelay $0x4  }
0x315: {  	[tilespmem:v42+s21+$0x0] =	vst.idx.msk vm0, v0  }
0x316: {  	v42 =	vld [tilespmem:s29+$0xFFFFFFE0];
	_ =	sdelay $0x4  }
0x317: {  	v59 =	vsub.s32 v42, v61  }
0x318: {  	vm8 =	vge.s32 v42, s5;
	vm9 =	vlt.s32 v42, s3;
	v60 =	vshll.u32 v59, $0x7  }
0x319: {  	vm0 =	vmand vm8, vm9;
	v42 =	vor.u32 v8, v60  }
0x31a: {  	v42 =	vsel vm0, v42, v8;
	_ =	sdelay $0x4  }
0x31b: {  	[tilespmem:v42+s21+$0x0] =	vst.idx.msk vm0, v0  }
0x31c: {  	v42 =	vld [tilespmem:s29+$0xFFFFFFF0];
	_ =	sdelay $0x4  }
0x31d: {  	v43 =	vsub.s32 v42, v61  }
0x31e: {  	vm10 =	vge.s32 v42, s5;
	vm11 =	vlt.s32 v42, s3;
	v61 =	vshll.u32 v43, $0x7  }
0x31f: {  	s1 =	sadd.s32 $0x9, s1;
	vm0 =	vmand vm10, vm11;
	v42 =	vor.u32 v9, v61  }
0x320: {  	s15 =	sand.u32 $0xFF, s1;
	v42 =	vsel vm0, v42, v9  }
0x321: {  	s3 =	smul.u32 $0xCD, s15;
	_ =	sdelay $0x1  }
0x322: {  	s3 =	sshrl.u32 s3, $0xA  }
0x323: {  	s3 =	smul.u32 $0x5, s3  }
0x324: {  	[tilespmem:v42+s21+$0x0] =	vst.idx.msk vm0, v0  }
0x325: {  	s1 =	ssub.s32 s1, s3;
	v42 =	vld [tilespmem:s29+$0x0]  }
0x326: {  	s1 =	sand.u32 $0xFF, s1  }
0x327: {  	s1 =	smul.u32 $0xC8, s1;
	_ =	sdelay $0x1  }
0x328: {  	v62 =	vmov s1  }
0x329: {  	s5 =	sadd.s32 $0xC8, s1;
	v48 =	vsub.s32 v42, v62  }
0x32a: {  	vm12 =	vge.s32 v42, s1;
	vm13 =	vlt.s32 v42, s5;
	v49 =	vshll.u32 v48, $0x7  }
0x32b: {  	vm0 =	vmand vm12, vm13;
	v42 =	vor.u32 v1, v49  }
0x32c: {  	v42 =	vsel vm0, v42, v1;
	_ =	sdelay $0x4  }
0x32d: {  	[tilespmem:v42+s21+$0x0] =	vst.idx.msk vm0, v2  }
0x32e: {  	v42 =	vld [tilespmem:s29+$0x10];
	_ =	sdelay $0x4  }
0x32f: {  	v50 =	vsub.s32 v42, v62  }
0x330: {  	vm14 =	vge.s32 v42, s1;
	vm15 =	vlt.s32 v42, s5;
	v51 =	vshll.u32 v50, $0x7  }
0x331: {  	vm0 =	vmand vm14, vm15;
	v42 =	vor.u32 v3, v51  }
0x332: {  	v42 =	vsel vm0, v42, v3;
	_ =	sdelay $0x4  }
0x333: {  	[tilespmem:v42+s21+$0x0] =	vst.idx.msk vm0, v2  }
0x334: {  	v42 =	vld [tilespmem:s29+$0x20];
	_ =	sdelay $0x4  }
0x335: {  	v52 =	vsub.s32 v42, v62  }
0x336: {  	vm4 =	vge.s32 v42, s1;
	vm5 =	vlt.s32 v42, s5;
	v53 =	vshll.u32 v52, $0x7  }
0x337: {  	vm0 =	vmand vm4, vm5;
	v42 =	vor.u32 v4, v53  }
0x338: {  	v42 =	vsel vm0, v42, v4;
	_ =	sdelay $0x4  }
0x339: {  	[tilespmem:v42+s21+$0x0] =	vst.idx.msk vm0, v2  }
0x33a: {  	v42 =	vld [tilespmem:s29+$0x30];
	_ =	sdelay $0x4  }
0x33b: {  	v54 =	vsub.s32 v42, v62  }
0x33c: {  	vm6 =	vge.s32 v42, s1;
	vm7 =	vlt.s32 v42, s5;
	v55 =	vshll.u32 v54, $0x7  }
0x33d: {  	vm0 =	vmand vm6, vm7;
	v42 =	vor.u32 v5, v55  }
0x33e: {  	v42 =	vsel vm0, v42, v5;
	_ =	sdelay $0x4  }
0x33f: {  	[tilespmem:v42+s21+$0x0] =	vst.idx.msk vm0, v2  }
0x340: {  	v42 =	vld [tilespmem:s29+$0x40];
	_ =	sdelay $0x4  }
0x341: {  	v56 =	vsub.s32 v42, v62  }
0x342: {  	vm8 =	vge.s32 v42, s1;
	vm9 =	vlt.s32 v42, s5;
	v57 =	vshll.u32 v56, $0x7  }
0x343: {  	vm0 =	vmand vm8, vm9;
	v42 =	vor.u32 v6, v57  }
0x344: {  	v42 =	vsel vm0, v42, v6;
	_ =	sdelay $0x4  }
0x345: {  	[tilespmem:v42+s21+$0x0] =	vst.idx.msk vm0, v2  }
0x346: {  	v42 =	vld [tilespmem:s29+$0x50];
	_ =	sdelay $0x4  }
0x347: {  	v58 =	vsub.s32 v42, v62  }
0x348: {  	vm10 =	vge.s32 v42, s1;
	vm11 =	vlt.s32 v42, s5;
	v59 =	vshll.u32 v58, $0x7  }
0x349: {  	vm0 =	vmand vm10, vm11;
	v42 =	vor.u32 v7, v59  }
0x34a: {  	v42 =	vsel vm0, v42, v7;
	_ =	sdelay $0x4  }
0x34b: {  	[tilespmem:v42+s21+$0x0] =	vst.idx.msk vm0, v2  }
0x34c: {  	v42 =	vld [tilespmem:s29+$0x60];
	_ =	sdelay $0x4  }
0x34d: {  	v60 =	vsub.s32 v42, v62  }
0x34e: {  	vm12 =	vge.s32 v42, s1;
	vm13 =	vlt.s32 v42, s5;
	v61 =	vshll.u32 v60, $0x7  }
0x34f: {  	vm0 =	vmand vm12, vm13;
	v42 =	vor.u32 v8, v61  }
0x350: {  	v42 =	vsel vm0, v42, v8;
	_ =	sdelay $0x4  }
0x351: {  	[tilespmem:v42+s21+$0x0] =	vst.idx.msk vm0, v2  }
0x352: {  	v42 =	vld [tilespmem:s29+$0x70];
	_ =	sdelay $0x4  }
0x353: {  	v43 =	vsub.s32 v42, v62  }
0x354: {  	vm14 =	vge.s32 v42, s1;
	vm15 =	vlt.s32 v42, s5;
	v62 =	vshll.u32 v43, $0x7  }
0x355: {  	vm0 =	vmand vm14, vm15;
	v42 =	vor.u32 v9, v62  }
0x356: {  	v42 =	vsel vm0, v42, v9  }
0x357: {  	p0 =	sne.s32 s31, $0x8CA000  }
.Ltmp5:
0x358: {  	_ = 	snop;
	(pc) =	sbr.rel @p0 .LBB2_12-.Ltmp5, $4  }
0x359: {  	_ = 	snop  }
0x35a: {  	s0 =	sadd.s32 $0x1, s0;
	s30 =	sadd.s32 $0x3E8000, s30;
	s15 =	rddreg [dreg:$0x6]  }
0x35b: {  	s29 =	sadd.s32 $0x80, s29;
	s1 =	sadd.s32 s31, s15;
	s31 =	sadd.s32 $0x7D000, s31;
	[tilespmem:v42+s21+$0x0] =	vst.idx.msk vm0, v2  }
0x35c: {  	[hbm4b:s1+s13] =	stream.strided.scatter [tilespmem:s21], [sflag:$0x5], $0x6400, s14, s13, $0x38;
	v63 =	vld [tilespmem:$0x0]  }
0x35d: {  	_ =	swait.ge [sflag:s22], $0x6400  }
0x35e: {  	[sflag:s22] =	ssyncset.done $0x0  }
0x35f: {  	[sflag:s22] =	ssyncadd.s32 $0xFFFF9C00  }
0x360: {  	_ =	swait.ge [sflag:s23], $0x6400  }
0x361: {  	[sflag:s23] =	ssyncset.done $0x0  }
0x362: {  	[sflag:s23] =	ssyncadd.s32 $0xFFFF9C00  }
0x363: {  	_ =	swait.ge [sflag:s24], $0x6400  }
0x364: {  	[sflag:s24] =	ssyncset.done $0x0  }
0x365: {  	s28 =	sadd.s32 $0x1, s28;
	[sflag:s24] =	ssyncadd.s32 $0xFFFF9C00  }
0x366: {  	p0 =	sne.s32 s28, s11;
	_ =	swait.ge [sflag:s25], $0x6400  }
.Ltmp6:
0x367: {  	[sflag:s25] =	ssyncset.done $0x0;
	(pc) =	sbr.rel @p0 .LBB2_1-.Ltmp6, $4  }
0x368: {  	[sflag:s25] =	ssyncadd.s32 $0xFFFF9C00  }
0x369: {  	_ =	swait.ge [sflag:s26], $0x6400  }
0x36a: {  	[sflag:s26] =	ssyncset.done $0x0  }
0x36b: {  	[sflag:s26] =	ssyncadd.s32 $0xFFFF9C00  }
0x36c: {  	_ =	sfence.sel $0x180000  }
0x36d: {  	[bflag:$0x0] =	sbarrier.arrive $0xFFFF  }
0x36e: {  	_ =	strace $0x90000047  }
0x36f: {  	s0 =	stileid.u32;
	[bflag:$0x2] =	sbarrier.arrive $0xFFFF  }
0x370: {  	p0 =	sne.s32 s0, $0x0;
	s0 =	rddreg [dreg:$0x2]  }
0x371: {  	s0 =	sadd.s32 @!p0 $0x100000, s0  }
0x372: {  	[sflag:s0] =	ssyncadd.tile.s32 @!p0 $0x1;
	_ =	shalt  }
.Lfunc_end2:
_tile_overlayer_lowered:
.L_overlay_start_2:
0x373: {  	(tag) =	ssettag $0x2  }
0x374: {  	s0 =	rddreg [dreg:$0x0];
	s2 =	stileid.u32  }
0x375: {  	s1 =	rddreg [dreg:$0x1];
	p0 =	sne.s32 s2, $0x0  }
0x376: {  	s3 =	rddreg [dreg:$0x2];
	[bflag:$0x3] =	sbarrier.arrive $0xFFFF;
	s2 =	simm.s32 @!p0 $0x1C07  }
0x377: {  	[timem:s3], [sflag:s2] =	dma.local @!p0 [hbm:s0], s1  }
0x378: {  	s0 =	simm.s32 @!p0 $0x7  }
0x379: {  	_ =	swait.ge @!p0 [sflag:s0], s1  }
0x37a: {  	s1 =	ssub.s32 @!p0 $0x0, s1;
	[sflag:s0] =	ssyncset.done @!p0 $0x0  }
0x37b: {  	[sflag:s0] =	ssyncadd.s32 @!p0 s1  }
0x37c: {  	[bflag:$0x3] =	sbarrier.arrive $0xFFFF  }
0x37d: {  	_ =	shalt  }

</sc_bundles>
